<compile_context>
chip_gen: v7x
topology: tpu7x:2x2x1
jax: 0.10.2.dev20260603
libtpu: 0.0.44.dev20260713+nightly
codegen_flags: <defaults>
</compile_context>

<pallas_src>
import functools

import jax
import jax.numpy as jnp
from jax import lax
from jax.experimental import pallas as pl
from jax.experimental.pallas import tpu as pltpu
from jax.experimental.pallas import tpu_sc as plsc

N = 10000
E = 320000
DIN = 128
DOUT = 64

NC = 2
NS = 16
NW = NC * NS
EPW = E // NW
B = 80
J = EPW // B
G = 5
RPT = N // NS
DEGW = 16

_mesh = plsc.VectorSubcoreMesh(core_axis_name="c", subcore_axis_name="s")
_sc_params = pltpu.CompilerParams(
    use_tc_tiling_on_sc=False, needs_layout_passes=False
)


@functools.partial(
    pl.kernel,
    out_type=jax.ShapeDtypeStruct((NC, N, DEGW), jnp.float32),
    mesh=_mesh,
    scratch_types=[
        pltpu.VMEM((J, B), jnp.int32),
        pltpu.VMEM((B, DEGW), jnp.float32),
        pltpu.VMEM((RPT, DEGW), jnp.float32),
        pltpu.VMEM_SHARED((N, DEGW), jnp.float32),
        pltpu.SemaphoreType.DMA,
    ],
    compiler_params=_sc_params,
)
def _deg_kernel(ei_hbm, degp_hbm, dstv, ones_v, zbuf, deg_sp, sem):
    c = lax.axis_index("c")
    s = lax.axis_index("s")
    wid = c * NS + s

    def _fill_z(i, carry):
        zbuf[i, :] = jnp.zeros((DEGW,), jnp.float32)
        return carry

    lax.fori_loop(0, RPT, _fill_z, 0)

    def _fill_o(i, carry):
        ones_v[i, :] = jnp.full((DEGW,), 1.0, jnp.float32)
        return carry

    lax.fori_loop(0, B, _fill_o, 0)

    pltpu.sync_copy(ei_hbm.at[1, wid], dstv)
    pltpu.sync_copy(zbuf, deg_sp.at[pl.ds(s * RPT, RPT)])
    plsc.subcore_barrier()

    def _group(gi, carry):
        descs = [
            pltpu.async_copy(ones_v, deg_sp.at[dstv.at[gi * G + t]], sem, add=True)
            for t in range(G)
        ]
        for d in descs:
            d.wait()
        return carry

    lax.fori_loop(0, J // G, _group, 0)
    plsc.subcore_barrier()

    pltpu.sync_copy(
        deg_sp.at[pl.ds(s * RPT, RPT)],
        degp_hbm.at[c, pl.ds(s * RPT, RPT)],
    )


def _g_body(x_ref, w_ref, degp_ref, g_ref):
    deg = degp_ref[0] + degp_ref[1] + 1.0
    dinv = lax.rsqrt(deg[:, 0:1])
    h0 = lax.dot_general(
        x_ref[...], w_ref[...], (((1,), (1,)), ((), ())),
        preferred_element_type=jnp.float32,
    )
    g_ref[...] = h0 * dinv


_g_call = pl.pallas_call(
    _g_body,
    out_shape=jax.ShapeDtypeStruct((N, DOUT), jnp.float32),
)


@functools.partial(
    pl.kernel,
    out_type=jax.ShapeDtypeStruct((NC, N, DOUT), jnp.float32),
    mesh=_mesh,
    scratch_types=[
        pltpu.VMEM((J, B), jnp.int32),
        pltpu.VMEM((J, B), jnp.int32),
        pltpu.VMEM((G, B, DOUT), jnp.float32),
        pltpu.VMEM((G, B, DOUT), jnp.float32),
        pltpu.VMEM((RPT // G, DOUT), jnp.float32),
        pltpu.VMEM_SHARED((N, DOUT), jnp.float32),
        pltpu.SemaphoreType.DMA,
        pltpu.SemaphoreType.DMA,
    ],
    compiler_params=_sc_params,
)
def _scatter_kernel(g_hbm, ei_hbm, accp_hbm,
                    srcv, dstv, rows_a, rows_b, zbuf, acc_sp, gsem, ssem):
    c = lax.axis_index("c")
    s = lax.axis_index("s")
    wid = c * NS + s

    def _fill_z(i, carry):
        for q in range(DOUT // 16):
            zbuf[i, pl.ds(q * 16, 16)] = jnp.zeros((16,), jnp.float32)
        return carry

    lax.fori_loop(0, RPT // G, _fill_z, 0)

    pltpu.sync_copy(ei_hbm.at[0, wid], srcv)
    pltpu.sync_copy(ei_hbm.at[1, wid], dstv)
    for q in range(G):
        pltpu.sync_copy(
            zbuf, acc_sp.at[pl.ds(s * RPT + q * (RPT // G), RPT // G)]
        )
    plsc.subcore_barrier()

    def _fire_g(g, buf):
        for t in range(G):
            pltpu.async_copy(g_hbm.at[srcv.at[g * G + t]], buf.at[t], gsem)

    def _wait_g(g, buf):
        for t in range(G):
            pltpu.make_async_copy(
                g_hbm.at[srcv.at[g * G + t]], buf.at[t], gsem).wait()

    def _fire_s(g, buf):
        for t in range(G):
            pltpu.async_copy(buf.at[t], acc_sp.at[dstv.at[g * G + t]],
                             ssem, add=True)

    def _wait_s(g, buf):
        for t in range(G):
            pltpu.make_async_copy(
                buf.at[t], acc_sp.at[dstv.at[g * G + t]], ssem).wait()

    NG = J // G
    _fire_g(0, rows_a)

    def _pair(p, carry):
        ga = 2 * p
        _wait_g(ga, rows_a)
        _fire_g(ga + 1, rows_b)
        _fire_s(ga, rows_a)
        _wait_s(ga, rows_a)
        _wait_g(ga + 1, rows_b)
        _fire_g(ga + 2, rows_a)
        _fire_s(ga + 1, rows_b)
        _wait_s(ga + 1, rows_b)
        return carry

    lax.fori_loop(0, (NG - 1) // 2, _pair, 0)
    _wait_g(NG - 1, rows_a)
    _fire_s(NG - 1, rows_a)
    _wait_s(NG - 1, rows_a)
    plsc.subcore_barrier()

    pltpu.sync_copy(
        acc_sp.at[pl.ds(s * RPT, RPT)],
        accp_hbm.at[c, pl.ds(s * RPT, RPT)],
    )


_CH = 125
@functools.partial(
    pl.kernel,
    out_type=jax.ShapeDtypeStruct((E,), jnp.float32),
    mesh=_mesh,
    scratch_types=[
        pltpu.VMEM((J, B), jnp.int32),
        pltpu.VMEM((J, B), jnp.int32),
        pltpu.VMEM((B, DOUT // 2), jnp.int32),
        pltpu.VMEM((B, DOUT // 2), jnp.int32),
        pltpu.VMEM((B, DOUT // 2), jnp.int32),
        pltpu.VMEM((B, DOUT // 2), jnp.int32),
        pltpu.VMEM((2, B), jnp.float32),
        pltpu.VMEM((_CH, DOUT), jnp.float32),
        pltpu.VMEM((_CH, DOUT), jnp.float32),
        pltpu.VMEM((_CH, DOUT), jnp.float32),
        pltpu.VMEM((_CH, DOUT // 2), jnp.int32),
        pltpu.VMEM((_CH, DEGW), jnp.float32),
        pltpu.VMEM((_CH, DEGW), jnp.float32),
        pltpu.VMEM((DOUT,), jnp.float32),
        pltpu.VMEM_SHARED((N, DOUT // 2), jnp.int32),
        pltpu.SemaphoreType.DMA,
        pltpu.SemaphoreType.DMA,
    ],
    compiler_params=_sc_params,
)
def _logits_kernel(accp_hbm, g_hbm, degp_hbm, b_hbm, ei_hbm, out_hbm,
                   srcv, dstv, rs_a, rd_a, rs_b, rd_b, obuf,
                   a0, a1, gg, hh, d0, d1, bbuf, h_sp, gsem, wsem):
    c = lax.axis_index("c")
    s = lax.axis_index("s")
    wid = c * NS + s

    pltpu.sync_copy(ei_hbm.at[0, wid], srcv)
    pltpu.sync_copy(ei_hbm.at[1, wid], dstv)
    pltpu.sync_copy(b_hbm, bbuf)
    iota = lax.iota(jnp.int32, 16)
    bvecs = [bbuf[pl.ds(qq * 16, 16)] for qq in range(DOUT // 16)]

    for q in range(RPT // _CH):
        base = s * RPT + q * _CH
        cps = [
            pltpu.async_copy(accp_hbm.at[0, pl.ds(base, _CH)], a0, gsem),
            pltpu.async_copy(accp_hbm.at[1, pl.ds(base, _CH)], a1, gsem),
            pltpu.async_copy(g_hbm.at[pl.ds(base, _CH)], gg, gsem),
            pltpu.async_copy(degp_hbm.at[0, pl.ds(base, _CH)], d0, gsem),
            pltpu.async_copy(degp_hbm.at[1, pl.ds(base, _CH)], d1, gsem),
        ]
        for d in cps:
            d.wait()

        def _hrow(r, carry):
            deg = d0[r, :] + d1[r, :] + 1.0
            i32 = plsc.bitcast(deg, jnp.int32)
            yi = 0x5F3759DF - lax.shift_right_logical(i32, 1)
            y = plsc.bitcast(yi, jnp.float32)
            for _ in range(3):
                y = y * (1.5 - 0.5 * deg * y * y)
            vals = []
            for qq in range(DOUT // 16):
                sl = pl.ds(qq * 16, 16)
                vals.append(y * (a0[r, sl] + a1[r, sl] + gg[r, sl]) + bvecs[qq])
            for qq in range(DOUT // 32):
                w = plsc.bitcast(
                    plsc.pack(vals[2 * qq], vals[2 * qq + 1],
                              format=plsc.PackFormat.INTERLEAVED),
                    jnp.int32)
                hh[r, pl.ds(qq * 16, 16)] = w
            return carry

        lax.fori_loop(0, _CH, _hrow, 0)
        pltpu.sync_copy(hh, h_sp.at[pl.ds(base, _CH)])

    plsc.subcore_barrier()
    rows_l = [grp * 16 + iota for grp in range(B // 16)]

    def _fire(j, rs, rd):
        pltpu.async_copy(h_sp.at[srcv.at[j]], rs, gsem)
        pltpu.async_copy(h_sp.at[dstv.at[j]], rd, gsem)

    def _wait(j, rs, rd):
        pltpu.make_async_copy(h_sp.at[srcv.at[j]], rs, gsem).wait()
        pltpu.make_async_copy(h_sp.at[dstv.at[j]], rd, gsem).wait()

    def _compute(j, rs, rd, par):
        NWRD = DOUT // 2

        def _f(f, accs):
            col = jnp.bitwise_and(iota + f, NWRD - 1)
            out = []
            for grp in range(B // 16):
                ae, ao = accs[2 * grp], accs[2 * grp + 1]
                sw = plsc.load_gather(rs, [rows_l[grp], col])
                dw = plsc.load_gather(rd, [rows_l[grp], col])
                sbf = plsc.bitcast(sw, jnp.bfloat16)
                dbf = plsc.bitcast(dw, jnp.bfloat16)
                se, so = plsc.unpack(sbf, format=plsc.PackFormat.INTERLEAVED)
                de, do_ = plsc.unpack(dbf, format=plsc.PackFormat.INTERLEAVED)
                out.append(ae + se * de)
                out.append(ao + so * do_)
            return tuple(out)

        z = jnp.zeros((16,), jnp.float32)
        accs = lax.fori_loop(0, NWRD, _f, (z,) * (2 * (B // 16)))
        for grp in range(B // 16):
            obuf[par, pl.ds(grp * 16, 16)] = accs[2 * grp] + accs[2 * grp + 1]
        pltpu.async_copy(
            obuf.at[par], out_hbm.at[pl.ds(wid * EPW + j * B, B)], wsem)

    def _wait_w(j, par):
        pltpu.make_async_copy(
            obuf.at[par], out_hbm.at[pl.ds(wid * EPW + j * B, B)], wsem).wait()

    _fire(0, rs_a, rd_a)

    def _pair(p, carry):
        ja = 2 * p
        _wait(ja, rs_a, rd_a)
        _fire(ja + 1, rs_b, rd_b)
        _compute(ja, rs_a, rd_a, 0)
        _wait(ja + 1, rs_b, rd_b)
        _fire(ja + 2, rs_a, rd_a)
        _compute(ja + 1, rs_b, rd_b, 1)
        _wait_w(ja, 0)
        _wait_w(ja + 1, 1)
        return carry

    lax.fori_loop(0, (J - 1) // 2, _pair, 0)
    _wait(J - 1, rs_a, rd_a)
    _compute(J - 1, rs_a, rd_a, 0)
    _wait_w(J - 1, 0)


def kernel(x, edge_index, W, b):
    ei4 = edge_index.reshape(2, NW, J, B)
    degp = _deg_kernel(ei4)
    g = _g_call(x, W, degp)
    accp = _scatter_kernel(g, ei4)
    return _logits_kernel(accp, g, degp, b, ei4)

# --- scband reference (transcript-rebuilt; emitter-appended) ---
"""Pipeline reference for scband-policy-38208029065712 (READ-ONLY COPY).

The authoritative reference and input builder live on the scoring server;
editing this copy changes nothing except your own understanding.
"""

import jax, jax.numpy as jnp
import numpy as np

N = 10000
E = 320000
DIN = 128
DOUT = 64


def setup_inputs(seed: int = 0) -> dict:
    key = jax.random.key(seed)
    k1, k2, k3 = jax.random.split(key, 3)
    x = jax.random.normal(k1, (N, DIN), dtype=jnp.float32)
    edge_index = jax.random.randint(k2, (2, E), 0, N, dtype=jnp.int32)
    # GCNConv(128, 64) parameters: weight [out, in], bias [out]
    W = jax.random.normal(k3, (DOUT, DIN), dtype=jnp.float32) * (1.0 / np.sqrt(DIN))
    b = jnp.zeros((DOUT,), dtype=jnp.float32)
    return {"x": x, "edge_index": edge_index, "W": W, "b": b}


def gcn_conv(x, edge_index, W, b):
    # Faithful PyG GCNConv: linear -> add self-loops -> symmetric norm -> scatter-add -> bias
    n = x.shape[0]
    h = x @ W.T
    loop = jnp.arange(n, dtype=edge_index.dtype)
    src = jnp.concatenate([edge_index[0], loop])
    dst = jnp.concatenate([edge_index[1], loop])
    deg = jax.ops.segment_sum(jnp.ones_like(dst, dtype=h.dtype), dst, num_segments=n)
    dinv = jnp.where(deg > 0, jax.lax.rsqrt(deg), 0.0)
    norm = dinv[src] * dinv[dst]
    msg = h[src] * norm[:, None]
    out = jax.ops.segment_sum(msg, dst, num_segments=n)
    return out + b


def reference(x, edge_index, W, b):
    # Policy.forward: gcn(x, edge_index) then per-edge dot-product logits
    h = gcn_conv(x, edge_index, W, b)
    src, dst = edge_index[0], edge_index[1]
    logits = (h[src] * h[dst]).sum(axis=-1)
    return logits

if __name__ == "__main__":
    import jax
    _d = setup_inputs()
    print(jax.jit(kernel)(*tuple(_d.values())))

</pallas_src>

<mosaic_0001>
#map = affine_map<(d0, d1) -> (0, 0)>
#map1 = affine_map<(d0, d1) -> (0, 0, 0, 0)>
#map2 = affine_map<(d0, d1) -> (0, 0, 0)>
module attributes {stable_mosaic.version = 14 : i64} {
  func.func @_scatter_kernel(%arg0: i32, %arg1: i32, %arg2: memref<10000x64xf32, #tpu.memory_space<hbm>>, %arg3: memref<2x32x125x80xi32, #tpu.memory_space<hbm>>, %arg4: memref<2x10000x64xf32, #tpu.memory_space<hbm>>, %arg5: memref<125x80xi32, #tpu.memory_space<vmem>>, %arg6: memref<125x80xi32, #tpu.memory_space<vmem>>, %arg7: memref<5x80x64xf32, #tpu.memory_space<vmem>>, %arg8: memref<5x80x64xf32, #tpu.memory_space<vmem>>, %arg9: memref<125x64xf32, #tpu.memory_space<vmem>>, %arg10: memref<10000x64xf32, #tpu.memory_space<vmem_shared>>, %arg11: memref<!tpu.dma_semaphore, #tpu.memory_space<semaphore_mem>>, %arg12: memref<!tpu.dma_semaphore, #tpu.memory_space<semaphore_mem>>) attributes {dimension_semantics = [#tpu.dimension_semantics<core_parallel>, #tpu.dimension_semantics<subcore_parallel>], iteration_bounds = array<i64: 2, 16>, scalar_prefetch = 0 : i64, scratch_operands = 8 : i64, tpu.core_type = #tpu.core_type<sc_vector_subcore>, window_params = [{transform_indices = #map}, {transform_indices = #map1}, {transform_indices = #map2}]} {
    %mul3A = arith.constant 16 : i32
    %mul3A_0 = arith.muli %arg0, %mul3A : i32
    %add3A = arith.addi %mul3A_0, %arg1 : i32
    %scan3A = arith.constant 0 : i32
    %scan3A_1 = arith.constant 0 : i32
    %scan3A_2 = arith.constant 125 : i32
    %scan3A_3 = arith.addi %scan3A_1, %scan3A_2 : i32
    %scan3A_4 = arith.constant 1 : i32
    scf.for %scan3A_276 = %scan3A_1 to %scan3A_3 step %scan3A_4  : i32 {
      %broadcast_in_dim3A = arith.constant 0.000000e+00 : f32
      %broadcast_in_dim3A_277 = vector.broadcast %broadcast_in_dim3A : f32 to vector<16xf32>
      %swap3A = arith.index_cast %scan3A_276 : i32 to index
      %swap3A_278 = arith.constant 0 : index
      %swap3A_279 = tpu.vector_load %arg9[%swap3A, %swap3A_278] {strides = array<i32>} : memref<125x64xf32, #tpu.memory_space<vmem>>, vector<16xf32>,
      tpu.vector_store %arg9[%swap3A, %swap3A_278], %broadcast_in_dim3A_277 {strides = array<i32>} : memref<125x64xf32, #tpu.memory_space<vmem>>, vector<16xf32>,
      %broadcast_in_dim3A_280 = arith.constant 0.000000e+00 : f32
      %broadcast_in_dim3A_281 = vector.broadcast %broadcast_in_dim3A_280 : f32 to vector<16xf32>
      %swap3A_282 = arith.index_cast %scan3A_276 : i32 to index
      %swap3A_283 = arith.constant 16 : index
      %swap3A_284 = tpu.vector_load %arg9[%swap3A_282, %swap3A_283] {strides = array<i32>} : memref<125x64xf32, #tpu.memory_space<vmem>>, vector<16xf32>,
      tpu.vector_store %arg9[%swap3A_282, %swap3A_283], %broadcast_in_dim3A_281 {strides = array<i32>} : memref<125x64xf32, #tpu.memory_space<vmem>>, vector<16xf32>,
      %broadcast_in_dim3A_285 = arith.constant 0.000000e+00 : f32
      %broadcast_in_dim3A_286 = vector.broadcast %broadcast_in_dim3A_285 : f32 to vector<16xf32>
      %swap3A_287 = arith.index_cast %scan3A_276 : i32 to index
      %swap3A_288 = arith.constant 32 : index
      %swap3A_289 = tpu.vector_load %arg9[%swap3A_287, %swap3A_288] {strides = array<i32>} : memref<125x64xf32, #tpu.memory_space<vmem>>, vector<16xf32>,
      tpu.vector_store %arg9[%swap3A_287, %swap3A_288], %broadcast_in_dim3A_286 {strides = array<i32>} : memref<125x64xf32, #tpu.memory_space<vmem>>, vector<16xf32>,
      %broadcast_in_dim3A_290 = arith.constant 0.000000e+00 : f32
      %broadcast_in_dim3A_291 = vector.broadcast %broadcast_in_dim3A_290 : f32 to vector<16xf32>
      %swap3A_292 = arith.index_cast %scan3A_276 : i32 to index
      %swap3A_293 = arith.constant 48 : index
      %swap3A_294 = tpu.vector_load %arg9[%swap3A_292, %swap3A_293] {strides = array<i32>} : memref<125x64xf32, #tpu.memory_space<vmem>>, vector<16xf32>,
      tpu.vector_store %arg9[%swap3A_292, %swap3A_293], %broadcast_in_dim3A_291 {strides = array<i32>} : memref<125x64xf32, #tpu.memory_space<vmem>>, vector<16xf32>,
    }
    %scan3A_5 = arith.constant 125 : i32
    %run_scoped3A = arith.constant 0 : i32
    "tpu.region"() ({
      %run_scoped3A_276 = tpu.sem_alloc : memref<!tpu.dma_semaphore, #tpu.memory_space<semaphore_mem>>
      %dma_start3A_277 = arith.constant 0 : i32
      %dma_start3A_278 = arith.constant 0 : i32
      %dma_start3A_279 = tpu.memref_slice %arg3[%run_scoped3A, %add3A, %dma_start3A_277, %dma_start3A_278] : memref<2x32x125x80xi32, #tpu.memory_space<hbm>> -> memref<1x1x125x80xi32, #tpu.memory_space<hbm>>
      %dma_start3A_280 = tpu.memref_squeeze %dma_start3A_279 : memref<1x1x125x80xi32, #tpu.memory_space<hbm>> -> memref<125x80xi32, #tpu.memory_space<hbm>>
      %dma_start3A_281 = arith.constant 0 : i32
      %dma_start3A_282 = arith.constant 0 : i32
      %dma_start3A_283 = tpu.memref_slice %arg3[%run_scoped3A, %add3A, %dma_start3A_281, %dma_start3A_282] : memref<2x32x125x80xi32, #tpu.memory_space<hbm>> -> memref<1x1x125x80xi32, #tpu.memory_space<hbm>>
      %dma_start3A_284 = tpu.memref_squeeze %dma_start3A_283 : memref<1x1x125x80xi32, #tpu.memory_space<hbm>> -> memref<125x80xi32, #tpu.memory_space<hbm>>
      tpu.enqueue_dma source(%dma_start3A_284 : memref<125x80xi32, #tpu.memory_space<hbm>>) target(%arg5 : memref<125x80xi32, #tpu.memory_space<vmem>>) target_semaphore(%run_scoped3A_276 : memref<!tpu.dma_semaphore, #tpu.memory_space<semaphore_mem>>)
      %dma_wait3A_285 = arith.constant 0 : i32
      %dma_wait3A_286 = arith.constant 0 : i32
      %dma_wait3A_287 = tpu.memref_slice %arg3[%run_scoped3A, %add3A, %dma_wait3A_285, %dma_wait3A_286] : memref<2x32x125x80xi32, #tpu.memory_space<hbm>> -> memref<1x1x125x80xi32, #tpu.memory_space<hbm>>
      %dma_wait3A_288 = tpu.memref_squeeze %dma_wait3A_287 : memref<1x1x125x80xi32, #tpu.memory_space<hbm>> -> memref<125x80xi32, #tpu.memory_space<hbm>>
      %dma_wait3A_289 = arith.constant 0 : i32
      %dma_wait3A_290 = arith.constant 0 : i32
      %dma_wait3A_291 = tpu.memref_slice %arg3[%run_scoped3A, %add3A, %dma_wait3A_289, %dma_wait3A_290] : memref<2x32x125x80xi32, #tpu.memory_space<hbm>> -> memref<1x1x125x80xi32, #tpu.memory_space<hbm>>
      %dma_wait3A_292 = tpu.memref_squeeze %dma_wait3A_291 : memref<1x1x125x80xi32, #tpu.memory_space<hbm>> -> memref<125x80xi32, #tpu.memory_space<hbm>>
      tpu.wait_dma2 semaphore(%run_scoped3A_276 : memref<!tpu.dma_semaphore, #tpu.memory_space<semaphore_mem>>) src(%dma_wait3A_292 : memref<125x80xi32, #tpu.memory_space<hbm>>) dst(%arg5 : memref<125x80xi32, #tpu.memory_space<vmem>>)
      tpu.yield
    }) : () -> ()
    %run_scoped3A_6 = arith.constant 1 : i32
    "tpu.region"() ({
      %run_scoped3A_276 = tpu.sem_alloc : memref<!tpu.dma_semaphore, #tpu.memory_space<semaphore_mem>>
      %dma_start3A_277 = arith.constant 0 : i32
      %dma_start3A_278 = arith.constant 0 : i32
      %dma_start3A_279 = tpu.memref_slice %arg3[%run_scoped3A_6, %add3A, %dma_start3A_277, %dma_start3A_278] : memref<2x32x125x80xi32, #tpu.memory_space<hbm>> -> memref<1x1x125x80xi32, #tpu.memory_space<hbm>>
      %dma_start3A_280 = tpu.memref_squeeze %dma_start3A_279 : memref<1x1x125x80xi32, #tpu.memory_space<hbm>> -> memref<125x80xi32, #tpu.memory_space<hbm>>
      %dma_start3A_281 = arith.constant 0 : i32
      %dma_start3A_282 = arith.constant 0 : i32
      %dma_start3A_283 = tpu.memref_slice %arg3[%run_scoped3A_6, %add3A, %dma_start3A_281, %dma_start3A_282] : memref<2x32x125x80xi32, #tpu.memory_space<hbm>> -> memref<1x1x125x80xi32, #tpu.memory_space<hbm>>
      %dma_start3A_284 = tpu.memref_squeeze %dma_start3A_283 : memref<1x1x125x80xi32, #tpu.memory_space<hbm>> -> memref<125x80xi32, #tpu.memory_space<hbm>>
      tpu.enqueue_dma source(%dma_start3A_284 : memref<125x80xi32, #tpu.memory_space<hbm>>) target(%arg6 : memref<125x80xi32, #tpu.memory_space<vmem>>) target_semaphore(%run_scoped3A_276 : memref<!tpu.dma_semaphore, #tpu.memory_space<semaphore_mem>>)
      %dma_wait3A_285 = arith.constant 0 : i32
      %dma_wait3A_286 = arith.constant 0 : i32
      %dma_wait3A_287 = tpu.memref_slice %arg3[%run_scoped3A_6, %add3A, %dma_wait3A_285, %dma_wait3A_286] : memref<2x32x125x80xi32, #tpu.memory_space<hbm>> -> memref<1x1x125x80xi32, #tpu.memory_space<hbm>>
      %dma_wait3A_288 = tpu.memref_squeeze %dma_wait3A_287 : memref<1x1x125x80xi32, #tpu.memory_space<hbm>> -> memref<125x80xi32, #tpu.memory_space<hbm>>
      %dma_wait3A_289 = arith.constant 0 : i32
      %dma_wait3A_290 = arith.constant 0 : i32
      %dma_wait3A_291 = tpu.memref_slice %arg3[%run_scoped3A_6, %add3A, %dma_wait3A_289, %dma_wait3A_290] : memref<2x32x125x80xi32, #tpu.memory_space<hbm>> -> memref<1x1x125x80xi32, #tpu.memory_space<hbm>>
      %dma_wait3A_292 = tpu.memref_squeeze %dma_wait3A_291 : memref<1x1x125x80xi32, #tpu.memory_space<hbm>> -> memref<125x80xi32, #tpu.memory_space<hbm>>
      tpu.wait_dma2 semaphore(%run_scoped3A_276 : memref<!tpu.dma_semaphore, #tpu.memory_space<semaphore_mem>>) src(%dma_wait3A_292 : memref<125x80xi32, #tpu.memory_space<hbm>>) dst(%arg6 : memref<125x80xi32, #tpu.memory_space<vmem>>)
      tpu.yield
    }) : () -> ()
    %mul3A_7 = arith.constant 625 : i32
    %mul3A_8 = arith.muli %arg1, %mul3A_7 : i32
    %add3A_9 = arith.constant 0 : i32
    %add3A_10 = arith.addi %mul3A_8, %add3A_9 : i32
    "tpu.region"() ({
      %run_scoped3A_276 = tpu.sem_alloc : memref<!tpu.dma_semaphore, #tpu.memory_space<semaphore_mem>>
      %dma_start3A_277 = arith.constant 0 : i32
      %dma_start3A_278 = tpu.memref_slice %arg10[%add3A_10, %dma_start3A_277] : memref<10000x64xf32, #tpu.memory_space<vmem_shared>> -> memref<125x64xf32, #tpu.memory_space<vmem_shared>>
      %dma_start3A_279 = arith.constant 0 : i32
      %dma_start3A_280 = tpu.memref_slice %arg10[%add3A_10, %dma_start3A_279] : memref<10000x64xf32, #tpu.memory_space<vmem_shared>> -> memref<125x64xf32, #tpu.memory_space<vmem_shared>>
      tpu.enqueue_dma source(%arg9 : memref<125x64xf32, #tpu.memory_space<vmem>>) target(%dma_start3A_280 : memref<125x64xf32, #tpu.memory_space<vmem_shared>>) target_semaphore(%run_scoped3A_276 : memref<!tpu.dma_semaphore, #tpu.memory_space<semaphore_mem>>)
      %dma_wait3A_281 = arith.constant 0 : i32
      %dma_wait3A_282 = tpu.memref_slice %arg10[%add3A_10, %dma_wait3A_281] : memref<10000x64xf32, #tpu.memory_space<vmem_shared>> -> memref<125x64xf32, #tpu.memory_space<vmem_shared>>
      %dma_wait3A_283 = arith.constant 0 : i32
      %dma_wait3A_284 = tpu.memref_slice %arg10[%add3A_10, %dma_wait3A_283] : memref<10000x64xf32, #tpu.memory_space<vmem_shared>> -> memref<125x64xf32, #tpu.memory_space<vmem_shared>>
      tpu.wait_dma2 semaphore(%run_scoped3A_276 : memref<!tpu.dma_semaphore, #tpu.memory_space<semaphore_mem>>) src(%arg9 : memref<125x64xf32, #tpu.memory_space<vmem>>) dst(%dma_wait3A_284 : memref<125x64xf32, #tpu.memory_space<vmem_shared>>)
      tpu.yield
    }) : () -> ()
    %mul3A_11 = arith.constant 625 : i32
    %mul3A_12 = arith.muli %arg1, %mul3A_11 : i32
    %add3A_13 = arith.constant 125 : i32
    %add3A_14 = arith.addi %mul3A_12, %add3A_13 : i32
    "tpu.region"() ({
      %run_scoped3A_276 = tpu.sem_alloc : memref<!tpu.dma_semaphore, #tpu.memory_space<semaphore_mem>>
      %dma_start3A_277 = arith.constant 0 : i32
      %dma_start3A_278 = tpu.memref_slice %arg10[%add3A_14, %dma_start3A_277] : memref<10000x64xf32, #tpu.memory_space<vmem_shared>> -> memref<125x64xf32, #tpu.memory_space<vmem_shared>>
      %dma_start3A_279 = arith.constant 0 : i32
      %dma_start3A_280 = tpu.memref_slice %arg10[%add3A_14, %dma_start3A_279] : memref<10000x64xf32, #tpu.memory_space<vmem_shared>> -> memref<125x64xf32, #tpu.memory_space<vmem_shared>>
      tpu.enqueue_dma source(%arg9 : memref<125x64xf32, #tpu.memory_space<vmem>>) target(%dma_start3A_280 : memref<125x64xf32, #tpu.memory_space<vmem_shared>>) target_semaphore(%run_scoped3A_276 : memref<!tpu.dma_semaphore, #tpu.memory_space<semaphore_mem>>)
      %dma_wait3A_281 = arith.constant 0 : i32
      %dma_wait3A_282 = tpu.memref_slice %arg10[%add3A_14, %dma_wait3A_281] : memref<10000x64xf32, #tpu.memory_space<vmem_shared>> -> memref<125x64xf32, #tpu.memory_space<vmem_shared>>
      %dma_wait3A_283 = arith.constant 0 : i32
      %dma_wait3A_284 = tpu.memref_slice %arg10[%add3A_14, %dma_wait3A_283] : memref<10000x64xf32, #tpu.memory_space<vmem_shared>> -> memref<125x64xf32, #tpu.memory_space<vmem_shared>>
      tpu.wait_dma2 semaphore(%run_scoped3A_276 : memref<!tpu.dma_semaphore, #tpu.memory_space<semaphore_mem>>) src(%arg9 : memref<125x64xf32, #tpu.memory_space<vmem>>) dst(%dma_wait3A_284 : memref<125x64xf32, #tpu.memory_space<vmem_shared>>)
      tpu.yield
    }) : () -> ()
    %mul3A_15 = arith.constant 625 : i32
    %mul3A_16 = arith.muli %arg1, %mul3A_15 : i32
    %add3A_17 = arith.constant 250 : i32
    %add3A_18 = arith.addi %mul3A_16, %add3A_17 : i32
    "tpu.region"() ({
      %run_scoped3A_276 = tpu.sem_alloc : memref<!tpu.dma_semaphore, #tpu.memory_space<semaphore_mem>>
      %dma_start3A_277 = arith.constant 0 : i32
      %dma_start3A_278 = tpu.memref_slice %arg10[%add3A_18, %dma_start3A_277] : memref<10000x64xf32, #tpu.memory_space<vmem_shared>> -> memref<125x64xf32, #tpu.memory_space<vmem_shared>>
      %dma_start3A_279 = arith.constant 0 : i32
      %dma_start3A_280 = tpu.memref_slice %arg10[%add3A_18, %dma_start3A_279] : memref<10000x64xf32, #tpu.memory_space<vmem_shared>> -> memref<125x64xf32, #tpu.memory_space<vmem_shared>>
      tpu.enqueue_dma source(%arg9 : memref<125x64xf32, #tpu.memory_space<vmem>>) target(%dma_start3A_280 : memref<125x64xf32, #tpu.memory_space<vmem_shared>>) target_semaphore(%run_scoped3A_276 : memref<!tpu.dma_semaphore, #tpu.memory_space<semaphore_mem>>)
      %dma_wait3A_281 = arith.constant 0 : i32
      %dma_wait3A_282 = tpu.memref_slice %arg10[%add3A_18, %dma_wait3A_281] : memref<10000x64xf32, #tpu.memory_space<vmem_shared>> -> memref<125x64xf32, #tpu.memory_space<vmem_shared>>
      %dma_wait3A_283 = arith.constant 0 : i32
      %dma_wait3A_284 = tpu.memref_slice %arg10[%add3A_18, %dma_wait3A_283] : memref<10000x64xf32, #tpu.memory_space<vmem_shared>> -> memref<125x64xf32, #tpu.memory_space<vmem_shared>>
      tpu.wait_dma2 semaphore(%run_scoped3A_276 : memref<!tpu.dma_semaphore, #tpu.memory_space<semaphore_mem>>) src(%arg9 : memref<125x64xf32, #tpu.memory_space<vmem>>) dst(%dma_wait3A_284 : memref<125x64xf32, #tpu.memory_space<vmem_shared>>)
      tpu.yield
    }) : () -> ()
    %mul3A_19 = arith.constant 625 : i32
    %mul3A_20 = arith.muli %arg1, %mul3A_19 : i32
    %add3A_21 = arith.constant 375 : i32
    %add3A_22 = arith.addi %mul3A_20, %add3A_21 : i32
    "tpu.region"() ({
      %run_scoped3A_276 = tpu.sem_alloc : memref<!tpu.dma_semaphore, #tpu.memory_space<semaphore_mem>>
      %dma_start3A_277 = arith.constant 0 : i32
      %dma_start3A_278 = tpu.memref_slice %arg10[%add3A_22, %dma_start3A_277] : memref<10000x64xf32, #tpu.memory_space<vmem_shared>> -> memref<125x64xf32, #tpu.memory_space<vmem_shared>>
      %dma_start3A_279 = arith.constant 0 : i32
      %dma_start3A_280 = tpu.memref_slice %arg10[%add3A_22, %dma_start3A_279] : memref<10000x64xf32, #tpu.memory_space<vmem_shared>> -> memref<125x64xf32, #tpu.memory_space<vmem_shared>>
      tpu.enqueue_dma source(%arg9 : memref<125x64xf32, #tpu.memory_space<vmem>>) target(%dma_start3A_280 : memref<125x64xf32, #tpu.memory_space<vmem_shared>>) target_semaphore(%run_scoped3A_276 : memref<!tpu.dma_semaphore, #tpu.memory_space<semaphore_mem>>)
      %dma_wait3A_281 = arith.constant 0 : i32
      %dma_wait3A_282 = tpu.memref_slice %arg10[%add3A_22, %dma_wait3A_281] : memref<10000x64xf32, #tpu.memory_space<vmem_shared>> -> memref<125x64xf32, #tpu.memory_space<vmem_shared>>
      %dma_wait3A_283 = arith.constant 0 : i32
      %dma_wait3A_284 = tpu.memref_slice %arg10[%add3A_22, %dma_wait3A_283] : memref<10000x64xf32, #tpu.memory_space<vmem_shared>> -> memref<125x64xf32, #tpu.memory_space<vmem_shared>>
      tpu.wait_dma2 semaphore(%run_scoped3A_276 : memref<!tpu.dma_semaphore, #tpu.memory_space<semaphore_mem>>) src(%arg9 : memref<125x64xf32, #tpu.memory_space<vmem>>) dst(%dma_wait3A_284 : memref<125x64xf32, #tpu.memory_space<vmem_shared>>)
      tpu.yield
    }) : () -> ()
    %mul3A_23 = arith.constant 625 : i32
    %mul3A_24 = arith.muli %arg1, %mul3A_23 : i32
    %add3A_25 = arith.constant 500 : i32
    %add3A_26 = arith.addi %mul3A_24, %add3A_25 : i32
    "tpu.region"() ({
      %run_scoped3A_276 = tpu.sem_alloc : memref<!tpu.dma_semaphore, #tpu.memory_space<semaphore_mem>>
      %dma_start3A_277 = arith.constant 0 : i32
      %dma_start3A_278 = tpu.memref_slice %arg10[%add3A_26, %dma_start3A_277] : memref<10000x64xf32, #tpu.memory_space<vmem_shared>> -> memref<125x64xf32, #tpu.memory_space<vmem_shared>>
      %dma_start3A_279 = arith.constant 0 : i32
      %dma_start3A_280 = tpu.memref_slice %arg10[%add3A_26, %dma_start3A_279] : memref<10000x64xf32, #tpu.memory_space<vmem_shared>> -> memref<125x64xf32, #tpu.memory_space<vmem_shared>>
      tpu.enqueue_dma source(%arg9 : memref<125x64xf32, #tpu.memory_space<vmem>>) target(%dma_start3A_280 : memref<125x64xf32, #tpu.memory_space<vmem_shared>>) target_semaphore(%run_scoped3A_276 : memref<!tpu.dma_semaphore, #tpu.memory_space<semaphore_mem>>)
      %dma_wait3A_281 = arith.constant 0 : i32
      %dma_wait3A_282 = tpu.memref_slice %arg10[%add3A_26, %dma_wait3A_281] : memref<10000x64xf32, #tpu.memory_space<vmem_shared>> -> memref<125x64xf32, #tpu.memory_space<vmem_shared>>
      %dma_wait3A_283 = arith.constant 0 : i32
      %dma_wait3A_284 = tpu.memref_slice %arg10[%add3A_26, %dma_wait3A_283] : memref<10000x64xf32, #tpu.memory_space<vmem_shared>> -> memref<125x64xf32, #tpu.memory_space<vmem_shared>>
      tpu.wait_dma2 semaphore(%run_scoped3A_276 : memref<!tpu.dma_semaphore, #tpu.memory_space<semaphore_mem>>) src(%arg9 : memref<125x64xf32, #tpu.memory_space<vmem>>) dst(%dma_wait3A_284 : memref<125x64xf32, #tpu.memory_space<vmem_shared>>)
      tpu.yield
    }) : () -> ()
    %barrier3A = arith.constant 0 : index
    tpu.barrier barrier_id(%barrier3A)
    %dma_start3A = arith.constant 0 : i32
    %dma_start3A_27 = arith.constant 0 : i32
    %dma_start3A_28 = arith.constant 0 : i32
    %dma_start3A_29 = arith.constant 0 : i32
    %dma_start3A_30 = tpu.memref_slice %arg7[%dma_start3A_27, %dma_start3A_28, %dma_start3A_29] : memref<5x80x64xf32, #tpu.memory_space<vmem>> -> memref<1x80x64xf32, #tpu.memory_space<vmem>>
    %dma_start3A_31 = tpu.memref_squeeze %dma_start3A_30 : memref<1x80x64xf32, #tpu.memory_space<vmem>> -> memref<80x64xf32, #tpu.memory_space<vmem>>
    %dma_start3A_32 = arith.constant 0 : i32
    %dma_start3A_33 = tpu.memref_slice %arg5[%dma_start3A, %dma_start3A_32] : memref<125x80xi32, #tpu.memory_space<vmem>> -> memref<1x80xi32, #tpu.memory_space<vmem>>
    %dma_start3A_34 = tpu.memref_squeeze %dma_start3A_33 : memref<1x80xi32, #tpu.memory_space<vmem>> -> memref<80xi32, #tpu.memory_space<vmem>>
    %dma_start3A_35 = arith.constant 0 : i32
    %dma_start3A_36 = arith.constant 0 : i32
    %dma_start3A_37 = tpu.memref_slice %arg2[%dma_start3A_35, %dma_start3A_36] : memref<10000x64xf32, #tpu.memory_space<hbm>> -> memref<10000x64xf32, #tpu.memory_space<hbm>>
    tpu.enqueue_indirect_dma source(%dma_start3A_37 : memref<10000x64xf32, #tpu.memory_space<hbm>>) target(%dma_start3A_31 : memref<80x64xf32, #tpu.memory_space<vmem>>) offsets(%dma_start3A_34 : memref<80xi32, #tpu.memory_space<vmem>>) semaphore(%arg11 : memref<!tpu.dma_semaphore, #tpu.memory_space<semaphore_mem>>)
    %dma_start3A_38 = arith.constant 1 : i32
    %dma_start3A_39 = arith.constant 1 : i32
    %dma_start3A_40 = arith.constant 0 : i32
    %dma_start3A_41 = arith.constant 0 : i32
    %dma_start3A_42 = tpu.memref_slice %arg7[%dma_start3A_39, %dma_start3A_40, %dma_start3A_41] : memref<5x80x64xf32, #tpu.memory_space<vmem>> -> memref<1x80x64xf32, #tpu.memory_space<vmem>>
    %dma_start3A_43 = tpu.memref_squeeze %dma_start3A_42 : memref<1x80x64xf32, #tpu.memory_space<vmem>> -> memref<80x64xf32, #tpu.memory_space<vmem>>
    %dma_start3A_44 = arith.constant 0 : i32
    %dma_start3A_45 = tpu.memref_slice %arg5[%dma_start3A_38, %dma_start3A_44] : memref<125x80xi32, #tpu.memory_space<vmem>> -> memref<1x80xi32, #tpu.memory_space<vmem>>
    %dma_start3A_46 = tpu.memref_squeeze %dma_start3A_45 : memref<1x80xi32, #tpu.memory_space<vmem>> -> memref<80xi32, #tpu.memory_space<vmem>>
    %dma_start3A_47 = arith.constant 0 : i32
    %dma_start3A_48 = arith.constant 0 : i32
    %dma_start3A_49 = tpu.memref_slice %arg2[%dma_start3A_47, %dma_start3A_48] : memref<10000x64xf32, #tpu.memory_space<hbm>> -> memref<10000x64xf32, #tpu.memory_space<hbm>>
    tpu.enqueue_indirect_dma source(%dma_start3A_49 : memref<10000x64xf32, #tpu.memory_space<hbm>>) target(%dma_start3A_43 : memref<80x64xf32, #tpu.memory_space<vmem>>) offsets(%dma_start3A_46 : memref<80xi32, #tpu.memory_space<vmem>>) semaphore(%arg11 : memref<!tpu.dma_semaphore, #tpu.memory_space<semaphore_mem>>)
    %dma_start3A_50 = arith.constant 2 : i32
    %dma_start3A_51 = arith.constant 2 : i32
    %dma_start3A_52 = arith.constant 0 : i32
    %dma_start3A_53 = arith.constant 0 : i32
    %dma_start3A_54 = tpu.memref_slice %arg7[%dma_start3A_51, %dma_start3A_52, %dma_start3A_53] : memref<5x80x64xf32, #tpu.memory_space<vmem>> -> memref<1x80x64xf32, #tpu.memory_space<vmem>>
    %dma_start3A_55 = tpu.memref_squeeze %dma_start3A_54 : memref<1x80x64xf32, #tpu.memory_space<vmem>> -> memref<80x64xf32, #tpu.memory_space<vmem>>
    %dma_start3A_56 = arith.constant 0 : i32
    %dma_start3A_57 = tpu.memref_slice %arg5[%dma_start3A_50, %dma_start3A_56] : memref<125x80xi32, #tpu.memory_space<vmem>> -> memref<1x80xi32, #tpu.memory_space<vmem>>
    %dma_start3A_58 = tpu.memref_squeeze %dma_start3A_57 : memref<1x80xi32, #tpu.memory_space<vmem>> -> memref<80xi32, #tpu.memory_space<vmem>>
    %dma_start3A_59 = arith.constant 0 : i32
    %dma_start3A_60 = arith.constant 0 : i32
    %dma_start3A_61 = tpu.memref_slice %arg2[%dma_start3A_59, %dma_start3A_60] : memref<10000x64xf32, #tpu.memory_space<hbm>> -> memref<10000x64xf32, #tpu.memory_space<hbm>>
    tpu.enqueue_indirect_dma source(%dma_start3A_61 : memref<10000x64xf32, #tpu.memory_space<hbm>>) target(%dma_start3A_55 : memref<80x64xf32, #tpu.memory_space<vmem>>) offsets(%dma_start3A_58 : memref<80xi32, #tpu.memory_space<vmem>>) semaphore(%arg11 : memref<!tpu.dma_semaphore, #tpu.memory_space<semaphore_mem>>)
    %dma_start3A_62 = arith.constant 3 : i32
    %dma_start3A_63 = arith.constant 3 : i32
    %dma_start3A_64 = arith.constant 0 : i32
    %dma_start3A_65 = arith.constant 0 : i32
    %dma_start3A_66 = tpu.memref_slice %arg7[%dma_start3A_63, %dma_start3A_64, %dma_start3A_65] : memref<5x80x64xf32, #tpu.memory_space<vmem>> -> memref<1x80x64xf32, #tpu.memory_space<vmem>>
    %dma_start3A_67 = tpu.memref_squeeze %dma_start3A_66 : memref<1x80x64xf32, #tpu.memory_space<vmem>> -> memref<80x64xf32, #tpu.memory_space<vmem>>
    %dma_start3A_68 = arith.constant 0 : i32
    %dma_start3A_69 = tpu.memref_slice %arg5[%dma_start3A_62, %dma_start3A_68] : memref<125x80xi32, #tpu.memory_space<vmem>> -> memref<1x80xi32, #tpu.memory_space<vmem>>
    %dma_start3A_70 = tpu.memref_squeeze %dma_start3A_69 : memref<1x80xi32, #tpu.memory_space<vmem>> -> memref<80xi32, #tpu.memory_space<vmem>>
    %dma_start3A_71 = arith.constant 0 : i32
    %dma_start3A_72 = arith.constant 0 : i32
    %dma_start3A_73 = tpu.memref_slice %arg2[%dma_start3A_71, %dma_start3A_72] : memref<10000x64xf32, #tpu.memory_space<hbm>> -> memref<10000x64xf32, #tpu.memory_space<hbm>>
    tpu.enqueue_indirect_dma source(%dma_start3A_73 : memref<10000x64xf32, #tpu.memory_space<hbm>>) target(%dma_start3A_67 : memref<80x64xf32, #tpu.memory_space<vmem>>) offsets(%dma_start3A_70 : memref<80xi32, #tpu.memory_space<vmem>>) semaphore(%arg11 : memref<!tpu.dma_semaphore, #tpu.memory_space<semaphore_mem>>)
    %dma_start3A_74 = arith.constant 4 : i32
    %dma_start3A_75 = arith.constant 4 : i32
    %dma_start3A_76 = arith.constant 0 : i32
    %dma_start3A_77 = arith.constant 0 : i32
    %dma_start3A_78 = tpu.memref_slice %arg7[%dma_start3A_75, %dma_start3A_76, %dma_start3A_77] : memref<5x80x64xf32, #tpu.memory_space<vmem>> -> memref<1x80x64xf32, #tpu.memory_space<vmem>>
    %dma_start3A_79 = tpu.memref_squeeze %dma_start3A_78 : memref<1x80x64xf32, #tpu.memory_space<vmem>> -> memref<80x64xf32, #tpu.memory_space<vmem>>
    %dma_start3A_80 = arith.constant 0 : i32
    %dma_start3A_81 = tpu.memref_slice %arg5[%dma_start3A_74, %dma_start3A_80] : memref<125x80xi32, #tpu.memory_space<vmem>> -> memref<1x80xi32, #tpu.memory_space<vmem>>
    %dma_start3A_82 = tpu.memref_squeeze %dma_start3A_81 : memref<1x80xi32, #tpu.memory_space<vmem>> -> memref<80xi32, #tpu.memory_space<vmem>>
    %dma_start3A_83 = arith.constant 0 : i32
    %dma_start3A_84 = arith.constant 0 : i32
    %dma_start3A_85 = tpu.memref_slice %arg2[%dma_start3A_83, %dma_start3A_84] : memref<10000x64xf32, #tpu.memory_space<hbm>> -> memref<10000x64xf32, #tpu.memory_space<hbm>>
    tpu.enqueue_indirect_dma source(%dma_start3A_85 : memref<10000x64xf32, #tpu.memory_space<hbm>>) target(%dma_start3A_79 : memref<80x64xf32, #tpu.memory_space<vmem>>) offsets(%dma_start3A_82 : memref<80xi32, #tpu.memory_space<vmem>>) semaphore(%arg11 : memref<!tpu.dma_semaphore, #tpu.memory_space<semaphore_mem>>)
    %scan3A_86 = arith.constant 0 : i32
    %scan3A_87 = arith.constant 0 : i32
    %scan3A_88 = arith.constant 12 : i32
    %scan3A_89 = arith.addi %scan3A_87, %scan3A_88 : i32
    %scan3A_90 = arith.constant 1 : i32
    scf.for %scan3A_276 = %scan3A_87 to %scan3A_89 step %scan3A_90  : i32 {
      %mul3A_277 = arith.constant 2 : i32
      %mul3A_278 = arith.muli %mul3A_277, %scan3A_276 : i32
      %mul3A_279 = arith.constant 5 : i32
      %mul3A_280 = arith.muli %mul3A_278, %mul3A_279 : i32
      %add3A_281 = arith.constant 0 : i32
      %add3A_282 = arith.addi %mul3A_280, %add3A_281 : i32
      %dma_wait3A_283 = arith.constant 0 : i32
      %dma_wait3A_284 = arith.constant 0 : i32
      %dma_wait3A_285 = arith.constant 0 : i32
      %dma_wait3A_286 = tpu.memref_slice %arg7[%dma_wait3A_283, %dma_wait3A_284, %dma_wait3A_285] : memref<5x80x64xf32, #tpu.memory_space<vmem>> -> memref<1x80x64xf32, #tpu.memory_space<vmem>>
      %dma_wait3A_287 = tpu.memref_squeeze %dma_wait3A_286 : memref<1x80x64xf32, #tpu.memory_space<vmem>> -> memref<80x64xf32, #tpu.memory_space<vmem>>
      %dma_wait3A_288 = arith.constant 0 : i32
      %dma_wait3A_289 = tpu.memref_slice %arg5[%add3A_282, %dma_wait3A_288] : memref<125x80xi32, #tpu.memory_space<vmem>> -> memref<1x80xi32, #tpu.memory_space<vmem>>
      %dma_wait3A_290 = tpu.memref_squeeze %dma_wait3A_289 : memref<1x80xi32, #tpu.memory_space<vmem>> -> memref<80xi32, #tpu.memory_space<vmem>>
      %dma_wait3A_291 = arith.constant 0 : i32
      %dma_wait3A_292 = arith.constant 0 : i32
      %dma_wait3A_293 = tpu.memref_slice %arg2[%dma_wait3A_291, %dma_wait3A_292] : memref<10000x64xf32, #tpu.memory_space<hbm>> -> memref<10000x64xf32, #tpu.memory_space<hbm>>
      tpu.wait_indirect_dma semaphore(%arg11 : memref<!tpu.dma_semaphore, #tpu.memory_space<semaphore_mem>>) src(%dma_wait3A_293 : memref<10000x64xf32, #tpu.memory_space<hbm>>) dst(%dma_wait3A_287 : memref<80x64xf32, #tpu.memory_space<vmem>>)
      %mul3A_294 = arith.constant 5 : i32
      %mul3A_295 = arith.muli %mul3A_278, %mul3A_294 : i32
      %add3A_296 = arith.constant 1 : i32
      %add3A_297 = arith.addi %mul3A_295, %add3A_296 : i32
      %dma_wait3A_298 = arith.constant 1 : i32
      %dma_wait3A_299 = arith.constant 0 : i32
      %dma_wait3A_300 = arith.constant 0 : i32
      %dma_wait3A_301 = tpu.memref_slice %arg7[%dma_wait3A_298, %dma_wait3A_299, %dma_wait3A_300] : memref<5x80x64xf32, #tpu.memory_space<vmem>> -> memref<1x80x64xf32, #tpu.memory_space<vmem>>
      %dma_wait3A_302 = tpu.memref_squeeze %dma_wait3A_301 : memref<1x80x64xf32, #tpu.memory_space<vmem>> -> memref<80x64xf32, #tpu.memory_space<vmem>>
      %dma_wait3A_303 = arith.constant 0 : i32
      %dma_wait3A_304 = tpu.memref_slice %arg5[%add3A_297, %dma_wait3A_303] : memref<125x80xi32, #tpu.memory_space<vmem>> -> memref<1x80xi32, #tpu.memory_space<vmem>>
      %dma_wait3A_305 = tpu.memref_squeeze %dma_wait3A_304 : memref<1x80xi32, #tpu.memory_space<vmem>> -> memref<80xi32, #tpu.memory_space<vmem>>
      %dma_wait3A_306 = arith.constant 0 : i32
      %dma_wait3A_307 = arith.constant 0 : i32
      %dma_wait3A_308 = tpu.memref_slice %arg2[%dma_wait3A_306, %dma_wait3A_307] : memref<10000x64xf32, #tpu.memory_space<hbm>> -> memref<10000x64xf32, #tpu.memory_space<hbm>>
      tpu.wait_indirect_dma semaphore(%arg11 : memref<!tpu.dma_semaphore, #tpu.memory_space<semaphore_mem>>) src(%dma_wait3A_308 : memref<10000x64xf32, #tpu.memory_space<hbm>>) dst(%dma_wait3A_302 : memref<80x64xf32, #tpu.memory_space<vmem>>)
      %mul3A_309 = arith.constant 5 : i32
      %mul3A_310 = arith.muli %mul3A_278, %mul3A_309 : i32
      %add3A_311 = arith.constant 2 : i32
      %add3A_312 = arith.addi %mul3A_310, %add3A_311 : i32
      %dma_wait3A_313 = arith.constant 2 : i32
      %dma_wait3A_314 = arith.constant 0 : i32
      %dma_wait3A_315 = arith.constant 0 : i32
      %dma_wait3A_316 = tpu.memref_slice %arg7[%dma_wait3A_313, %dma_wait3A_314, %dma_wait3A_315] : memref<5x80x64xf32, #tpu.memory_space<vmem>> -> memref<1x80x64xf32, #tpu.memory_space<vmem>>
      %dma_wait3A_317 = tpu.memref_squeeze %dma_wait3A_316 : memref<1x80x64xf32, #tpu.memory_space<vmem>> -> memref<80x64xf32, #tpu.memory_space<vmem>>
      %dma_wait3A_318 = arith.constant 0 : i32
      %dma_wait3A_319 = tpu.memref_slice %arg5[%add3A_312, %dma_wait3A_318] : memref<125x80xi32, #tpu.memory_space<vmem>> -> memref<1x80xi32, #tpu.memory_space<vmem>>
      %dma_wait3A_320 = tpu.memref_squeeze %dma_wait3A_319 : memref<1x80xi32, #tpu.memory_space<vmem>> -> memref<80xi32, #tpu.memory_space<vmem>>
      %dma_wait3A_321 = arith.constant 0 : i32
      %dma_wait3A_322 = arith.constant 0 : i32
      %dma_wait3A_323 = tpu.memref_slice %arg2[%dma_wait3A_321, %dma_wait3A_322] : memref<10000x64xf32, #tpu.memory_space<hbm>> -> memref<10000x64xf32, #tpu.memory_space<hbm>>
      tpu.wait_indirect_dma semaphore(%arg11 : memref<!tpu.dma_semaphore, #tpu.memory_space<semaphore_mem>>) src(%dma_wait3A_323 : memref<10000x64xf32, #tpu.memory_space<hbm>>) dst(%dma_wait3A_317 : memref<80x64xf32, #tpu.memory_space<vmem>>)
      %mul3A_324 = arith.constant 5 : i32
      %mul3A_325 = arith.muli %mul3A_278, %mul3A_324 : i32
      %add3A_326 = arith.constant 3 : i32
      %add3A_327 = arith.addi %mul3A_325, %add3A_326 : i32
      %dma_wait3A_328 = arith.constant 3 : i32
      %dma_wait3A_329 = arith.constant 0 : i32
      %dma_wait3A_330 = arith.constant 0 : i32
      %dma_wait3A_331 = tpu.memref_slice %arg7[%dma_wait3A_328, %dma_wait3A_329, %dma_wait3A_330] : memref<5x80x64xf32, #tpu.memory_space<vmem>> -> memref<1x80x64xf32, #tpu.memory_space<vmem>>
      %dma_wait3A_332 = tpu.memref_squeeze %dma_wait3A_331 : memref<1x80x64xf32, #tpu.memory_space<vmem>> -> memref<80x64xf32, #tpu.memory_space<vmem>>
      %dma_wait3A_333 = arith.constant 0 : i32
      %dma_wait3A_334 = tpu.memref_slice %arg5[%add3A_327, %dma_wait3A_333] : memref<125x80xi32, #tpu.memory_space<vmem>> -> memref<1x80xi32, #tpu.memory_space<vmem>>
      %dma_wait3A_335 = tpu.memref_squeeze %dma_wait3A_334 : memref<1x80xi32, #tpu.memory_space<vmem>> -> memref<80xi32, #tpu.memory_space<vmem>>
      %dma_wait3A_336 = arith.constant 0 : i32
      %dma_wait3A_337 = arith.constant 0 : i32
      %dma_wait3A_338 = tpu.memref_slice %arg2[%dma_wait3A_336, %dma_wait3A_337] : memref<10000x64xf32, #tpu.memory_space<hbm>> -> memref<10000x64xf32, #tpu.memory_space<hbm>>
      tpu.wait_indirect_dma semaphore(%arg11 : memref<!tpu.dma_semaphore, #tpu.memory_space<semaphore_mem>>) src(%dma_wait3A_338 : memref<10000x64xf32, #tpu.memory_space<hbm>>) dst(%dma_wait3A_332 : memref<80x64xf32, #tpu.memory_space<vmem>>)
      %mul3A_339 = arith.constant 5 : i32
      %mul3A_340 = arith.muli %mul3A_278, %mul3A_339 : i32
      %add3A_341 = arith.constant 4 : i32
      %add3A_342 = arith.addi %mul3A_340, %add3A_341 : i32
      %dma_wait3A_343 = arith.constant 4 : i32
      %dma_wait3A_344 = arith.constant 0 : i32
      %dma_wait3A_345 = arith.constant 0 : i32
      %dma_wait3A_346 = tpu.memref_slice %arg7[%dma_wait3A_343, %dma_wait3A_344, %dma_wait3A_345] : memref<5x80x64xf32, #tpu.memory_space<vmem>> -> memref<1x80x64xf32, #tpu.memory_space<vmem>>
      %dma_wait3A_347 = tpu.memref_squeeze %dma_wait3A_346 : memref<1x80x64xf32, #tpu.memory_space<vmem>> -> memref<80x64xf32, #tpu.memory_space<vmem>>
      %dma_wait3A_348 = arith.constant 0 : i32
      %dma_wait3A_349 = tpu.memref_slice %arg5[%add3A_342, %dma_wait3A_348] : memref<125x80xi32, #tpu.memory_space<vmem>> -> memref<1x80xi32, #tpu.memory_space<vmem>>
      %dma_wait3A_350 = tpu.memref_squeeze %dma_wait3A_349 : memref<1x80xi32, #tpu.memory_space<vmem>> -> memref<80xi32, #tpu.memory_space<vmem>>
      %dma_wait3A_351 = arith.constant 0 : i32
      %dma_wait3A_352 = arith.constant 0 : i32
      %dma_wait3A_353 = tpu.memref_slice %arg2[%dma_wait3A_351, %dma_wait3A_352] : memref<10000x64xf32, #tpu.memory_space<hbm>> -> memref<10000x64xf32, #tpu.memory_space<hbm>>
      tpu.wait_indirect_dma semaphore(%arg11 : memref<!tpu.dma_semaphore, #tpu.memory_space<semaphore_mem>>) src(%dma_wait3A_353 : memref<10000x64xf32, #tpu.memory_space<hbm>>) dst(%dma_wait3A_347 : memref<80x64xf32, #tpu.memory_space<vmem>>)
      %add3A_354 = arith.constant 1 : i32
      %add3A_355 = arith.addi %mul3A_278, %add3A_354 : i32
      %mul3A_356 = arith.constant 5 : i32
      %mul3A_357 = arith.muli %add3A_355, %mul3A_356 : i32
      %add3A_358 = arith.constant 0 : i32
      %add3A_359 = arith.addi %mul3A_357, %add3A_358 : i32
      %dma_start3A_360 = arith.constant 0 : i32
      %dma_start3A_361 = arith.constant 0 : i32
      %dma_start3A_362 = arith.constant 0 : i32
      %dma_start3A_363 = tpu.memref_slice %arg8[%dma_start3A_360, %dma_start3A_361, %dma_start3A_362] : memref<5x80x64xf32, #tpu.memory_space<vmem>> -> memref<1x80x64xf32, #tpu.memory_space<vmem>>
      %dma_start3A_364 = tpu.memref_squeeze %dma_start3A_363 : memref<1x80x64xf32, #tpu.memory_space<vmem>> -> memref<80x64xf32, #tpu.memory_space<vmem>>
      %dma_start3A_365 = arith.constant 0 : i32
      %dma_start3A_366 = tpu.memref_slice %arg5[%add3A_359, %dma_start3A_365] : memref<125x80xi32, #tpu.memory_space<vmem>> -> memref<1x80xi32, #tpu.memory_space<vmem>>
      %dma_start3A_367 = tpu.memref_squeeze %dma_start3A_366 : memref<1x80xi32, #tpu.memory_space<vmem>> -> memref<80xi32, #tpu.memory_space<vmem>>
      %dma_start3A_368 = arith.constant 0 : i32
      %dma_start3A_369 = arith.constant 0 : i32
      %dma_start3A_370 = tpu.memref_slice %arg2[%dma_start3A_368, %dma_start3A_369] : memref<10000x64xf32, #tpu.memory_space<hbm>> -> memref<10000x64xf32, #tpu.memory_space<hbm>>
      tpu.enqueue_indirect_dma source(%dma_start3A_370 : memref<10000x64xf32, #tpu.memory_space<hbm>>) target(%dma_start3A_364 : memref<80x64xf32, #tpu.memory_space<vmem>>) offsets(%dma_start3A_367 : memref<80xi32, #tpu.memory_space<vmem>>) semaphore(%arg11 : memref<!tpu.dma_semaphore, #tpu.memory_space<semaphore_mem>>)
      %mul3A_371 = arith.constant 5 : i32
      %mul3A_372 = arith.muli %add3A_355, %mul3A_371 : i32
      %add3A_373 = arith.constant 1 : i32
      %add3A_374 = arith.addi %mul3A_372, %add3A_373 : i32
      %dma_start3A_375 = arith.constant 1 : i32
      %dma_start3A_376 = arith.constant 0 : i32
      %dma_start3A_377 = arith.constant 0 : i32
      %dma_start3A_378 = tpu.memref_slice %arg8[%dma_start3A_375, %dma_start3A_376, %dma_start3A_377] : memref<5x80x64xf32, #tpu.memory_space<vmem>> -> memref<1x80x64xf32, #tpu.memory_space<vmem>>
      %dma_start3A_379 = tpu.memref_squeeze %dma_start3A_378 : memref<1x80x64xf32, #tpu.memory_space<vmem>> -> memref<80x64xf32, #tpu.memory_space<vmem>>
      %dma_start3A_380 = arith.constant 0 : i32
      %dma_start3A_381 = tpu.memref_slice %arg5[%add3A_374, %dma_start3A_380] : memref<125x80xi32, #tpu.memory_space<vmem>> -> memref<1x80xi32, #tpu.memory_space<vmem>>
      %dma_start3A_382 = tpu.memref_squeeze %dma_start3A_381 : memref<1x80xi32, #tpu.memory_space<vmem>> -> memref<80xi32, #tpu.memory_space<vmem>>
      %dma_start3A_383 = arith.constant 0 : i32
      %dma_start3A_384 = arith.constant 0 : i32
      %dma_start3A_385 = tpu.memref_slice %arg2[%dma_start3A_383, %dma_start3A_384] : memref<10000x64xf32, #tpu.memory_space<hbm>> -> memref<10000x64xf32, #tpu.memory_space<hbm>>
      tpu.enqueue_indirect_dma source(%dma_start3A_385 : memref<10000x64xf32, #tpu.memory_space<hbm>>) target(%dma_start3A_379 : memref<80x64xf32, #tpu.memory_space<vmem>>) offsets(%dma_start3A_382 : memref<80xi32, #tpu.memory_space<vmem>>) semaphore(%arg11 : memref<!tpu.dma_semaphore, #tpu.memory_space<semaphore_mem>>)
      %mul3A_386 = arith.constant 5 : i32
      %mul3A_387 = arith.muli %add3A_355, %mul3A_386 : i32
      %add3A_388 = arith.constant 2 : i32
      %add3A_389 = arith.addi %mul3A_387, %add3A_388 : i32
      %dma_start3A_390 = arith.constant 2 : i32
      %dma_start3A_391 = arith.constant 0 : i32
      %dma_start3A_392 = arith.constant 0 : i32
      %dma_start3A_393 = tpu.memref_slice %arg8[%dma_start3A_390, %dma_start3A_391, %dma_start3A_392] : memref<5x80x64xf32, #tpu.memory_space<vmem>> -> memref<1x80x64xf32, #tpu.memory_space<vmem>>
      %dma_start3A_394 = tpu.memref_squeeze %dma_start3A_393 : memref<1x80x64xf32, #tpu.memory_space<vmem>> -> memref<80x64xf32, #tpu.memory_space<vmem>>
      %dma_start3A_395 = arith.constant 0 : i32
      %dma_start3A_396 = tpu.memref_slice %arg5[%add3A_389, %dma_start3A_395] : memref<125x80xi32, #tpu.memory_space<vmem>> -> memref<1x80xi32, #tpu.memory_space<vmem>>
      %dma_start3A_397 = tpu.memref_squeeze %dma_start3A_396 : memref<1x80xi32, #tpu.memory_space<vmem>> -> memref<80xi32, #tpu.memory_space<vmem>>
      %dma_start3A_398 = arith.constant 0 : i32
      %dma_start3A_399 = arith.constant 0 : i32
      %dma_start3A_400 = tpu.memref_slice %arg2[%dma_start3A_398, %dma_start3A_399] : memref<10000x64xf32, #tpu.memory_space<hbm>> -> memref<10000x64xf32, #tpu.memory_space<hbm>>
      tpu.enqueue_indirect_dma source(%dma_start3A_400 : memref<10000x64xf32, #tpu.memory_space<hbm>>) target(%dma_start3A_394 : memref<80x64xf32, #tpu.memory_space<vmem>>) offsets(%dma_start3A_397 : memref<80xi32, #tpu.memory_space<vmem>>) semaphore(%arg11 : memref<!tpu.dma_semaphore, #tpu.memory_space<semaphore_mem>>)
      %mul3A_401 = arith.constant 5 : i32
      %mul3A_402 = arith.muli %add3A_355, %mul3A_401 : i32
      %add3A_403 = arith.constant 3 : i32
      %add3A_404 = arith.addi %mul3A_402, %add3A_403 : i32
      %dma_start3A_405 = arith.constant 3 : i32
      %dma_start3A_406 = arith.constant 0 : i32
      %dma_start3A_407 = arith.constant 0 : i32
      %dma_start3A_408 = tpu.memref_slice %arg8[%dma_start3A_405, %dma_start3A_406, %dma_start3A_407] : memref<5x80x64xf32, #tpu.memory_space<vmem>> -> memref<1x80x64xf32, #tpu.memory_space<vmem>>
      %dma_start3A_409 = tpu.memref_squeeze %dma_start3A_408 : memref<1x80x64xf32, #tpu.memory_space<vmem>> -> memref<80x64xf32, #tpu.memory_space<vmem>>
      %dma_start3A_410 = arith.constant 0 : i32
      %dma_start3A_411 = tpu.memref_slice %arg5[%add3A_404, %dma_start3A_410] : memref<125x80xi32, #tpu.memory_space<vmem>> -> memref<1x80xi32, #tpu.memory_space<vmem>>
      %dma_start3A_412 = tpu.memref_squeeze %dma_start3A_411 : memref<1x80xi32, #tpu.memory_space<vmem>> -> memref<80xi32, #tpu.memory_space<vmem>>
      %dma_start3A_413 = arith.constant 0 : i32
      %dma_start3A_414 = arith.constant 0 : i32
      %dma_start3A_415 = tpu.memref_slice %arg2[%dma_start3A_413, %dma_start3A_414] : memref<10000x64xf32, #tpu.memory_space<hbm>> -> memref<10000x64xf32, #tpu.memory_space<hbm>>
      tpu.enqueue_indirect_dma source(%dma_start3A_415 : memref<10000x64xf32, #tpu.memory_space<hbm>>) target(%dma_start3A_409 : memref<80x64xf32, #tpu.memory_space<vmem>>) offsets(%dma_start3A_412 : memref<80xi32, #tpu.memory_space<vmem>>) semaphore(%arg11 : memref<!tpu.dma_semaphore, #tpu.memory_space<semaphore_mem>>)
      %mul3A_416 = arith.constant 5 : i32
      %mul3A_417 = arith.muli %add3A_355, %mul3A_416 : i32
      %add3A_418 = arith.constant 4 : i32
      %add3A_419 = arith.addi %mul3A_417, %add3A_418 : i32
      %dma_start3A_420 = arith.constant 4 : i32
      %dma_start3A_421 = arith.constant 0 : i32
      %dma_start3A_422 = arith.constant 0 : i32
      %dma_start3A_423 = tpu.memref_slice %arg8[%dma_start3A_420, %dma_start3A_421, %dma_start3A_422] : memref<5x80x64xf32, #tpu.memory_space<vmem>> -> memref<1x80x64xf32, #tpu.memory_space<vmem>>
      %dma_start3A_424 = tpu.memref_squeeze %dma_start3A_423 : memref<1x80x64xf32, #tpu.memory_space<vmem>> -> memref<80x64xf32, #tpu.memory_space<vmem>>
      %dma_start3A_425 = arith.constant 0 : i32
      %dma_start3A_426 = tpu.memref_slice %arg5[%add3A_419, %dma_start3A_425] : memref<125x80xi32, #tpu.memory_space<vmem>> -> memref<1x80xi32, #tpu.memory_space<vmem>>
      %dma_start3A_427 = tpu.memref_squeeze %dma_start3A_426 : memref<1x80xi32, #tpu.memory_space<vmem>> -> memref<80xi32, #tpu.memory_space<vmem>>
      %dma_start3A_428 = arith.constant 0 : i32
      %dma_start3A_429 = arith.constant 0 : i32
      %dma_start3A_430 = tpu.memref_slice %arg2[%dma_start3A_428, %dma_start3A_429] : memref<10000x64xf32, #tpu.memory_space<hbm>> -> memref<10000x64xf32, #tpu.memory_space<hbm>>
      tpu.enqueue_indirect_dma source(%dma_start3A_430 : memref<10000x64xf32, #tpu.memory_space<hbm>>) target(%dma_start3A_424 : memref<80x64xf32, #tpu.memory_space<vmem>>) offsets(%dma_start3A_427 : memref<80xi32, #tpu.memory_space<vmem>>) semaphore(%arg11 : memref<!tpu.dma_semaphore, #tpu.memory_space<semaphore_mem>>)
      %mul3A_431 = arith.constant 5 : i32
      %mul3A_432 = arith.muli %mul3A_278, %mul3A_431 : i32
      %add3A_433 = arith.constant 0 : i32
      %add3A_434 = arith.addi %mul3A_432, %add3A_433 : i32
      %dma_start3A_435 = arith.constant 0 : i32
      %dma_start3A_436 = arith.constant 0 : i32
      %dma_start3A_437 = arith.constant 0 : i32
      %dma_start3A_438 = tpu.memref_slice %arg7[%dma_start3A_435, %dma_start3A_436, %dma_start3A_437] : memref<5x80x64xf32, #tpu.memory_space<vmem>> -> memref<1x80x64xf32, #tpu.memory_space<vmem>>
      %dma_start3A_439 = tpu.memref_squeeze %dma_start3A_438 : memref<1x80x64xf32, #tpu.memory_space<vmem>> -> memref<80x64xf32, #tpu.memory_space<vmem>>
      %dma_start3A_440 = arith.constant 0 : i32
      %dma_start3A_441 = tpu.memref_slice %arg6[%add3A_434, %dma_start3A_440] : memref<125x80xi32, #tpu.memory_space<vmem>> -> memref<1x80xi32, #tpu.memory_space<vmem>>
      %dma_start3A_442 = tpu.memref_squeeze %dma_start3A_441 : memref<1x80xi32, #tpu.memory_space<vmem>> -> memref<80xi32, #tpu.memory_space<vmem>>
      %dma_start3A_443 = arith.constant 0 : i32
      %dma_start3A_444 = arith.constant 0 : i32
      %dma_start3A_445 = tpu.memref_slice %arg10[%dma_start3A_443, %dma_start3A_444] : memref<10000x64xf32, #tpu.memory_space<vmem_shared>> -> memref<10000x64xf32, #tpu.memory_space<vmem_shared>>
      tpu.enqueue_indirect_dma source(%dma_start3A_439 : memref<80x64xf32, #tpu.memory_space<vmem>>) target(%dma_start3A_445 : memref<10000x64xf32, #tpu.memory_space<vmem_shared>>) offsets(%dma_start3A_442 : memref<80xi32, #tpu.memory_space<vmem>>) semaphore(%arg12 : memref<!tpu.dma_semaphore, #tpu.memory_space<semaphore_mem>>) {add = true}
      %mul3A_446 = arith.constant 5 : i32
      %mul3A_447 = arith.muli %mul3A_278, %mul3A_446 : i32
      %add3A_448 = arith.constant 1 : i32
      %add3A_449 = arith.addi %mul3A_447, %add3A_448 : i32
      %dma_start3A_450 = arith.constant 1 : i32
      %dma_start3A_451 = arith.constant 0 : i32
      %dma_start3A_452 = arith.constant 0 : i32
      %dma_start3A_453 = tpu.memref_slice %arg7[%dma_start3A_450, %dma_start3A_451, %dma_start3A_452] : memref<5x80x64xf32, #tpu.memory_space<vmem>> -> memref<1x80x64xf32, #tpu.memory_space<vmem>>
      %dma_start3A_454 = tpu.memref_squeeze %dma_start3A_453 : memref<1x80x64xf32, #tpu.memory_space<vmem>> -> memref<80x64xf32, #tpu.memory_space<vmem>>
      %dma_start3A_455 = arith.constant 0 : i32
      %dma_start3A_456 = tpu.memref_slice %arg6[%add3A_449, %dma_start3A_455] : memref<125x80xi32, #tpu.memory_space<vmem>> -> memref<1x80xi32, #tpu.memory_space<vmem>>
      %dma_start3A_457 = tpu.memref_squeeze %dma_start3A_456 : memref<1x80xi32, #tpu.memory_space<vmem>> -> memref<80xi32, #tpu.memory_space<vmem>>
      %dma_start3A_458 = arith.constant 0 : i32
      %dma_start3A_459 = arith.constant 0 : i32
      %dma_start3A_460 = tpu.memref_slice %arg10[%dma_start3A_458, %dma_start3A_459] : memref<10000x64xf32, #tpu.memory_space<vmem_shared>> -> memref<10000x64xf32, #tpu.memory_space<vmem_shared>>
      tpu.enqueue_indirect_dma source(%dma_start3A_454 : memref<80x64xf32, #tpu.memory_space<vmem>>) target(%dma_start3A_460 : memref<10000x64xf32, #tpu.memory_space<vmem_shared>>) offsets(%dma_start3A_457 : memref<80xi32, #tpu.memory_space<vmem>>) semaphore(%arg12 : memref<!tpu.dma_semaphore, #tpu.memory_space<semaphore_mem>>) {add = true}
      %mul3A_461 = arith.constant 5 : i32
      %mul3A_462 = arith.muli %mul3A_278, %mul3A_461 : i32
      %add3A_463 = arith.constant 2 : i32
      %add3A_464 = arith.addi %mul3A_462, %add3A_463 : i32
      %dma_start3A_465 = arith.constant 2 : i32
      %dma_start3A_466 = arith.constant 0 : i32
      %dma_start3A_467 = arith.constant 0 : i32
      %dma_start3A_468 = tpu.memref_slice %arg7[%dma_start3A_465, %dma_start3A_466, %dma_start3A_467] : memref<5x80x64xf32, #tpu.memory_space<vmem>> -> memref<1x80x64xf32, #tpu.memory_space<vmem>>
      %dma_start3A_469 = tpu.memref_squeeze %dma_start3A_468 : memref<1x80x64xf32, #tpu.memory_space<vmem>> -> memref<80x64xf32, #tpu.memory_space<vmem>>
      %dma_start3A_470 = arith.constant 0 : i32
      %dma_start3A_471 = tpu.memref_slice %arg6[%add3A_464, %dma_start3A_470] : memref<125x80xi32, #tpu.memory_space<vmem>> -> memref<1x80xi32, #tpu.memory_space<vmem>>
      %dma_start3A_472 = tpu.memref_squeeze %dma_start3A_471 : memref<1x80xi32, #tpu.memory_space<vmem>> -> memref<80xi32, #tpu.memory_space<vmem>>
      %dma_start3A_473 = arith.constant 0 : i32
      %dma_start3A_474 = arith.constant 0 : i32
      %dma_start3A_475 = tpu.memref_slice %arg10[%dma_start3A_473, %dma_start3A_474] : memref<10000x64xf32, #tpu.memory_space<vmem_shared>> -> memref<10000x64xf32, #tpu.memory_space<vmem_shared>>
      tpu.enqueue_indirect_dma source(%dma_start3A_469 : memref<80x64xf32, #tpu.memory_space<vmem>>) target(%dma_start3A_475 : memref<10000x64xf32, #tpu.memory_space<vmem_shared>>) offsets(%dma_start3A_472 : memref<80xi32, #tpu.memory_space<vmem>>) semaphore(%arg12 : memref<!tpu.dma_semaphore, #tpu.memory_space<semaphore_mem>>) {add = true}
      %mul3A_476 = arith.constant 5 : i32
      %mul3A_477 = arith.muli %mul3A_278, %mul3A_476 : i32
      %add3A_478 = arith.constant 3 : i32
      %add3A_479 = arith.addi %mul3A_477, %add3A_478 : i32
      %dma_start3A_480 = arith.constant 3 : i32
      %dma_start3A_481 = arith.constant 0 : i32
      %dma_start3A_482 = arith.constant 0 : i32
      %dma_start3A_483 = tpu.memref_slice %arg7[%dma_start3A_480, %dma_start3A_481, %dma_start3A_482] : memref<5x80x64xf32, #tpu.memory_space<vmem>> -> memref<1x80x64xf32, #tpu.memory_space<vmem>>
      %dma_start3A_484 = tpu.memref_squeeze %dma_start3A_483 : memref<1x80x64xf32, #tpu.memory_space<vmem>> -> memref<80x64xf32, #tpu.memory_space<vmem>>
      %dma_start3A_485 = arith.constant 0 : i32
      %dma_start3A_486 = tpu.memref_slice %arg6[%add3A_479, %dma_start3A_485] : memref<125x80xi32, #tpu.memory_space<vmem>> -> memref<1x80xi32, #tpu.memory_space<vmem>>
      %dma_start3A_487 = tpu.memref_squeeze %dma_start3A_486 : memref<1x80xi32, #tpu.memory_space<vmem>> -> memref<80xi32, #tpu.memory_space<vmem>>
      %dma_start3A_488 = arith.constant 0 : i32
      %dma_start3A_489 = arith.constant 0 : i32
      %dma_start3A_490 = tpu.memref_slice %arg10[%dma_start3A_488, %dma_start3A_489] : memref<10000x64xf32, #tpu.memory_space<vmem_shared>> -> memref<10000x64xf32, #tpu.memory_space<vmem_shared>>
      tpu.enqueue_indirect_dma source(%dma_start3A_484 : memref<80x64xf32, #tpu.memory_space<vmem>>) target(%dma_start3A_490 : memref<10000x64xf32, #tpu.memory_space<vmem_shared>>) offsets(%dma_start3A_487 : memref<80xi32, #tpu.memory_space<vmem>>) semaphore(%arg12 : memref<!tpu.dma_semaphore, #tpu.memory_space<semaphore_mem>>) {add = true}
      %mul3A_491 = arith.constant 5 : i32
      %mul3A_492 = arith.muli %mul3A_278, %mul3A_491 : i32
      %add3A_493 = arith.constant 4 : i32
      %add3A_494 = arith.addi %mul3A_492, %add3A_493 : i32
      %dma_start3A_495 = arith.constant 4 : i32
      %dma_start3A_496 = arith.constant 0 : i32
      %dma_start3A_497 = arith.constant 0 : i32
      %dma_start3A_498 = tpu.memref_slice %arg7[%dma_start3A_495, %dma_start3A_496, %dma_start3A_497] : memref<5x80x64xf32, #tpu.memory_space<vmem>> -> memref<1x80x64xf32, #tpu.memory_space<vmem>>
      %dma_start3A_499 = tpu.memref_squeeze %dma_start3A_498 : memref<1x80x64xf32, #tpu.memory_space<vmem>> -> memref<80x64xf32, #tpu.memory_space<vmem>>
      %dma_start3A_500 = arith.constant 0 : i32
      %dma_start3A_501 = tpu.memref_slice %arg6[%add3A_494, %dma_start3A_500] : memref<125x80xi32, #tpu.memory_space<vmem>> -> memref<1x80xi32, #tpu.memory_space<vmem>>
      %dma_start3A_502 = tpu.memref_squeeze %dma_start3A_501 : memref<1x80xi32, #tpu.memory_space<vmem>> -> memref<80xi32, #tpu.memory_space<vmem>>
      %dma_start3A_503 = arith.constant 0 : i32
      %dma_start3A_504 = arith.constant 0 : i32
      %dma_start3A_505 = tpu.memref_slice %arg10[%dma_start3A_503, %dma_start3A_504] : memref<10000x64xf32, #tpu.memory_space<vmem_shared>> -> memref<10000x64xf32, #tpu.memory_space<vmem_shared>>
      tpu.enqueue_indirect_dma source(%dma_start3A_499 : memref<80x64xf32, #tpu.memory_space<vmem>>) target(%dma_start3A_505 : memref<10000x64xf32, #tpu.memory_space<vmem_shared>>) offsets(%dma_start3A_502 : memref<80xi32, #tpu.memory_space<vmem>>) semaphore(%arg12 : memref<!tpu.dma_semaphore, #tpu.memory_space<semaphore_mem>>) {add = true}
      %mul3A_506 = arith.constant 5 : i32
      %mul3A_507 = arith.muli %mul3A_278, %mul3A_506 : i32
      %add3A_508 = arith.constant 0 : i32
      %add3A_509 = arith.addi %mul3A_507, %add3A_508 : i32
      %dma_wait3A_510 = arith.constant 0 : i32
      %dma_wait3A_511 = arith.constant 0 : i32
      %dma_wait3A_512 = arith.constant 0 : i32
      %dma_wait3A_513 = tpu.memref_slice %arg7[%dma_wait3A_510, %dma_wait3A_511, %dma_wait3A_512] : memref<5x80x64xf32, #tpu.memory_space<vmem>> -> memref<1x80x64xf32, #tpu.memory_space<vmem>>
      %dma_wait3A_514 = tpu.memref_squeeze %dma_wait3A_513 : memref<1x80x64xf32, #tpu.memory_space<vmem>> -> memref<80x64xf32, #tpu.memory_space<vmem>>
      %dma_wait3A_515 = arith.constant 0 : i32
      %dma_wait3A_516 = tpu.memref_slice %arg6[%add3A_509, %dma_wait3A_515] : memref<125x80xi32, #tpu.memory_space<vmem>> -> memref<1x80xi32, #tpu.memory_space<vmem>>
      %dma_wait3A_517 = tpu.memref_squeeze %dma_wait3A_516 : memref<1x80xi32, #tpu.memory_space<vmem>> -> memref<80xi32, #tpu.memory_space<vmem>>
      %dma_wait3A_518 = arith.constant 0 : i32
      %dma_wait3A_519 = arith.constant 0 : i32
      %dma_wait3A_520 = tpu.memref_slice %arg10[%dma_wait3A_518, %dma_wait3A_519] : memref<10000x64xf32, #tpu.memory_space<vmem_shared>> -> memref<10000x64xf32, #tpu.memory_space<vmem_shared>>
      tpu.wait_indirect_dma semaphore(%arg12 : memref<!tpu.dma_semaphore, #tpu.memory_space<semaphore_mem>>) src(%dma_wait3A_514 : memref<80x64xf32, #tpu.memory_space<vmem>>) dst(%dma_wait3A_520 : memref<10000x64xf32, #tpu.memory_space<vmem_shared>>)
      %mul3A_521 = arith.constant 5 : i32
      %mul3A_522 = arith.muli %mul3A_278, %mul3A_521 : i32
      %add3A_523 = arith.constant 1 : i32
      %add3A_524 = arith.addi %mul3A_522, %add3A_523 : i32
      %dma_wait3A_525 = arith.constant 1 : i32
      %dma_wait3A_526 = arith.constant 0 : i32
      %dma_wait3A_527 = arith.constant 0 : i32
      %dma_wait3A_528 = tpu.memref_slice %arg7[%dma_wait3A_525, %dma_wait3A_526, %dma_wait3A_527] : memref<5x80x64xf32, #tpu.memory_space<vmem>> -> memref<1x80x64xf32, #tpu.memory_space<vmem>>
      %dma_wait3A_529 = tpu.memref_squeeze %dma_wait3A_528 : memref<1x80x64xf32, #tpu.memory_space<vmem>> -> memref<80x64xf32, #tpu.memory_space<vmem>>
      %dma_wait3A_530 = arith.constant 0 : i32
      %dma_wait3A_531 = tpu.memref_slice %arg6[%add3A_524, %dma_wait3A_530] : memref<125x80xi32, #tpu.memory_space<vmem>> -> memref<1x80xi32, #tpu.memory_space<vmem>>
      %dma_wait3A_532 = tpu.memref_squeeze %dma_wait3A_531 : memref<1x80xi32, #tpu.memory_space<vmem>> -> memref<80xi32, #tpu.memory_space<vmem>>
      %dma_wait3A_533 = arith.constant 0 : i32
      %dma_wait3A_534 = arith.constant 0 : i32
      %dma_wait3A_535 = tpu.memref_slice %arg10[%dma_wait3A_533, %dma_wait3A_534] : memref<10000x64xf32, #tpu.memory_space<vmem_shared>> -> memref<10000x64xf32, #tpu.memory_space<vmem_shared>>
      tpu.wait_indirect_dma semaphore(%arg12 : memref<!tpu.dma_semaphore, #tpu.memory_space<semaphore_mem>>) src(%dma_wait3A_529 : memref<80x64xf32, #tpu.memory_space<vmem>>) dst(%dma_wait3A_535 : memref<10000x64xf32, #tpu.memory_space<vmem_shared>>)
      %mul3A_536 = arith.constant 5 : i32
      %mul3A_537 = arith.muli %mul3A_278, %mul3A_536 : i32
      %add3A_538 = arith.constant 2 : i32
      %add3A_539 = arith.addi %mul3A_537, %add3A_538 : i32
      %dma_wait3A_540 = arith.constant 2 : i32
      %dma_wait3A_541 = arith.constant 0 : i32
      %dma_wait3A_542 = arith.constant 0 : i32
      %dma_wait3A_543 = tpu.memref_slice %arg7[%dma_wait3A_540, %dma_wait3A_541, %dma_wait3A_542] : memref<5x80x64xf32, #tpu.memory_space<vmem>> -> memref<1x80x64xf32, #tpu.memory_space<vmem>>
      %dma_wait3A_544 = tpu.memref_squeeze %dma_wait3A_543 : memref<1x80x64xf32, #tpu.memory_space<vmem>> -> memref<80x64xf32, #tpu.memory_space<vmem>>
      %dma_wait3A_545 = arith.constant 0 : i32
      %dma_wait3A_546 = tpu.memref_slice %arg6[%add3A_539, %dma_wait3A_545] : memref<125x80xi32, #tpu.memory_space<vmem>> -> memref<1x80xi32, #tpu.memory_space<vmem>>
      %dma_wait3A_547 = tpu.memref_squeeze %dma_wait3A_546 : memref<1x80xi32, #tpu.memory_space<vmem>> -> memref<80xi32, #tpu.memory_space<vmem>>
      %dma_wait3A_548 = arith.constant 0 : i32
      %dma_wait3A_549 = arith.constant 0 : i32
      %dma_wait3A_550 = tpu.memref_slice %arg10[%dma_wait3A_548, %dma_wait3A_549] : memref<10000x64xf32, #tpu.memory_space<vmem_shared>> -> memref<10000x64xf32, #tpu.memory_space<vmem_shared>>
      tpu.wait_indirect_dma semaphore(%arg12 : memref<!tpu.dma_semaphore, #tpu.memory_space<semaphore_mem>>) src(%dma_wait3A_544 : memref<80x64xf32, #tpu.memory_space<vmem>>) dst(%dma_wait3A_550 : memref<10000x64xf32, #tpu.memory_space<vmem_shared>>)
      %mul3A_551 = arith.constant 5 : i32
      %mul3A_552 = arith.muli %mul3A_278, %mul3A_551 : i32
      %add3A_553 = arith.constant 3 : i32
      %add3A_554 = arith.addi %mul3A_552, %add3A_553 : i32
      %dma_wait3A_555 = arith.constant 3 : i32
      %dma_wait3A_556 = arith.constant 0 : i32
      %dma_wait3A_557 = arith.constant 0 : i32
      %dma_wait3A_558 = tpu.memref_slice %arg7[%dma_wait3A_555, %dma_wait3A_556, %dma_wait3A_557] : memref<5x80x64xf32, #tpu.memory_space<vmem>> -> memref<1x80x64xf32, #tpu.memory_space<vmem>>
      %dma_wait3A_559 = tpu.memref_squeeze %dma_wait3A_558 : memref<1x80x64xf32, #tpu.memory_space<vmem>> -> memref<80x64xf32, #tpu.memory_space<vmem>>
      %dma_wait3A_560 = arith.constant 0 : i32
      %dma_wait3A_561 = tpu.memref_slice %arg6[%add3A_554, %dma_wait3A_560] : memref<125x80xi32, #tpu.memory_space<vmem>> -> memref<1x80xi32, #tpu.memory_space<vmem>>
      %dma_wait3A_562 = tpu.memref_squeeze %dma_wait3A_561 : memref<1x80xi32, #tpu.memory_space<vmem>> -> memref<80xi32, #tpu.memory_space<vmem>>
      %dma_wait3A_563 = arith.constant 0 : i32
      %dma_wait3A_564 = arith.constant 0 : i32
      %dma_wait3A_565 = tpu.memref_slice %arg10[%dma_wait3A_563, %dma_wait3A_564] : memref<10000x64xf32, #tpu.memory_space<vmem_shared>> -> memref<10000x64xf32, #tpu.memory_space<vmem_shared>>
      tpu.wait_indirect_dma semaphore(%arg12 : memref<!tpu.dma_semaphore, #tpu.memory_space<semaphore_mem>>) src(%dma_wait3A_559 : memref<80x64xf32, #tpu.memory_space<vmem>>) dst(%dma_wait3A_565 : memref<10000x64xf32, #tpu.memory_space<vmem_shared>>)
      %mul3A_566 = arith.constant 5 : i32
      %mul3A_567 = arith.muli %mul3A_278, %mul3A_566 : i32
      %add3A_568 = arith.constant 4 : i32
      %add3A_569 = arith.addi %mul3A_567, %add3A_568 : i32
      %dma_wait3A_570 = arith.constant 4 : i32
      %dma_wait3A_571 = arith.constant 0 : i32
      %dma_wait3A_572 = arith.constant 0 : i32
      %dma_wait3A_573 = tpu.memref_slice %arg7[%dma_wait3A_570, %dma_wait3A_571, %dma_wait3A_572] : memref<5x80x64xf32, #tpu.memory_space<vmem>> -> memref<1x80x64xf32, #tpu.memory_space<vmem>>
      %dma_wait3A_574 = tpu.memref_squeeze %dma_wait3A_573 : memref<1x80x64xf32, #tpu.memory_space<vmem>> -> memref<80x64xf32, #tpu.memory_space<vmem>>
      %dma_wait3A_575 = arith.constant 0 : i32
      %dma_wait3A_576 = tpu.memref_slice %arg6[%add3A_569, %dma_wait3A_575] : memref<125x80xi32, #tpu.memory_space<vmem>> -> memref<1x80xi32, #tpu.memory_space<vmem>>
      %dma_wait3A_577 = tpu.memref_squeeze %dma_wait3A_576 : memref<1x80xi32, #tpu.memory_space<vmem>> -> memref<80xi32, #tpu.memory_space<vmem>>
      %dma_wait3A_578 = arith.constant 0 : i32
      %dma_wait3A_579 = arith.constant 0 : i32
      %dma_wait3A_580 = tpu.memref_slice %arg10[%dma_wait3A_578, %dma_wait3A_579] : memref<10000x64xf32, #tpu.memory_space<vmem_shared>> -> memref<10000x64xf32, #tpu.memory_space<vmem_shared>>
      tpu.wait_indirect_dma semaphore(%arg12 : memref<!tpu.dma_semaphore, #tpu.memory_space<semaphore_mem>>) src(%dma_wait3A_574 : memref<80x64xf32, #tpu.memory_space<vmem>>) dst(%dma_wait3A_580 : memref<10000x64xf32, #tpu.memory_space<vmem_shared>>)
      %add3A_581 = arith.constant 1 : i32
      %add3A_582 = arith.addi %mul3A_278, %add3A_581 : i32
      %mul3A_583 = arith.constant 5 : i32
      %mul3A_584 = arith.muli %add3A_582, %mul3A_583 : i32
      %add3A_585 = arith.constant 0 : i32
      %add3A_586 = arith.addi %mul3A_584, %add3A_585 : i32
      %dma_wait3A_587 = arith.constant 0 : i32
      %dma_wait3A_588 = arith.constant 0 : i32
      %dma_wait3A_589 = arith.constant 0 : i32
      %dma_wait3A_590 = tpu.memref_slice %arg8[%dma_wait3A_587, %dma_wait3A_588, %dma_wait3A_589] : memref<5x80x64xf32, #tpu.memory_space<vmem>> -> memref<1x80x64xf32, #tpu.memory_space<vmem>>
      %dma_wait3A_591 = tpu.memref_squeeze %dma_wait3A_590 : memref<1x80x64xf32, #tpu.memory_space<vmem>> -> memref<80x64xf32, #tpu.memory_space<vmem>>
      %dma_wait3A_592 = arith.constant 0 : i32
      %dma_wait3A_593 = tpu.memref_slice %arg5[%add3A_586, %dma_wait3A_592] : memref<125x80xi32, #tpu.memory_space<vmem>> -> memref<1x80xi32, #tpu.memory_space<vmem>>
      %dma_wait3A_594 = tpu.memref_squeeze %dma_wait3A_593 : memref<1x80xi32, #tpu.memory_space<vmem>> -> memref<80xi32, #tpu.memory_space<vmem>>
      %dma_wait3A_595 = arith.constant 0 : i32
      %dma_wait3A_596 = arith.constant 0 : i32
      %dma_wait3A_597 = tpu.memref_slice %arg2[%dma_wait3A_595, %dma_wait3A_596] : memref<10000x64xf32, #tpu.memory_space<hbm>> -> memref<10000x64xf32, #tpu.memory_space<hbm>>
      tpu.wait_indirect_dma semaphore(%arg11 : memref<!tpu.dma_semaphore, #tpu.memory_space<semaphore_mem>>) src(%dma_wait3A_597 : memref<10000x64xf32, #tpu.memory_space<hbm>>) dst(%dma_wait3A_591 : memref<80x64xf32, #tpu.memory_space<vmem>>)
      %mul3A_598 = arith.constant 5 : i32
      %mul3A_599 = arith.muli %add3A_582, %mul3A_598 : i32
      %add3A_600 = arith.constant 1 : i32
      %add3A_601 = arith.addi %mul3A_599, %add3A_600 : i32
      %dma_wait3A_602 = arith.constant 1 : i32
      %dma_wait3A_603 = arith.constant 0 : i32
      %dma_wait3A_604 = arith.constant 0 : i32
      %dma_wait3A_605 = tpu.memref_slice %arg8[%dma_wait3A_602, %dma_wait3A_603, %dma_wait3A_604] : memref<5x80x64xf32, #tpu.memory_space<vmem>> -> memref<1x80x64xf32, #tpu.memory_space<vmem>>
      %dma_wait3A_606 = tpu.memref_squeeze %dma_wait3A_605 : memref<1x80x64xf32, #tpu.memory_space<vmem>> -> memref<80x64xf32, #tpu.memory_space<vmem>>
      %dma_wait3A_607 = arith.constant 0 : i32
      %dma_wait3A_608 = tpu.memref_slice %arg5[%add3A_601, %dma_wait3A_607] : memref<125x80xi32, #tpu.memory_space<vmem>> -> memref<1x80xi32, #tpu.memory_space<vmem>>
      %dma_wait3A_609 = tpu.memref_squeeze %dma_wait3A_608 : memref<1x80xi32, #tpu.memory_space<vmem>> -> memref<80xi32, #tpu.memory_space<vmem>>
      %dma_wait3A_610 = arith.constant 0 : i32
      %dma_wait3A_611 = arith.constant 0 : i32
      %dma_wait3A_612 = tpu.memref_slice %arg2[%dma_wait3A_610, %dma_wait3A_611] : memref<10000x64xf32, #tpu.memory_space<hbm>> -> memref<10000x64xf32, #tpu.memory_space<hbm>>
      tpu.wait_indirect_dma semaphore(%arg11 : memref<!tpu.dma_semaphore, #tpu.memory_space<semaphore_mem>>) src(%dma_wait3A_612 : memref<10000x64xf32, #tpu.memory_space<hbm>>) dst(%dma_wait3A_606 : memref<80x64xf32, #tpu.memory_space<vmem>>)
      %mul3A_613 = arith.constant 5 : i32
      %mul3A_614 = arith.muli %add3A_582, %mul3A_613 : i32
      %add3A_615 = arith.constant 2 : i32
      %add3A_616 = arith.addi %mul3A_614, %add3A_615 : i32
      %dma_wait3A_617 = arith.constant 2 : i32
      %dma_wait3A_618 = arith.constant 0 : i32
      %dma_wait3A_619 = arith.constant 0 : i32
      %dma_wait3A_620 = tpu.memref_slice %arg8[%dma_wait3A_617, %dma_wait3A_618, %dma_wait3A_619] : memref<5x80x64xf32, #tpu.memory_space<vmem>> -> memref<1x80x64xf32, #tpu.memory_space<vmem>>
      %dma_wait3A_621 = tpu.memref_squeeze %dma_wait3A_620 : memref<1x80x64xf32, #tpu.memory_space<vmem>> -> memref<80x64xf32, #tpu.memory_space<vmem>>
      %dma_wait3A_622 = arith.constant 0 : i32
      %dma_wait3A_623 = tpu.memref_slice %arg5[%add3A_616, %dma_wait3A_622] : memref<125x80xi32, #tpu.memory_space<vmem>> -> memref<1x80xi32, #tpu.memory_space<vmem>>
      %dma_wait3A_624 = tpu.memref_squeeze %dma_wait3A_623 : memref<1x80xi32, #tpu.memory_space<vmem>> -> memref<80xi32, #tpu.memory_space<vmem>>
      %dma_wait3A_625 = arith.constant 0 : i32
      %dma_wait3A_626 = arith.constant 0 : i32
      %dma_wait3A_627 = tpu.memref_slice %arg2[%dma_wait3A_625, %dma_wait3A_626] : memref<10000x64xf32, #tpu.memory_space<hbm>> -> memref<10000x64xf32, #tpu.memory_space<hbm>>
      tpu.wait_indirect_dma semaphore(%arg11 : memref<!tpu.dma_semaphore, #tpu.memory_space<semaphore_mem>>) src(%dma_wait3A_627 : memref<10000x64xf32, #tpu.memory_space<hbm>>) dst(%dma_wait3A_621 : memref<80x64xf32, #tpu.memory_space<vmem>>)
      %mul3A_628 = arith.constant 5 : i32
      %mul3A_629 = arith.muli %add3A_582, %mul3A_628 : i32
      %add3A_630 = arith.constant 3 : i32
      %add3A_631 = arith.addi %mul3A_629, %add3A_630 : i32
      %dma_wait3A_632 = arith.constant 3 : i32
      %dma_wait3A_633 = arith.constant 0 : i32
      %dma_wait3A_634 = arith.constant 0 : i32
      %dma_wait3A_635 = tpu.memref_slice %arg8[%dma_wait3A_632, %dma_wait3A_633, %dma_wait3A_634] : memref<5x80x64xf32, #tpu.memory_space<vmem>> -> memref<1x80x64xf32, #tpu.memory_space<vmem>>
      %dma_wait3A_636 = tpu.memref_squeeze %dma_wait3A_635 : memref<1x80x64xf32, #tpu.memory_space<vmem>> -> memref<80x64xf32, #tpu.memory_space<vmem>>
      %dma_wait3A_637 = arith.constant 0 : i32
      %dma_wait3A_638 = tpu.memref_slice %arg5[%add3A_631, %dma_wait3A_637] : memref<125x80xi32, #tpu.memory_space<vmem>> -> memref<1x80xi32, #tpu.memory_space<vmem>>
      %dma_wait3A_639 = tpu.memref_squeeze %dma_wait3A_638 : memref<1x80xi32, #tpu.memory_space<vmem>> -> memref<80xi32, #tpu.memory_space<vmem>>
      %dma_wait3A_640 = arith.constant 0 : i32
      %dma_wait3A_641 = arith.constant 0 : i32
      %dma_wait3A_642 = tpu.memref_slice %arg2[%dma_wait3A_640, %dma_wait3A_641] : memref<10000x64xf32, #tpu.memory_space<hbm>> -> memref<10000x64xf32, #tpu.memory_space<hbm>>
      tpu.wait_indirect_dma semaphore(%arg11 : memref<!tpu.dma_semaphore, #tpu.memory_space<semaphore_mem>>) src(%dma_wait3A_642 : memref<10000x64xf32, #tpu.memory_space<hbm>>) dst(%dma_wait3A_636 : memref<80x64xf32, #tpu.memory_space<vmem>>)
      %mul3A_643 = arith.constant 5 : i32
      %mul3A_644 = arith.muli %add3A_582, %mul3A_643 : i32
      %add3A_645 = arith.constant 4 : i32
      %add3A_646 = arith.addi %mul3A_644, %add3A_645 : i32
      %dma_wait3A_647 = arith.constant 4 : i32
      %dma_wait3A_648 = arith.constant 0 : i32
      %dma_wait3A_649 = arith.constant 0 : i32
      %dma_wait3A_650 = tpu.memref_slice %arg8[%dma_wait3A_647, %dma_wait3A_648, %dma_wait3A_649] : memref<5x80x64xf32, #tpu.memory_space<vmem>> -> memref<1x80x64xf32, #tpu.memory_space<vmem>>
      %dma_wait3A_651 = tpu.memref_squeeze %dma_wait3A_650 : memref<1x80x64xf32, #tpu.memory_space<vmem>> -> memref<80x64xf32, #tpu.memory_space<vmem>>
      %dma_wait3A_652 = arith.constant 0 : i32
      %dma_wait3A_653 = tpu.memref_slice %arg5[%add3A_646, %dma_wait3A_652] : memref<125x80xi32, #tpu.memory_space<vmem>> -> memref<1x80xi32, #tpu.memory_space<vmem>>
      %dma_wait3A_654 = tpu.memref_squeeze %dma_wait3A_653 : memref<1x80xi32, #tpu.memory_space<vmem>> -> memref<80xi32, #tpu.memory_space<vmem>>
      %dma_wait3A_655 = arith.constant 0 : i32
      %dma_wait3A_656 = arith.constant 0 : i32
      %dma_wait3A_657 = tpu.memref_slice %arg2[%dma_wait3A_655, %dma_wait3A_656] : memref<10000x64xf32, #tpu.memory_space<hbm>> -> memref<10000x64xf32, #tpu.memory_space<hbm>>
      tpu.wait_indirect_dma semaphore(%arg11 : memref<!tpu.dma_semaphore, #tpu.memory_space<semaphore_mem>>) src(%dma_wait3A_657 : memref<10000x64xf32, #tpu.memory_space<hbm>>) dst(%dma_wait3A_651 : memref<80x64xf32, #tpu.memory_space<vmem>>)
      %add3A_658 = arith.constant 2 : i32
      %add3A_659 = arith.addi %mul3A_278, %add3A_658 : i32
      %mul3A_660 = arith.constant 5 : i32
      %mul3A_661 = arith.muli %add3A_659, %mul3A_660 : i32
      %add3A_662 = arith.constant 0 : i32
      %add3A_663 = arith.addi %mul3A_661, %add3A_662 : i32
      %dma_start3A_664 = arith.constant 0 : i32
      %dma_start3A_665 = arith.constant 0 : i32
      %dma_start3A_666 = arith.constant 0 : i32
      %dma_start3A_667 = tpu.memref_slice %arg7[%dma_start3A_664, %dma_start3A_665, %dma_start3A_666] : memref<5x80x64xf32, #tpu.memory_space<vmem>> -> memref<1x80x64xf32, #tpu.memory_space<vmem>>
      %dma_start3A_668 = tpu.memref_squeeze %dma_start3A_667 : memref<1x80x64xf32, #tpu.memory_space<vmem>> -> memref<80x64xf32, #tpu.memory_space<vmem>>
      %dma_start3A_669 = arith.constant 0 : i32
      %dma_start3A_670 = tpu.memref_slice %arg5[%add3A_663, %dma_start3A_669] : memref<125x80xi32, #tpu.memory_space<vmem>> -> memref<1x80xi32, #tpu.memory_space<vmem>>
      %dma_start3A_671 = tpu.memref_squeeze %dma_start3A_670 : memref<1x80xi32, #tpu.memory_space<vmem>> -> memref<80xi32, #tpu.memory_space<vmem>>
      %dma_start3A_672 = arith.constant 0 : i32
      %dma_start3A_673 = arith.constant 0 : i32
      %dma_start3A_674 = tpu.memref_slice %arg2[%dma_start3A_672, %dma_start3A_673] : memref<10000x64xf32, #tpu.memory_space<hbm>> -> memref<10000x64xf32, #tpu.memory_space<hbm>>
      tpu.enqueue_indirect_dma source(%dma_start3A_674 : memref<10000x64xf32, #tpu.memory_space<hbm>>) target(%dma_start3A_668 : memref<80x64xf32, #tpu.memory_space<vmem>>) offsets(%dma_start3A_671 : memref<80xi32, #tpu.memory_space<vmem>>) semaphore(%arg11 : memref<!tpu.dma_semaphore, #tpu.memory_space<semaphore_mem>>)
      %mul3A_675 = arith.constant 5 : i32
      %mul3A_676 = arith.muli %add3A_659, %mul3A_675 : i32
      %add3A_677 = arith.constant 1 : i32
      %add3A_678 = arith.addi %mul3A_676, %add3A_677 : i32
      %dma_start3A_679 = arith.constant 1 : i32
      %dma_start3A_680 = arith.constant 0 : i32
      %dma_start3A_681 = arith.constant 0 : i32
      %dma_start3A_682 = tpu.memref_slice %arg7[%dma_start3A_679, %dma_start3A_680, %dma_start3A_681] : memref<5x80x64xf32, #tpu.memory_space<vmem>> -> memref<1x80x64xf32, #tpu.memory_space<vmem>>
      %dma_start3A_683 = tpu.memref_squeeze %dma_start3A_682 : memref<1x80x64xf32, #tpu.memory_space<vmem>> -> memref<80x64xf32, #tpu.memory_space<vmem>>
      %dma_start3A_684 = arith.constant 0 : i32
      %dma_start3A_685 = tpu.memref_slice %arg5[%add3A_678, %dma_start3A_684] : memref<125x80xi32, #tpu.memory_space<vmem>> -> memref<1x80xi32, #tpu.memory_space<vmem>>
      %dma_start3A_686 = tpu.memref_squeeze %dma_start3A_685 : memref<1x80xi32, #tpu.memory_space<vmem>> -> memref<80xi32, #tpu.memory_space<vmem>>
      %dma_start3A_687 = arith.constant 0 : i32
      %dma_start3A_688 = arith.constant 0 : i32
      %dma_start3A_689 = tpu.memref_slice %arg2[%dma_start3A_687, %dma_start3A_688] : memref<10000x64xf32, #tpu.memory_space<hbm>> -> memref<10000x64xf32, #tpu.memory_space<hbm>>
      tpu.enqueue_indirect_dma source(%dma_start3A_689 : memref<10000x64xf32, #tpu.memory_space<hbm>>) target(%dma_start3A_683 : memref<80x64xf32, #tpu.memory_space<vmem>>) offsets(%dma_start3A_686 : memref<80xi32, #tpu.memory_space<vmem>>) semaphore(%arg11 : memref<!tpu.dma_semaphore, #tpu.memory_space<semaphore_mem>>)
      %mul3A_690 = arith.constant 5 : i32
      %mul3A_691 = arith.muli %add3A_659, %mul3A_690 : i32
      %add3A_692 = arith.constant 2 : i32
      %add3A_693 = arith.addi %mul3A_691, %add3A_692 : i32
      %dma_start3A_694 = arith.constant 2 : i32
      %dma_start3A_695 = arith.constant 0 : i32
      %dma_start3A_696 = arith.constant 0 : i32
      %dma_start3A_697 = tpu.memref_slice %arg7[%dma_start3A_694, %dma_start3A_695, %dma_start3A_696] : memref<5x80x64xf32, #tpu.memory_space<vmem>> -> memref<1x80x64xf32, #tpu.memory_space<vmem>>
      %dma_start3A_698 = tpu.memref_squeeze %dma_start3A_697 : memref<1x80x64xf32, #tpu.memory_space<vmem>> -> memref<80x64xf32, #tpu.memory_space<vmem>>
      %dma_start3A_699 = arith.constant 0 : i32
      %dma_start3A_700 = tpu.memref_slice %arg5[%add3A_693, %dma_start3A_699] : memref<125x80xi32, #tpu.memory_space<vmem>> -> memref<1x80xi32, #tpu.memory_space<vmem>>
      %dma_start3A_701 = tpu.memref_squeeze %dma_start3A_700 : memref<1x80xi32, #tpu.memory_space<vmem>> -> memref<80xi32, #tpu.memory_space<vmem>>
      %dma_start3A_702 = arith.constant 0 : i32
      %dma_start3A_703 = arith.constant 0 : i32
      %dma_start3A_704 = tpu.memref_slice %arg2[%dma_start3A_702, %dma_start3A_703] : memref<10000x64xf32, #tpu.memory_space<hbm>> -> memref<10000x64xf32, #tpu.memory_space<hbm>>
      tpu.enqueue_indirect_dma source(%dma_start3A_704 : memref<10000x64xf32, #tpu.memory_space<hbm>>) target(%dma_start3A_698 : memref<80x64xf32, #tpu.memory_space<vmem>>) offsets(%dma_start3A_701 : memref<80xi32, #tpu.memory_space<vmem>>) semaphore(%arg11 : memref<!tpu.dma_semaphore, #tpu.memory_space<semaphore_mem>>)
      %mul3A_705 = arith.constant 5 : i32
      %mul3A_706 = arith.muli %add3A_659, %mul3A_705 : i32
      %add3A_707 = arith.constant 3 : i32
      %add3A_708 = arith.addi %mul3A_706, %add3A_707 : i32
      %dma_start3A_709 = arith.constant 3 : i32
      %dma_start3A_710 = arith.constant 0 : i32
      %dma_start3A_711 = arith.constant 0 : i32
      %dma_start3A_712 = tpu.memref_slice %arg7[%dma_start3A_709, %dma_start3A_710, %dma_start3A_711] : memref<5x80x64xf32, #tpu.memory_space<vmem>> -> memref<1x80x64xf32, #tpu.memory_space<vmem>>
      %dma_start3A_713 = tpu.memref_squeeze %dma_start3A_712 : memref<1x80x64xf32, #tpu.memory_space<vmem>> -> memref<80x64xf32, #tpu.memory_space<vmem>>
      %dma_start3A_714 = arith.constant 0 : i32
      %dma_start3A_715 = tpu.memref_slice %arg5[%add3A_708, %dma_start3A_714] : memref<125x80xi32, #tpu.memory_space<vmem>> -> memref<1x80xi32, #tpu.memory_space<vmem>>
      %dma_start3A_716 = tpu.memref_squeeze %dma_start3A_715 : memref<1x80xi32, #tpu.memory_space<vmem>> -> memref<80xi32, #tpu.memory_space<vmem>>
      %dma_start3A_717 = arith.constant 0 : i32
      %dma_start3A_718 = arith.constant 0 : i32
      %dma_start3A_719 = tpu.memref_slice %arg2[%dma_start3A_717, %dma_start3A_718] : memref<10000x64xf32, #tpu.memory_space<hbm>> -> memref<10000x64xf32, #tpu.memory_space<hbm>>
      tpu.enqueue_indirect_dma source(%dma_start3A_719 : memref<10000x64xf32, #tpu.memory_space<hbm>>) target(%dma_start3A_713 : memref<80x64xf32, #tpu.memory_space<vmem>>) offsets(%dma_start3A_716 : memref<80xi32, #tpu.memory_space<vmem>>) semaphore(%arg11 : memref<!tpu.dma_semaphore, #tpu.memory_space<semaphore_mem>>)
      %mul3A_720 = arith.constant 5 : i32
      %mul3A_721 = arith.muli %add3A_659, %mul3A_720 : i32
      %add3A_722 = arith.constant 4 : i32
      %add3A_723 = arith.addi %mul3A_721, %add3A_722 : i32
      %dma_start3A_724 = arith.constant 4 : i32
      %dma_start3A_725 = arith.constant 0 : i32
      %dma_start3A_726 = arith.constant 0 : i32
      %dma_start3A_727 = tpu.memref_slice %arg7[%dma_start3A_724, %dma_start3A_725, %dma_start3A_726] : memref<5x80x64xf32, #tpu.memory_space<vmem>> -> memref<1x80x64xf32, #tpu.memory_space<vmem>>
      %dma_start3A_728 = tpu.memref_squeeze %dma_start3A_727 : memref<1x80x64xf32, #tpu.memory_space<vmem>> -> memref<80x64xf32, #tpu.memory_space<vmem>>
      %dma_start3A_729 = arith.constant 0 : i32
      %dma_start3A_730 = tpu.memref_slice %arg5[%add3A_723, %dma_start3A_729] : memref<125x80xi32, #tpu.memory_space<vmem>> -> memref<1x80xi32, #tpu.memory_space<vmem>>
      %dma_start3A_731 = tpu.memref_squeeze %dma_start3A_730 : memref<1x80xi32, #tpu.memory_space<vmem>> -> memref<80xi32, #tpu.memory_space<vmem>>
      %dma_start3A_732 = arith.constant 0 : i32
      %dma_start3A_733 = arith.constant 0 : i32
      %dma_start3A_734 = tpu.memref_slice %arg2[%dma_start3A_732, %dma_start3A_733] : memref<10000x64xf32, #tpu.memory_space<hbm>> -> memref<10000x64xf32, #tpu.memory_space<hbm>>
      tpu.enqueue_indirect_dma source(%dma_start3A_734 : memref<10000x64xf32, #tpu.memory_space<hbm>>) target(%dma_start3A_728 : memref<80x64xf32, #tpu.memory_space<vmem>>) offsets(%dma_start3A_731 : memref<80xi32, #tpu.memory_space<vmem>>) semaphore(%arg11 : memref<!tpu.dma_semaphore, #tpu.memory_space<semaphore_mem>>)
      %add3A_735 = arith.constant 1 : i32
      %add3A_736 = arith.addi %mul3A_278, %add3A_735 : i32
      %mul3A_737 = arith.constant 5 : i32
      %mul3A_738 = arith.muli %add3A_736, %mul3A_737 : i32
      %add3A_739 = arith.constant 0 : i32
      %add3A_740 = arith.addi %mul3A_738, %add3A_739 : i32
      %dma_start3A_741 = arith.constant 0 : i32
      %dma_start3A_742 = arith.constant 0 : i32
      %dma_start3A_743 = arith.constant 0 : i32
      %dma_start3A_744 = tpu.memref_slice %arg8[%dma_start3A_741, %dma_start3A_742, %dma_start3A_743] : memref<5x80x64xf32, #tpu.memory_space<vmem>> -> memref<1x80x64xf32, #tpu.memory_space<vmem>>
      %dma_start3A_745 = tpu.memref_squeeze %dma_start3A_744 : memref<1x80x64xf32, #tpu.memory_space<vmem>> -> memref<80x64xf32, #tpu.memory_space<vmem>>
      %dma_start3A_746 = arith.constant 0 : i32
      %dma_start3A_747 = tpu.memref_slice %arg6[%add3A_740, %dma_start3A_746] : memref<125x80xi32, #tpu.memory_space<vmem>> -> memref<1x80xi32, #tpu.memory_space<vmem>>
      %dma_start3A_748 = tpu.memref_squeeze %dma_start3A_747 : memref<1x80xi32, #tpu.memory_space<vmem>> -> memref<80xi32, #tpu.memory_space<vmem>>
      %dma_start3A_749 = arith.constant 0 : i32
      %dma_start3A_750 = arith.constant 0 : i32
      %dma_start3A_751 = tpu.memref_slice %arg10[%dma_start3A_749, %dma_start3A_750] : memref<10000x64xf32, #tpu.memory_space<vmem_shared>> -> memref<10000x64xf32, #tpu.memory_space<vmem_shared>>
      tpu.enqueue_indirect_dma source(%dma_start3A_745 : memref<80x64xf32, #tpu.memory_space<vmem>>) target(%dma_start3A_751 : memref<10000x64xf32, #tpu.memory_space<vmem_shared>>) offsets(%dma_start3A_748 : memref<80xi32, #tpu.memory_space<vmem>>) semaphore(%arg12 : memref<!tpu.dma_semaphore, #tpu.memory_space<semaphore_mem>>) {add = true}
      %mul3A_752 = arith.constant 5 : i32
      %mul3A_753 = arith.muli %add3A_736, %mul3A_752 : i32
      %add3A_754 = arith.constant 1 : i32
      %add3A_755 = arith.addi %mul3A_753, %add3A_754 : i32
      %dma_start3A_756 = arith.constant 1 : i32
      %dma_start3A_757 = arith.constant 0 : i32
      %dma_start3A_758 = arith.constant 0 : i32
      %dma_start3A_759 = tpu.memref_slice %arg8[%dma_start3A_756, %dma_start3A_757, %dma_start3A_758] : memref<5x80x64xf32, #tpu.memory_space<vmem>> -> memref<1x80x64xf32, #tpu.memory_space<vmem>>
      %dma_start3A_760 = tpu.memref_squeeze %dma_start3A_759 : memref<1x80x64xf32, #tpu.memory_space<vmem>> -> memref<80x64xf32, #tpu.memory_space<vmem>>
      %dma_start3A_761 = arith.constant 0 : i32
      %dma_start3A_762 = tpu.memref_slice %arg6[%add3A_755, %dma_start3A_761] : memref<125x80xi32, #tpu.memory_space<vmem>> -> memref<1x80xi32, #tpu.memory_space<vmem>>
      %dma_start3A_763 = tpu.memref_squeeze %dma_start3A_762 : memref<1x80xi32, #tpu.memory_space<vmem>> -> memref<80xi32, #tpu.memory_space<vmem>>
      %dma_start3A_764 = arith.constant 0 : i32
      %dma_start3A_765 = arith.constant 0 : i32
      %dma_start3A_766 = tpu.memref_slice %arg10[%dma_start3A_764, %dma_start3A_765] : memref<10000x64xf32, #tpu.memory_space<vmem_shared>> -> memref<10000x64xf32, #tpu.memory_space<vmem_shared>>
      tpu.enqueue_indirect_dma source(%dma_start3A_760 : memref<80x64xf32, #tpu.memory_space<vmem>>) target(%dma_start3A_766 : memref<10000x64xf32, #tpu.memory_space<vmem_shared>>) offsets(%dma_start3A_763 : memref<80xi32, #tpu.memory_space<vmem>>) semaphore(%arg12 : memref<!tpu.dma_semaphore, #tpu.memory_space<semaphore_mem>>) {add = true}
      %mul3A_767 = arith.constant 5 : i32
      %mul3A_768 = arith.muli %add3A_736, %mul3A_767 : i32
      %add3A_769 = arith.constant 2 : i32
      %add3A_770 = arith.addi %mul3A_768, %add3A_769 : i32
      %dma_start3A_771 = arith.constant 2 : i32
      %dma_start3A_772 = arith.constant 0 : i32
      %dma_start3A_773 = arith.constant 0 : i32
      %dma_start3A_774 = tpu.memref_slice %arg8[%dma_start3A_771, %dma_start3A_772, %dma_start3A_773] : memref<5x80x64xf32, #tpu.memory_space<vmem>> -> memref<1x80x64xf32, #tpu.memory_space<vmem>>
      %dma_start3A_775 = tpu.memref_squeeze %dma_start3A_774 : memref<1x80x64xf32, #tpu.memory_space<vmem>> -> memref<80x64xf32, #tpu.memory_space<vmem>>
      %dma_start3A_776 = arith.constant 0 : i32
      %dma_start3A_777 = tpu.memref_slice %arg6[%add3A_770, %dma_start3A_776] : memref<125x80xi32, #tpu.memory_space<vmem>> -> memref<1x80xi32, #tpu.memory_space<vmem>>
      %dma_start3A_778 = tpu.memref_squeeze %dma_start3A_777 : memref<1x80xi32, #tpu.memory_space<vmem>> -> memref<80xi32, #tpu.memory_space<vmem>>
      %dma_start3A_779 = arith.constant 0 : i32
      %dma_start3A_780 = arith.constant 0 : i32
      %dma_start3A_781 = tpu.memref_slice %arg10[%dma_start3A_779, %dma_start3A_780] : memref<10000x64xf32, #tpu.memory_space<vmem_shared>> -> memref<10000x64xf32, #tpu.memory_space<vmem_shared>>
      tpu.enqueue_indirect_dma source(%dma_start3A_775 : memref<80x64xf32, #tpu.memory_space<vmem>>) target(%dma_start3A_781 : memref<10000x64xf32, #tpu.memory_space<vmem_shared>>) offsets(%dma_start3A_778 : memref<80xi32, #tpu.memory_space<vmem>>) semaphore(%arg12 : memref<!tpu.dma_semaphore, #tpu.memory_space<semaphore_mem>>) {add = true}
      %mul3A_782 = arith.constant 5 : i32
      %mul3A_783 = arith.muli %add3A_736, %mul3A_782 : i32
      %add3A_784 = arith.constant 3 : i32
      %add3A_785 = arith.addi %mul3A_783, %add3A_784 : i32
      %dma_start3A_786 = arith.constant 3 : i32
      %dma_start3A_787 = arith.constant 0 : i32
      %dma_start3A_788 = arith.constant 0 : i32
      %dma_start3A_789 = tpu.memref_slice %arg8[%dma_start3A_786, %dma_start3A_787, %dma_start3A_788] : memref<5x80x64xf32, #tpu.memory_space<vmem>> -> memref<1x80x64xf32, #tpu.memory_space<vmem>>
      %dma_start3A_790 = tpu.memref_squeeze %dma_start3A_789 : memref<1x80x64xf32, #tpu.memory_space<vmem>> -> memref<80x64xf32, #tpu.memory_space<vmem>>
      %dma_start3A_791 = arith.constant 0 : i32
      %dma_start3A_792 = tpu.memref_slice %arg6[%add3A_785, %dma_start3A_791] : memref<125x80xi32, #tpu.memory_space<vmem>> -> memref<1x80xi32, #tpu.memory_space<vmem>>
      %dma_start3A_793 = tpu.memref_squeeze %dma_start3A_792 : memref<1x80xi32, #tpu.memory_space<vmem>> -> memref<80xi32, #tpu.memory_space<vmem>>
      %dma_start3A_794 = arith.constant 0 : i32
      %dma_start3A_795 = arith.constant 0 : i32
      %dma_start3A_796 = tpu.memref_slice %arg10[%dma_start3A_794, %dma_start3A_795] : memref<10000x64xf32, #tpu.memory_space<vmem_shared>> -> memref<10000x64xf32, #tpu.memory_space<vmem_shared>>
      tpu.enqueue_indirect_dma source(%dma_start3A_790 : memref<80x64xf32, #tpu.memory_space<vmem>>) target(%dma_start3A_796 : memref<10000x64xf32, #tpu.memory_space<vmem_shared>>) offsets(%dma_start3A_793 : memref<80xi32, #tpu.memory_space<vmem>>) semaphore(%arg12 : memref<!tpu.dma_semaphore, #tpu.memory_space<semaphore_mem>>) {add = true}
      %mul3A_797 = arith.constant 5 : i32
      %mul3A_798 = arith.muli %add3A_736, %mul3A_797 : i32
      %add3A_799 = arith.constant 4 : i32
      %add3A_800 = arith.addi %mul3A_798, %add3A_799 : i32
      %dma_start3A_801 = arith.constant 4 : i32
      %dma_start3A_802 = arith.constant 0 : i32
      %dma_start3A_803 = arith.constant 0 : i32
      %dma_start3A_804 = tpu.memref_slice %arg8[%dma_start3A_801, %dma_start3A_802, %dma_start3A_803] : memref<5x80x64xf32, #tpu.memory_space<vmem>> -> memref<1x80x64xf32, #tpu.memory_space<vmem>>
      %dma_start3A_805 = tpu.memref_squeeze %dma_start3A_804 : memref<1x80x64xf32, #tpu.memory_space<vmem>> -> memref<80x64xf32, #tpu.memory_space<vmem>>
      %dma_start3A_806 = arith.constant 0 : i32
      %dma_start3A_807 = tpu.memref_slice %arg6[%add3A_800, %dma_start3A_806] : memref<125x80xi32, #tpu.memory_space<vmem>> -> memref<1x80xi32, #tpu.memory_space<vmem>>
      %dma_start3A_808 = tpu.memref_squeeze %dma_start3A_807 : memref<1x80xi32, #tpu.memory_space<vmem>> -> memref<80xi32, #tpu.memory_space<vmem>>
      %dma_start3A_809 = arith.constant 0 : i32
      %dma_start3A_810 = arith.constant 0 : i32
      %dma_start3A_811 = tpu.memref_slice %arg10[%dma_start3A_809, %dma_start3A_810] : memref<10000x64xf32, #tpu.memory_space<vmem_shared>> -> memref<10000x64xf32, #tpu.memory_space<vmem_shared>>
      tpu.enqueue_indirect_dma source(%dma_start3A_805 : memref<80x64xf32, #tpu.memory_space<vmem>>) target(%dma_start3A_811 : memref<10000x64xf32, #tpu.memory_space<vmem_shared>>) offsets(%dma_start3A_808 : memref<80xi32, #tpu.memory_space<vmem>>) semaphore(%arg12 : memref<!tpu.dma_semaphore, #tpu.memory_space<semaphore_mem>>) {add = true}
      %add3A_812 = arith.constant 1 : i32
      %add3A_813 = arith.addi %mul3A_278, %add3A_812 : i32
      %mul3A_814 = arith.constant 5 : i32
      %mul3A_815 = arith.muli %add3A_813, %mul3A_814 : i32
      %add3A_816 = arith.constant 0 : i32
      %add3A_817 = arith.addi %mul3A_815, %add3A_816 : i32
      %dma_wait3A_818 = arith.constant 0 : i32
      %dma_wait3A_819 = arith.constant 0 : i32
      %dma_wait3A_820 = arith.constant 0 : i32
      %dma_wait3A_821 = tpu.memref_slice %arg8[%dma_wait3A_818, %dma_wait3A_819, %dma_wait3A_820] : memref<5x80x64xf32, #tpu.memory_space<vmem>> -> memref<1x80x64xf32, #tpu.memory_space<vmem>>
      %dma_wait3A_822 = tpu.memref_squeeze %dma_wait3A_821 : memref<1x80x64xf32, #tpu.memory_space<vmem>> -> memref<80x64xf32, #tpu.memory_space<vmem>>
      %dma_wait3A_823 = arith.constant 0 : i32
      %dma_wait3A_824 = tpu.memref_slice %arg6[%add3A_817, %dma_wait3A_823] : memref<125x80xi32, #tpu.memory_space<vmem>> -> memref<1x80xi32, #tpu.memory_space<vmem>>
      %dma_wait3A_825 = tpu.memref_squeeze %dma_wait3A_824 : memref<1x80xi32, #tpu.memory_space<vmem>> -> memref<80xi32, #tpu.memory_space<vmem>>
      %dma_wait3A_826 = arith.constant 0 : i32
      %dma_wait3A_827 = arith.constant 0 : i32
      %dma_wait3A_828 = tpu.memref_slice %arg10[%dma_wait3A_826, %dma_wait3A_827] : memref<10000x64xf32, #tpu.memory_space<vmem_shared>> -> memref<10000x64xf32, #tpu.memory_space<vmem_shared>>
      tpu.wait_indirect_dma semaphore(%arg12 : memref<!tpu.dma_semaphore, #tpu.memory_space<semaphore_mem>>) src(%dma_wait3A_822 : memref<80x64xf32, #tpu.memory_space<vmem>>) dst(%dma_wait3A_828 : memref<10000x64xf32, #tpu.memory_space<vmem_shared>>)
      %mul3A_829 = arith.constant 5 : i32
      %mul3A_830 = arith.muli %add3A_813, %mul3A_829 : i32
      %add3A_831 = arith.constant 1 : i32
      %add3A_832 = arith.addi %mul3A_830, %add3A_831 : i32
      %dma_wait3A_833 = arith.constant 1 : i32
      %dma_wait3A_834 = arith.constant 0 : i32
      %dma_wait3A_835 = arith.constant 0 : i32
      %dma_wait3A_836 = tpu.memref_slice %arg8[%dma_wait3A_833, %dma_wait3A_834, %dma_wait3A_835] : memref<5x80x64xf32, #tpu.memory_space<vmem>> -> memref<1x80x64xf32, #tpu.memory_space<vmem>>
      %dma_wait3A_837 = tpu.memref_squeeze %dma_wait3A_836 : memref<1x80x64xf32, #tpu.memory_space<vmem>> -> memref<80x64xf32, #tpu.memory_space<vmem>>
      %dma_wait3A_838 = arith.constant 0 : i32
      %dma_wait3A_839 = tpu.memref_slice %arg6[%add3A_832, %dma_wait3A_838] : memref<125x80xi32, #tpu.memory_space<vmem>> -> memref<1x80xi32, #tpu.memory_space<vmem>>
      %dma_wait3A_840 = tpu.memref_squeeze %dma_wait3A_839 : memref<1x80xi32, #tpu.memory_space<vmem>> -> memref<80xi32, #tpu.memory_space<vmem>>
      %dma_wait3A_841 = arith.constant 0 : i32
      %dma_wait3A_842 = arith.constant 0 : i32
      %dma_wait3A_843 = tpu.memref_slice %arg10[%dma_wait3A_841, %dma_wait3A_842] : memref<10000x64xf32, #tpu.memory_space<vmem_shared>> -> memref<10000x64xf32, #tpu.memory_space<vmem_shared>>
      tpu.wait_indirect_dma semaphore(%arg12 : memref<!tpu.dma_semaphore, #tpu.memory_space<semaphore_mem>>) src(%dma_wait3A_837 : memref<80x64xf32, #tpu.memory_space<vmem>>) dst(%dma_wait3A_843 : memref<10000x64xf32, #tpu.memory_space<vmem_shared>>)
      %mul3A_844 = arith.constant 5 : i32
      %mul3A_845 = arith.muli %add3A_813, %mul3A_844 : i32
      %add3A_846 = arith.constant 2 : i32
      %add3A_847 = arith.addi %mul3A_845, %add3A_846 : i32
      %dma_wait3A_848 = arith.constant 2 : i32
      %dma_wait3A_849 = arith.constant 0 : i32
      %dma_wait3A_850 = arith.constant 0 : i32
      %dma_wait3A_851 = tpu.memref_slice %arg8[%dma_wait3A_848, %dma_wait3A_849, %dma_wait3A_850] : memref<5x80x64xf32, #tpu.memory_space<vmem>> -> memref<1x80x64xf32, #tpu.memory_space<vmem>>
      %dma_wait3A_852 = tpu.memref_squeeze %dma_wait3A_851 : memref<1x80x64xf32, #tpu.memory_space<vmem>> -> memref<80x64xf32, #tpu.memory_space<vmem>>
      %dma_wait3A_853 = arith.constant 0 : i32
      %dma_wait3A_854 = tpu.memref_slice %arg6[%add3A_847, %dma_wait3A_853] : memref<125x80xi32, #tpu.memory_space<vmem>> -> memref<1x80xi32, #tpu.memory_space<vmem>>
      %dma_wait3A_855 = tpu.memref_squeeze %dma_wait3A_854 : memref<1x80xi32, #tpu.memory_space<vmem>> -> memref<80xi32, #tpu.memory_space<vmem>>
      %dma_wait3A_856 = arith.constant 0 : i32
      %dma_wait3A_857 = arith.constant 0 : i32
      %dma_wait3A_858 = tpu.memref_slice %arg10[%dma_wait3A_856, %dma_wait3A_857] : memref<10000x64xf32, #tpu.memory_space<vmem_shared>> -> memref<10000x64xf32, #tpu.memory_space<vmem_shared>>
      tpu.wait_indirect_dma semaphore(%arg12 : memref<!tpu.dma_semaphore, #tpu.memory_space<semaphore_mem>>) src(%dma_wait3A_852 : memref<80x64xf32, #tpu.memory_space<vmem>>) dst(%dma_wait3A_858 : memref<10000x64xf32, #tpu.memory_space<vmem_shared>>)
      %mul3A_859 = arith.constant 5 : i32
      %mul3A_860 = arith.muli %add3A_813, %mul3A_859 : i32
      %add3A_861 = arith.constant 3 : i32
      %add3A_862 = arith.addi %mul3A_860, %add3A_861 : i32
      %dma_wait3A_863 = arith.constant 3 : i32
      %dma_wait3A_864 = arith.constant 0 : i32
      %dma_wait3A_865 = arith.constant 0 : i32
      %dma_wait3A_866 = tpu.memref_slice %arg8[%dma_wait3A_863, %dma_wait3A_864, %dma_wait3A_865] : memref<5x80x64xf32, #tpu.memory_space<vmem>> -> memref<1x80x64xf32, #tpu.memory_space<vmem>>
      %dma_wait3A_867 = tpu.memref_squeeze %dma_wait3A_866 : memref<1x80x64xf32, #tpu.memory_space<vmem>> -> memref<80x64xf32, #tpu.memory_space<vmem>>
      %dma_wait3A_868 = arith.constant 0 : i32
      %dma_wait3A_869 = tpu.memref_slice %arg6[%add3A_862, %dma_wait3A_868] : memref<125x80xi32, #tpu.memory_space<vmem>> -> memref<1x80xi32, #tpu.memory_space<vmem>>
      %dma_wait3A_870 = tpu.memref_squeeze %dma_wait3A_869 : memref<1x80xi32, #tpu.memory_space<vmem>> -> memref<80xi32, #tpu.memory_space<vmem>>
      %dma_wait3A_871 = arith.constant 0 : i32
      %dma_wait3A_872 = arith.constant 0 : i32
      %dma_wait3A_873 = tpu.memref_slice %arg10[%dma_wait3A_871, %dma_wait3A_872] : memref<10000x64xf32, #tpu.memory_space<vmem_shared>> -> memref<10000x64xf32, #tpu.memory_space<vmem_shared>>
      tpu.wait_indirect_dma semaphore(%arg12 : memref<!tpu.dma_semaphore, #tpu.memory_space<semaphore_mem>>) src(%dma_wait3A_867 : memref<80x64xf32, #tpu.memory_space<vmem>>) dst(%dma_wait3A_873 : memref<10000x64xf32, #tpu.memory_space<vmem_shared>>)
      %mul3A_874 = arith.constant 5 : i32
      %mul3A_875 = arith.muli %add3A_813, %mul3A_874 : i32
      %add3A_876 = arith.constant 4 : i32
      %add3A_877 = arith.addi %mul3A_875, %add3A_876 : i32
      %dma_wait3A_878 = arith.constant 4 : i32
      %dma_wait3A_879 = arith.constant 0 : i32
      %dma_wait3A_880 = arith.constant 0 : i32
      %dma_wait3A_881 = tpu.memref_slice %arg8[%dma_wait3A_878, %dma_wait3A_879, %dma_wait3A_880] : memref<5x80x64xf32, #tpu.memory_space<vmem>> -> memref<1x80x64xf32, #tpu.memory_space<vmem>>
      %dma_wait3A_882 = tpu.memref_squeeze %dma_wait3A_881 : memref<1x80x64xf32, #tpu.memory_space<vmem>> -> memref<80x64xf32, #tpu.memory_space<vmem>>
      %dma_wait3A_883 = arith.constant 0 : i32
      %dma_wait3A_884 = tpu.memref_slice %arg6[%add3A_877, %dma_wait3A_883] : memref<125x80xi32, #tpu.memory_space<vmem>> -> memref<1x80xi32, #tpu.memory_space<vmem>>
      %dma_wait3A_885 = tpu.memref_squeeze %dma_wait3A_884 : memref<1x80xi32, #tpu.memory_space<vmem>> -> memref<80xi32, #tpu.memory_space<vmem>>
      %dma_wait3A_886 = arith.constant 0 : i32
      %dma_wait3A_887 = arith.constant 0 : i32
      %dma_wait3A_888 = tpu.memref_slice %arg10[%dma_wait3A_886, %dma_wait3A_887] : memref<10000x64xf32, #tpu.memory_space<vmem_shared>> -> memref<10000x64xf32, #tpu.memory_space<vmem_shared>>
      tpu.wait_indirect_dma semaphore(%arg12 : memref<!tpu.dma_semaphore, #tpu.memory_space<semaphore_mem>>) src(%dma_wait3A_882 : memref<80x64xf32, #tpu.memory_space<vmem>>) dst(%dma_wait3A_888 : memref<10000x64xf32, #tpu.memory_space<vmem_shared>>)
    }
    %scan3A_91 = arith.constant 12 : i32
    %dma_wait3A = arith.constant 120 : i32
    %dma_wait3A_92 = arith.constant 0 : i32
    %dma_wait3A_93 = arith.constant 0 : i32
    %dma_wait3A_94 = arith.constant 0 : i32
    %dma_wait3A_95 = tpu.memref_slice %arg7[%dma_wait3A_92, %dma_wait3A_93, %dma_wait3A_94] : memref<5x80x64xf32, #tpu.memory_space<vmem>> -> memref<1x80x64xf32, #tpu.memory_space<vmem>>
    %dma_wait3A_96 = tpu.memref_squeeze %dma_wait3A_95 : memref<1x80x64xf32, #tpu.memory_space<vmem>> -> memref<80x64xf32, #tpu.memory_space<vmem>>
    %dma_wait3A_97 = arith.constant 0 : i32
    %dma_wait3A_98 = tpu.memref_slice %arg5[%dma_wait3A, %dma_wait3A_97] : memref<125x80xi32, #tpu.memory_space<vmem>> -> memref<1x80xi32, #tpu.memory_space<vmem>>
    %dma_wait3A_99 = tpu.memref_squeeze %dma_wait3A_98 : memref<1x80xi32, #tpu.memory_space<vmem>> -> memref<80xi32, #tpu.memory_space<vmem>>
    %dma_wait3A_100 = arith.constant 0 : i32
    %dma_wait3A_101 = arith.constant 0 : i32
    %dma_wait3A_102 = tpu.memref_slice %arg2[%dma_wait3A_100, %dma_wait3A_101] : memref<10000x64xf32, #tpu.memory_space<hbm>> -> memref<10000x64xf32, #tpu.memory_space<hbm>>
    tpu.wait_indirect_dma semaphore(%arg11 : memref<!tpu.dma_semaphore, #tpu.memory_space<semaphore_mem>>) src(%dma_wait3A_102 : memref<10000x64xf32, #tpu.memory_space<hbm>>) dst(%dma_wait3A_96 : memref<80x64xf32, #tpu.memory_space<vmem>>)
    %dma_wait3A_103 = arith.constant 121 : i32
    %dma_wait3A_104 = arith.constant 1 : i32
    %dma_wait3A_105 = arith.constant 0 : i32
    %dma_wait3A_106 = arith.constant 0 : i32
    %dma_wait3A_107 = tpu.memref_slice %arg7[%dma_wait3A_104, %dma_wait3A_105, %dma_wait3A_106] : memref<5x80x64xf32, #tpu.memory_space<vmem>> -> memref<1x80x64xf32, #tpu.memory_space<vmem>>
    %dma_wait3A_108 = tpu.memref_squeeze %dma_wait3A_107 : memref<1x80x64xf32, #tpu.memory_space<vmem>> -> memref<80x64xf32, #tpu.memory_space<vmem>>
    %dma_wait3A_109 = arith.constant 0 : i32
    %dma_wait3A_110 = tpu.memref_slice %arg5[%dma_wait3A_103, %dma_wait3A_109] : memref<125x80xi32, #tpu.memory_space<vmem>> -> memref<1x80xi32, #tpu.memory_space<vmem>>
    %dma_wait3A_111 = tpu.memref_squeeze %dma_wait3A_110 : memref<1x80xi32, #tpu.memory_space<vmem>> -> memref<80xi32, #tpu.memory_space<vmem>>
    %dma_wait3A_112 = arith.constant 0 : i32
    %dma_wait3A_113 = arith.constant 0 : i32
    %dma_wait3A_114 = tpu.memref_slice %arg2[%dma_wait3A_112, %dma_wait3A_113] : memref<10000x64xf32, #tpu.memory_space<hbm>> -> memref<10000x64xf32, #tpu.memory_space<hbm>>
    tpu.wait_indirect_dma semaphore(%arg11 : memref<!tpu.dma_semaphore, #tpu.memory_space<semaphore_mem>>) src(%dma_wait3A_114 : memref<10000x64xf32, #tpu.memory_space<hbm>>) dst(%dma_wait3A_108 : memref<80x64xf32, #tpu.memory_space<vmem>>)
    %dma_wait3A_115 = arith.constant 122 : i32
    %dma_wait3A_116 = arith.constant 2 : i32
    %dma_wait3A_117 = arith.constant 0 : i32
    %dma_wait3A_118 = arith.constant 0 : i32
    %dma_wait3A_119 = tpu.memref_slice %arg7[%dma_wait3A_116, %dma_wait3A_117, %dma_wait3A_118] : memref<5x80x64xf32, #tpu.memory_space<vmem>> -> memref<1x80x64xf32, #tpu.memory_space<vmem>>
    %dma_wait3A_120 = tpu.memref_squeeze %dma_wait3A_119 : memref<1x80x64xf32, #tpu.memory_space<vmem>> -> memref<80x64xf32, #tpu.memory_space<vmem>>
    %dma_wait3A_121 = arith.constant 0 : i32
    %dma_wait3A_122 = tpu.memref_slice %arg5[%dma_wait3A_115, %dma_wait3A_121] : memref<125x80xi32, #tpu.memory_space<vmem>> -> memref<1x80xi32, #tpu.memory_space<vmem>>
    %dma_wait3A_123 = tpu.memref_squeeze %dma_wait3A_122 : memref<1x80xi32, #tpu.memory_space<vmem>> -> memref<80xi32, #tpu.memory_space<vmem>>
    %dma_wait3A_124 = arith.constant 0 : i32
    %dma_wait3A_125 = arith.constant 0 : i32
    %dma_wait3A_126 = tpu.memref_slice %arg2[%dma_wait3A_124, %dma_wait3A_125] : memref<10000x64xf32, #tpu.memory_space<hbm>> -> memref<10000x64xf32, #tpu.memory_space<hbm>>
    tpu.wait_indirect_dma semaphore(%arg11 : memref<!tpu.dma_semaphore, #tpu.memory_space<semaphore_mem>>) src(%dma_wait3A_126 : memref<10000x64xf32, #tpu.memory_space<hbm>>) dst(%dma_wait3A_120 : memref<80x64xf32, #tpu.memory_space<vmem>>)
    %dma_wait3A_127 = arith.constant 123 : i32
    %dma_wait3A_128 = arith.constant 3 : i32
    %dma_wait3A_129 = arith.constant 0 : i32
    %dma_wait3A_130 = arith.constant 0 : i32
    %dma_wait3A_131 = tpu.memref_slice %arg7[%dma_wait3A_128, %dma_wait3A_129, %dma_wait3A_130] : memref<5x80x64xf32, #tpu.memory_space<vmem>> -> memref<1x80x64xf32, #tpu.memory_space<vmem>>
    %dma_wait3A_132 = tpu.memref_squeeze %dma_wait3A_131 : memref<1x80x64xf32, #tpu.memory_space<vmem>> -> memref<80x64xf32, #tpu.memory_space<vmem>>
    %dma_wait3A_133 = arith.constant 0 : i32
    %dma_wait3A_134 = tpu.memref_slice %arg5[%dma_wait3A_127, %dma_wait3A_133] : memref<125x80xi32, #tpu.memory_space<vmem>> -> memref<1x80xi32, #tpu.memory_space<vmem>>
    %dma_wait3A_135 = tpu.memref_squeeze %dma_wait3A_134 : memref<1x80xi32, #tpu.memory_space<vmem>> -> memref<80xi32, #tpu.memory_space<vmem>>
    %dma_wait3A_136 = arith.constant 0 : i32
    %dma_wait3A_137 = arith.constant 0 : i32
    %dma_wait3A_138 = tpu.memref_slice %arg2[%dma_wait3A_136, %dma_wait3A_137] : memref<10000x64xf32, #tpu.memory_space<hbm>> -> memref<10000x64xf32, #tpu.memory_space<hbm>>
    tpu.wait_indirect_dma semaphore(%arg11 : memref<!tpu.dma_semaphore, #tpu.memory_space<semaphore_mem>>) src(%dma_wait3A_138 : memref<10000x64xf32, #tpu.memory_space<hbm>>) dst(%dma_wait3A_132 : memref<80x64xf32, #tpu.memory_space<vmem>>)
    %dma_wait3A_139 = arith.constant 124 : i32
    %dma_wait3A_140 = arith.constant 4 : i32
    %dma_wait3A_141 = arith.constant 0 : i32
    %dma_wait3A_142 = arith.constant 0 : i32
    %dma_wait3A_143 = tpu.memref_slice %arg7[%dma_wait3A_140, %dma_wait3A_141, %dma_wait3A_142] : memref<5x80x64xf32, #tpu.memory_space<vmem>> -> memref<1x80x64xf32, #tpu.memory_space<vmem>>
    %dma_wait3A_144 = tpu.memref_squeeze %dma_wait3A_143 : memref<1x80x64xf32, #tpu.memory_space<vmem>> -> memref<80x64xf32, #tpu.memory_space<vmem>>
    %dma_wait3A_145 = arith.constant 0 : i32
    %dma_wait3A_146 = tpu.memref_slice %arg5[%dma_wait3A_139, %dma_wait3A_145] : memref<125x80xi32, #tpu.memory_space<vmem>> -> memref<1x80xi32, #tpu.memory_space<vmem>>
    %dma_wait3A_147 = tpu.memref_squeeze %dma_wait3A_146 : memref<1x80xi32, #tpu.memory_space<vmem>> -> memref<80xi32, #tpu.memory_space<vmem>>
    %dma_wait3A_148 = arith.constant 0 : i32
    %dma_wait3A_149 = arith.constant 0 : i32
    %dma_wait3A_150 = tpu.memref_slice %arg2[%dma_wait3A_148, %dma_wait3A_149] : memref<10000x64xf32, #tpu.memory_space<hbm>> -> memref<10000x64xf32, #tpu.memory_space<hbm>>
    tpu.wait_indirect_dma semaphore(%arg11 : memref<!tpu.dma_semaphore, #tpu.memory_space<semaphore_mem>>) src(%dma_wait3A_150 : memref<10000x64xf32, #tpu.memory_space<hbm>>) dst(%dma_wait3A_144 : memref<80x64xf32, #tpu.memory_space<vmem>>)
    %dma_start3A_151 = arith.constant 0 : i32
    %dma_start3A_152 = arith.constant 120 : i32
    %dma_start3A_153 = arith.constant 0 : i32
    %dma_start3A_154 = arith.constant 0 : i32
    %dma_start3A_155 = tpu.memref_slice %arg7[%dma_start3A_151, %dma_start3A_153, %dma_start3A_154] : memref<5x80x64xf32, #tpu.memory_space<vmem>> -> memref<1x80x64xf32, #tpu.memory_space<vmem>>
    %dma_start3A_156 = tpu.memref_squeeze %dma_start3A_155 : memref<1x80x64xf32, #tpu.memory_space<vmem>> -> memref<80x64xf32, #tpu.memory_space<vmem>>
    %dma_start3A_157 = arith.constant 0 : i32
    %dma_start3A_158 = tpu.memref_slice %arg6[%dma_start3A_152, %dma_start3A_157] : memref<125x80xi32, #tpu.memory_space<vmem>> -> memref<1x80xi32, #tpu.memory_space<vmem>>
    %dma_start3A_159 = tpu.memref_squeeze %dma_start3A_158 : memref<1x80xi32, #tpu.memory_space<vmem>> -> memref<80xi32, #tpu.memory_space<vmem>>
    %dma_start3A_160 = arith.constant 0 : i32
    %dma_start3A_161 = arith.constant 0 : i32
    %dma_start3A_162 = tpu.memref_slice %arg10[%dma_start3A_160, %dma_start3A_161] : memref<10000x64xf32, #tpu.memory_space<vmem_shared>> -> memref<10000x64xf32, #tpu.memory_space<vmem_shared>>
    tpu.enqueue_indirect_dma source(%dma_start3A_156 : memref<80x64xf32, #tpu.memory_space<vmem>>) target(%dma_start3A_162 : memref<10000x64xf32, #tpu.memory_space<vmem_shared>>) offsets(%dma_start3A_159 : memref<80xi32, #tpu.memory_space<vmem>>) semaphore(%arg12 : memref<!tpu.dma_semaphore, #tpu.memory_space<semaphore_mem>>) {add = true}
    %dma_start3A_163 = arith.constant 1 : i32
    %dma_start3A_164 = arith.constant 121 : i32
    %dma_start3A_165 = arith.constant 0 : i32
    %dma_start3A_166 = arith.constant 0 : i32
    %dma_start3A_167 = tpu.memref_slice %arg7[%dma_start3A_163, %dma_start3A_165, %dma_start3A_166] : memref<5x80x64xf32, #tpu.memory_space<vmem>> -> memref<1x80x64xf32, #tpu.memory_space<vmem>>
    %dma_start3A_168 = tpu.memref_squeeze %dma_start3A_167 : memref<1x80x64xf32, #tpu.memory_space<vmem>> -> memref<80x64xf32, #tpu.memory_space<vmem>>
    %dma_start3A_169 = arith.constant 0 : i32
    %dma_start3A_170 = tpu.memref_slice %arg6[%dma_start3A_164, %dma_start3A_169] : memref<125x80xi32, #tpu.memory_space<vmem>> -> memref<1x80xi32, #tpu.memory_space<vmem>>
    %dma_start3A_171 = tpu.memref_squeeze %dma_start3A_170 : memref<1x80xi32, #tpu.memory_space<vmem>> -> memref<80xi32, #tpu.memory_space<vmem>>
    %dma_start3A_172 = arith.constant 0 : i32
    %dma_start3A_173 = arith.constant 0 : i32
    %dma_start3A_174 = tpu.memref_slice %arg10[%dma_start3A_172, %dma_start3A_173] : memref<10000x64xf32, #tpu.memory_space<vmem_shared>> -> memref<10000x64xf32, #tpu.memory_space<vmem_shared>>
    tpu.enqueue_indirect_dma source(%dma_start3A_168 : memref<80x64xf32, #tpu.memory_space<vmem>>) target(%dma_start3A_174 : memref<10000x64xf32, #tpu.memory_space<vmem_shared>>) offsets(%dma_start3A_171 : memref<80xi32, #tpu.memory_space<vmem>>) semaphore(%arg12 : memref<!tpu.dma_semaphore, #tpu.memory_space<semaphore_mem>>) {add = true}
    %dma_start3A_175 = arith.constant 2 : i32
    %dma_start3A_176 = arith.constant 122 : i32
    %dma_start3A_177 = arith.constant 0 : i32
    %dma_start3A_178 = arith.constant 0 : i32
    %dma_start3A_179 = tpu.memref_slice %arg7[%dma_start3A_175, %dma_start3A_177, %dma_start3A_178] : memref<5x80x64xf32, #tpu.memory_space<vmem>> -> memref<1x80x64xf32, #tpu.memory_space<vmem>>
    %dma_start3A_180 = tpu.memref_squeeze %dma_start3A_179 : memref<1x80x64xf32, #tpu.memory_space<vmem>> -> memref<80x64xf32, #tpu.memory_space<vmem>>
    %dma_start3A_181 = arith.constant 0 : i32
    %dma_start3A_182 = tpu.memref_slice %arg6[%dma_start3A_176, %dma_start3A_181] : memref<125x80xi32, #tpu.memory_space<vmem>> -> memref<1x80xi32, #tpu.memory_space<vmem>>
    %dma_start3A_183 = tpu.memref_squeeze %dma_start3A_182 : memref<1x80xi32, #tpu.memory_space<vmem>> -> memref<80xi32, #tpu.memory_space<vmem>>
    %dma_start3A_184 = arith.constant 0 : i32
    %dma_start3A_185 = arith.constant 0 : i32
    %dma_start3A_186 = tpu.memref_slice %arg10[%dma_start3A_184, %dma_start3A_185] : memref<10000x64xf32, #tpu.memory_space<vmem_shared>> -> memref<10000x64xf32, #tpu.memory_space<vmem_shared>>
    tpu.enqueue_indirect_dma source(%dma_start3A_180 : memref<80x64xf32, #tpu.memory_space<vmem>>) target(%dma_start3A_186 : memref<10000x64xf32, #tpu.memory_space<vmem_shared>>) offsets(%dma_start3A_183 : memref<80xi32, #tpu.memory_space<vmem>>) semaphore(%arg12 : memref<!tpu.dma_semaphore, #tpu.memory_space<semaphore_mem>>) {add = true}
    %dma_start3A_187 = arith.constant 3 : i32
    %dma_start3A_188 = arith.constant 123 : i32
    %dma_start3A_189 = arith.constant 0 : i32
    %dma_start3A_190 = arith.constant 0 : i32
    %dma_start3A_191 = tpu.memref_slice %arg7[%dma_start3A_187, %dma_start3A_189, %dma_start3A_190] : memref<5x80x64xf32, #tpu.memory_space<vmem>> -> memref<1x80x64xf32, #tpu.memory_space<vmem>>
    %dma_start3A_192 = tpu.memref_squeeze %dma_start3A_191 : memref<1x80x64xf32, #tpu.memory_space<vmem>> -> memref<80x64xf32, #tpu.memory_space<vmem>>
    %dma_start3A_193 = arith.constant 0 : i32
    %dma_start3A_194 = tpu.memref_slice %arg6[%dma_start3A_188, %dma_start3A_193] : memref<125x80xi32, #tpu.memory_space<vmem>> -> memref<1x80xi32, #tpu.memory_space<vmem>>
    %dma_start3A_195 = tpu.memref_squeeze %dma_start3A_194 : memref<1x80xi32, #tpu.memory_space<vmem>> -> memref<80xi32, #tpu.memory_space<vmem>>
    %dma_start3A_196 = arith.constant 0 : i32
    %dma_start3A_197 = arith.constant 0 : i32
    %dma_start3A_198 = tpu.memref_slice %arg10[%dma_start3A_196, %dma_start3A_197] : memref<10000x64xf32, #tpu.memory_space<vmem_shared>> -> memref<10000x64xf32, #tpu.memory_space<vmem_shared>>
    tpu.enqueue_indirect_dma source(%dma_start3A_192 : memref<80x64xf32, #tpu.memory_space<vmem>>) target(%dma_start3A_198 : memref<10000x64xf32, #tpu.memory_space<vmem_shared>>) offsets(%dma_start3A_195 : memref<80xi32, #tpu.memory_space<vmem>>) semaphore(%arg12 : memref<!tpu.dma_semaphore, #tpu.memory_space<semaphore_mem>>) {add = true}
    %dma_start3A_199 = arith.constant 4 : i32
    %dma_start3A_200 = arith.constant 124 : i32
    %dma_start3A_201 = arith.constant 0 : i32
    %dma_start3A_202 = arith.constant 0 : i32
    %dma_start3A_203 = tpu.memref_slice %arg7[%dma_start3A_199, %dma_start3A_201, %dma_start3A_202] : memref<5x80x64xf32, #tpu.memory_space<vmem>> -> memref<1x80x64xf32, #tpu.memory_space<vmem>>
    %dma_start3A_204 = tpu.memref_squeeze %dma_start3A_203 : memref<1x80x64xf32, #tpu.memory_space<vmem>> -> memref<80x64xf32, #tpu.memory_space<vmem>>
    %dma_start3A_205 = arith.constant 0 : i32
    %dma_start3A_206 = tpu.memref_slice %arg6[%dma_start3A_200, %dma_start3A_205] : memref<125x80xi32, #tpu.memory_space<vmem>> -> memref<1x80xi32, #tpu.memory_space<vmem>>
    %dma_start3A_207 = tpu.memref_squeeze %dma_start3A_206 : memref<1x80xi32, #tpu.memory_space<vmem>> -> memref<80xi32, #tpu.memory_space<vmem>>
    %dma_start3A_208 = arith.constant 0 : i32
    %dma_start3A_209 = arith.constant 0 : i32
    %dma_start3A_210 = tpu.memref_slice %arg10[%dma_start3A_208, %dma_start3A_209] : memref<10000x64xf32, #tpu.memory_space<vmem_shared>> -> memref<10000x64xf32, #tpu.memory_space<vmem_shared>>
    tpu.enqueue_indirect_dma source(%dma_start3A_204 : memref<80x64xf32, #tpu.memory_space<vmem>>) target(%dma_start3A_210 : memref<10000x64xf32, #tpu.memory_space<vmem_shared>>) offsets(%dma_start3A_207 : memref<80xi32, #tpu.memory_space<vmem>>) semaphore(%arg12 : memref<!tpu.dma_semaphore, #tpu.memory_space<semaphore_mem>>) {add = true}
    %dma_wait3A_211 = arith.constant 0 : i32
    %dma_wait3A_212 = arith.constant 120 : i32
    %dma_wait3A_213 = arith.constant 0 : i32
    %dma_wait3A_214 = arith.constant 0 : i32
    %dma_wait3A_215 = tpu.memref_slice %arg7[%dma_wait3A_211, %dma_wait3A_213, %dma_wait3A_214] : memref<5x80x64xf32, #tpu.memory_space<vmem>> -> memref<1x80x64xf32, #tpu.memory_space<vmem>>
    %dma_wait3A_216 = tpu.memref_squeeze %dma_wait3A_215 : memref<1x80x64xf32, #tpu.memory_space<vmem>> -> memref<80x64xf32, #tpu.memory_space<vmem>>
    %dma_wait3A_217 = arith.constant 0 : i32
    %dma_wait3A_218 = tpu.memref_slice %arg6[%dma_wait3A_212, %dma_wait3A_217] : memref<125x80xi32, #tpu.memory_space<vmem>> -> memref<1x80xi32, #tpu.memory_space<vmem>>
    %dma_wait3A_219 = tpu.memref_squeeze %dma_wait3A_218 : memref<1x80xi32, #tpu.memory_space<vmem>> -> memref<80xi32, #tpu.memory_space<vmem>>
    %dma_wait3A_220 = arith.constant 0 : i32
    %dma_wait3A_221 = arith.constant 0 : i32
    %dma_wait3A_222 = tpu.memref_slice %arg10[%dma_wait3A_220, %dma_wait3A_221] : memref<10000x64xf32, #tpu.memory_space<vmem_shared>> -> memref<10000x64xf32, #tpu.memory_space<vmem_shared>>
    tpu.wait_indirect_dma semaphore(%arg12 : memref<!tpu.dma_semaphore, #tpu.memory_space<semaphore_mem>>) src(%dma_wait3A_216 : memref<80x64xf32, #tpu.memory_space<vmem>>) dst(%dma_wait3A_222 : memref<10000x64xf32, #tpu.memory_space<vmem_shared>>)
    %dma_wait3A_223 = arith.constant 1 : i32
    %dma_wait3A_224 = arith.constant 121 : i32
    %dma_wait3A_225 = arith.constant 0 : i32
    %dma_wait3A_226 = arith.constant 0 : i32
    %dma_wait3A_227 = tpu.memref_slice %arg7[%dma_wait3A_223, %dma_wait3A_225, %dma_wait3A_226] : memref<5x80x64xf32, #tpu.memory_space<vmem>> -> memref<1x80x64xf32, #tpu.memory_space<vmem>>
    %dma_wait3A_228 = tpu.memref_squeeze %dma_wait3A_227 : memref<1x80x64xf32, #tpu.memory_space<vmem>> -> memref<80x64xf32, #tpu.memory_space<vmem>>
    %dma_wait3A_229 = arith.constant 0 : i32
    %dma_wait3A_230 = tpu.memref_slice %arg6[%dma_wait3A_224, %dma_wait3A_229] : memref<125x80xi32, #tpu.memory_space<vmem>> -> memref<1x80xi32, #tpu.memory_space<vmem>>
    %dma_wait3A_231 = tpu.memref_squeeze %dma_wait3A_230 : memref<1x80xi32, #tpu.memory_space<vmem>> -> memref<80xi32, #tpu.memory_space<vmem>>
    %dma_wait3A_232 = arith.constant 0 : i32
    %dma_wait3A_233 = arith.constant 0 : i32
    %dma_wait3A_234 = tpu.memref_slice %arg10[%dma_wait3A_232, %dma_wait3A_233] : memref<10000x64xf32, #tpu.memory_space<vmem_shared>> -> memref<10000x64xf32, #tpu.memory_space<vmem_shared>>
    tpu.wait_indirect_dma semaphore(%arg12 : memref<!tpu.dma_semaphore, #tpu.memory_space<semaphore_mem>>) src(%dma_wait3A_228 : memref<80x64xf32, #tpu.memory_space<vmem>>) dst(%dma_wait3A_234 : memref<10000x64xf32, #tpu.memory_space<vmem_shared>>)
    %dma_wait3A_235 = arith.constant 2 : i32
    %dma_wait3A_236 = arith.constant 122 : i32
    %dma_wait3A_237 = arith.constant 0 : i32
    %dma_wait3A_238 = arith.constant 0 : i32
    %dma_wait3A_239 = tpu.memref_slice %arg7[%dma_wait3A_235, %dma_wait3A_237, %dma_wait3A_238] : memref<5x80x64xf32, #tpu.memory_space<vmem>> -> memref<1x80x64xf32, #tpu.memory_space<vmem>>
    %dma_wait3A_240 = tpu.memref_squeeze %dma_wait3A_239 : memref<1x80x64xf32, #tpu.memory_space<vmem>> -> memref<80x64xf32, #tpu.memory_space<vmem>>
    %dma_wait3A_241 = arith.constant 0 : i32
    %dma_wait3A_242 = tpu.memref_slice %arg6[%dma_wait3A_236, %dma_wait3A_241] : memref<125x80xi32, #tpu.memory_space<vmem>> -> memref<1x80xi32, #tpu.memory_space<vmem>>
    %dma_wait3A_243 = tpu.memref_squeeze %dma_wait3A_242 : memref<1x80xi32, #tpu.memory_space<vmem>> -> memref<80xi32, #tpu.memory_space<vmem>>
    %dma_wait3A_244 = arith.constant 0 : i32
    %dma_wait3A_245 = arith.constant 0 : i32
    %dma_wait3A_246 = tpu.memref_slice %arg10[%dma_wait3A_244, %dma_wait3A_245] : memref<10000x64xf32, #tpu.memory_space<vmem_shared>> -> memref<10000x64xf32, #tpu.memory_space<vmem_shared>>
    tpu.wait_indirect_dma semaphore(%arg12 : memref<!tpu.dma_semaphore, #tpu.memory_space<semaphore_mem>>) src(%dma_wait3A_240 : memref<80x64xf32, #tpu.memory_space<vmem>>) dst(%dma_wait3A_246 : memref<10000x64xf32, #tpu.memory_space<vmem_shared>>)
    %dma_wait3A_247 = arith.constant 3 : i32
    %dma_wait3A_248 = arith.constant 123 : i32
    %dma_wait3A_249 = arith.constant 0 : i32
    %dma_wait3A_250 = arith.constant 0 : i32
    %dma_wait3A_251 = tpu.memref_slice %arg7[%dma_wait3A_247, %dma_wait3A_249, %dma_wait3A_250] : memref<5x80x64xf32, #tpu.memory_space<vmem>> -> memref<1x80x64xf32, #tpu.memory_space<vmem>>
    %dma_wait3A_252 = tpu.memref_squeeze %dma_wait3A_251 : memref<1x80x64xf32, #tpu.memory_space<vmem>> -> memref<80x64xf32, #tpu.memory_space<vmem>>
    %dma_wait3A_253 = arith.constant 0 : i32
    %dma_wait3A_254 = tpu.memref_slice %arg6[%dma_wait3A_248, %dma_wait3A_253] : memref<125x80xi32, #tpu.memory_space<vmem>> -> memref<1x80xi32, #tpu.memory_space<vmem>>
    %dma_wait3A_255 = tpu.memref_squeeze %dma_wait3A_254 : memref<1x80xi32, #tpu.memory_space<vmem>> -> memref<80xi32, #tpu.memory_space<vmem>>
    %dma_wait3A_256 = arith.constant 0 : i32
    %dma_wait3A_257 = arith.constant 0 : i32
    %dma_wait3A_258 = tpu.memref_slice %arg10[%dma_wait3A_256, %dma_wait3A_257] : memref<10000x64xf32, #tpu.memory_space<vmem_shared>> -> memref<10000x64xf32, #tpu.memory_space<vmem_shared>>
    tpu.wait_indirect_dma semaphore(%arg12 : memref<!tpu.dma_semaphore, #tpu.memory_space<semaphore_mem>>) src(%dma_wait3A_252 : memref<80x64xf32, #tpu.memory_space<vmem>>) dst(%dma_wait3A_258 : memref<10000x64xf32, #tpu.memory_space<vmem_shared>>)
    %dma_wait3A_259 = arith.constant 4 : i32
    %dma_wait3A_260 = arith.constant 124 : i32
    %dma_wait3A_261 = arith.constant 0 : i32
    %dma_wait3A_262 = arith.constant 0 : i32
    %dma_wait3A_263 = tpu.memref_slice %arg7[%dma_wait3A_259, %dma_wait3A_261, %dma_wait3A_262] : memref<5x80x64xf32, #tpu.memory_space<vmem>> -> memref<1x80x64xf32, #tpu.memory_space<vmem>>
    %dma_wait3A_264 = tpu.memref_squeeze %dma_wait3A_263 : memref<1x80x64xf32, #tpu.memory_space<vmem>> -> memref<80x64xf32, #tpu.memory_space<vmem>>
    %dma_wait3A_265 = arith.constant 0 : i32
    %dma_wait3A_266 = tpu.memref_slice %arg6[%dma_wait3A_260, %dma_wait3A_265] : memref<125x80xi32, #tpu.memory_space<vmem>> -> memref<1x80xi32, #tpu.memory_space<vmem>>
    %dma_wait3A_267 = tpu.memref_squeeze %dma_wait3A_266 : memref<1x80xi32, #tpu.memory_space<vmem>> -> memref<80xi32, #tpu.memory_space<vmem>>
    %dma_wait3A_268 = arith.constant 0 : i32
    %dma_wait3A_269 = arith.constant 0 : i32
    %dma_wait3A_270 = tpu.memref_slice %arg10[%dma_wait3A_268, %dma_wait3A_269] : memref<10000x64xf32, #tpu.memory_space<vmem_shared>> -> memref<10000x64xf32, #tpu.memory_space<vmem_shared>>
    tpu.wait_indirect_dma semaphore(%arg12 : memref<!tpu.dma_semaphore, #tpu.memory_space<semaphore_mem>>) src(%dma_wait3A_264 : memref<80x64xf32, #tpu.memory_space<vmem>>) dst(%dma_wait3A_270 : memref<10000x64xf32, #tpu.memory_space<vmem_shared>>)
    %barrier3A_271 = arith.constant 0 : index
    tpu.barrier barrier_id(%barrier3A_271)
    %mul3A_272 = arith.constant 625 : i32
    %mul3A_273 = arith.muli %arg1, %mul3A_272 : i32
    %mul3A_274 = arith.constant 625 : i32
    %mul3A_275 = arith.muli %arg1, %mul3A_274 : i32
    "tpu.region"() ({
      %run_scoped3A_276 = tpu.sem_alloc : memref<!tpu.dma_semaphore, #tpu.memory_space<semaphore_mem>>
      %dma_start3A_277 = arith.constant 0 : i32
      %dma_start3A_278 = tpu.memref_slice %arg4[%arg0, %mul3A_275, %dma_start3A_277] : memref<2x10000x64xf32, #tpu.memory_space<hbm>> -> memref<1x625x64xf32, #tpu.memory_space<hbm>>
      %dma_start3A_279 = tpu.memref_squeeze %dma_start3A_278 : memref<1x625x64xf32, #tpu.memory_space<hbm>> -> memref<625x64xf32, #tpu.memory_space<hbm>>
      %dma_start3A_280 = arith.constant 0 : i32
      %dma_start3A_281 = tpu.memref_slice %arg10[%mul3A_273, %dma_start3A_280] : memref<10000x64xf32, #tpu.memory_space<vmem_shared>> -> memref<625x64xf32, #tpu.memory_space<vmem_shared>>
      tpu.enqueue_dma source(%dma_start3A_281 : memref<625x64xf32, #tpu.memory_space<vmem_shared>>) target(%dma_start3A_279 : memref<625x64xf32, #tpu.memory_space<hbm>>) target_semaphore(%run_scoped3A_276 : memref<!tpu.dma_semaphore, #tpu.memory_space<semaphore_mem>>)
      %dma_wait3A_282 = arith.constant 0 : i32
      %dma_wait3A_283 = tpu.memref_slice %arg4[%arg0, %mul3A_275, %dma_wait3A_282] : memref<2x10000x64xf32, #tpu.memory_space<hbm>> -> memref<1x625x64xf32, #tpu.memory_space<hbm>>
      %dma_wait3A_284 = tpu.memref_squeeze %dma_wait3A_283 : memref<1x625x64xf32, #tpu.memory_space<hbm>> -> memref<625x64xf32, #tpu.memory_space<hbm>>
      %dma_wait3A_285 = arith.constant 0 : i32
      %dma_wait3A_286 = tpu.memref_slice %arg10[%mul3A_273, %dma_wait3A_285] : memref<10000x64xf32, #tpu.memory_space<vmem_shared>> -> memref<625x64xf32, #tpu.memory_space<vmem_shared>>
      tpu.wait_dma2 semaphore(%run_scoped3A_276 : memref<!tpu.dma_semaphore, #tpu.memory_space<semaphore_mem>>) src(%dma_wait3A_286 : memref<625x64xf32, #tpu.memory_space<vmem_shared>>) dst(%dma_wait3A_284 : memref<625x64xf32, #tpu.memory_space<hbm>>)
      tpu.yield
    }) : () -> ()
    return
  }
}

#map = affine_map<(d0, d1) -> (0, 0, 0, 0)>
#map1 = affine_map<(d0, d1) -> (0, 0, 0)>
module attributes {stable_mosaic.version = 14 : i64} {
  func.func @_deg_kernel(%arg0: i32, %arg1: i32, %arg2: memref<2x32x125x80xi32, #tpu.memory_space<hbm>>, %arg3: memref<2x10000x16xf32, #tpu.memory_space<hbm>>, %arg4: memref<125x80xi32, #tpu.memory_space<vmem>>, %arg5: memref<80x16xf32, #tpu.memory_space<vmem>>, %arg6: memref<625x16xf32, #tpu.memory_space<vmem>>, %arg7: memref<10000x16xf32, #tpu.memory_space<vmem_shared>>, %arg8: memref<!tpu.dma_semaphore, #tpu.memory_space<semaphore_mem>>) attributes {dimension_semantics = [#tpu.dimension_semantics<core_parallel>, #tpu.dimension_semantics<subcore_parallel>], iteration_bounds = array<i64: 2, 16>, scalar_prefetch = 0 : i64, scratch_operands = 5 : i64, tpu.core_type = #tpu.core_type<sc_vector_subcore>, window_params = [{transform_indices = #map}, {transform_indices = #map1}]} {
    %mul3A = arith.constant 16 : i32
    %mul3A_0 = arith.muli %arg0, %mul3A : i32
    %add3A = arith.addi %mul3A_0, %arg1 : i32
    %scan3A = arith.constant 0 : i32
    %scan3A_1 = arith.constant 0 : i32
    %scan3A_2 = arith.constant 625 : i32
    %scan3A_3 = arith.addi %scan3A_1, %scan3A_2 : i32
    %scan3A_4 = arith.constant 1 : i32
    scf.for %scan3A_25 = %scan3A_1 to %scan3A_3 step %scan3A_4  : i32 {
      %broadcast_in_dim3A = arith.constant 0.000000e+00 : f32
      %broadcast_in_dim3A_26 = vector.broadcast %broadcast_in_dim3A : f32 to vector<16xf32>
      %swap3A = arith.index_cast %scan3A_25 : i32 to index
      %swap3A_27 = arith.constant 0 : index
      %swap3A_28 = tpu.vector_load %arg6[%swap3A, %swap3A_27] {strides = array<i32>} : memref<625x16xf32, #tpu.memory_space<vmem>>, vector<16xf32>,
      tpu.vector_store %arg6[%swap3A, %swap3A_27], %broadcast_in_dim3A_26 {strides = array<i32>} : memref<625x16xf32, #tpu.memory_space<vmem>>, vector<16xf32>,
    }
    %scan3A_5 = arith.constant 625 : i32
    %scan3A_6 = arith.constant 0 : i32
    %scan3A_7 = arith.constant 0 : i32
    %scan3A_8 = arith.constant 80 : i32
    %scan3A_9 = arith.addi %scan3A_7, %scan3A_8 : i32
    %scan3A_10 = arith.constant 1 : i32
    scf.for %scan3A_25 = %scan3A_7 to %scan3A_9 step %scan3A_10  : i32 {
      %broadcast_in_dim3A = arith.constant 1.000000e+00 : f32
      %broadcast_in_dim3A_26 = vector.broadcast %broadcast_in_dim3A : f32 to vector<16xf32>
      %swap3A = arith.index_cast %scan3A_25 : i32 to index
      %swap3A_27 = arith.constant 0 : index
      %swap3A_28 = tpu.vector_load %arg5[%swap3A, %swap3A_27] {strides = array<i32>} : memref<80x16xf32, #tpu.memory_space<vmem>>, vector<16xf32>,
      tpu.vector_store %arg5[%swap3A, %swap3A_27], %broadcast_in_dim3A_26 {strides = array<i32>} : memref<80x16xf32, #tpu.memory_space<vmem>>, vector<16xf32>,
    }
    %scan3A_11 = arith.constant 80 : i32
    %run_scoped3A = arith.constant 1 : i32
    "tpu.region"() ({
      %run_scoped3A_25 = tpu.sem_alloc : memref<!tpu.dma_semaphore, #tpu.memory_space<semaphore_mem>>
      %dma_start3A = arith.constant 0 : i32
      %dma_start3A_26 = arith.constant 0 : i32
      %dma_start3A_27 = tpu.memref_slice %arg2[%run_scoped3A, %add3A, %dma_start3A, %dma_start3A_26] : memref<2x32x125x80xi32, #tpu.memory_space<hbm>> -> memref<1x1x125x80xi32, #tpu.memory_space<hbm>>
      %dma_start3A_28 = tpu.memref_squeeze %dma_start3A_27 : memref<1x1x125x80xi32, #tpu.memory_space<hbm>> -> memref<125x80xi32, #tpu.memory_space<hbm>>
      %dma_start3A_29 = arith.constant 0 : i32
      %dma_start3A_30 = arith.constant 0 : i32
      %dma_start3A_31 = tpu.memref_slice %arg2[%run_scoped3A, %add3A, %dma_start3A_29, %dma_start3A_30] : memref<2x32x125x80xi32, #tpu.memory_space<hbm>> -> memref<1x1x125x80xi32, #tpu.memory_space<hbm>>
      %dma_start3A_32 = tpu.memref_squeeze %dma_start3A_31 : memref<1x1x125x80xi32, #tpu.memory_space<hbm>> -> memref<125x80xi32, #tpu.memory_space<hbm>>
      tpu.enqueue_dma source(%dma_start3A_32 : memref<125x80xi32, #tpu.memory_space<hbm>>) target(%arg4 : memref<125x80xi32, #tpu.memory_space<vmem>>) target_semaphore(%run_scoped3A_25 : memref<!tpu.dma_semaphore, #tpu.memory_space<semaphore_mem>>)
      %dma_wait3A = arith.constant 0 : i32
      %dma_wait3A_33 = arith.constant 0 : i32
      %dma_wait3A_34 = tpu.memref_slice %arg2[%run_scoped3A, %add3A, %dma_wait3A, %dma_wait3A_33] : memref<2x32x125x80xi32, #tpu.memory_space<hbm>> -> memref<1x1x125x80xi32, #tpu.memory_space<hbm>>
      %dma_wait3A_35 = tpu.memref_squeeze %dma_wait3A_34 : memref<1x1x125x80xi32, #tpu.memory_space<hbm>> -> memref<125x80xi32, #tpu.memory_space<hbm>>
      %dma_wait3A_36 = arith.constant 0 : i32
      %dma_wait3A_37 = arith.constant 0 : i32
      %dma_wait3A_38 = tpu.memref_slice %arg2[%run_scoped3A, %add3A, %dma_wait3A_36, %dma_wait3A_37] : memref<2x32x125x80xi32, #tpu.memory_space<hbm>> -> memref<1x1x125x80xi32, #tpu.memory_space<hbm>>
      %dma_wait3A_39 = tpu.memref_squeeze %dma_wait3A_38 : memref<1x1x125x80xi32, #tpu.memory_space<hbm>> -> memref<125x80xi32, #tpu.memory_space<hbm>>
      tpu.wait_dma2 semaphore(%run_scoped3A_25 : memref<!tpu.dma_semaphore, #tpu.memory_space<semaphore_mem>>) src(%dma_wait3A_39 : memref<125x80xi32, #tpu.memory_space<hbm>>) dst(%arg4 : memref<125x80xi32, #tpu.memory_space<vmem>>)
      tpu.yield
    }) : () -> ()
    %mul3A_12 = arith.constant 625 : i32
    %mul3A_13 = arith.muli %arg1, %mul3A_12 : i32
    "tpu.region"() ({
      %run_scoped3A_25 = tpu.sem_alloc : memref<!tpu.dma_semaphore, #tpu.memory_space<semaphore_mem>>
      %dma_start3A = arith.constant 0 : i32
      %dma_start3A_26 = tpu.memref_slice %arg7[%mul3A_13, %dma_start3A] : memref<10000x16xf32, #tpu.memory_space<vmem_shared>> -> memref<625x16xf32, #tpu.memory_space<vmem_shared>>
      %dma_start3A_27 = arith.constant 0 : i32
      %dma_start3A_28 = tpu.memref_slice %arg7[%mul3A_13, %dma_start3A_27] : memref<10000x16xf32, #tpu.memory_space<vmem_shared>> -> memref<625x16xf32, #tpu.memory_space<vmem_shared>>
      tpu.enqueue_dma source(%arg6 : memref<625x16xf32, #tpu.memory_space<vmem>>) target(%dma_start3A_28 : memref<625x16xf32, #tpu.memory_space<vmem_shared>>) target_semaphore(%run_scoped3A_25 : memref<!tpu.dma_semaphore, #tpu.memory_space<semaphore_mem>>)
      %dma_wait3A = arith.constant 0 : i32
      %dma_wait3A_29 = tpu.memref_slice %arg7[%mul3A_13, %dma_wait3A] : memref<10000x16xf32, #tpu.memory_space<vmem_shared>> -> memref<625x16xf32, #tpu.memory_space<vmem_shared>>
      %dma_wait3A_30 = arith.constant 0 : i32
      %dma_wait3A_31 = tpu.memref_slice %arg7[%mul3A_13, %dma_wait3A_30] : memref<10000x16xf32, #tpu.memory_space<vmem_shared>> -> memref<625x16xf32, #tpu.memory_space<vmem_shared>>
      tpu.wait_dma2 semaphore(%run_scoped3A_25 : memref<!tpu.dma_semaphore, #tpu.memory_space<semaphore_mem>>) src(%arg6 : memref<625x16xf32, #tpu.memory_space<vmem>>) dst(%dma_wait3A_31 : memref<625x16xf32, #tpu.memory_space<vmem_shared>>)
      tpu.yield
    }) : () -> ()
    %barrier3A = arith.constant 0 : index
    tpu.barrier barrier_id(%barrier3A)
    %scan3A_14 = arith.constant 0 : i32
    %scan3A_15 = arith.constant 0 : i32
    %scan3A_16 = arith.constant 25 : i32
    %scan3A_17 = arith.addi %scan3A_15, %scan3A_16 : i32
    %scan3A_18 = arith.constant 1 : i32
    scf.for %scan3A_25 = %scan3A_15 to %scan3A_17 step %scan3A_18  : i32 {
      %mul3A_26 = arith.constant 5 : i32
      %mul3A_27 = arith.muli %scan3A_25, %mul3A_26 : i32
      %add3A_28 = arith.constant 0 : i32
      %add3A_29 = arith.addi %mul3A_27, %add3A_28 : i32
      %dma_start3A = arith.constant 0 : i32
      %dma_start3A_30 = tpu.memref_slice %arg4[%add3A_29, %dma_start3A] : memref<125x80xi32, #tpu.memory_space<vmem>> -> memref<1x80xi32, #tpu.memory_space<vmem>>
      %dma_start3A_31 = tpu.memref_squeeze %dma_start3A_30 : memref<1x80xi32, #tpu.memory_space<vmem>> -> memref<80xi32, #tpu.memory_space<vmem>>
      %dma_start3A_32 = arith.constant 0 : i32
      %dma_start3A_33 = arith.constant 0 : i32
      %dma_start3A_34 = tpu.memref_slice %arg7[%dma_start3A_32, %dma_start3A_33] : memref<10000x16xf32, #tpu.memory_space<vmem_shared>> -> memref<10000x16xf32, #tpu.memory_space<vmem_shared>>
      tpu.enqueue_indirect_dma source(%arg5 : memref<80x16xf32, #tpu.memory_space<vmem>>) target(%dma_start3A_34 : memref<10000x16xf32, #tpu.memory_space<vmem_shared>>) offsets(%dma_start3A_31 : memref<80xi32, #tpu.memory_space<vmem>>) semaphore(%arg8 : memref<!tpu.dma_semaphore, #tpu.memory_space<semaphore_mem>>) {add = true}
      %mul3A_35 = arith.constant 5 : i32
      %mul3A_36 = arith.muli %scan3A_25, %mul3A_35 : i32
      %add3A_37 = arith.constant 1 : i32
      %add3A_38 = arith.addi %mul3A_36, %add3A_37 : i32
      %dma_start3A_39 = arith.constant 0 : i32
      %dma_start3A_40 = tpu.memref_slice %arg4[%add3A_38, %dma_start3A_39] : memref<125x80xi32, #tpu.memory_space<vmem>> -> memref<1x80xi32, #tpu.memory_space<vmem>>
      %dma_start3A_41 = tpu.memref_squeeze %dma_start3A_40 : memref<1x80xi32, #tpu.memory_space<vmem>> -> memref<80xi32, #tpu.memory_space<vmem>>
      %dma_start3A_42 = arith.constant 0 : i32
      %dma_start3A_43 = arith.constant 0 : i32
      %dma_start3A_44 = tpu.memref_slice %arg7[%dma_start3A_42, %dma_start3A_43] : memref<10000x16xf32, #tpu.memory_space<vmem_shared>> -> memref<10000x16xf32, #tpu.memory_space<vmem_shared>>
      tpu.enqueue_indirect_dma source(%arg5 : memref<80x16xf32, #tpu.memory_space<vmem>>) target(%dma_start3A_44 : memref<10000x16xf32, #tpu.memory_space<vmem_shared>>) offsets(%dma_start3A_41 : memref<80xi32, #tpu.memory_space<vmem>>) semaphore(%arg8 : memref<!tpu.dma_semaphore, #tpu.memory_space<semaphore_mem>>) {add = true}
      %mul3A_45 = arith.constant 5 : i32
      %mul3A_46 = arith.muli %scan3A_25, %mul3A_45 : i32
      %add3A_47 = arith.constant 2 : i32
      %add3A_48 = arith.addi %mul3A_46, %add3A_47 : i32
      %dma_start3A_49 = arith.constant 0 : i32
      %dma_start3A_50 = tpu.memref_slice %arg4[%add3A_48, %dma_start3A_49] : memref<125x80xi32, #tpu.memory_space<vmem>> -> memref<1x80xi32, #tpu.memory_space<vmem>>
      %dma_start3A_51 = tpu.memref_squeeze %dma_start3A_50 : memref<1x80xi32, #tpu.memory_space<vmem>> -> memref<80xi32, #tpu.memory_space<vmem>>
      %dma_start3A_52 = arith.constant 0 : i32
      %dma_start3A_53 = arith.constant 0 : i32
      %dma_start3A_54 = tpu.memref_slice %arg7[%dma_start3A_52, %dma_start3A_53] : memref<10000x16xf32, #tpu.memory_space<vmem_shared>> -> memref<10000x16xf32, #tpu.memory_space<vmem_shared>>
      tpu.enqueue_indirect_dma source(%arg5 : memref<80x16xf32, #tpu.memory_space<vmem>>) target(%dma_start3A_54 : memref<10000x16xf32, #tpu.memory_space<vmem_shared>>) offsets(%dma_start3A_51 : memref<80xi32, #tpu.memory_space<vmem>>) semaphore(%arg8 : memref<!tpu.dma_semaphore, #tpu.memory_space<semaphore_mem>>) {add = true}
      %mul3A_55 = arith.constant 5 : i32
      %mul3A_56 = arith.muli %scan3A_25, %mul3A_55 : i32
      %add3A_57 = arith.constant 3 : i32
      %add3A_58 = arith.addi %mul3A_56, %add3A_57 : i32
      %dma_start3A_59 = arith.constant 0 : i32
      %dma_start3A_60 = tpu.memref_slice %arg4[%add3A_58, %dma_start3A_59] : memref<125x80xi32, #tpu.memory_space<vmem>> -> memref<1x80xi32, #tpu.memory_space<vmem>>
      %dma_start3A_61 = tpu.memref_squeeze %dma_start3A_60 : memref<1x80xi32, #tpu.memory_space<vmem>> -> memref<80xi32, #tpu.memory_space<vmem>>
      %dma_start3A_62 = arith.constant 0 : i32
      %dma_start3A_63 = arith.constant 0 : i32
      %dma_start3A_64 = tpu.memref_slice %arg7[%dma_start3A_62, %dma_start3A_63] : memref<10000x16xf32, #tpu.memory_space<vmem_shared>> -> memref<10000x16xf32, #tpu.memory_space<vmem_shared>>
      tpu.enqueue_indirect_dma source(%arg5 : memref<80x16xf32, #tpu.memory_space<vmem>>) target(%dma_start3A_64 : memref<10000x16xf32, #tpu.memory_space<vmem_shared>>) offsets(%dma_start3A_61 : memref<80xi32, #tpu.memory_space<vmem>>) semaphore(%arg8 : memref<!tpu.dma_semaphore, #tpu.memory_space<semaphore_mem>>) {add = true}
      %mul3A_65 = arith.constant 5 : i32
      %mul3A_66 = arith.muli %scan3A_25, %mul3A_65 : i32
      %add3A_67 = arith.constant 4 : i32
      %add3A_68 = arith.addi %mul3A_66, %add3A_67 : i32
      %dma_start3A_69 = arith.constant 0 : i32
      %dma_start3A_70 = tpu.memref_slice %arg4[%add3A_68, %dma_start3A_69] : memref<125x80xi32, #tpu.memory_space<vmem>> -> memref<1x80xi32, #tpu.memory_space<vmem>>
      %dma_start3A_71 = tpu.memref_squeeze %dma_start3A_70 : memref<1x80xi32, #tpu.memory_space<vmem>> -> memref<80xi32, #tpu.memory_space<vmem>>
      %dma_start3A_72 = arith.constant 0 : i32
      %dma_start3A_73 = arith.constant 0 : i32
      %dma_start3A_74 = tpu.memref_slice %arg7[%dma_start3A_72, %dma_start3A_73] : memref<10000x16xf32, #tpu.memory_space<vmem_shared>> -> memref<10000x16xf32, #tpu.memory_space<vmem_shared>>
      tpu.enqueue_indirect_dma source(%arg5 : memref<80x16xf32, #tpu.memory_space<vmem>>) target(%dma_start3A_74 : memref<10000x16xf32, #tpu.memory_space<vmem_shared>>) offsets(%dma_start3A_71 : memref<80xi32, #tpu.memory_space<vmem>>) semaphore(%arg8 : memref<!tpu.dma_semaphore, #tpu.memory_space<semaphore_mem>>) {add = true}
      %dma_wait3A = arith.constant 0 : i32
      %dma_wait3A_75 = tpu.memref_slice %arg4[%add3A_29, %dma_wait3A] : memref<125x80xi32, #tpu.memory_space<vmem>> -> memref<1x80xi32, #tpu.memory_space<vmem>>
      %dma_wait3A_76 = tpu.memref_squeeze %dma_wait3A_75 : memref<1x80xi32, #tpu.memory_space<vmem>> -> memref<80xi32, #tpu.memory_space<vmem>>
      %dma_wait3A_77 = arith.constant 0 : i32
      %dma_wait3A_78 = arith.constant 0 : i32
      %dma_wait3A_79 = tpu.memref_slice %arg7[%dma_wait3A_77, %dma_wait3A_78] : memref<10000x16xf32, #tpu.memory_space<vmem_shared>> -> memref<10000x16xf32, #tpu.memory_space<vmem_shared>>
      tpu.wait_indirect_dma semaphore(%arg8 : memref<!tpu.dma_semaphore, #tpu.memory_space<semaphore_mem>>) src(%arg5 : memref<80x16xf32, #tpu.memory_space<vmem>>) dst(%dma_wait3A_79 : memref<10000x16xf32, #tpu.memory_space<vmem_shared>>)
      %dma_wait3A_80 = arith.constant 0 : i32
      %dma_wait3A_81 = tpu.memref_slice %arg4[%add3A_38, %dma_wait3A_80] : memref<125x80xi32, #tpu.memory_space<vmem>> -> memref<1x80xi32, #tpu.memory_space<vmem>>
      %dma_wait3A_82 = tpu.memref_squeeze %dma_wait3A_81 : memref<1x80xi32, #tpu.memory_space<vmem>> -> memref<80xi32, #tpu.memory_space<vmem>>
      %dma_wait3A_83 = arith.constant 0 : i32
      %dma_wait3A_84 = arith.constant 0 : i32
      %dma_wait3A_85 = tpu.memref_slice %arg7[%dma_wait3A_83, %dma_wait3A_84] : memref<10000x16xf32, #tpu.memory_space<vmem_shared>> -> memref<10000x16xf32, #tpu.memory_space<vmem_shared>>
      tpu.wait_indirect_dma semaphore(%arg8 : memref<!tpu.dma_semaphore, #tpu.memory_space<semaphore_mem>>) src(%arg5 : memref<80x16xf32, #tpu.memory_space<vmem>>) dst(%dma_wait3A_85 : memref<10000x16xf32, #tpu.memory_space<vmem_shared>>)
      %dma_wait3A_86 = arith.constant 0 : i32
      %dma_wait3A_87 = tpu.memref_slice %arg4[%add3A_48, %dma_wait3A_86] : memref<125x80xi32, #tpu.memory_space<vmem>> -> memref<1x80xi32, #tpu.memory_space<vmem>>
      %dma_wait3A_88 = tpu.memref_squeeze %dma_wait3A_87 : memref<1x80xi32, #tpu.memory_space<vmem>> -> memref<80xi32, #tpu.memory_space<vmem>>
      %dma_wait3A_89 = arith.constant 0 : i32
      %dma_wait3A_90 = arith.constant 0 : i32
      %dma_wait3A_91 = tpu.memref_slice %arg7[%dma_wait3A_89, %dma_wait3A_90] : memref<10000x16xf32, #tpu.memory_space<vmem_shared>> -> memref<10000x16xf32, #tpu.memory_space<vmem_shared>>
      tpu.wait_indirect_dma semaphore(%arg8 : memref<!tpu.dma_semaphore, #tpu.memory_space<semaphore_mem>>) src(%arg5 : memref<80x16xf32, #tpu.memory_space<vmem>>) dst(%dma_wait3A_91 : memref<10000x16xf32, #tpu.memory_space<vmem_shared>>)
      %dma_wait3A_92 = arith.constant 0 : i32
      %dma_wait3A_93 = tpu.memref_slice %arg4[%add3A_58, %dma_wait3A_92] : memref<125x80xi32, #tpu.memory_space<vmem>> -> memref<1x80xi32, #tpu.memory_space<vmem>>
      %dma_wait3A_94 = tpu.memref_squeeze %dma_wait3A_93 : memref<1x80xi32, #tpu.memory_space<vmem>> -> memref<80xi32, #tpu.memory_space<vmem>>
      %dma_wait3A_95 = arith.constant 0 : i32
      %dma_wait3A_96 = arith.constant 0 : i32
      %dma_wait3A_97 = tpu.memref_slice %arg7[%dma_wait3A_95, %dma_wait3A_96] : memref<10000x16xf32, #tpu.memory_space<vmem_shared>> -> memref<10000x16xf32, #tpu.memory_space<vmem_shared>>
      tpu.wait_indirect_dma semaphore(%arg8 : memref<!tpu.dma_semaphore, #tpu.memory_space<semaphore_mem>>) src(%arg5 : memref<80x16xf32, #tpu.memory_space<vmem>>) dst(%dma_wait3A_97 : memref<10000x16xf32, #tpu.memory_space<vmem_shared>>)
      %dma_wait3A_98 = arith.constant 0 : i32
      %dma_wait3A_99 = tpu.memref_slice %arg4[%add3A_68, %dma_wait3A_98] : memref<125x80xi32, #tpu.memory_space<vmem>> -> memref<1x80xi32, #tpu.memory_space<vmem>>
      %dma_wait3A_100 = tpu.memref_squeeze %dma_wait3A_99 : memref<1x80xi32, #tpu.memory_space<vmem>> -> memref<80xi32, #tpu.memory_space<vmem>>
      %dma_wait3A_101 = arith.constant 0 : i32
      %dma_wait3A_102 = arith.constant 0 : i32
      %dma_wait3A_103 = tpu.memref_slice %arg7[%dma_wait3A_101, %dma_wait3A_102] : memref<10000x16xf32, #tpu.memory_space<vmem_shared>> -> memref<10000x16xf32, #tpu.memory_space<vmem_shared>>
      tpu.wait_indirect_dma semaphore(%arg8 : memref<!tpu.dma_semaphore, #tpu.memory_space<semaphore_mem>>) src(%arg5 : memref<80x16xf32, #tpu.memory_space<vmem>>) dst(%dma_wait3A_103 : memref<10000x16xf32, #tpu.memory_space<vmem_shared>>)
    }
    %scan3A_19 = arith.constant 25 : i32
    %barrier3A_20 = arith.constant 0 : index
    tpu.barrier barrier_id(%barrier3A_20)
    %mul3A_21 = arith.constant 625 : i32
    %mul3A_22 = arith.muli %arg1, %mul3A_21 : i32
    %mul3A_23 = arith.constant 625 : i32
    %mul3A_24 = arith.muli %arg1, %mul3A_23 : i32
    "tpu.region"() ({
      %run_scoped3A_25 = tpu.sem_alloc : memref<!tpu.dma_semaphore, #tpu.memory_space<semaphore_mem>>
      %dma_start3A = arith.constant 0 : i32
      %dma_start3A_26 = tpu.memref_slice %arg3[%arg0, %mul3A_24, %dma_start3A] : memref<2x10000x16xf32, #tpu.memory_space<hbm>> -> memref<1x625x16xf32, #tpu.memory_space<hbm>>
      %dma_start3A_27 = tpu.memref_squeeze %dma_start3A_26 : memref<1x625x16xf32, #tpu.memory_space<hbm>> -> memref<625x16xf32, #tpu.memory_space<hbm>>
      %dma_start3A_28 = arith.constant 0 : i32
      %dma_start3A_29 = tpu.memref_slice %arg7[%mul3A_22, %dma_start3A_28] : memref<10000x16xf32, #tpu.memory_space<vmem_shared>> -> memref<625x16xf32, #tpu.memory_space<vmem_shared>>
      tpu.enqueue_dma source(%dma_start3A_29 : memref<625x16xf32, #tpu.memory_space<vmem_shared>>) target(%dma_start3A_27 : memref<625x16xf32, #tpu.memory_space<hbm>>) target_semaphore(%run_scoped3A_25 : memref<!tpu.dma_semaphore, #tpu.memory_space<semaphore_mem>>)
      %dma_wait3A = arith.constant 0 : i32
      %dma_wait3A_30 = tpu.memref_slice %arg3[%arg0, %mul3A_24, %dma_wait3A] : memref<2x10000x16xf32, #tpu.memory_space<hbm>> -> memref<1x625x16xf32, #tpu.memory_space<hbm>>
      %dma_wait3A_31 = tpu.memref_squeeze %dma_wait3A_30 : memref<1x625x16xf32, #tpu.memory_space<hbm>> -> memref<625x16xf32, #tpu.memory_space<hbm>>
      %dma_wait3A_32 = arith.constant 0 : i32
      %dma_wait3A_33 = tpu.memref_slice %arg7[%mul3A_22, %dma_wait3A_32] : memref<10000x16xf32, #tpu.memory_space<vmem_shared>> -> memref<625x16xf32, #tpu.memory_space<vmem_shared>>
      tpu.wait_dma2 semaphore(%run_scoped3A_25 : memref<!tpu.dma_semaphore, #tpu.memory_space<semaphore_mem>>) src(%dma_wait3A_33 : memref<625x16xf32, #tpu.memory_space<vmem_shared>>) dst(%dma_wait3A_31 : memref<625x16xf32, #tpu.memory_space<hbm>>)
      tpu.yield
    }) : () -> ()
    return
  }
}

#map = affine_map<(d0, d1) -> (0, 0, 0)>
#map1 = affine_map<(d0, d1) -> (0, 0)>
#map2 = affine_map<(d0, d1) -> (0)>
#map3 = affine_map<(d0, d1) -> (0, 0, 0, 0)>
module attributes {stable_mosaic.version = 14 : i64} {
  func.func @_logits_kernel(%arg0: i32, %arg1: i32, %arg2: memref<2x10000x64xf32, #tpu.memory_space<hbm>>, %arg3: memref<10000x64xf32, #tpu.memory_space<hbm>>, %arg4: memref<2x10000x16xf32, #tpu.memory_space<hbm>>, %arg5: memref<64xf32, #tpu.memory_space<hbm>>, %arg6: memref<2x32x125x80xi32, #tpu.memory_space<hbm>>, %arg7: memref<320000xf32, #tpu.memory_space<hbm>>, %arg8: memref<125x80xi32, #tpu.memory_space<vmem>>, %arg9: memref<125x80xi32, #tpu.memory_space<vmem>>, %arg10: memref<80x32xi32, #tpu.memory_space<vmem>>, %arg11: memref<80x32xi32, #tpu.memory_space<vmem>>, %arg12: memref<80x32xi32, #tpu.memory_space<vmem>>, %arg13: memref<80x32xi32, #tpu.memory_space<vmem>>, %arg14: memref<2x80xf32, #tpu.memory_space<vmem>>, %arg15: memref<125x64xf32, #tpu.memory_space<vmem>>, %arg16: memref<125x64xf32, #tpu.memory_space<vmem>>, %arg17: memref<125x64xf32, #tpu.memory_space<vmem>>, %arg18: memref<125x32xi32, #tpu.memory_space<vmem>>, %arg19: memref<125x16xf32, #tpu.memory_space<vmem>>, %arg20: memref<125x16xf32, #tpu.memory_space<vmem>>, %arg21: memref<64xf32, #tpu.memory_space<vmem>>, %arg22: memref<10000x32xi32, #tpu.memory_space<vmem_shared>>, %arg23: memref<!tpu.dma_semaphore, #tpu.memory_space<semaphore_mem>>, %arg24: memref<!tpu.dma_semaphore, #tpu.memory_space<semaphore_mem>>) attributes {dimension_semantics = [#tpu.dimension_semantics<core_parallel>, #tpu.dimension_semantics<subcore_parallel>], iteration_bounds = array<i64: 2, 16>, scalar_prefetch = 0 : i64, scratch_operands = 17 : i64, tpu.core_type = #tpu.core_type<sc_vector_subcore>, window_params = [{transform_indices = #map}, {transform_indices = #map1}, {transform_indices = #map}, {transform_indices = #map2}, {transform_indices = #map3}, {transform_indices = #map2}]} {
    %mul3A = arith.constant 16 : i32
    %mul3A_0 = arith.muli %arg0, %mul3A : i32
    %add3A = arith.addi %mul3A_0, %arg1 : i32
    %run_scoped3A = arith.constant 0 : i32
    "tpu.region"() ({
      %run_scoped3A_482 = tpu.sem_alloc : memref<!tpu.dma_semaphore, #tpu.memory_space<semaphore_mem>>
      %dma_start3A_483 = arith.constant 0 : i32
      %dma_start3A_484 = arith.constant 0 : i32
      %dma_start3A_485 = tpu.memref_slice %arg6[%run_scoped3A, %add3A, %dma_start3A_483, %dma_start3A_484] : memref<2x32x125x80xi32, #tpu.memory_space<hbm>> -> memref<1x1x125x80xi32, #tpu.memory_space<hbm>>
      %dma_start3A_486 = tpu.memref_squeeze %dma_start3A_485 : memref<1x1x125x80xi32, #tpu.memory_space<hbm>> -> memref<125x80xi32, #tpu.memory_space<hbm>>
      %dma_start3A_487 = arith.constant 0 : i32
      %dma_start3A_488 = arith.constant 0 : i32
      %dma_start3A_489 = tpu.memref_slice %arg6[%run_scoped3A, %add3A, %dma_start3A_487, %dma_start3A_488] : memref<2x32x125x80xi32, #tpu.memory_space<hbm>> -> memref<1x1x125x80xi32, #tpu.memory_space<hbm>>
      %dma_start3A_490 = tpu.memref_squeeze %dma_start3A_489 : memref<1x1x125x80xi32, #tpu.memory_space<hbm>> -> memref<125x80xi32, #tpu.memory_space<hbm>>
      tpu.enqueue_dma source(%dma_start3A_490 : memref<125x80xi32, #tpu.memory_space<hbm>>) target(%arg8 : memref<125x80xi32, #tpu.memory_space<vmem>>) target_semaphore(%run_scoped3A_482 : memref<!tpu.dma_semaphore, #tpu.memory_space<semaphore_mem>>)
      %dma_wait3A_491 = arith.constant 0 : i32
      %dma_wait3A_492 = arith.constant 0 : i32
      %dma_wait3A_493 = tpu.memref_slice %arg6[%run_scoped3A, %add3A, %dma_wait3A_491, %dma_wait3A_492] : memref<2x32x125x80xi32, #tpu.memory_space<hbm>> -> memref<1x1x125x80xi32, #tpu.memory_space<hbm>>
      %dma_wait3A_494 = tpu.memref_squeeze %dma_wait3A_493 : memref<1x1x125x80xi32, #tpu.memory_space<hbm>> -> memref<125x80xi32, #tpu.memory_space<hbm>>
      %dma_wait3A_495 = arith.constant 0 : i32
      %dma_wait3A_496 = arith.constant 0 : i32
      %dma_wait3A_497 = tpu.memref_slice %arg6[%run_scoped3A, %add3A, %dma_wait3A_495, %dma_wait3A_496] : memref<2x32x125x80xi32, #tpu.memory_space<hbm>> -> memref<1x1x125x80xi32, #tpu.memory_space<hbm>>
      %dma_wait3A_498 = tpu.memref_squeeze %dma_wait3A_497 : memref<1x1x125x80xi32, #tpu.memory_space<hbm>> -> memref<125x80xi32, #tpu.memory_space<hbm>>
      tpu.wait_dma2 semaphore(%run_scoped3A_482 : memref<!tpu.dma_semaphore, #tpu.memory_space<semaphore_mem>>) src(%dma_wait3A_498 : memref<125x80xi32, #tpu.memory_space<hbm>>) dst(%arg8 : memref<125x80xi32, #tpu.memory_space<vmem>>)
      tpu.yield
    }) : () -> ()
    %run_scoped3A_1 = arith.constant 1 : i32
    "tpu.region"() ({
      %run_scoped3A_482 = tpu.sem_alloc : memref<!tpu.dma_semaphore, #tpu.memory_space<semaphore_mem>>
      %dma_start3A_483 = arith.constant 0 : i32
      %dma_start3A_484 = arith.constant 0 : i32
      %dma_start3A_485 = tpu.memref_slice %arg6[%run_scoped3A_1, %add3A, %dma_start3A_483, %dma_start3A_484] : memref<2x32x125x80xi32, #tpu.memory_space<hbm>> -> memref<1x1x125x80xi32, #tpu.memory_space<hbm>>
      %dma_start3A_486 = tpu.memref_squeeze %dma_start3A_485 : memref<1x1x125x80xi32, #tpu.memory_space<hbm>> -> memref<125x80xi32, #tpu.memory_space<hbm>>
      %dma_start3A_487 = arith.constant 0 : i32
      %dma_start3A_488 = arith.constant 0 : i32
      %dma_start3A_489 = tpu.memref_slice %arg6[%run_scoped3A_1, %add3A, %dma_start3A_487, %dma_start3A_488] : memref<2x32x125x80xi32, #tpu.memory_space<hbm>> -> memref<1x1x125x80xi32, #tpu.memory_space<hbm>>
      %dma_start3A_490 = tpu.memref_squeeze %dma_start3A_489 : memref<1x1x125x80xi32, #tpu.memory_space<hbm>> -> memref<125x80xi32, #tpu.memory_space<hbm>>
      tpu.enqueue_dma source(%dma_start3A_490 : memref<125x80xi32, #tpu.memory_space<hbm>>) target(%arg9 : memref<125x80xi32, #tpu.memory_space<vmem>>) target_semaphore(%run_scoped3A_482 : memref<!tpu.dma_semaphore, #tpu.memory_space<semaphore_mem>>)
      %dma_wait3A_491 = arith.constant 0 : i32
      %dma_wait3A_492 = arith.constant 0 : i32
      %dma_wait3A_493 = tpu.memref_slice %arg6[%run_scoped3A_1, %add3A, %dma_wait3A_491, %dma_wait3A_492] : memref<2x32x125x80xi32, #tpu.memory_space<hbm>> -> memref<1x1x125x80xi32, #tpu.memory_space<hbm>>
      %dma_wait3A_494 = tpu.memref_squeeze %dma_wait3A_493 : memref<1x1x125x80xi32, #tpu.memory_space<hbm>> -> memref<125x80xi32, #tpu.memory_space<hbm>>
      %dma_wait3A_495 = arith.constant 0 : i32
      %dma_wait3A_496 = arith.constant 0 : i32
      %dma_wait3A_497 = tpu.memref_slice %arg6[%run_scoped3A_1, %add3A, %dma_wait3A_495, %dma_wait3A_496] : memref<2x32x125x80xi32, #tpu.memory_space<hbm>> -> memref<1x1x125x80xi32, #tpu.memory_space<hbm>>
      %dma_wait3A_498 = tpu.memref_squeeze %dma_wait3A_497 : memref<1x1x125x80xi32, #tpu.memory_space<hbm>> -> memref<125x80xi32, #tpu.memory_space<hbm>>
      tpu.wait_dma2 semaphore(%run_scoped3A_482 : memref<!tpu.dma_semaphore, #tpu.memory_space<semaphore_mem>>) src(%dma_wait3A_498 : memref<125x80xi32, #tpu.memory_space<hbm>>) dst(%arg9 : memref<125x80xi32, #tpu.memory_space<vmem>>)
      tpu.yield
    }) : () -> ()
    "tpu.region"() ({
      %run_scoped3A_482 = tpu.sem_alloc : memref<!tpu.dma_semaphore, #tpu.memory_space<semaphore_mem>>
      tpu.enqueue_dma source(%arg5 : memref<64xf32, #tpu.memory_space<hbm>>) target(%arg21 : memref<64xf32, #tpu.memory_space<vmem>>) target_semaphore(%run_scoped3A_482 : memref<!tpu.dma_semaphore, #tpu.memory_space<semaphore_mem>>)
      tpu.wait_dma2 semaphore(%run_scoped3A_482 : memref<!tpu.dma_semaphore, #tpu.memory_space<semaphore_mem>>) src(%arg5 : memref<64xf32, #tpu.memory_space<hbm>>) dst(%arg21 : memref<64xf32, #tpu.memory_space<vmem>>)
      tpu.yield
    }) : () -> ()
    %iota3A = tpu.iota {dimensions = array<i32: 0>} : vector<16xi32>
    %get3A = arith.constant 0 : index
    %get3A_2 = tpu.vector_load %arg21[%get3A] {strides = array<i32>} : memref<64xf32, #tpu.memory_space<vmem>>, vector<16xf32>,
    %get3A_3 = arith.constant 16 : index
    %get3A_4 = tpu.vector_load %arg21[%get3A_3] {strides = array<i32>} : memref<64xf32, #tpu.memory_space<vmem>>, vector<16xf32>,
    %get3A_5 = arith.constant 32 : index
    %get3A_6 = tpu.vector_load %arg21[%get3A_5] {strides = array<i32>} : memref<64xf32, #tpu.memory_space<vmem>>, vector<16xf32>,
    %get3A_7 = arith.constant 48 : index
    %get3A_8 = tpu.vector_load %arg21[%get3A_7] {strides = array<i32>} : memref<64xf32, #tpu.memory_space<vmem>>, vector<16xf32>,
    %mul3A_9 = arith.constant 625 : i32
    %mul3A_10 = arith.muli %arg1, %mul3A_9 : i32
    %add3A_11 = arith.constant 0 : i32
    %add3A_12 = arith.addi %mul3A_10, %add3A_11 : i32
    %dma_start3A = arith.constant 0 : i32
    %dma_start3A_13 = arith.constant 0 : i32
    %dma_start3A_14 = tpu.memref_slice %arg2[%dma_start3A, %add3A_12, %dma_start3A_13] : memref<2x10000x64xf32, #tpu.memory_space<hbm>> -> memref<1x125x64xf32, #tpu.memory_space<hbm>>
    %dma_start3A_15 = tpu.memref_squeeze %dma_start3A_14 : memref<1x125x64xf32, #tpu.memory_space<hbm>> -> memref<125x64xf32, #tpu.memory_space<hbm>>
    %dma_start3A_16 = arith.constant 0 : i32
    %dma_start3A_17 = tpu.memref_slice %arg2[%dma_start3A, %add3A_12, %dma_start3A_16] : memref<2x10000x64xf32, #tpu.memory_space<hbm>> -> memref<1x125x64xf32, #tpu.memory_space<hbm>>
    %dma_start3A_18 = tpu.memref_squeeze %dma_start3A_17 : memref<1x125x64xf32, #tpu.memory_space<hbm>> -> memref<125x64xf32, #tpu.memory_space<hbm>>
    tpu.enqueue_dma source(%dma_start3A_18 : memref<125x64xf32, #tpu.memory_space<hbm>>) target(%arg15 : memref<125x64xf32, #tpu.memory_space<vmem>>) target_semaphore(%arg23 : memref<!tpu.dma_semaphore, #tpu.memory_space<semaphore_mem>>)
    %dma_start3A_19 = arith.constant 1 : i32
    %dma_start3A_20 = arith.constant 0 : i32
    %dma_start3A_21 = tpu.memref_slice %arg2[%dma_start3A_19, %add3A_12, %dma_start3A_20] : memref<2x10000x64xf32, #tpu.memory_space<hbm>> -> memref<1x125x64xf32, #tpu.memory_space<hbm>>
    %dma_start3A_22 = tpu.memref_squeeze %dma_start3A_21 : memref<1x125x64xf32, #tpu.memory_space<hbm>> -> memref<125x64xf32, #tpu.memory_space<hbm>>
    %dma_start3A_23 = arith.constant 0 : i32
    %dma_start3A_24 = tpu.memref_slice %arg2[%dma_start3A_19, %add3A_12, %dma_start3A_23] : memref<2x10000x64xf32, #tpu.memory_space<hbm>> -> memref<1x125x64xf32, #tpu.memory_space<hbm>>
    %dma_start3A_25 = tpu.memref_squeeze %dma_start3A_24 : memref<1x125x64xf32, #tpu.memory_space<hbm>> -> memref<125x64xf32, #tpu.memory_space<hbm>>
    tpu.enqueue_dma source(%dma_start3A_25 : memref<125x64xf32, #tpu.memory_space<hbm>>) target(%arg16 : memref<125x64xf32, #tpu.memory_space<vmem>>) target_semaphore(%arg23 : memref<!tpu.dma_semaphore, #tpu.memory_space<semaphore_mem>>)
    %dma_start3A_26 = arith.constant 0 : i32
    %dma_start3A_27 = tpu.memref_slice %arg3[%add3A_12, %dma_start3A_26] : memref<10000x64xf32, #tpu.memory_space<hbm>> -> memref<125x64xf32, #tpu.memory_space<hbm>>
    %dma_start3A_28 = arith.constant 0 : i32
    %dma_start3A_29 = tpu.memref_slice %arg3[%add3A_12, %dma_start3A_28] : memref<10000x64xf32, #tpu.memory_space<hbm>> -> memref<125x64xf32, #tpu.memory_space<hbm>>
    tpu.enqueue_dma source(%dma_start3A_29 : memref<125x64xf32, #tpu.memory_space<hbm>>) target(%arg17 : memref<125x64xf32, #tpu.memory_space<vmem>>) target_semaphore(%arg23 : memref<!tpu.dma_semaphore, #tpu.memory_space<semaphore_mem>>)
    %dma_start3A_30 = arith.constant 0 : i32
    %dma_start3A_31 = arith.constant 0 : i32
    %dma_start3A_32 = tpu.memref_slice %arg4[%dma_start3A_30, %add3A_12, %dma_start3A_31] : memref<2x10000x16xf32, #tpu.memory_space<hbm>> -> memref<1x125x16xf32, #tpu.memory_space<hbm>>
    %dma_start3A_33 = tpu.memref_squeeze %dma_start3A_32 : memref<1x125x16xf32, #tpu.memory_space<hbm>> -> memref<125x16xf32, #tpu.memory_space<hbm>>
    %dma_start3A_34 = arith.constant 0 : i32
    %dma_start3A_35 = tpu.memref_slice %arg4[%dma_start3A_30, %add3A_12, %dma_start3A_34] : memref<2x10000x16xf32, #tpu.memory_space<hbm>> -> memref<1x125x16xf32, #tpu.memory_space<hbm>>
    %dma_start3A_36 = tpu.memref_squeeze %dma_start3A_35 : memref<1x125x16xf32, #tpu.memory_space<hbm>> -> memref<125x16xf32, #tpu.memory_space<hbm>>
    tpu.enqueue_dma source(%dma_start3A_36 : memref<125x16xf32, #tpu.memory_space<hbm>>) target(%arg19 : memref<125x16xf32, #tpu.memory_space<vmem>>) target_semaphore(%arg23 : memref<!tpu.dma_semaphore, #tpu.memory_space<semaphore_mem>>)
    %dma_start3A_37 = arith.constant 1 : i32
    %dma_start3A_38 = arith.constant 0 : i32
    %dma_start3A_39 = tpu.memref_slice %arg4[%dma_start3A_37, %add3A_12, %dma_start3A_38] : memref<2x10000x16xf32, #tpu.memory_space<hbm>> -> memref<1x125x16xf32, #tpu.memory_space<hbm>>
    %dma_start3A_40 = tpu.memref_squeeze %dma_start3A_39 : memref<1x125x16xf32, #tpu.memory_space<hbm>> -> memref<125x16xf32, #tpu.memory_space<hbm>>
    %dma_start3A_41 = arith.constant 0 : i32
    %dma_start3A_42 = tpu.memref_slice %arg4[%dma_start3A_37, %add3A_12, %dma_start3A_41] : memref<2x10000x16xf32, #tpu.memory_space<hbm>> -> memref<1x125x16xf32, #tpu.memory_space<hbm>>
    %dma_start3A_43 = tpu.memref_squeeze %dma_start3A_42 : memref<1x125x16xf32, #tpu.memory_space<hbm>> -> memref<125x16xf32, #tpu.memory_space<hbm>>
    tpu.enqueue_dma source(%dma_start3A_43 : memref<125x16xf32, #tpu.memory_space<hbm>>) target(%arg20 : memref<125x16xf32, #tpu.memory_space<vmem>>) target_semaphore(%arg23 : memref<!tpu.dma_semaphore, #tpu.memory_space<semaphore_mem>>)
    %dma_wait3A = arith.constant 0 : i32
    %dma_wait3A_44 = arith.constant 0 : i32
    %dma_wait3A_45 = tpu.memref_slice %arg2[%dma_wait3A, %add3A_12, %dma_wait3A_44] : memref<2x10000x64xf32, #tpu.memory_space<hbm>> -> memref<1x125x64xf32, #tpu.memory_space<hbm>>
    %dma_wait3A_46 = tpu.memref_squeeze %dma_wait3A_45 : memref<1x125x64xf32, #tpu.memory_space<hbm>> -> memref<125x64xf32, #tpu.memory_space<hbm>>
    %dma_wait3A_47 = arith.constant 0 : i32
    %dma_wait3A_48 = tpu.memref_slice %arg2[%dma_wait3A, %add3A_12, %dma_wait3A_47] : memref<2x10000x64xf32, #tpu.memory_space<hbm>> -> memref<1x125x64xf32, #tpu.memory_space<hbm>>
    %dma_wait3A_49 = tpu.memref_squeeze %dma_wait3A_48 : memref<1x125x64xf32, #tpu.memory_space<hbm>> -> memref<125x64xf32, #tpu.memory_space<hbm>>
    tpu.wait_dma2 semaphore(%arg23 : memref<!tpu.dma_semaphore, #tpu.memory_space<semaphore_mem>>) src(%dma_wait3A_49 : memref<125x64xf32, #tpu.memory_space<hbm>>) dst(%arg15 : memref<125x64xf32, #tpu.memory_space<vmem>>)
    %dma_wait3A_50 = arith.constant 1 : i32
    %dma_wait3A_51 = arith.constant 0 : i32
    %dma_wait3A_52 = tpu.memref_slice %arg2[%dma_wait3A_50, %add3A_12, %dma_wait3A_51] : memref<2x10000x64xf32, #tpu.memory_space<hbm>> -> memref<1x125x64xf32, #tpu.memory_space<hbm>>
    %dma_wait3A_53 = tpu.memref_squeeze %dma_wait3A_52 : memref<1x125x64xf32, #tpu.memory_space<hbm>> -> memref<125x64xf32, #tpu.memory_space<hbm>>
    %dma_wait3A_54 = arith.constant 0 : i32
    %dma_wait3A_55 = tpu.memref_slice %arg2[%dma_wait3A_50, %add3A_12, %dma_wait3A_54] : memref<2x10000x64xf32, #tpu.memory_space<hbm>> -> memref<1x125x64xf32, #tpu.memory_space<hbm>>
    %dma_wait3A_56 = tpu.memref_squeeze %dma_wait3A_55 : memref<1x125x64xf32, #tpu.memory_space<hbm>> -> memref<125x64xf32, #tpu.memory_space<hbm>>
    tpu.wait_dma2 semaphore(%arg23 : memref<!tpu.dma_semaphore, #tpu.memory_space<semaphore_mem>>) src(%dma_wait3A_56 : memref<125x64xf32, #tpu.memory_space<hbm>>) dst(%arg16 : memref<125x64xf32, #tpu.memory_space<vmem>>)
    %dma_wait3A_57 = arith.constant 0 : i32
    %dma_wait3A_58 = tpu.memref_slice %arg3[%add3A_12, %dma_wait3A_57] : memref<10000x64xf32, #tpu.memory_space<hbm>> -> memref<125x64xf32, #tpu.memory_space<hbm>>
    %dma_wait3A_59 = arith.constant 0 : i32
    %dma_wait3A_60 = tpu.memref_slice %arg3[%add3A_12, %dma_wait3A_59] : memref<10000x64xf32, #tpu.memory_space<hbm>> -> memref<125x64xf32, #tpu.memory_space<hbm>>
    tpu.wait_dma2 semaphore(%arg23 : memref<!tpu.dma_semaphore, #tpu.memory_space<semaphore_mem>>) src(%dma_wait3A_60 : memref<125x64xf32, #tpu.memory_space<hbm>>) dst(%arg17 : memref<125x64xf32, #tpu.memory_space<vmem>>)
    %dma_wait3A_61 = arith.constant 0 : i32
    %dma_wait3A_62 = arith.constant 0 : i32
    %dma_wait3A_63 = tpu.memref_slice %arg4[%dma_wait3A_61, %add3A_12, %dma_wait3A_62] : memref<2x10000x16xf32, #tpu.memory_space<hbm>> -> memref<1x125x16xf32, #tpu.memory_space<hbm>>
    %dma_wait3A_64 = tpu.memref_squeeze %dma_wait3A_63 : memref<1x125x16xf32, #tpu.memory_space<hbm>> -> memref<125x16xf32, #tpu.memory_space<hbm>>
    %dma_wait3A_65 = arith.constant 0 : i32
    %dma_wait3A_66 = tpu.memref_slice %arg4[%dma_wait3A_61, %add3A_12, %dma_wait3A_65] : memref<2x10000x16xf32, #tpu.memory_space<hbm>> -> memref<1x125x16xf32, #tpu.memory_space<hbm>>
    %dma_wait3A_67 = tpu.memref_squeeze %dma_wait3A_66 : memref<1x125x16xf32, #tpu.memory_space<hbm>> -> memref<125x16xf32, #tpu.memory_space<hbm>>
    tpu.wait_dma2 semaphore(%arg23 : memref<!tpu.dma_semaphore, #tpu.memory_space<semaphore_mem>>) src(%dma_wait3A_67 : memref<125x16xf32, #tpu.memory_space<hbm>>) dst(%arg19 : memref<125x16xf32, #tpu.memory_space<vmem>>)
    %dma_wait3A_68 = arith.constant 1 : i32
    %dma_wait3A_69 = arith.constant 0 : i32
    %dma_wait3A_70 = tpu.memref_slice %arg4[%dma_wait3A_68, %add3A_12, %dma_wait3A_69] : memref<2x10000x16xf32, #tpu.memory_space<hbm>> -> memref<1x125x16xf32, #tpu.memory_space<hbm>>
    %dma_wait3A_71 = tpu.memref_squeeze %dma_wait3A_70 : memref<1x125x16xf32, #tpu.memory_space<hbm>> -> memref<125x16xf32, #tpu.memory_space<hbm>>
    %dma_wait3A_72 = arith.constant 0 : i32
    %dma_wait3A_73 = tpu.memref_slice %arg4[%dma_wait3A_68, %add3A_12, %dma_wait3A_72] : memref<2x10000x16xf32, #tpu.memory_space<hbm>> -> memref<1x125x16xf32, #tpu.memory_space<hbm>>
    %dma_wait3A_74 = tpu.memref_squeeze %dma_wait3A_73 : memref<1x125x16xf32, #tpu.memory_space<hbm>> -> memref<125x16xf32, #tpu.memory_space<hbm>>
    tpu.wait_dma2 semaphore(%arg23 : memref<!tpu.dma_semaphore, #tpu.memory_space<semaphore_mem>>) src(%dma_wait3A_74 : memref<125x16xf32, #tpu.memory_space<hbm>>) dst(%arg20 : memref<125x16xf32, #tpu.memory_space<vmem>>)
    %scan3A = arith.constant 0 : i32
    %scan3A_75 = arith.constant 0 : i32
    %scan3A_76 = arith.constant 125 : i32
    %scan3A_77 = arith.addi %scan3A_75, %scan3A_76 : i32
    %scan3A_78 = arith.constant 1 : i32
    scf.for %scan3A_482 = %scan3A_75 to %scan3A_77 step %scan3A_78  : i32 {
      %get3A_483 = arith.index_cast %scan3A_482 : i32 to index
      %get3A_484 = arith.constant 0 : index
      %get3A_485 = tpu.vector_load %arg19[%get3A_483, %get3A_484] {strides = array<i32>} : memref<125x16xf32, #tpu.memory_space<vmem>>, vector<16xf32>,
      %get3A_486 = arith.index_cast %scan3A_482 : i32 to index
      %get3A_487 = arith.constant 0 : index
      %get3A_488 = tpu.vector_load %arg20[%get3A_486, %get3A_487] {strides = array<i32>} : memref<125x16xf32, #tpu.memory_space<vmem>>, vector<16xf32>,
      %add3A_489 = arith.addf %get3A_485, %get3A_488 : vector<16xf32>
      %add3A_490 = arith.constant 1.000000e+00 : f32
      %add3A_491 = vector.broadcast %add3A_490 : f32 to vector<16xf32>
      %add3A_492 = arith.addf %add3A_489, %add3A_491 : vector<16xf32>
      %bitcast3A = vector.bitcast %add3A_492 : vector<16xf32> to vector<16xi32>
      %shift_right_logical3A = arith.constant 1 : i32
      %shift_right_logical3A_493 = vector.broadcast %shift_right_logical3A : i32 to vector<16xi32>
      %shift_right_logical3A_494 = arith.shrui %bitcast3A, %shift_right_logical3A_493 : vector<16xi32>
      %sub3A = arith.constant 1597463007 : i32
      %sub3A_495 = vector.broadcast %sub3A : i32 to vector<16xi32>
      %sub3A_496 = arith.subi %sub3A_495, %shift_right_logical3A_494 : vector<16xi32>
      %bitcast3A_497 = vector.bitcast %sub3A_496 : vector<16xi32> to vector<16xf32>
      %mul3A_498 = arith.constant 5.000000e-01 : f32
      %mul3A_499 = vector.broadcast %mul3A_498 : f32 to vector<16xf32>
      %mul3A_500 = arith.mulf %mul3A_499, %add3A_492 : vector<16xf32>
      %mul3A_501 = arith.mulf %mul3A_500, %bitcast3A_497 : vector<16xf32>
      %mul3A_502 = arith.mulf %mul3A_501, %bitcast3A_497 : vector<16xf32>
      %sub3A_503 = arith.constant 1.500000e+00 : f32
      %sub3A_504 = vector.broadcast %sub3A_503 : f32 to vector<16xf32>
      %sub3A_505 = arith.subf %sub3A_504, %mul3A_502 : vector<16xf32>
      %mul3A_506 = arith.mulf %bitcast3A_497, %sub3A_505 : vector<16xf32>
      %mul3A_507 = arith.constant 5.000000e-01 : f32
      %mul3A_508 = vector.broadcast %mul3A_507 : f32 to vector<16xf32>
      %mul3A_509 = arith.mulf %mul3A_508, %add3A_492 : vector<16xf32>
      %mul3A_510 = arith.mulf %mul3A_509, %mul3A_506 : vector<16xf32>
      %mul3A_511 = arith.mulf %mul3A_510, %mul3A_506 : vector<16xf32>
      %sub3A_512 = arith.constant 1.500000e+00 : f32
      %sub3A_513 = vector.broadcast %sub3A_512 : f32 to vector<16xf32>
      %sub3A_514 = arith.subf %sub3A_513, %mul3A_511 : vector<16xf32>
      %mul3A_515 = arith.mulf %mul3A_506, %sub3A_514 : vector<16xf32>
      %mul3A_516 = arith.constant 5.000000e-01 : f32
      %mul3A_517 = vector.broadcast %mul3A_516 : f32 to vector<16xf32>
      %mul3A_518 = arith.mulf %mul3A_517, %add3A_492 : vector<16xf32>
      %mul3A_519 = arith.mulf %mul3A_518, %mul3A_515 : vector<16xf32>
      %mul3A_520 = arith.mulf %mul3A_519, %mul3A_515 : vector<16xf32>
      %sub3A_521 = arith.constant 1.500000e+00 : f32
      %sub3A_522 = vector.broadcast %sub3A_521 : f32 to vector<16xf32>
      %sub3A_523 = arith.subf %sub3A_522, %mul3A_520 : vector<16xf32>
      %mul3A_524 = arith.mulf %mul3A_515, %sub3A_523 : vector<16xf32>
      %get3A_525 = arith.index_cast %scan3A_482 : i32 to index
      %get3A_526 = arith.constant 0 : index
      %get3A_527 = tpu.vector_load %arg15[%get3A_525, %get3A_526] {strides = array<i32>} : memref<125x64xf32, #tpu.memory_space<vmem>>, vector<16xf32>,
      %get3A_528 = arith.index_cast %scan3A_482 : i32 to index
      %get3A_529 = arith.constant 0 : index
      %get3A_530 = tpu.vector_load %arg16[%get3A_528, %get3A_529] {strides = array<i32>} : memref<125x64xf32, #tpu.memory_space<vmem>>, vector<16xf32>,
      %add3A_531 = arith.addf %get3A_527, %get3A_530 : vector<16xf32>
      %get3A_532 = arith.index_cast %scan3A_482 : i32 to index
      %get3A_533 = arith.constant 0 : index
      %get3A_534 = tpu.vector_load %arg17[%get3A_532, %get3A_533] {strides = array<i32>} : memref<125x64xf32, #tpu.memory_space<vmem>>, vector<16xf32>,
      %add3A_535 = arith.addf %add3A_531, %get3A_534 : vector<16xf32>
      %mul3A_536 = arith.mulf %mul3A_524, %add3A_535 : vector<16xf32>
      %add3A_537 = arith.addf %mul3A_536, %get3A_2 : vector<16xf32>
      %get3A_538 = arith.index_cast %scan3A_482 : i32 to index
      %get3A_539 = arith.constant 16 : index
      %get3A_540 = tpu.vector_load %arg15[%get3A_538, %get3A_539] {strides = array<i32>} : memref<125x64xf32, #tpu.memory_space<vmem>>, vector<16xf32>,
      %get3A_541 = arith.index_cast %scan3A_482 : i32 to index
      %get3A_542 = arith.constant 16 : index
      %get3A_543 = tpu.vector_load %arg16[%get3A_541, %get3A_542] {strides = array<i32>} : memref<125x64xf32, #tpu.memory_space<vmem>>, vector<16xf32>,
      %add3A_544 = arith.addf %get3A_540, %get3A_543 : vector<16xf32>
      %get3A_545 = arith.index_cast %scan3A_482 : i32 to index
      %get3A_546 = arith.constant 16 : index
      %get3A_547 = tpu.vector_load %arg17[%get3A_545, %get3A_546] {strides = array<i32>} : memref<125x64xf32, #tpu.memory_space<vmem>>, vector<16xf32>,
      %add3A_548 = arith.addf %add3A_544, %get3A_547 : vector<16xf32>
      %mul3A_549 = arith.mulf %mul3A_524, %add3A_548 : vector<16xf32>
      %add3A_550 = arith.addf %mul3A_549, %get3A_4 : vector<16xf32>
      %get3A_551 = arith.index_cast %scan3A_482 : i32 to index
      %get3A_552 = arith.constant 32 : index
      %get3A_553 = tpu.vector_load %arg15[%get3A_551, %get3A_552] {strides = array<i32>} : memref<125x64xf32, #tpu.memory_space<vmem>>, vector<16xf32>,
      %get3A_554 = arith.index_cast %scan3A_482 : i32 to index
      %get3A_555 = arith.constant 32 : index
      %get3A_556 = tpu.vector_load %arg16[%get3A_554, %get3A_555] {strides = array<i32>} : memref<125x64xf32, #tpu.memory_space<vmem>>, vector<16xf32>,
      %add3A_557 = arith.addf %get3A_553, %get3A_556 : vector<16xf32>
      %get3A_558 = arith.index_cast %scan3A_482 : i32 to index
      %get3A_559 = arith.constant 32 : index
      %get3A_560 = tpu.vector_load %arg17[%get3A_558, %get3A_559] {strides = array<i32>} : memref<125x64xf32, #tpu.memory_space<vmem>>, vector<16xf32>,
      %add3A_561 = arith.addf %add3A_557, %get3A_560 : vector<16xf32>
      %mul3A_562 = arith.mulf %mul3A_524, %add3A_561 : vector<16xf32>
      %add3A_563 = arith.addf %mul3A_562, %get3A_6 : vector<16xf32>
      %get3A_564 = arith.index_cast %scan3A_482 : i32 to index
      %get3A_565 = arith.constant 48 : index
      %get3A_566 = tpu.vector_load %arg15[%get3A_564, %get3A_565] {strides = array<i32>} : memref<125x64xf32, #tpu.memory_space<vmem>>, vector<16xf32>,
      %get3A_567 = arith.index_cast %scan3A_482 : i32 to index
      %get3A_568 = arith.constant 48 : index
      %get3A_569 = tpu.vector_load %arg16[%get3A_567, %get3A_568] {strides = array<i32>} : memref<125x64xf32, #tpu.memory_space<vmem>>, vector<16xf32>,
      %add3A_570 = arith.addf %get3A_566, %get3A_569 : vector<16xf32>
      %get3A_571 = arith.index_cast %scan3A_482 : i32 to index
      %get3A_572 = arith.constant 48 : index
      %get3A_573 = tpu.vector_load %arg17[%get3A_571, %get3A_572] {strides = array<i32>} : memref<125x64xf32, #tpu.memory_space<vmem>>, vector<16xf32>,
      %add3A_574 = arith.addf %add3A_570, %get3A_573 : vector<16xf32>
      %mul3A_575 = arith.mulf %mul3A_524, %add3A_574 : vector<16xf32>
      %add3A_576 = arith.addf %mul3A_575, %get3A_8 : vector<16xf32>
      %pack3A = tpu.pack_subelements %add3A_537, %add3A_550 {pack_format = #tpu.pack_format<interleaved>, positions = array<i32: 0, 1>} : vector<16xf32>, vector<16xf32> -> vector<32xbf16>
      %bitcast3A_577 = vector.bitcast %pack3A : vector<32xbf16> to vector<16xi32>
      %swap3A_578 = arith.index_cast %scan3A_482 : i32 to index
      %swap3A_579 = arith.constant 0 : index
      %swap3A_580 = tpu.vector_load %arg18[%swap3A_578, %swap3A_579] {strides = array<i32>} : memref<125x32xi32, #tpu.memory_space<vmem>>, vector<16xi32>,
      tpu.vector_store %arg18[%swap3A_578, %swap3A_579], %bitcast3A_577 {strides = array<i32>} : memref<125x32xi32, #tpu.memory_space<vmem>>, vector<16xi32>,
      %pack3A_581 = tpu.pack_subelements %add3A_563, %add3A_576 {pack_format = #tpu.pack_format<interleaved>, positions = array<i32: 0, 1>} : vector<16xf32>, vector<16xf32> -> vector<32xbf16>
      %bitcast3A_582 = vector.bitcast %pack3A_581 : vector<32xbf16> to vector<16xi32>
      %swap3A_583 = arith.index_cast %scan3A_482 : i32 to index
      %swap3A_584 = arith.constant 16 : index
      %swap3A_585 = tpu.vector_load %arg18[%swap3A_583, %swap3A_584] {strides = array<i32>} : memref<125x32xi32, #tpu.memory_space<vmem>>, vector<16xi32>,
      tpu.vector_store %arg18[%swap3A_583, %swap3A_584], %bitcast3A_582 {strides = array<i32>} : memref<125x32xi32, #tpu.memory_space<vmem>>, vector<16xi32>,
    }
    %scan3A_79 = arith.constant 125 : i32
    "tpu.region"() ({
      %run_scoped3A_482 = tpu.sem_alloc : memref<!tpu.dma_semaphore, #tpu.memory_space<semaphore_mem>>
      %dma_start3A_483 = arith.constant 0 : i32
      %dma_start3A_484 = tpu.memref_slice %arg22[%add3A_12, %dma_start3A_483] : memref<10000x32xi32, #tpu.memory_space<vmem_shared>> -> memref<125x32xi32, #tpu.memory_space<vmem_shared>>
      %dma_start3A_485 = arith.constant 0 : i32
      %dma_start3A_486 = tpu.memref_slice %arg22[%add3A_12, %dma_start3A_485] : memref<10000x32xi32, #tpu.memory_space<vmem_shared>> -> memref<125x32xi32, #tpu.memory_space<vmem_shared>>
      tpu.enqueue_dma source(%arg18 : memref<125x32xi32, #tpu.memory_space<vmem>>) target(%dma_start3A_486 : memref<125x32xi32, #tpu.memory_space<vmem_shared>>) target_semaphore(%run_scoped3A_482 : memref<!tpu.dma_semaphore, #tpu.memory_space<semaphore_mem>>)
      %dma_wait3A_487 = arith.constant 0 : i32
      %dma_wait3A_488 = tpu.memref_slice %arg22[%add3A_12, %dma_wait3A_487] : memref<10000x32xi32, #tpu.memory_space<vmem_shared>> -> memref<125x32xi32, #tpu.memory_space<vmem_shared>>
      %dma_wait3A_489 = arith.constant 0 : i32
      %dma_wait3A_490 = tpu.memref_slice %arg22[%add3A_12, %dma_wait3A_489] : memref<10000x32xi32, #tpu.memory_space<vmem_shared>> -> memref<125x32xi32, #tpu.memory_space<vmem_shared>>
      tpu.wait_dma2 semaphore(%run_scoped3A_482 : memref<!tpu.dma_semaphore, #tpu.memory_space<semaphore_mem>>) src(%arg18 : memref<125x32xi32, #tpu.memory_space<vmem>>) dst(%dma_wait3A_490 : memref<125x32xi32, #tpu.memory_space<vmem_shared>>)
      tpu.yield
    }) : () -> ()
    %mul3A_80 = arith.constant 625 : i32
    %mul3A_81 = arith.muli %arg1, %mul3A_80 : i32
    %add3A_82 = arith.constant 125 : i32
    %add3A_83 = arith.addi %mul3A_81, %add3A_82 : i32
    %dma_start3A_84 = arith.constant 0 : i32
    %dma_start3A_85 = arith.constant 0 : i32
    %dma_start3A_86 = tpu.memref_slice %arg2[%dma_start3A_84, %add3A_83, %dma_start3A_85] : memref<2x10000x64xf32, #tpu.memory_space<hbm>> -> memref<1x125x64xf32, #tpu.memory_space<hbm>>
    %dma_start3A_87 = tpu.memref_squeeze %dma_start3A_86 : memref<1x125x64xf32, #tpu.memory_space<hbm>> -> memref<125x64xf32, #tpu.memory_space<hbm>>
    %dma_start3A_88 = arith.constant 0 : i32
    %dma_start3A_89 = tpu.memref_slice %arg2[%dma_start3A_84, %add3A_83, %dma_start3A_88] : memref<2x10000x64xf32, #tpu.memory_space<hbm>> -> memref<1x125x64xf32, #tpu.memory_space<hbm>>
    %dma_start3A_90 = tpu.memref_squeeze %dma_start3A_89 : memref<1x125x64xf32, #tpu.memory_space<hbm>> -> memref<125x64xf32, #tpu.memory_space<hbm>>
    tpu.enqueue_dma source(%dma_start3A_90 : memref<125x64xf32, #tpu.memory_space<hbm>>) target(%arg15 : memref<125x64xf32, #tpu.memory_space<vmem>>) target_semaphore(%arg23 : memref<!tpu.dma_semaphore, #tpu.memory_space<semaphore_mem>>)
    %dma_start3A_91 = arith.constant 1 : i32
    %dma_start3A_92 = arith.constant 0 : i32
    %dma_start3A_93 = tpu.memref_slice %arg2[%dma_start3A_91, %add3A_83, %dma_start3A_92] : memref<2x10000x64xf32, #tpu.memory_space<hbm>> -> memref<1x125x64xf32, #tpu.memory_space<hbm>>
    %dma_start3A_94 = tpu.memref_squeeze %dma_start3A_93 : memref<1x125x64xf32, #tpu.memory_space<hbm>> -> memref<125x64xf32, #tpu.memory_space<hbm>>
    %dma_start3A_95 = arith.constant 0 : i32
    %dma_start3A_96 = tpu.memref_slice %arg2[%dma_start3A_91, %add3A_83, %dma_start3A_95] : memref<2x10000x64xf32, #tpu.memory_space<hbm>> -> memref<1x125x64xf32, #tpu.memory_space<hbm>>
    %dma_start3A_97 = tpu.memref_squeeze %dma_start3A_96 : memref<1x125x64xf32, #tpu.memory_space<hbm>> -> memref<125x64xf32, #tpu.memory_space<hbm>>
    tpu.enqueue_dma source(%dma_start3A_97 : memref<125x64xf32, #tpu.memory_space<hbm>>) target(%arg16 : memref<125x64xf32, #tpu.memory_space<vmem>>) target_semaphore(%arg23 : memref<!tpu.dma_semaphore, #tpu.memory_space<semaphore_mem>>)
    %dma_start3A_98 = arith.constant 0 : i32
    %dma_start3A_99 = tpu.memref_slice %arg3[%add3A_83, %dma_start3A_98] : memref<10000x64xf32, #tpu.memory_space<hbm>> -> memref<125x64xf32, #tpu.memory_space<hbm>>
    %dma_start3A_100 = arith.constant 0 : i32
    %dma_start3A_101 = tpu.memref_slice %arg3[%add3A_83, %dma_start3A_100] : memref<10000x64xf32, #tpu.memory_space<hbm>> -> memref<125x64xf32, #tpu.memory_space<hbm>>
    tpu.enqueue_dma source(%dma_start3A_101 : memref<125x64xf32, #tpu.memory_space<hbm>>) target(%arg17 : memref<125x64xf32, #tpu.memory_space<vmem>>) target_semaphore(%arg23 : memref<!tpu.dma_semaphore, #tpu.memory_space<semaphore_mem>>)
    %dma_start3A_102 = arith.constant 0 : i32
    %dma_start3A_103 = arith.constant 0 : i32
    %dma_start3A_104 = tpu.memref_slice %arg4[%dma_start3A_102, %add3A_83, %dma_start3A_103] : memref<2x10000x16xf32, #tpu.memory_space<hbm>> -> memref<1x125x16xf32, #tpu.memory_space<hbm>>
    %dma_start3A_105 = tpu.memref_squeeze %dma_start3A_104 : memref<1x125x16xf32, #tpu.memory_space<hbm>> -> memref<125x16xf32, #tpu.memory_space<hbm>>
    %dma_start3A_106 = arith.constant 0 : i32
    %dma_start3A_107 = tpu.memref_slice %arg4[%dma_start3A_102, %add3A_83, %dma_start3A_106] : memref<2x10000x16xf32, #tpu.memory_space<hbm>> -> memref<1x125x16xf32, #tpu.memory_space<hbm>>
    %dma_start3A_108 = tpu.memref_squeeze %dma_start3A_107 : memref<1x125x16xf32, #tpu.memory_space<hbm>> -> memref<125x16xf32, #tpu.memory_space<hbm>>
    tpu.enqueue_dma source(%dma_start3A_108 : memref<125x16xf32, #tpu.memory_space<hbm>>) target(%arg19 : memref<125x16xf32, #tpu.memory_space<vmem>>) target_semaphore(%arg23 : memref<!tpu.dma_semaphore, #tpu.memory_space<semaphore_mem>>)
    %dma_start3A_109 = arith.constant 1 : i32
    %dma_start3A_110 = arith.constant 0 : i32
    %dma_start3A_111 = tpu.memref_slice %arg4[%dma_start3A_109, %add3A_83, %dma_start3A_110] : memref<2x10000x16xf32, #tpu.memory_space<hbm>> -> memref<1x125x16xf32, #tpu.memory_space<hbm>>
    %dma_start3A_112 = tpu.memref_squeeze %dma_start3A_111 : memref<1x125x16xf32, #tpu.memory_space<hbm>> -> memref<125x16xf32, #tpu.memory_space<hbm>>
    %dma_start3A_113 = arith.constant 0 : i32
    %dma_start3A_114 = tpu.memref_slice %arg4[%dma_start3A_109, %add3A_83, %dma_start3A_113] : memref<2x10000x16xf32, #tpu.memory_space<hbm>> -> memref<1x125x16xf32, #tpu.memory_space<hbm>>
    %dma_start3A_115 = tpu.memref_squeeze %dma_start3A_114 : memref<1x125x16xf32, #tpu.memory_space<hbm>> -> memref<125x16xf32, #tpu.memory_space<hbm>>
    tpu.enqueue_dma source(%dma_start3A_115 : memref<125x16xf32, #tpu.memory_space<hbm>>) target(%arg20 : memref<125x16xf32, #tpu.memory_space<vmem>>) target_semaphore(%arg23 : memref<!tpu.dma_semaphore, #tpu.memory_space<semaphore_mem>>)
    %dma_wait3A_116 = arith.constant 0 : i32
    %dma_wait3A_117 = arith.constant 0 : i32
    %dma_wait3A_118 = tpu.memref_slice %arg2[%dma_wait3A_116, %add3A_83, %dma_wait3A_117] : memref<2x10000x64xf32, #tpu.memory_space<hbm>> -> memref<1x125x64xf32, #tpu.memory_space<hbm>>
    %dma_wait3A_119 = tpu.memref_squeeze %dma_wait3A_118 : memref<1x125x64xf32, #tpu.memory_space<hbm>> -> memref<125x64xf32, #tpu.memory_space<hbm>>
    %dma_wait3A_120 = arith.constant 0 : i32
    %dma_wait3A_121 = tpu.memref_slice %arg2[%dma_wait3A_116, %add3A_83, %dma_wait3A_120] : memref<2x10000x64xf32, #tpu.memory_space<hbm>> -> memref<1x125x64xf32, #tpu.memory_space<hbm>>
    %dma_wait3A_122 = tpu.memref_squeeze %dma_wait3A_121 : memref<1x125x64xf32, #tpu.memory_space<hbm>> -> memref<125x64xf32, #tpu.memory_space<hbm>>
    tpu.wait_dma2 semaphore(%arg23 : memref<!tpu.dma_semaphore, #tpu.memory_space<semaphore_mem>>) src(%dma_wait3A_122 : memref<125x64xf32, #tpu.memory_space<hbm>>) dst(%arg15 : memref<125x64xf32, #tpu.memory_space<vmem>>)
    %dma_wait3A_123 = arith.constant 1 : i32
    %dma_wait3A_124 = arith.constant 0 : i32
    %dma_wait3A_125 = tpu.memref_slice %arg2[%dma_wait3A_123, %add3A_83, %dma_wait3A_124] : memref<2x10000x64xf32, #tpu.memory_space<hbm>> -> memref<1x125x64xf32, #tpu.memory_space<hbm>>
    %dma_wait3A_126 = tpu.memref_squeeze %dma_wait3A_125 : memref<1x125x64xf32, #tpu.memory_space<hbm>> -> memref<125x64xf32, #tpu.memory_space<hbm>>
    %dma_wait3A_127 = arith.constant 0 : i32
    %dma_wait3A_128 = tpu.memref_slice %arg2[%dma_wait3A_123, %add3A_83, %dma_wait3A_127] : memref<2x10000x64xf32, #tpu.memory_space<hbm>> -> memref<1x125x64xf32, #tpu.memory_space<hbm>>
    %dma_wait3A_129 = tpu.memref_squeeze %dma_wait3A_128 : memref<1x125x64xf32, #tpu.memory_space<hbm>> -> memref<125x64xf32, #tpu.memory_space<hbm>>
    tpu.wait_dma2 semaphore(%arg23 : memref<!tpu.dma_semaphore, #tpu.memory_space<semaphore_mem>>) src(%dma_wait3A_129 : memref<125x64xf32, #tpu.memory_space<hbm>>) dst(%arg16 : memref<125x64xf32, #tpu.memory_space<vmem>>)
    %dma_wait3A_130 = arith.constant 0 : i32
    %dma_wait3A_131 = tpu.memref_slice %arg3[%add3A_83, %dma_wait3A_130] : memref<10000x64xf32, #tpu.memory_space<hbm>> -> memref<125x64xf32, #tpu.memory_space<hbm>>
    %dma_wait3A_132 = arith.constant 0 : i32
    %dma_wait3A_133 = tpu.memref_slice %arg3[%add3A_83, %dma_wait3A_132] : memref<10000x64xf32, #tpu.memory_space<hbm>> -> memref<125x64xf32, #tpu.memory_space<hbm>>
    tpu.wait_dma2 semaphore(%arg23 : memref<!tpu.dma_semaphore, #tpu.memory_space<semaphore_mem>>) src(%dma_wait3A_133 : memref<125x64xf32, #tpu.memory_space<hbm>>) dst(%arg17 : memref<125x64xf32, #tpu.memory_space<vmem>>)
    %dma_wait3A_134 = arith.constant 0 : i32
    %dma_wait3A_135 = arith.constant 0 : i32
    %dma_wait3A_136 = tpu.memref_slice %arg4[%dma_wait3A_134, %add3A_83, %dma_wait3A_135] : memref<2x10000x16xf32, #tpu.memory_space<hbm>> -> memref<1x125x16xf32, #tpu.memory_space<hbm>>
    %dma_wait3A_137 = tpu.memref_squeeze %dma_wait3A_136 : memref<1x125x16xf32, #tpu.memory_space<hbm>> -> memref<125x16xf32, #tpu.memory_space<hbm>>
    %dma_wait3A_138 = arith.constant 0 : i32
    %dma_wait3A_139 = tpu.memref_slice %arg4[%dma_wait3A_134, %add3A_83, %dma_wait3A_138] : memref<2x10000x16xf32, #tpu.memory_space<hbm>> -> memref<1x125x16xf32, #tpu.memory_space<hbm>>
    %dma_wait3A_140 = tpu.memref_squeeze %dma_wait3A_139 : memref<1x125x16xf32, #tpu.memory_space<hbm>> -> memref<125x16xf32, #tpu.memory_space<hbm>>
    tpu.wait_dma2 semaphore(%arg23 : memref<!tpu.dma_semaphore, #tpu.memory_space<semaphore_mem>>) src(%dma_wait3A_140 : memref<125x16xf32, #tpu.memory_space<hbm>>) dst(%arg19 : memref<125x16xf32, #tpu.memory_space<vmem>>)
    %dma_wait3A_141 = arith.constant 1 : i32
    %dma_wait3A_142 = arith.constant 0 : i32
    %dma_wait3A_143 = tpu.memref_slice %arg4[%dma_wait3A_141, %add3A_83, %dma_wait3A_142] : memref<2x10000x16xf32, #tpu.memory_space<hbm>> -> memref<1x125x16xf32, #tpu.memory_space<hbm>>
    %dma_wait3A_144 = tpu.memref_squeeze %dma_wait3A_143 : memref<1x125x16xf32, #tpu.memory_space<hbm>> -> memref<125x16xf32, #tpu.memory_space<hbm>>
    %dma_wait3A_145 = arith.constant 0 : i32
    %dma_wait3A_146 = tpu.memref_slice %arg4[%dma_wait3A_141, %add3A_83, %dma_wait3A_145] : memref<2x10000x16xf32, #tpu.memory_space<hbm>> -> memref<1x125x16xf32, #tpu.memory_space<hbm>>
    %dma_wait3A_147 = tpu.memref_squeeze %dma_wait3A_146 : memref<1x125x16xf32, #tpu.memory_space<hbm>> -> memref<125x16xf32, #tpu.memory_space<hbm>>
    tpu.wait_dma2 semaphore(%arg23 : memref<!tpu.dma_semaphore, #tpu.memory_space<semaphore_mem>>) src(%dma_wait3A_147 : memref<125x16xf32, #tpu.memory_space<hbm>>) dst(%arg20 : memref<125x16xf32, #tpu.memory_space<vmem>>)
    %scan3A_148 = arith.constant 0 : i32
    %scan3A_149 = arith.constant 0 : i32
    %scan3A_150 = arith.constant 125 : i32
    %scan3A_151 = arith.addi %scan3A_149, %scan3A_150 : i32
    %scan3A_152 = arith.constant 1 : i32
    scf.for %scan3A_482 = %scan3A_149 to %scan3A_151 step %scan3A_152  : i32 {
      %get3A_483 = arith.index_cast %scan3A_482 : i32 to index
      %get3A_484 = arith.constant 0 : index
      %get3A_485 = tpu.vector_load %arg19[%get3A_483, %get3A_484] {strides = array<i32>} : memref<125x16xf32, #tpu.memory_space<vmem>>, vector<16xf32>,
      %get3A_486 = arith.index_cast %scan3A_482 : i32 to index
      %get3A_487 = arith.constant 0 : index
      %get3A_488 = tpu.vector_load %arg20[%get3A_486, %get3A_487] {strides = array<i32>} : memref<125x16xf32, #tpu.memory_space<vmem>>, vector<16xf32>,
      %add3A_489 = arith.addf %get3A_485, %get3A_488 : vector<16xf32>
      %add3A_490 = arith.constant 1.000000e+00 : f32
      %add3A_491 = vector.broadcast %add3A_490 : f32 to vector<16xf32>
      %add3A_492 = arith.addf %add3A_489, %add3A_491 : vector<16xf32>
      %bitcast3A = vector.bitcast %add3A_492 : vector<16xf32> to vector<16xi32>
      %shift_right_logical3A = arith.constant 1 : i32
      %shift_right_logical3A_493 = vector.broadcast %shift_right_logical3A : i32 to vector<16xi32>
      %shift_right_logical3A_494 = arith.shrui %bitcast3A, %shift_right_logical3A_493 : vector<16xi32>
      %sub3A = arith.constant 1597463007 : i32
      %sub3A_495 = vector.broadcast %sub3A : i32 to vector<16xi32>
      %sub3A_496 = arith.subi %sub3A_495, %shift_right_logical3A_494 : vector<16xi32>
      %bitcast3A_497 = vector.bitcast %sub3A_496 : vector<16xi32> to vector<16xf32>
      %mul3A_498 = arith.constant 5.000000e-01 : f32
      %mul3A_499 = vector.broadcast %mul3A_498 : f32 to vector<16xf32>
      %mul3A_500 = arith.mulf %mul3A_499, %add3A_492 : vector<16xf32>
      %mul3A_501 = arith.mulf %mul3A_500, %bitcast3A_497 : vector<16xf32>
      %mul3A_502 = arith.mulf %mul3A_501, %bitcast3A_497 : vector<16xf32>
      %sub3A_503 = arith.constant 1.500000e+00 : f32
      %sub3A_504 = vector.broadcast %sub3A_503 : f32 to vector<16xf32>
      %sub3A_505 = arith.subf %sub3A_504, %mul3A_502 : vector<16xf32>
      %mul3A_506 = arith.mulf %bitcast3A_497, %sub3A_505 : vector<16xf32>
      %mul3A_507 = arith.constant 5.000000e-01 : f32
      %mul3A_508 = vector.broadcast %mul3A_507 : f32 to vector<16xf32>
      %mul3A_509 = arith.mulf %mul3A_508, %add3A_492 : vector<16xf32>
      %mul3A_510 = arith.mulf %mul3A_509, %mul3A_506 : vector<16xf32>
      %mul3A_511 = arith.mulf %mul3A_510, %mul3A_506 : vector<16xf32>
      %sub3A_512 = arith.constant 1.500000e+00 : f32
      %sub3A_513 = vector.broadcast %sub3A_512 : f32 to vector<16xf32>
      %sub3A_514 = arith.subf %sub3A_513, %mul3A_511 : vector<16xf32>
      %mul3A_515 = arith.mulf %mul3A_506, %sub3A_514 : vector<16xf32>
      %mul3A_516 = arith.constant 5.000000e-01 : f32
      %mul3A_517 = vector.broadcast %mul3A_516 : f32 to vector<16xf32>
      %mul3A_518 = arith.mulf %mul3A_517, %add3A_492 : vector<16xf32>
      %mul3A_519 = arith.mulf %mul3A_518, %mul3A_515 : vector<16xf32>
      %mul3A_520 = arith.mulf %mul3A_519, %mul3A_515 : vector<16xf32>
      %sub3A_521 = arith.constant 1.500000e+00 : f32
      %sub3A_522 = vector.broadcast %sub3A_521 : f32 to vector<16xf32>
      %sub3A_523 = arith.subf %sub3A_522, %mul3A_520 : vector<16xf32>
      %mul3A_524 = arith.mulf %mul3A_515, %sub3A_523 : vector<16xf32>
      %get3A_525 = arith.index_cast %scan3A_482 : i32 to index
      %get3A_526 = arith.constant 0 : index
      %get3A_527 = tpu.vector_load %arg15[%get3A_525, %get3A_526] {strides = array<i32>} : memref<125x64xf32, #tpu.memory_space<vmem>>, vector<16xf32>,
      %get3A_528 = arith.index_cast %scan3A_482 : i32 to index
      %get3A_529 = arith.constant 0 : index
      %get3A_530 = tpu.vector_load %arg16[%get3A_528, %get3A_529] {strides = array<i32>} : memref<125x64xf32, #tpu.memory_space<vmem>>, vector<16xf32>,
      %add3A_531 = arith.addf %get3A_527, %get3A_530 : vector<16xf32>
      %get3A_532 = arith.index_cast %scan3A_482 : i32 to index
      %get3A_533 = arith.constant 0 : index
      %get3A_534 = tpu.vector_load %arg17[%get3A_532, %get3A_533] {strides = array<i32>} : memref<125x64xf32, #tpu.memory_space<vmem>>, vector<16xf32>,
      %add3A_535 = arith.addf %add3A_531, %get3A_534 : vector<16xf32>
      %mul3A_536 = arith.mulf %mul3A_524, %add3A_535 : vector<16xf32>
      %add3A_537 = arith.addf %mul3A_536, %get3A_2 : vector<16xf32>
      %get3A_538 = arith.index_cast %scan3A_482 : i32 to index
      %get3A_539 = arith.constant 16 : index
      %get3A_540 = tpu.vector_load %arg15[%get3A_538, %get3A_539] {strides = array<i32>} : memref<125x64xf32, #tpu.memory_space<vmem>>, vector<16xf32>,
      %get3A_541 = arith.index_cast %scan3A_482 : i32 to index
      %get3A_542 = arith.constant 16 : index
      %get3A_543 = tpu.vector_load %arg16[%get3A_541, %get3A_542] {strides = array<i32>} : memref<125x64xf32, #tpu.memory_space<vmem>>, vector<16xf32>,
      %add3A_544 = arith.addf %get3A_540, %get3A_543 : vector<16xf32>
      %get3A_545 = arith.index_cast %scan3A_482 : i32 to index
      %get3A_546 = arith.constant 16 : index
      %get3A_547 = tpu.vector_load %arg17[%get3A_545, %get3A_546] {strides = array<i32>} : memref<125x64xf32, #tpu.memory_space<vmem>>, vector<16xf32>,
      %add3A_548 = arith.addf %add3A_544, %get3A_547 : vector<16xf32>
      %mul3A_549 = arith.mulf %mul3A_524, %add3A_548 : vector<16xf32>
      %add3A_550 = arith.addf %mul3A_549, %get3A_4 : vector<16xf32>
      %get3A_551 = arith.index_cast %scan3A_482 : i32 to index
      %get3A_552 = arith.constant 32 : index
      %get3A_553 = tpu.vector_load %arg15[%get3A_551, %get3A_552] {strides = array<i32>} : memref<125x64xf32, #tpu.memory_space<vmem>>, vector<16xf32>,
      %get3A_554 = arith.index_cast %scan3A_482 : i32 to index
      %get3A_555 = arith.constant 32 : index
      %get3A_556 = tpu.vector_load %arg16[%get3A_554, %get3A_555] {strides = array<i32>} : memref<125x64xf32, #tpu.memory_space<vmem>>, vector<16xf32>,
      %add3A_557 = arith.addf %get3A_553, %get3A_556 : vector<16xf32>
      %get3A_558 = arith.index_cast %scan3A_482 : i32 to index
      %get3A_559 = arith.constant 32 : index
      %get3A_560 = tpu.vector_load %arg17[%get3A_558, %get3A_559] {strides = array<i32>} : memref<125x64xf32, #tpu.memory_space<vmem>>, vector<16xf32>,
      %add3A_561 = arith.addf %add3A_557, %get3A_560 : vector<16xf32>
      %mul3A_562 = arith.mulf %mul3A_524, %add3A_561 : vector<16xf32>
      %add3A_563 = arith.addf %mul3A_562, %get3A_6 : vector<16xf32>
      %get3A_564 = arith.index_cast %scan3A_482 : i32 to index
      %get3A_565 = arith.constant 48 : index
      %get3A_566 = tpu.vector_load %arg15[%get3A_564, %get3A_565] {strides = array<i32>} : memref<125x64xf32, #tpu.memory_space<vmem>>, vector<16xf32>,
      %get3A_567 = arith.index_cast %scan3A_482 : i32 to index
      %get3A_568 = arith.constant 48 : index
      %get3A_569 = tpu.vector_load %arg16[%get3A_567, %get3A_568] {strides = array<i32>} : memref<125x64xf32, #tpu.memory_space<vmem>>, vector<16xf32>,
      %add3A_570 = arith.addf %get3A_566, %get3A_569 : vector<16xf32>
      %get3A_571 = arith.index_cast %scan3A_482 : i32 to index
      %get3A_572 = arith.constant 48 : index
      %get3A_573 = tpu.vector_load %arg17[%get3A_571, %get3A_572] {strides = array<i32>} : memref<125x64xf32, #tpu.memory_space<vmem>>, vector<16xf32>,
      %add3A_574 = arith.addf %add3A_570, %get3A_573 : vector<16xf32>
      %mul3A_575 = arith.mulf %mul3A_524, %add3A_574 : vector<16xf32>
      %add3A_576 = arith.addf %mul3A_575, %get3A_8 : vector<16xf32>
      %pack3A = tpu.pack_subelements %add3A_537, %add3A_550 {pack_format = #tpu.pack_format<interleaved>, positions = array<i32: 0, 1>} : vector<16xf32>, vector<16xf32> -> vector<32xbf16>
      %bitcast3A_577 = vector.bitcast %pack3A : vector<32xbf16> to vector<16xi32>
      %swap3A_578 = arith.index_cast %scan3A_482 : i32 to index
      %swap3A_579 = arith.constant 0 : index
      %swap3A_580 = tpu.vector_load %arg18[%swap3A_578, %swap3A_579] {strides = array<i32>} : memref<125x32xi32, #tpu.memory_space<vmem>>, vector<16xi32>,
      tpu.vector_store %arg18[%swap3A_578, %swap3A_579], %bitcast3A_577 {strides = array<i32>} : memref<125x32xi32, #tpu.memory_space<vmem>>, vector<16xi32>,
      %pack3A_581 = tpu.pack_subelements %add3A_563, %add3A_576 {pack_format = #tpu.pack_format<interleaved>, positions = array<i32: 0, 1>} : vector<16xf32>, vector<16xf32> -> vector<32xbf16>
      %bitcast3A_582 = vector.bitcast %pack3A_581 : vector<32xbf16> to vector<16xi32>
      %swap3A_583 = arith.index_cast %scan3A_482 : i32 to index
      %swap3A_584 = arith.constant 16 : index
      %swap3A_585 = tpu.vector_load %arg18[%swap3A_583, %swap3A_584] {strides = array<i32>} : memref<125x32xi32, #tpu.memory_space<vmem>>, vector<16xi32>,
      tpu.vector_store %arg18[%swap3A_583, %swap3A_584], %bitcast3A_582 {strides = array<i32>} : memref<125x32xi32, #tpu.memory_space<vmem>>, vector<16xi32>,
    }
    %scan3A_153 = arith.constant 125 : i32
    "tpu.region"() ({
      %run_scoped3A_482 = tpu.sem_alloc : memref<!tpu.dma_semaphore, #tpu.memory_space<semaphore_mem>>
      %dma_start3A_483 = arith.constant 0 : i32
      %dma_start3A_484 = tpu.memref_slice %arg22[%add3A_83, %dma_start3A_483] : memref<10000x32xi32, #tpu.memory_space<vmem_shared>> -> memref<125x32xi32, #tpu.memory_space<vmem_shared>>
      %dma_start3A_485 = arith.constant 0 : i32
      %dma_start3A_486 = tpu.memref_slice %arg22[%add3A_83, %dma_start3A_485] : memref<10000x32xi32, #tpu.memory_space<vmem_shared>> -> memref<125x32xi32, #tpu.memory_space<vmem_shared>>
      tpu.enqueue_dma source(%arg18 : memref<125x32xi32, #tpu.memory_space<vmem>>) target(%dma_start3A_486 : memref<125x32xi32, #tpu.memory_space<vmem_shared>>) target_semaphore(%run_scoped3A_482 : memref<!tpu.dma_semaphore, #tpu.memory_space<semaphore_mem>>)
      %dma_wait3A_487 = arith.constant 0 : i32
      %dma_wait3A_488 = tpu.memref_slice %arg22[%add3A_83, %dma_wait3A_487] : memref<10000x32xi32, #tpu.memory_space<vmem_shared>> -> memref<125x32xi32, #tpu.memory_space<vmem_shared>>
      %dma_wait3A_489 = arith.constant 0 : i32
      %dma_wait3A_490 = tpu.memref_slice %arg22[%add3A_83, %dma_wait3A_489] : memref<10000x32xi32, #tpu.memory_space<vmem_shared>> -> memref<125x32xi32, #tpu.memory_space<vmem_shared>>
      tpu.wait_dma2 semaphore(%run_scoped3A_482 : memref<!tpu.dma_semaphore, #tpu.memory_space<semaphore_mem>>) src(%arg18 : memref<125x32xi32, #tpu.memory_space<vmem>>) dst(%dma_wait3A_490 : memref<125x32xi32, #tpu.memory_space<vmem_shared>>)
      tpu.yield
    }) : () -> ()
    %mul3A_154 = arith.constant 625 : i32
    %mul3A_155 = arith.muli %arg1, %mul3A_154 : i32
    %add3A_156 = arith.constant 250 : i32
    %add3A_157 = arith.addi %mul3A_155, %add3A_156 : i32
    %dma_start3A_158 = arith.constant 0 : i32
    %dma_start3A_159 = arith.constant 0 : i32
    %dma_start3A_160 = tpu.memref_slice %arg2[%dma_start3A_158, %add3A_157, %dma_start3A_159] : memref<2x10000x64xf32, #tpu.memory_space<hbm>> -> memref<1x125x64xf32, #tpu.memory_space<hbm>>
    %dma_start3A_161 = tpu.memref_squeeze %dma_start3A_160 : memref<1x125x64xf32, #tpu.memory_space<hbm>> -> memref<125x64xf32, #tpu.memory_space<hbm>>
    %dma_start3A_162 = arith.constant 0 : i32
    %dma_start3A_163 = tpu.memref_slice %arg2[%dma_start3A_158, %add3A_157, %dma_start3A_162] : memref<2x10000x64xf32, #tpu.memory_space<hbm>> -> memref<1x125x64xf32, #tpu.memory_space<hbm>>
    %dma_start3A_164 = tpu.memref_squeeze %dma_start3A_163 : memref<1x125x64xf32, #tpu.memory_space<hbm>> -> memref<125x64xf32, #tpu.memory_space<hbm>>
    tpu.enqueue_dma source(%dma_start3A_164 : memref<125x64xf32, #tpu.memory_space<hbm>>) target(%arg15 : memref<125x64xf32, #tpu.memory_space<vmem>>) target_semaphore(%arg23 : memref<!tpu.dma_semaphore, #tpu.memory_space<semaphore_mem>>)
    %dma_start3A_165 = arith.constant 1 : i32
    %dma_start3A_166 = arith.constant 0 : i32
    %dma_start3A_167 = tpu.memref_slice %arg2[%dma_start3A_165, %add3A_157, %dma_start3A_166] : memref<2x10000x64xf32, #tpu.memory_space<hbm>> -> memref<1x125x64xf32, #tpu.memory_space<hbm>>
    %dma_start3A_168 = tpu.memref_squeeze %dma_start3A_167 : memref<1x125x64xf32, #tpu.memory_space<hbm>> -> memref<125x64xf32, #tpu.memory_space<hbm>>
    %dma_start3A_169 = arith.constant 0 : i32
    %dma_start3A_170 = tpu.memref_slice %arg2[%dma_start3A_165, %add3A_157, %dma_start3A_169] : memref<2x10000x64xf32, #tpu.memory_space<hbm>> -> memref<1x125x64xf32, #tpu.memory_space<hbm>>
    %dma_start3A_171 = tpu.memref_squeeze %dma_start3A_170 : memref<1x125x64xf32, #tpu.memory_space<hbm>> -> memref<125x64xf32, #tpu.memory_space<hbm>>
    tpu.enqueue_dma source(%dma_start3A_171 : memref<125x64xf32, #tpu.memory_space<hbm>>) target(%arg16 : memref<125x64xf32, #tpu.memory_space<vmem>>) target_semaphore(%arg23 : memref<!tpu.dma_semaphore, #tpu.memory_space<semaphore_mem>>)
    %dma_start3A_172 = arith.constant 0 : i32
    %dma_start3A_173 = tpu.memref_slice %arg3[%add3A_157, %dma_start3A_172] : memref<10000x64xf32, #tpu.memory_space<hbm>> -> memref<125x64xf32, #tpu.memory_space<hbm>>
    %dma_start3A_174 = arith.constant 0 : i32
    %dma_start3A_175 = tpu.memref_slice %arg3[%add3A_157, %dma_start3A_174] : memref<10000x64xf32, #tpu.memory_space<hbm>> -> memref<125x64xf32, #tpu.memory_space<hbm>>
    tpu.enqueue_dma source(%dma_start3A_175 : memref<125x64xf32, #tpu.memory_space<hbm>>) target(%arg17 : memref<125x64xf32, #tpu.memory_space<vmem>>) target_semaphore(%arg23 : memref<!tpu.dma_semaphore, #tpu.memory_space<semaphore_mem>>)
    %dma_start3A_176 = arith.constant 0 : i32
    %dma_start3A_177 = arith.constant 0 : i32
    %dma_start3A_178 = tpu.memref_slice %arg4[%dma_start3A_176, %add3A_157, %dma_start3A_177] : memref<2x10000x16xf32, #tpu.memory_space<hbm>> -> memref<1x125x16xf32, #tpu.memory_space<hbm>>
    %dma_start3A_179 = tpu.memref_squeeze %dma_start3A_178 : memref<1x125x16xf32, #tpu.memory_space<hbm>> -> memref<125x16xf32, #tpu.memory_space<hbm>>
    %dma_start3A_180 = arith.constant 0 : i32
    %dma_start3A_181 = tpu.memref_slice %arg4[%dma_start3A_176, %add3A_157, %dma_start3A_180] : memref<2x10000x16xf32, #tpu.memory_space<hbm>> -> memref<1x125x16xf32, #tpu.memory_space<hbm>>
    %dma_start3A_182 = tpu.memref_squeeze %dma_start3A_181 : memref<1x125x16xf32, #tpu.memory_space<hbm>> -> memref<125x16xf32, #tpu.memory_space<hbm>>
    tpu.enqueue_dma source(%dma_start3A_182 : memref<125x16xf32, #tpu.memory_space<hbm>>) target(%arg19 : memref<125x16xf32, #tpu.memory_space<vmem>>) target_semaphore(%arg23 : memref<!tpu.dma_semaphore, #tpu.memory_space<semaphore_mem>>)
    %dma_start3A_183 = arith.constant 1 : i32
    %dma_start3A_184 = arith.constant 0 : i32
    %dma_start3A_185 = tpu.memref_slice %arg4[%dma_start3A_183, %add3A_157, %dma_start3A_184] : memref<2x10000x16xf32, #tpu.memory_space<hbm>> -> memref<1x125x16xf32, #tpu.memory_space<hbm>>
    %dma_start3A_186 = tpu.memref_squeeze %dma_start3A_185 : memref<1x125x16xf32, #tpu.memory_space<hbm>> -> memref<125x16xf32, #tpu.memory_space<hbm>>
    %dma_start3A_187 = arith.constant 0 : i32
    %dma_start3A_188 = tpu.memref_slice %arg4[%dma_start3A_183, %add3A_157, %dma_start3A_187] : memref<2x10000x16xf32, #tpu.memory_space<hbm>> -> memref<1x125x16xf32, #tpu.memory_space<hbm>>
    %dma_start3A_189 = tpu.memref_squeeze %dma_start3A_188 : memref<1x125x16xf32, #tpu.memory_space<hbm>> -> memref<125x16xf32, #tpu.memory_space<hbm>>
    tpu.enqueue_dma source(%dma_start3A_189 : memref<125x16xf32, #tpu.memory_space<hbm>>) target(%arg20 : memref<125x16xf32, #tpu.memory_space<vmem>>) target_semaphore(%arg23 : memref<!tpu.dma_semaphore, #tpu.memory_space<semaphore_mem>>)
    %dma_wait3A_190 = arith.constant 0 : i32
    %dma_wait3A_191 = arith.constant 0 : i32
    %dma_wait3A_192 = tpu.memref_slice %arg2[%dma_wait3A_190, %add3A_157, %dma_wait3A_191] : memref<2x10000x64xf32, #tpu.memory_space<hbm>> -> memref<1x125x64xf32, #tpu.memory_space<hbm>>
    %dma_wait3A_193 = tpu.memref_squeeze %dma_wait3A_192 : memref<1x125x64xf32, #tpu.memory_space<hbm>> -> memref<125x64xf32, #tpu.memory_space<hbm>>
    %dma_wait3A_194 = arith.constant 0 : i32
    %dma_wait3A_195 = tpu.memref_slice %arg2[%dma_wait3A_190, %add3A_157, %dma_wait3A_194] : memref<2x10000x64xf32, #tpu.memory_space<hbm>> -> memref<1x125x64xf32, #tpu.memory_space<hbm>>
    %dma_wait3A_196 = tpu.memref_squeeze %dma_wait3A_195 : memref<1x125x64xf32, #tpu.memory_space<hbm>> -> memref<125x64xf32, #tpu.memory_space<hbm>>
    tpu.wait_dma2 semaphore(%arg23 : memref<!tpu.dma_semaphore, #tpu.memory_space<semaphore_mem>>) src(%dma_wait3A_196 : memref<125x64xf32, #tpu.memory_space<hbm>>) dst(%arg15 : memref<125x64xf32, #tpu.memory_space<vmem>>)
    %dma_wait3A_197 = arith.constant 1 : i32
    %dma_wait3A_198 = arith.constant 0 : i32
    %dma_wait3A_199 = tpu.memref_slice %arg2[%dma_wait3A_197, %add3A_157, %dma_wait3A_198] : memref<2x10000x64xf32, #tpu.memory_space<hbm>> -> memref<1x125x64xf32, #tpu.memory_space<hbm>>
    %dma_wait3A_200 = tpu.memref_squeeze %dma_wait3A_199 : memref<1x125x64xf32, #tpu.memory_space<hbm>> -> memref<125x64xf32, #tpu.memory_space<hbm>>
    %dma_wait3A_201 = arith.constant 0 : i32
    %dma_wait3A_202 = tpu.memref_slice %arg2[%dma_wait3A_197, %add3A_157, %dma_wait3A_201] : memref<2x10000x64xf32, #tpu.memory_space<hbm>> -> memref<1x125x64xf32, #tpu.memory_space<hbm>>
    %dma_wait3A_203 = tpu.memref_squeeze %dma_wait3A_202 : memref<1x125x64xf32, #tpu.memory_space<hbm>> -> memref<125x64xf32, #tpu.memory_space<hbm>>
    tpu.wait_dma2 semaphore(%arg23 : memref<!tpu.dma_semaphore, #tpu.memory_space<semaphore_mem>>) src(%dma_wait3A_203 : memref<125x64xf32, #tpu.memory_space<hbm>>) dst(%arg16 : memref<125x64xf32, #tpu.memory_space<vmem>>)
    %dma_wait3A_204 = arith.constant 0 : i32
    %dma_wait3A_205 = tpu.memref_slice %arg3[%add3A_157, %dma_wait3A_204] : memref<10000x64xf32, #tpu.memory_space<hbm>> -> memref<125x64xf32, #tpu.memory_space<hbm>>
    %dma_wait3A_206 = arith.constant 0 : i32
    %dma_wait3A_207 = tpu.memref_slice %arg3[%add3A_157, %dma_wait3A_206] : memref<10000x64xf32, #tpu.memory_space<hbm>> -> memref<125x64xf32, #tpu.memory_space<hbm>>
    tpu.wait_dma2 semaphore(%arg23 : memref<!tpu.dma_semaphore, #tpu.memory_space<semaphore_mem>>) src(%dma_wait3A_207 : memref<125x64xf32, #tpu.memory_space<hbm>>) dst(%arg17 : memref<125x64xf32, #tpu.memory_space<vmem>>)
    %dma_wait3A_208 = arith.constant 0 : i32
    %dma_wait3A_209 = arith.constant 0 : i32
    %dma_wait3A_210 = tpu.memref_slice %arg4[%dma_wait3A_208, %add3A_157, %dma_wait3A_209] : memref<2x10000x16xf32, #tpu.memory_space<hbm>> -> memref<1x125x16xf32, #tpu.memory_space<hbm>>
    %dma_wait3A_211 = tpu.memref_squeeze %dma_wait3A_210 : memref<1x125x16xf32, #tpu.memory_space<hbm>> -> memref<125x16xf32, #tpu.memory_space<hbm>>
    %dma_wait3A_212 = arith.constant 0 : i32
    %dma_wait3A_213 = tpu.memref_slice %arg4[%dma_wait3A_208, %add3A_157, %dma_wait3A_212] : memref<2x10000x16xf32, #tpu.memory_space<hbm>> -> memref<1x125x16xf32, #tpu.memory_space<hbm>>
    %dma_wait3A_214 = tpu.memref_squeeze %dma_wait3A_213 : memref<1x125x16xf32, #tpu.memory_space<hbm>> -> memref<125x16xf32, #tpu.memory_space<hbm>>
    tpu.wait_dma2 semaphore(%arg23 : memref<!tpu.dma_semaphore, #tpu.memory_space<semaphore_mem>>) src(%dma_wait3A_214 : memref<125x16xf32, #tpu.memory_space<hbm>>) dst(%arg19 : memref<125x16xf32, #tpu.memory_space<vmem>>)
    %dma_wait3A_215 = arith.constant 1 : i32
    %dma_wait3A_216 = arith.constant 0 : i32
    %dma_wait3A_217 = tpu.memref_slice %arg4[%dma_wait3A_215, %add3A_157, %dma_wait3A_216] : memref<2x10000x16xf32, #tpu.memory_space<hbm>> -> memref<1x125x16xf32, #tpu.memory_space<hbm>>
    %dma_wait3A_218 = tpu.memref_squeeze %dma_wait3A_217 : memref<1x125x16xf32, #tpu.memory_space<hbm>> -> memref<125x16xf32, #tpu.memory_space<hbm>>
    %dma_wait3A_219 = arith.constant 0 : i32
    %dma_wait3A_220 = tpu.memref_slice %arg4[%dma_wait3A_215, %add3A_157, %dma_wait3A_219] : memref<2x10000x16xf32, #tpu.memory_space<hbm>> -> memref<1x125x16xf32, #tpu.memory_space<hbm>>
    %dma_wait3A_221 = tpu.memref_squeeze %dma_wait3A_220 : memref<1x125x16xf32, #tpu.memory_space<hbm>> -> memref<125x16xf32, #tpu.memory_space<hbm>>
    tpu.wait_dma2 semaphore(%arg23 : memref<!tpu.dma_semaphore, #tpu.memory_space<semaphore_mem>>) src(%dma_wait3A_221 : memref<125x16xf32, #tpu.memory_space<hbm>>) dst(%arg20 : memref<125x16xf32, #tpu.memory_space<vmem>>)
    %scan3A_222 = arith.constant 0 : i32
    %scan3A_223 = arith.constant 0 : i32
    %scan3A_224 = arith.constant 125 : i32
    %scan3A_225 = arith.addi %scan3A_223, %scan3A_224 : i32
    %scan3A_226 = arith.constant 1 : i32
    scf.for %scan3A_482 = %scan3A_223 to %scan3A_225 step %scan3A_226  : i32 {
      %get3A_483 = arith.index_cast %scan3A_482 : i32 to index
      %get3A_484 = arith.constant 0 : index
      %get3A_485 = tpu.vector_load %arg19[%get3A_483, %get3A_484] {strides = array<i32>} : memref<125x16xf32, #tpu.memory_space<vmem>>, vector<16xf32>,
      %get3A_486 = arith.index_cast %scan3A_482 : i32 to index
      %get3A_487 = arith.constant 0 : index
      %get3A_488 = tpu.vector_load %arg20[%get3A_486, %get3A_487] {strides = array<i32>} : memref<125x16xf32, #tpu.memory_space<vmem>>, vector<16xf32>,
      %add3A_489 = arith.addf %get3A_485, %get3A_488 : vector<16xf32>
      %add3A_490 = arith.constant 1.000000e+00 : f32
      %add3A_491 = vector.broadcast %add3A_490 : f32 to vector<16xf32>
      %add3A_492 = arith.addf %add3A_489, %add3A_491 : vector<16xf32>
      %bitcast3A = vector.bitcast %add3A_492 : vector<16xf32> to vector<16xi32>
      %shift_right_logical3A = arith.constant 1 : i32
      %shift_right_logical3A_493 = vector.broadcast %shift_right_logical3A : i32 to vector<16xi32>
      %shift_right_logical3A_494 = arith.shrui %bitcast3A, %shift_right_logical3A_493 : vector<16xi32>
      %sub3A = arith.constant 1597463007 : i32
      %sub3A_495 = vector.broadcast %sub3A : i32 to vector<16xi32>
      %sub3A_496 = arith.subi %sub3A_495, %shift_right_logical3A_494 : vector<16xi32>
      %bitcast3A_497 = vector.bitcast %sub3A_496 : vector<16xi32> to vector<16xf32>
      %mul3A_498 = arith.constant 5.000000e-01 : f32
      %mul3A_499 = vector.broadcast %mul3A_498 : f32 to vector<16xf32>
      %mul3A_500 = arith.mulf %mul3A_499, %add3A_492 : vector<16xf32>
      %mul3A_501 = arith.mulf %mul3A_500, %bitcast3A_497 : vector<16xf32>
      %mul3A_502 = arith.mulf %mul3A_501, %bitcast3A_497 : vector<16xf32>
      %sub3A_503 = arith.constant 1.500000e+00 : f32
      %sub3A_504 = vector.broadcast %sub3A_503 : f32 to vector<16xf32>
      %sub3A_505 = arith.subf %sub3A_504, %mul3A_502 : vector<16xf32>
      %mul3A_506 = arith.mulf %bitcast3A_497, %sub3A_505 : vector<16xf32>
      %mul3A_507 = arith.constant 5.000000e-01 : f32
      %mul3A_508 = vector.broadcast %mul3A_507 : f32 to vector<16xf32>
      %mul3A_509 = arith.mulf %mul3A_508, %add3A_492 : vector<16xf32>
      %mul3A_510 = arith.mulf %mul3A_509, %mul3A_506 : vector<16xf32>
      %mul3A_511 = arith.mulf %mul3A_510, %mul3A_506 : vector<16xf32>
      %sub3A_512 = arith.constant 1.500000e+00 : f32
      %sub3A_513 = vector.broadcast %sub3A_512 : f32 to vector<16xf32>
      %sub3A_514 = arith.subf %sub3A_513, %mul3A_511 : vector<16xf32>
      %mul3A_515 = arith.mulf %mul3A_506, %sub3A_514 : vector<16xf32>
      %mul3A_516 = arith.constant 5.000000e-01 : f32
      %mul3A_517 = vector.broadcast %mul3A_516 : f32 to vector<16xf32>
      %mul3A_518 = arith.mulf %mul3A_517, %add3A_492 : vector<16xf32>
      %mul3A_519 = arith.mulf %mul3A_518, %mul3A_515 : vector<16xf32>
      %mul3A_520 = arith.mulf %mul3A_519, %mul3A_515 : vector<16xf32>
      %sub3A_521 = arith.constant 1.500000e+00 : f32
      %sub3A_522 = vector.broadcast %sub3A_521 : f32 to vector<16xf32>
      %sub3A_523 = arith.subf %sub3A_522, %mul3A_520 : vector<16xf32>
      %mul3A_524 = arith.mulf %mul3A_515, %sub3A_523 : vector<16xf32>
      %get3A_525 = arith.index_cast %scan3A_482 : i32 to index
      %get3A_526 = arith.constant 0 : index
      %get3A_527 = tpu.vector_load %arg15[%get3A_525, %get3A_526] {strides = array<i32>} : memref<125x64xf32, #tpu.memory_space<vmem>>, vector<16xf32>,
      %get3A_528 = arith.index_cast %scan3A_482 : i32 to index
      %get3A_529 = arith.constant 0 : index
      %get3A_530 = tpu.vector_load %arg16[%get3A_528, %get3A_529] {strides = array<i32>} : memref<125x64xf32, #tpu.memory_space<vmem>>, vector<16xf32>,
      %add3A_531 = arith.addf %get3A_527, %get3A_530 : vector<16xf32>
      %get3A_532 = arith.index_cast %scan3A_482 : i32 to index
      %get3A_533 = arith.constant 0 : index
      %get3A_534 = tpu.vector_load %arg17[%get3A_532, %get3A_533] {strides = array<i32>} : memref<125x64xf32, #tpu.memory_space<vmem>>, vector<16xf32>,
      %add3A_535 = arith.addf %add3A_531, %get3A_534 : vector<16xf32>
      %mul3A_536 = arith.mulf %mul3A_524, %add3A_535 : vector<16xf32>
      %add3A_537 = arith.addf %mul3A_536, %get3A_2 : vector<16xf32>
      %get3A_538 = arith.index_cast %scan3A_482 : i32 to index
      %get3A_539 = arith.constant 16 : index
      %get3A_540 = tpu.vector_load %arg15[%get3A_538, %get3A_539] {strides = array<i32>} : memref<125x64xf32, #tpu.memory_space<vmem>>, vector<16xf32>,
      %get3A_541 = arith.index_cast %scan3A_482 : i32 to index
      %get3A_542 = arith.constant 16 : index
      %get3A_543 = tpu.vector_load %arg16[%get3A_541, %get3A_542] {strides = array<i32>} : memref<125x64xf32, #tpu.memory_space<vmem>>, vector<16xf32>,
      %add3A_544 = arith.addf %get3A_540, %get3A_543 : vector<16xf32>
      %get3A_545 = arith.index_cast %scan3A_482 : i32 to index
      %get3A_546 = arith.constant 16 : index
      %get3A_547 = tpu.vector_load %arg17[%get3A_545, %get3A_546] {strides = array<i32>} : memref<125x64xf32, #tpu.memory_space<vmem>>, vector<16xf32>,
      %add3A_548 = arith.addf %add3A_544, %get3A_547 : vector<16xf32>
      %mul3A_549 = arith.mulf %mul3A_524, %add3A_548 : vector<16xf32>
      %add3A_550 = arith.addf %mul3A_549, %get3A_4 : vector<16xf32>
      %get3A_551 = arith.index_cast %scan3A_482 : i32 to index
      %get3A_552 = arith.constant 32 : index
      %get3A_553 = tpu.vector_load %arg15[%get3A_551, %get3A_552] {strides = array<i32>} : memref<125x64xf32, #tpu.memory_space<vmem>>, vector<16xf32>,
      %get3A_554 = arith.index_cast %scan3A_482 : i32 to index
      %get3A_555 = arith.constant 32 : index
      %get3A_556 = tpu.vector_load %arg16[%get3A_554, %get3A_555] {strides = array<i32>} : memref<125x64xf32, #tpu.memory_space<vmem>>, vector<16xf32>,
      %add3A_557 = arith.addf %get3A_553, %get3A_556 : vector<16xf32>
      %get3A_558 = arith.index_cast %scan3A_482 : i32 to index
      %get3A_559 = arith.constant 32 : index
      %get3A_560 = tpu.vector_load %arg17[%get3A_558, %get3A_559] {strides = array<i32>} : memref<125x64xf32, #tpu.memory_space<vmem>>, vector<16xf32>,
      %add3A_561 = arith.addf %add3A_557, %get3A_560 : vector<16xf32>
      %mul3A_562 = arith.mulf %mul3A_524, %add3A_561 : vector<16xf32>
      %add3A_563 = arith.addf %mul3A_562, %get3A_6 : vector<16xf32>
      %get3A_564 = arith.index_cast %scan3A_482 : i32 to index
      %get3A_565 = arith.constant 48 : index
      %get3A_566 = tpu.vector_load %arg15[%get3A_564, %get3A_565] {strides = array<i32>} : memref<125x64xf32, #tpu.memory_space<vmem>>, vector<16xf32>,
      %get3A_567 = arith.index_cast %scan3A_482 : i32 to index
      %get3A_568 = arith.constant 48 : index
      %get3A_569 = tpu.vector_load %arg16[%get3A_567, %get3A_568] {strides = array<i32>} : memref<125x64xf32, #tpu.memory_space<vmem>>, vector<16xf32>,
      %add3A_570 = arith.addf %get3A_566, %get3A_569 : vector<16xf32>
      %get3A_571 = arith.index_cast %scan3A_482 : i32 to index
      %get3A_572 = arith.constant 48 : index
      %get3A_573 = tpu.vector_load %arg17[%get3A_571, %get3A_572] {strides = array<i32>} : memref<125x64xf32, #tpu.memory_space<vmem>>, vector<16xf32>,
      %add3A_574 = arith.addf %add3A_570, %get3A_573 : vector<16xf32>
      %mul3A_575 = arith.mulf %mul3A_524, %add3A_574 : vector<16xf32>
      %add3A_576 = arith.addf %mul3A_575, %get3A_8 : vector<16xf32>
      %pack3A = tpu.pack_subelements %add3A_537, %add3A_550 {pack_format = #tpu.pack_format<interleaved>, positions = array<i32: 0, 1>} : vector<16xf32>, vector<16xf32> -> vector<32xbf16>
      %bitcast3A_577 = vector.bitcast %pack3A : vector<32xbf16> to vector<16xi32>
      %swap3A_578 = arith.index_cast %scan3A_482 : i32 to index
      %swap3A_579 = arith.constant 0 : index
      %swap3A_580 = tpu.vector_load %arg18[%swap3A_578, %swap3A_579] {strides = array<i32>} : memref<125x32xi32, #tpu.memory_space<vmem>>, vector<16xi32>,
      tpu.vector_store %arg18[%swap3A_578, %swap3A_579], %bitcast3A_577 {strides = array<i32>} : memref<125x32xi32, #tpu.memory_space<vmem>>, vector<16xi32>,
      %pack3A_581 = tpu.pack_subelements %add3A_563, %add3A_576 {pack_format = #tpu.pack_format<interleaved>, positions = array<i32: 0, 1>} : vector<16xf32>, vector<16xf32> -> vector<32xbf16>
      %bitcast3A_582 = vector.bitcast %pack3A_581 : vector<32xbf16> to vector<16xi32>
      %swap3A_583 = arith.index_cast %scan3A_482 : i32 to index
      %swap3A_584 = arith.constant 16 : index
      %swap3A_585 = tpu.vector_load %arg18[%swap3A_583, %swap3A_584] {strides = array<i32>} : memref<125x32xi32, #tpu.memory_space<vmem>>, vector<16xi32>,
      tpu.vector_store %arg18[%swap3A_583, %swap3A_584], %bitcast3A_582 {strides = array<i32>} : memref<125x32xi32, #tpu.memory_space<vmem>>, vector<16xi32>,
    }
    %scan3A_227 = arith.constant 125 : i32
    "tpu.region"() ({
      %run_scoped3A_482 = tpu.sem_alloc : memref<!tpu.dma_semaphore, #tpu.memory_space<semaphore_mem>>
      %dma_start3A_483 = arith.constant 0 : i32
      %dma_start3A_484 = tpu.memref_slice %arg22[%add3A_157, %dma_start3A_483] : memref<10000x32xi32, #tpu.memory_space<vmem_shared>> -> memref<125x32xi32, #tpu.memory_space<vmem_shared>>
      %dma_start3A_485 = arith.constant 0 : i32
      %dma_start3A_486 = tpu.memref_slice %arg22[%add3A_157, %dma_start3A_485] : memref<10000x32xi32, #tpu.memory_space<vmem_shared>> -> memref<125x32xi32, #tpu.memory_space<vmem_shared>>
      tpu.enqueue_dma source(%arg18 : memref<125x32xi32, #tpu.memory_space<vmem>>) target(%dma_start3A_486 : memref<125x32xi32, #tpu.memory_space<vmem_shared>>) target_semaphore(%run_scoped3A_482 : memref<!tpu.dma_semaphore, #tpu.memory_space<semaphore_mem>>)
      %dma_wait3A_487 = arith.constant 0 : i32
      %dma_wait3A_488 = tpu.memref_slice %arg22[%add3A_157, %dma_wait3A_487] : memref<10000x32xi32, #tpu.memory_space<vmem_shared>> -> memref<125x32xi32, #tpu.memory_space<vmem_shared>>
      %dma_wait3A_489 = arith.constant 0 : i32
      %dma_wait3A_490 = tpu.memref_slice %arg22[%add3A_157, %dma_wait3A_489] : memref<10000x32xi32, #tpu.memory_space<vmem_shared>> -> memref<125x32xi32, #tpu.memory_space<vmem_shared>>
      tpu.wait_dma2 semaphore(%run_scoped3A_482 : memref<!tpu.dma_semaphore, #tpu.memory_space<semaphore_mem>>) src(%arg18 : memref<125x32xi32, #tpu.memory_space<vmem>>) dst(%dma_wait3A_490 : memref<125x32xi32, #tpu.memory_space<vmem_shared>>)
      tpu.yield
    }) : () -> ()
    %mul3A_228 = arith.constant 625 : i32
    %mul3A_229 = arith.muli %arg1, %mul3A_228 : i32
    %add3A_230 = arith.constant 375 : i32
    %add3A_231 = arith.addi %mul3A_229, %add3A_230 : i32
    %dma_start3A_232 = arith.constant 0 : i32
    %dma_start3A_233 = arith.constant 0 : i32
    %dma_start3A_234 = tpu.memref_slice %arg2[%dma_start3A_232, %add3A_231, %dma_start3A_233] : memref<2x10000x64xf32, #tpu.memory_space<hbm>> -> memref<1x125x64xf32, #tpu.memory_space<hbm>>
    %dma_start3A_235 = tpu.memref_squeeze %dma_start3A_234 : memref<1x125x64xf32, #tpu.memory_space<hbm>> -> memref<125x64xf32, #tpu.memory_space<hbm>>
    %dma_start3A_236 = arith.constant 0 : i32
    %dma_start3A_237 = tpu.memref_slice %arg2[%dma_start3A_232, %add3A_231, %dma_start3A_236] : memref<2x10000x64xf32, #tpu.memory_space<hbm>> -> memref<1x125x64xf32, #tpu.memory_space<hbm>>
    %dma_start3A_238 = tpu.memref_squeeze %dma_start3A_237 : memref<1x125x64xf32, #tpu.memory_space<hbm>> -> memref<125x64xf32, #tpu.memory_space<hbm>>
    tpu.enqueue_dma source(%dma_start3A_238 : memref<125x64xf32, #tpu.memory_space<hbm>>) target(%arg15 : memref<125x64xf32, #tpu.memory_space<vmem>>) target_semaphore(%arg23 : memref<!tpu.dma_semaphore, #tpu.memory_space<semaphore_mem>>)
    %dma_start3A_239 = arith.constant 1 : i32
    %dma_start3A_240 = arith.constant 0 : i32
    %dma_start3A_241 = tpu.memref_slice %arg2[%dma_start3A_239, %add3A_231, %dma_start3A_240] : memref<2x10000x64xf32, #tpu.memory_space<hbm>> -> memref<1x125x64xf32, #tpu.memory_space<hbm>>
    %dma_start3A_242 = tpu.memref_squeeze %dma_start3A_241 : memref<1x125x64xf32, #tpu.memory_space<hbm>> -> memref<125x64xf32, #tpu.memory_space<hbm>>
    %dma_start3A_243 = arith.constant 0 : i32
    %dma_start3A_244 = tpu.memref_slice %arg2[%dma_start3A_239, %add3A_231, %dma_start3A_243] : memref<2x10000x64xf32, #tpu.memory_space<hbm>> -> memref<1x125x64xf32, #tpu.memory_space<hbm>>
    %dma_start3A_245 = tpu.memref_squeeze %dma_start3A_244 : memref<1x125x64xf32, #tpu.memory_space<hbm>> -> memref<125x64xf32, #tpu.memory_space<hbm>>
    tpu.enqueue_dma source(%dma_start3A_245 : memref<125x64xf32, #tpu.memory_space<hbm>>) target(%arg16 : memref<125x64xf32, #tpu.memory_space<vmem>>) target_semaphore(%arg23 : memref<!tpu.dma_semaphore, #tpu.memory_space<semaphore_mem>>)
    %dma_start3A_246 = arith.constant 0 : i32
    %dma_start3A_247 = tpu.memref_slice %arg3[%add3A_231, %dma_start3A_246] : memref<10000x64xf32, #tpu.memory_space<hbm>> -> memref<125x64xf32, #tpu.memory_space<hbm>>
    %dma_start3A_248 = arith.constant 0 : i32
    %dma_start3A_249 = tpu.memref_slice %arg3[%add3A_231, %dma_start3A_248] : memref<10000x64xf32, #tpu.memory_space<hbm>> -> memref<125x64xf32, #tpu.memory_space<hbm>>
    tpu.enqueue_dma source(%dma_start3A_249 : memref<125x64xf32, #tpu.memory_space<hbm>>) target(%arg17 : memref<125x64xf32, #tpu.memory_space<vmem>>) target_semaphore(%arg23 : memref<!tpu.dma_semaphore, #tpu.memory_space<semaphore_mem>>)
    %dma_start3A_250 = arith.constant 0 : i32
    %dma_start3A_251 = arith.constant 0 : i32
    %dma_start3A_252 = tpu.memref_slice %arg4[%dma_start3A_250, %add3A_231, %dma_start3A_251] : memref<2x10000x16xf32, #tpu.memory_space<hbm>> -> memref<1x125x16xf32, #tpu.memory_space<hbm>>
    %dma_start3A_253 = tpu.memref_squeeze %dma_start3A_252 : memref<1x125x16xf32, #tpu.memory_space<hbm>> -> memref<125x16xf32, #tpu.memory_space<hbm>>
    %dma_start3A_254 = arith.constant 0 : i32
    %dma_start3A_255 = tpu.memref_slice %arg4[%dma_start3A_250, %add3A_231, %dma_start3A_254] : memref<2x10000x16xf32, #tpu.memory_space<hbm>> -> memref<1x125x16xf32, #tpu.memory_space<hbm>>
    %dma_start3A_256 = tpu.memref_squeeze %dma_start3A_255 : memref<1x125x16xf32, #tpu.memory_space<hbm>> -> memref<125x16xf32, #tpu.memory_space<hbm>>
    tpu.enqueue_dma source(%dma_start3A_256 : memref<125x16xf32, #tpu.memory_space<hbm>>) target(%arg19 : memref<125x16xf32, #tpu.memory_space<vmem>>) target_semaphore(%arg23 : memref<!tpu.dma_semaphore, #tpu.memory_space<semaphore_mem>>)
    %dma_start3A_257 = arith.constant 1 : i32
    %dma_start3A_258 = arith.constant 0 : i32
    %dma_start3A_259 = tpu.memref_slice %arg4[%dma_start3A_257, %add3A_231, %dma_start3A_258] : memref<2x10000x16xf32, #tpu.memory_space<hbm>> -> memref<1x125x16xf32, #tpu.memory_space<hbm>>
    %dma_start3A_260 = tpu.memref_squeeze %dma_start3A_259 : memref<1x125x16xf32, #tpu.memory_space<hbm>> -> memref<125x16xf32, #tpu.memory_space<hbm>>
    %dma_start3A_261 = arith.constant 0 : i32
    %dma_start3A_262 = tpu.memref_slice %arg4[%dma_start3A_257, %add3A_231, %dma_start3A_261] : memref<2x10000x16xf32, #tpu.memory_space<hbm>> -> memref<1x125x16xf32, #tpu.memory_space<hbm>>
    %dma_start3A_263 = tpu.memref_squeeze %dma_start3A_262 : memref<1x125x16xf32, #tpu.memory_space<hbm>> -> memref<125x16xf32, #tpu.memory_space<hbm>>
    tpu.enqueue_dma source(%dma_start3A_263 : memref<125x16xf32, #tpu.memory_space<hbm>>) target(%arg20 : memref<125x16xf32, #tpu.memory_space<vmem>>) target_semaphore(%arg23 : memref<!tpu.dma_semaphore, #tpu.memory_space<semaphore_mem>>)
    %dma_wait3A_264 = arith.constant 0 : i32
    %dma_wait3A_265 = arith.constant 0 : i32
    %dma_wait3A_266 = tpu.memref_slice %arg2[%dma_wait3A_264, %add3A_231, %dma_wait3A_265] : memref<2x10000x64xf32, #tpu.memory_space<hbm>> -> memref<1x125x64xf32, #tpu.memory_space<hbm>>
    %dma_wait3A_267 = tpu.memref_squeeze %dma_wait3A_266 : memref<1x125x64xf32, #tpu.memory_space<hbm>> -> memref<125x64xf32, #tpu.memory_space<hbm>>
    %dma_wait3A_268 = arith.constant 0 : i32
    %dma_wait3A_269 = tpu.memref_slice %arg2[%dma_wait3A_264, %add3A_231, %dma_wait3A_268] : memref<2x10000x64xf32, #tpu.memory_space<hbm>> -> memref<1x125x64xf32, #tpu.memory_space<hbm>>
    %dma_wait3A_270 = tpu.memref_squeeze %dma_wait3A_269 : memref<1x125x64xf32, #tpu.memory_space<hbm>> -> memref<125x64xf32, #tpu.memory_space<hbm>>
    tpu.wait_dma2 semaphore(%arg23 : memref<!tpu.dma_semaphore, #tpu.memory_space<semaphore_mem>>) src(%dma_wait3A_270 : memref<125x64xf32, #tpu.memory_space<hbm>>) dst(%arg15 : memref<125x64xf32, #tpu.memory_space<vmem>>)
    %dma_wait3A_271 = arith.constant 1 : i32
    %dma_wait3A_272 = arith.constant 0 : i32
    %dma_wait3A_273 = tpu.memref_slice %arg2[%dma_wait3A_271, %add3A_231, %dma_wait3A_272] : memref<2x10000x64xf32, #tpu.memory_space<hbm>> -> memref<1x125x64xf32, #tpu.memory_space<hbm>>
    %dma_wait3A_274 = tpu.memref_squeeze %dma_wait3A_273 : memref<1x125x64xf32, #tpu.memory_space<hbm>> -> memref<125x64xf32, #tpu.memory_space<hbm>>
    %dma_wait3A_275 = arith.constant 0 : i32
    %dma_wait3A_276 = tpu.memref_slice %arg2[%dma_wait3A_271, %add3A_231, %dma_wait3A_275] : memref<2x10000x64xf32, #tpu.memory_space<hbm>> -> memref<1x125x64xf32, #tpu.memory_space<hbm>>
    %dma_wait3A_277 = tpu.memref_squeeze %dma_wait3A_276 : memref<1x125x64xf32, #tpu.memory_space<hbm>> -> memref<125x64xf32, #tpu.memory_space<hbm>>
    tpu.wait_dma2 semaphore(%arg23 : memref<!tpu.dma_semaphore, #tpu.memory_space<semaphore_mem>>) src(%dma_wait3A_277 : memref<125x64xf32, #tpu.memory_space<hbm>>) dst(%arg16 : memref<125x64xf32, #tpu.memory_space<vmem>>)
    %dma_wait3A_278 = arith.constant 0 : i32
    %dma_wait3A_279 = tpu.memref_slice %arg3[%add3A_231, %dma_wait3A_278] : memref<10000x64xf32, #tpu.memory_space<hbm>> -> memref<125x64xf32, #tpu.memory_space<hbm>>
    %dma_wait3A_280 = arith.constant 0 : i32
    %dma_wait3A_281 = tpu.memref_slice %arg3[%add3A_231, %dma_wait3A_280] : memref<10000x64xf32, #tpu.memory_space<hbm>> -> memref<125x64xf32, #tpu.memory_space<hbm>>
    tpu.wait_dma2 semaphore(%arg23 : memref<!tpu.dma_semaphore, #tpu.memory_space<semaphore_mem>>) src(%dma_wait3A_281 : memref<125x64xf32, #tpu.memory_space<hbm>>) dst(%arg17 : memref<125x64xf32, #tpu.memory_space<vmem>>)
    %dma_wait3A_282 = arith.constant 0 : i32
    %dma_wait3A_283 = arith.constant 0 : i32
    %dma_wait3A_284 = tpu.memref_slice %arg4[%dma_wait3A_282, %add3A_231, %dma_wait3A_283] : memref<2x10000x16xf32, #tpu.memory_space<hbm>> -> memref<1x125x16xf32, #tpu.memory_space<hbm>>
    %dma_wait3A_285 = tpu.memref_squeeze %dma_wait3A_284 : memref<1x125x16xf32, #tpu.memory_space<hbm>> -> memref<125x16xf32, #tpu.memory_space<hbm>>
    %dma_wait3A_286 = arith.constant 0 : i32
    %dma_wait3A_287 = tpu.memref_slice %arg4[%dma_wait3A_282, %add3A_231, %dma_wait3A_286] : memref<2x10000x16xf32, #tpu.memory_space<hbm>> -> memref<1x125x16xf32, #tpu.memory_space<hbm>>
    %dma_wait3A_288 = tpu.memref_squeeze %dma_wait3A_287 : memref<1x125x16xf32, #tpu.memory_space<hbm>> -> memref<125x16xf32, #tpu.memory_space<hbm>>
    tpu.wait_dma2 semaphore(%arg23 : memref<!tpu.dma_semaphore, #tpu.memory_space<semaphore_mem>>) src(%dma_wait3A_288 : memref<125x16xf32, #tpu.memory_space<hbm>>) dst(%arg19 : memref<125x16xf32, #tpu.memory_space<vmem>>)
    %dma_wait3A_289 = arith.constant 1 : i32
    %dma_wait3A_290 = arith.constant 0 : i32
    %dma_wait3A_291 = tpu.memref_slice %arg4[%dma_wait3A_289, %add3A_231, %dma_wait3A_290] : memref<2x10000x16xf32, #tpu.memory_space<hbm>> -> memref<1x125x16xf32, #tpu.memory_space<hbm>>
    %dma_wait3A_292 = tpu.memref_squeeze %dma_wait3A_291 : memref<1x125x16xf32, #tpu.memory_space<hbm>> -> memref<125x16xf32, #tpu.memory_space<hbm>>
    %dma_wait3A_293 = arith.constant 0 : i32
    %dma_wait3A_294 = tpu.memref_slice %arg4[%dma_wait3A_289, %add3A_231, %dma_wait3A_293] : memref<2x10000x16xf32, #tpu.memory_space<hbm>> -> memref<1x125x16xf32, #tpu.memory_space<hbm>>
    %dma_wait3A_295 = tpu.memref_squeeze %dma_wait3A_294 : memref<1x125x16xf32, #tpu.memory_space<hbm>> -> memref<125x16xf32, #tpu.memory_space<hbm>>
    tpu.wait_dma2 semaphore(%arg23 : memref<!tpu.dma_semaphore, #tpu.memory_space<semaphore_mem>>) src(%dma_wait3A_295 : memref<125x16xf32, #tpu.memory_space<hbm>>) dst(%arg20 : memref<125x16xf32, #tpu.memory_space<vmem>>)
    %scan3A_296 = arith.constant 0 : i32
    %scan3A_297 = arith.constant 0 : i32
    %scan3A_298 = arith.constant 125 : i32
    %scan3A_299 = arith.addi %scan3A_297, %scan3A_298 : i32
    %scan3A_300 = arith.constant 1 : i32
    scf.for %scan3A_482 = %scan3A_297 to %scan3A_299 step %scan3A_300  : i32 {
      %get3A_483 = arith.index_cast %scan3A_482 : i32 to index
      %get3A_484 = arith.constant 0 : index
      %get3A_485 = tpu.vector_load %arg19[%get3A_483, %get3A_484] {strides = array<i32>} : memref<125x16xf32, #tpu.memory_space<vmem>>, vector<16xf32>,
      %get3A_486 = arith.index_cast %scan3A_482 : i32 to index
      %get3A_487 = arith.constant 0 : index
      %get3A_488 = tpu.vector_load %arg20[%get3A_486, %get3A_487] {strides = array<i32>} : memref<125x16xf32, #tpu.memory_space<vmem>>, vector<16xf32>,
      %add3A_489 = arith.addf %get3A_485, %get3A_488 : vector<16xf32>
      %add3A_490 = arith.constant 1.000000e+00 : f32
      %add3A_491 = vector.broadcast %add3A_490 : f32 to vector<16xf32>
      %add3A_492 = arith.addf %add3A_489, %add3A_491 : vector<16xf32>
      %bitcast3A = vector.bitcast %add3A_492 : vector<16xf32> to vector<16xi32>
      %shift_right_logical3A = arith.constant 1 : i32
      %shift_right_logical3A_493 = vector.broadcast %shift_right_logical3A : i32 to vector<16xi32>
      %shift_right_logical3A_494 = arith.shrui %bitcast3A, %shift_right_logical3A_493 : vector<16xi32>
      %sub3A = arith.constant 1597463007 : i32
      %sub3A_495 = vector.broadcast %sub3A : i32 to vector<16xi32>
      %sub3A_496 = arith.subi %sub3A_495, %shift_right_logical3A_494 : vector<16xi32>
      %bitcast3A_497 = vector.bitcast %sub3A_496 : vector<16xi32> to vector<16xf32>
      %mul3A_498 = arith.constant 5.000000e-01 : f32
      %mul3A_499 = vector.broadcast %mul3A_498 : f32 to vector<16xf32>
      %mul3A_500 = arith.mulf %mul3A_499, %add3A_492 : vector<16xf32>
      %mul3A_501 = arith.mulf %mul3A_500, %bitcast3A_497 : vector<16xf32>
      %mul3A_502 = arith.mulf %mul3A_501, %bitcast3A_497 : vector<16xf32>
      %sub3A_503 = arith.constant 1.500000e+00 : f32
      %sub3A_504 = vector.broadcast %sub3A_503 : f32 to vector<16xf32>
      %sub3A_505 = arith.subf %sub3A_504, %mul3A_502 : vector<16xf32>
      %mul3A_506 = arith.mulf %bitcast3A_497, %sub3A_505 : vector<16xf32>
      %mul3A_507 = arith.constant 5.000000e-01 : f32
      %mul3A_508 = vector.broadcast %mul3A_507 : f32 to vector<16xf32>
      %mul3A_509 = arith.mulf %mul3A_508, %add3A_492 : vector<16xf32>
      %mul3A_510 = arith.mulf %mul3A_509, %mul3A_506 : vector<16xf32>
      %mul3A_511 = arith.mulf %mul3A_510, %mul3A_506 : vector<16xf32>
      %sub3A_512 = arith.constant 1.500000e+00 : f32
      %sub3A_513 = vector.broadcast %sub3A_512 : f32 to vector<16xf32>
      %sub3A_514 = arith.subf %sub3A_513, %mul3A_511 : vector<16xf32>
      %mul3A_515 = arith.mulf %mul3A_506, %sub3A_514 : vector<16xf32>
      %mul3A_516 = arith.constant 5.000000e-01 : f32
      %mul3A_517 = vector.broadcast %mul3A_516 : f32 to vector<16xf32>
      %mul3A_518 = arith.mulf %mul3A_517, %add3A_492 : vector<16xf32>
      %mul3A_519 = arith.mulf %mul3A_518, %mul3A_515 : vector<16xf32>
      %mul3A_520 = arith.mulf %mul3A_519, %mul3A_515 : vector<16xf32>
      %sub3A_521 = arith.constant 1.500000e+00 : f32
      %sub3A_522 = vector.broadcast %sub3A_521 : f32 to vector<16xf32>
      %sub3A_523 = arith.subf %sub3A_522, %mul3A_520 : vector<16xf32>
      %mul3A_524 = arith.mulf %mul3A_515, %sub3A_523 : vector<16xf32>
      %get3A_525 = arith.index_cast %scan3A_482 : i32 to index
      %get3A_526 = arith.constant 0 : index
      %get3A_527 = tpu.vector_load %arg15[%get3A_525, %get3A_526] {strides = array<i32>} : memref<125x64xf32, #tpu.memory_space<vmem>>, vector<16xf32>,
      %get3A_528 = arith.index_cast %scan3A_482 : i32 to index
      %get3A_529 = arith.constant 0 : index
      %get3A_530 = tpu.vector_load %arg16[%get3A_528, %get3A_529] {strides = array<i32>} : memref<125x64xf32, #tpu.memory_space<vmem>>, vector<16xf32>,
      %add3A_531 = arith.addf %get3A_527, %get3A_530 : vector<16xf32>
      %get3A_532 = arith.index_cast %scan3A_482 : i32 to index
      %get3A_533 = arith.constant 0 : index
      %get3A_534 = tpu.vector_load %arg17[%get3A_532, %get3A_533] {strides = array<i32>} : memref<125x64xf32, #tpu.memory_space<vmem>>, vector<16xf32>,
      %add3A_535 = arith.addf %add3A_531, %get3A_534 : vector<16xf32>
      %mul3A_536 = arith.mulf %mul3A_524, %add3A_535 : vector<16xf32>
      %add3A_537 = arith.addf %mul3A_536, %get3A_2 : vector<16xf32>
      %get3A_538 = arith.index_cast %scan3A_482 : i32 to index
      %get3A_539 = arith.constant 16 : index
      %get3A_540 = tpu.vector_load %arg15[%get3A_538, %get3A_539] {strides = array<i32>} : memref<125x64xf32, #tpu.memory_space<vmem>>, vector<16xf32>,
      %get3A_541 = arith.index_cast %scan3A_482 : i32 to index
      %get3A_542 = arith.constant 16 : index
      %get3A_543 = tpu.vector_load %arg16[%get3A_541, %get3A_542] {strides = array<i32>} : memref<125x64xf32, #tpu.memory_space<vmem>>, vector<16xf32>,
      %add3A_544 = arith.addf %get3A_540, %get3A_543 : vector<16xf32>
      %get3A_545 = arith.index_cast %scan3A_482 : i32 to index
      %get3A_546 = arith.constant 16 : index
      %get3A_547 = tpu.vector_load %arg17[%get3A_545, %get3A_546] {strides = array<i32>} : memref<125x64xf32, #tpu.memory_space<vmem>>, vector<16xf32>,
      %add3A_548 = arith.addf %add3A_544, %get3A_547 : vector<16xf32>
      %mul3A_549 = arith.mulf %mul3A_524, %add3A_548 : vector<16xf32>
      %add3A_550 = arith.addf %mul3A_549, %get3A_4 : vector<16xf32>
      %get3A_551 = arith.index_cast %scan3A_482 : i32 to index
      %get3A_552 = arith.constant 32 : index
      %get3A_553 = tpu.vector_load %arg15[%get3A_551, %get3A_552] {strides = array<i32>} : memref<125x64xf32, #tpu.memory_space<vmem>>, vector<16xf32>,
      %get3A_554 = arith.index_cast %scan3A_482 : i32 to index
      %get3A_555 = arith.constant 32 : index
      %get3A_556 = tpu.vector_load %arg16[%get3A_554, %get3A_555] {strides = array<i32>} : memref<125x64xf32, #tpu.memory_space<vmem>>, vector<16xf32>,
      %add3A_557 = arith.addf %get3A_553, %get3A_556 : vector<16xf32>
      %get3A_558 = arith.index_cast %scan3A_482 : i32 to index
      %get3A_559 = arith.constant 32 : index
      %get3A_560 = tpu.vector_load %arg17[%get3A_558, %get3A_559] {strides = array<i32>} : memref<125x64xf32, #tpu.memory_space<vmem>>, vector<16xf32>,
      %add3A_561 = arith.addf %add3A_557, %get3A_560 : vector<16xf32>
      %mul3A_562 = arith.mulf %mul3A_524, %add3A_561 : vector<16xf32>
      %add3A_563 = arith.addf %mul3A_562, %get3A_6 : vector<16xf32>
      %get3A_564 = arith.index_cast %scan3A_482 : i32 to index
      %get3A_565 = arith.constant 48 : index
      %get3A_566 = tpu.vector_load %arg15[%get3A_564, %get3A_565] {strides = array<i32>} : memref<125x64xf32, #tpu.memory_space<vmem>>, vector<16xf32>,
      %get3A_567 = arith.index_cast %scan3A_482 : i32 to index
      %get3A_568 = arith.constant 48 : index
      %get3A_569 = tpu.vector_load %arg16[%get3A_567, %get3A_568] {strides = array<i32>} : memref<125x64xf32, #tpu.memory_space<vmem>>, vector<16xf32>,
      %add3A_570 = arith.addf %get3A_566, %get3A_569 : vector<16xf32>
      %get3A_571 = arith.index_cast %scan3A_482 : i32 to index
      %get3A_572 = arith.constant 48 : index
      %get3A_573 = tpu.vector_load %arg17[%get3A_571, %get3A_572] {strides = array<i32>} : memref<125x64xf32, #tpu.memory_space<vmem>>, vector<16xf32>,
      %add3A_574 = arith.addf %add3A_570, %get3A_573 : vector<16xf32>
      %mul3A_575 = arith.mulf %mul3A_524, %add3A_574 : vector<16xf32>
      %add3A_576 = arith.addf %mul3A_575, %get3A_8 : vector<16xf32>
      %pack3A = tpu.pack_subelements %add3A_537, %add3A_550 {pack_format = #tpu.pack_format<interleaved>, positions = array<i32: 0, 1>} : vector<16xf32>, vector<16xf32> -> vector<32xbf16>
      %bitcast3A_577 = vector.bitcast %pack3A : vector<32xbf16> to vector<16xi32>
      %swap3A_578 = arith.index_cast %scan3A_482 : i32 to index
      %swap3A_579 = arith.constant 0 : index
      %swap3A_580 = tpu.vector_load %arg18[%swap3A_578, %swap3A_579] {strides = array<i32>} : memref<125x32xi32, #tpu.memory_space<vmem>>, vector<16xi32>,
      tpu.vector_store %arg18[%swap3A_578, %swap3A_579], %bitcast3A_577 {strides = array<i32>} : memref<125x32xi32, #tpu.memory_space<vmem>>, vector<16xi32>,
      %pack3A_581 = tpu.pack_subelements %add3A_563, %add3A_576 {pack_format = #tpu.pack_format<interleaved>, positions = array<i32: 0, 1>} : vector<16xf32>, vector<16xf32> -> vector<32xbf16>
      %bitcast3A_582 = vector.bitcast %pack3A_581 : vector<32xbf16> to vector<16xi32>
      %swap3A_583 = arith.index_cast %scan3A_482 : i32 to index
      %swap3A_584 = arith.constant 16 : index
      %swap3A_585 = tpu.vector_load %arg18[%swap3A_583, %swap3A_584] {strides = array<i32>} : memref<125x32xi32, #tpu.memory_space<vmem>>, vector<16xi32>,
      tpu.vector_store %arg18[%swap3A_583, %swap3A_584], %bitcast3A_582 {strides = array<i32>} : memref<125x32xi32, #tpu.memory_space<vmem>>, vector<16xi32>,
    }
    %scan3A_301 = arith.constant 125 : i32
    "tpu.region"() ({
      %run_scoped3A_482 = tpu.sem_alloc : memref<!tpu.dma_semaphore, #tpu.memory_space<semaphore_mem>>
      %dma_start3A_483 = arith.constant 0 : i32
      %dma_start3A_484 = tpu.memref_slice %arg22[%add3A_231, %dma_start3A_483] : memref<10000x32xi32, #tpu.memory_space<vmem_shared>> -> memref<125x32xi32, #tpu.memory_space<vmem_shared>>
      %dma_start3A_485 = arith.constant 0 : i32
      %dma_start3A_486 = tpu.memref_slice %arg22[%add3A_231, %dma_start3A_485] : memref<10000x32xi32, #tpu.memory_space<vmem_shared>> -> memref<125x32xi32, #tpu.memory_space<vmem_shared>>
      tpu.enqueue_dma source(%arg18 : memref<125x32xi32, #tpu.memory_space<vmem>>) target(%dma_start3A_486 : memref<125x32xi32, #tpu.memory_space<vmem_shared>>) target_semaphore(%run_scoped3A_482 : memref<!tpu.dma_semaphore, #tpu.memory_space<semaphore_mem>>)
      %dma_wait3A_487 = arith.constant 0 : i32
      %dma_wait3A_488 = tpu.memref_slice %arg22[%add3A_231, %dma_wait3A_487] : memref<10000x32xi32, #tpu.memory_space<vmem_shared>> -> memref<125x32xi32, #tpu.memory_space<vmem_shared>>
      %dma_wait3A_489 = arith.constant 0 : i32
      %dma_wait3A_490 = tpu.memref_slice %arg22[%add3A_231, %dma_wait3A_489] : memref<10000x32xi32, #tpu.memory_space<vmem_shared>> -> memref<125x32xi32, #tpu.memory_space<vmem_shared>>
      tpu.wait_dma2 semaphore(%run_scoped3A_482 : memref<!tpu.dma_semaphore, #tpu.memory_space<semaphore_mem>>) src(%arg18 : memref<125x32xi32, #tpu.memory_space<vmem>>) dst(%dma_wait3A_490 : memref<125x32xi32, #tpu.memory_space<vmem_shared>>)
      tpu.yield
    }) : () -> ()
    %mul3A_302 = arith.constant 625 : i32
    %mul3A_303 = arith.muli %arg1, %mul3A_302 : i32
    %add3A_304 = arith.constant 500 : i32
    %add3A_305 = arith.addi %mul3A_303, %add3A_304 : i32
    %dma_start3A_306 = arith.constant 0 : i32
    %dma_start3A_307 = arith.constant 0 : i32
    %dma_start3A_308 = tpu.memref_slice %arg2[%dma_start3A_306, %add3A_305, %dma_start3A_307] : memref<2x10000x64xf32, #tpu.memory_space<hbm>> -> memref<1x125x64xf32, #tpu.memory_space<hbm>>
    %dma_start3A_309 = tpu.memref_squeeze %dma_start3A_308 : memref<1x125x64xf32, #tpu.memory_space<hbm>> -> memref<125x64xf32, #tpu.memory_space<hbm>>
    %dma_start3A_310 = arith.constant 0 : i32
    %dma_start3A_311 = tpu.memref_slice %arg2[%dma_start3A_306, %add3A_305, %dma_start3A_310] : memref<2x10000x64xf32, #tpu.memory_space<hbm>> -> memref<1x125x64xf32, #tpu.memory_space<hbm>>
    %dma_start3A_312 = tpu.memref_squeeze %dma_start3A_311 : memref<1x125x64xf32, #tpu.memory_space<hbm>> -> memref<125x64xf32, #tpu.memory_space<hbm>>
    tpu.enqueue_dma source(%dma_start3A_312 : memref<125x64xf32, #tpu.memory_space<hbm>>) target(%arg15 : memref<125x64xf32, #tpu.memory_space<vmem>>) target_semaphore(%arg23 : memref<!tpu.dma_semaphore, #tpu.memory_space<semaphore_mem>>)
    %dma_start3A_313 = arith.constant 1 : i32
    %dma_start3A_314 = arith.constant 0 : i32
    %dma_start3A_315 = tpu.memref_slice %arg2[%dma_start3A_313, %add3A_305, %dma_start3A_314] : memref<2x10000x64xf32, #tpu.memory_space<hbm>> -> memref<1x125x64xf32, #tpu.memory_space<hbm>>
    %dma_start3A_316 = tpu.memref_squeeze %dma_start3A_315 : memref<1x125x64xf32, #tpu.memory_space<hbm>> -> memref<125x64xf32, #tpu.memory_space<hbm>>
    %dma_start3A_317 = arith.constant 0 : i32
    %dma_start3A_318 = tpu.memref_slice %arg2[%dma_start3A_313, %add3A_305, %dma_start3A_317] : memref<2x10000x64xf32, #tpu.memory_space<hbm>> -> memref<1x125x64xf32, #tpu.memory_space<hbm>>
    %dma_start3A_319 = tpu.memref_squeeze %dma_start3A_318 : memref<1x125x64xf32, #tpu.memory_space<hbm>> -> memref<125x64xf32, #tpu.memory_space<hbm>>
    tpu.enqueue_dma source(%dma_start3A_319 : memref<125x64xf32, #tpu.memory_space<hbm>>) target(%arg16 : memref<125x64xf32, #tpu.memory_space<vmem>>) target_semaphore(%arg23 : memref<!tpu.dma_semaphore, #tpu.memory_space<semaphore_mem>>)
    %dma_start3A_320 = arith.constant 0 : i32
    %dma_start3A_321 = tpu.memref_slice %arg3[%add3A_305, %dma_start3A_320] : memref<10000x64xf32, #tpu.memory_space<hbm>> -> memref<125x64xf32, #tpu.memory_space<hbm>>
    %dma_start3A_322 = arith.constant 0 : i32
    %dma_start3A_323 = tpu.memref_slice %arg3[%add3A_305, %dma_start3A_322] : memref<10000x64xf32, #tpu.memory_space<hbm>> -> memref<125x64xf32, #tpu.memory_space<hbm>>
    tpu.enqueue_dma source(%dma_start3A_323 : memref<125x64xf32, #tpu.memory_space<hbm>>) target(%arg17 : memref<125x64xf32, #tpu.memory_space<vmem>>) target_semaphore(%arg23 : memref<!tpu.dma_semaphore, #tpu.memory_space<semaphore_mem>>)
    %dma_start3A_324 = arith.constant 0 : i32
    %dma_start3A_325 = arith.constant 0 : i32
    %dma_start3A_326 = tpu.memref_slice %arg4[%dma_start3A_324, %add3A_305, %dma_start3A_325] : memref<2x10000x16xf32, #tpu.memory_space<hbm>> -> memref<1x125x16xf32, #tpu.memory_space<hbm>>
    %dma_start3A_327 = tpu.memref_squeeze %dma_start3A_326 : memref<1x125x16xf32, #tpu.memory_space<hbm>> -> memref<125x16xf32, #tpu.memory_space<hbm>>
    %dma_start3A_328 = arith.constant 0 : i32
    %dma_start3A_329 = tpu.memref_slice %arg4[%dma_start3A_324, %add3A_305, %dma_start3A_328] : memref<2x10000x16xf32, #tpu.memory_space<hbm>> -> memref<1x125x16xf32, #tpu.memory_space<hbm>>
    %dma_start3A_330 = tpu.memref_squeeze %dma_start3A_329 : memref<1x125x16xf32, #tpu.memory_space<hbm>> -> memref<125x16xf32, #tpu.memory_space<hbm>>
    tpu.enqueue_dma source(%dma_start3A_330 : memref<125x16xf32, #tpu.memory_space<hbm>>) target(%arg19 : memref<125x16xf32, #tpu.memory_space<vmem>>) target_semaphore(%arg23 : memref<!tpu.dma_semaphore, #tpu.memory_space<semaphore_mem>>)
    %dma_start3A_331 = arith.constant 1 : i32
    %dma_start3A_332 = arith.constant 0 : i32
    %dma_start3A_333 = tpu.memref_slice %arg4[%dma_start3A_331, %add3A_305, %dma_start3A_332] : memref<2x10000x16xf32, #tpu.memory_space<hbm>> -> memref<1x125x16xf32, #tpu.memory_space<hbm>>
    %dma_start3A_334 = tpu.memref_squeeze %dma_start3A_333 : memref<1x125x16xf32, #tpu.memory_space<hbm>> -> memref<125x16xf32, #tpu.memory_space<hbm>>
    %dma_start3A_335 = arith.constant 0 : i32
    %dma_start3A_336 = tpu.memref_slice %arg4[%dma_start3A_331, %add3A_305, %dma_start3A_335] : memref<2x10000x16xf32, #tpu.memory_space<hbm>> -> memref<1x125x16xf32, #tpu.memory_space<hbm>>
    %dma_start3A_337 = tpu.memref_squeeze %dma_start3A_336 : memref<1x125x16xf32, #tpu.memory_space<hbm>> -> memref<125x16xf32, #tpu.memory_space<hbm>>
    tpu.enqueue_dma source(%dma_start3A_337 : memref<125x16xf32, #tpu.memory_space<hbm>>) target(%arg20 : memref<125x16xf32, #tpu.memory_space<vmem>>) target_semaphore(%arg23 : memref<!tpu.dma_semaphore, #tpu.memory_space<semaphore_mem>>)
    %dma_wait3A_338 = arith.constant 0 : i32
    %dma_wait3A_339 = arith.constant 0 : i32
    %dma_wait3A_340 = tpu.memref_slice %arg2[%dma_wait3A_338, %add3A_305, %dma_wait3A_339] : memref<2x10000x64xf32, #tpu.memory_space<hbm>> -> memref<1x125x64xf32, #tpu.memory_space<hbm>>
    %dma_wait3A_341 = tpu.memref_squeeze %dma_wait3A_340 : memref<1x125x64xf32, #tpu.memory_space<hbm>> -> memref<125x64xf32, #tpu.memory_space<hbm>>
    %dma_wait3A_342 = arith.constant 0 : i32
    %dma_wait3A_343 = tpu.memref_slice %arg2[%dma_wait3A_338, %add3A_305, %dma_wait3A_342] : memref<2x10000x64xf32, #tpu.memory_space<hbm>> -> memref<1x125x64xf32, #tpu.memory_space<hbm>>
    %dma_wait3A_344 = tpu.memref_squeeze %dma_wait3A_343 : memref<1x125x64xf32, #tpu.memory_space<hbm>> -> memref<125x64xf32, #tpu.memory_space<hbm>>
    tpu.wait_dma2 semaphore(%arg23 : memref<!tpu.dma_semaphore, #tpu.memory_space<semaphore_mem>>) src(%dma_wait3A_344 : memref<125x64xf32, #tpu.memory_space<hbm>>) dst(%arg15 : memref<125x64xf32, #tpu.memory_space<vmem>>)
    %dma_wait3A_345 = arith.constant 1 : i32
    %dma_wait3A_346 = arith.constant 0 : i32
    %dma_wait3A_347 = tpu.memref_slice %arg2[%dma_wait3A_345, %add3A_305, %dma_wait3A_346] : memref<2x10000x64xf32, #tpu.memory_space<hbm>> -> memref<1x125x64xf32, #tpu.memory_space<hbm>>
    %dma_wait3A_348 = tpu.memref_squeeze %dma_wait3A_347 : memref<1x125x64xf32, #tpu.memory_space<hbm>> -> memref<125x64xf32, #tpu.memory_space<hbm>>
    %dma_wait3A_349 = arith.constant 0 : i32
    %dma_wait3A_350 = tpu.memref_slice %arg2[%dma_wait3A_345, %add3A_305, %dma_wait3A_349] : memref<2x10000x64xf32, #tpu.memory_space<hbm>> -> memref<1x125x64xf32, #tpu.memory_space<hbm>>
    %dma_wait3A_351 = tpu.memref_squeeze %dma_wait3A_350 : memref<1x125x64xf32, #tpu.memory_space<hbm>> -> memref<125x64xf32, #tpu.memory_space<hbm>>
    tpu.wait_dma2 semaphore(%arg23 : memref<!tpu.dma_semaphore, #tpu.memory_space<semaphore_mem>>) src(%dma_wait3A_351 : memref<125x64xf32, #tpu.memory_space<hbm>>) dst(%arg16 : memref<125x64xf32, #tpu.memory_space<vmem>>)
    %dma_wait3A_352 = arith.constant 0 : i32
    %dma_wait3A_353 = tpu.memref_slice %arg3[%add3A_305, %dma_wait3A_352] : memref<10000x64xf32, #tpu.memory_space<hbm>> -> memref<125x64xf32, #tpu.memory_space<hbm>>
    %dma_wait3A_354 = arith.constant 0 : i32
    %dma_wait3A_355 = tpu.memref_slice %arg3[%add3A_305, %dma_wait3A_354] : memref<10000x64xf32, #tpu.memory_space<hbm>> -> memref<125x64xf32, #tpu.memory_space<hbm>>
    tpu.wait_dma2 semaphore(%arg23 : memref<!tpu.dma_semaphore, #tpu.memory_space<semaphore_mem>>) src(%dma_wait3A_355 : memref<125x64xf32, #tpu.memory_space<hbm>>) dst(%arg17 : memref<125x64xf32, #tpu.memory_space<vmem>>)
    %dma_wait3A_356 = arith.constant 0 : i32
    %dma_wait3A_357 = arith.constant 0 : i32
    %dma_wait3A_358 = tpu.memref_slice %arg4[%dma_wait3A_356, %add3A_305, %dma_wait3A_357] : memref<2x10000x16xf32, #tpu.memory_space<hbm>> -> memref<1x125x16xf32, #tpu.memory_space<hbm>>
    %dma_wait3A_359 = tpu.memref_squeeze %dma_wait3A_358 : memref<1x125x16xf32, #tpu.memory_space<hbm>> -> memref<125x16xf32, #tpu.memory_space<hbm>>
    %dma_wait3A_360 = arith.constant 0 : i32
    %dma_wait3A_361 = tpu.memref_slice %arg4[%dma_wait3A_356, %add3A_305, %dma_wait3A_360] : memref<2x10000x16xf32, #tpu.memory_space<hbm>> -> memref<1x125x16xf32, #tpu.memory_space<hbm>>
    %dma_wait3A_362 = tpu.memref_squeeze %dma_wait3A_361 : memref<1x125x16xf32, #tpu.memory_space<hbm>> -> memref<125x16xf32, #tpu.memory_space<hbm>>
    tpu.wait_dma2 semaphore(%arg23 : memref<!tpu.dma_semaphore, #tpu.memory_space<semaphore_mem>>) src(%dma_wait3A_362 : memref<125x16xf32, #tpu.memory_space<hbm>>) dst(%arg19 : memref<125x16xf32, #tpu.memory_space<vmem>>)
    %dma_wait3A_363 = arith.constant 1 : i32
    %dma_wait3A_364 = arith.constant 0 : i32
    %dma_wait3A_365 = tpu.memref_slice %arg4[%dma_wait3A_363, %add3A_305, %dma_wait3A_364] : memref<2x10000x16xf32, #tpu.memory_space<hbm>> -> memref<1x125x16xf32, #tpu.memory_space<hbm>>
    %dma_wait3A_366 = tpu.memref_squeeze %dma_wait3A_365 : memref<1x125x16xf32, #tpu.memory_space<hbm>> -> memref<125x16xf32, #tpu.memory_space<hbm>>
    %dma_wait3A_367 = arith.constant 0 : i32
    %dma_wait3A_368 = tpu.memref_slice %arg4[%dma_wait3A_363, %add3A_305, %dma_wait3A_367] : memref<2x10000x16xf32, #tpu.memory_space<hbm>> -> memref<1x125x16xf32, #tpu.memory_space<hbm>>
    %dma_wait3A_369 = tpu.memref_squeeze %dma_wait3A_368 : memref<1x125x16xf32, #tpu.memory_space<hbm>> -> memref<125x16xf32, #tpu.memory_space<hbm>>
    tpu.wait_dma2 semaphore(%arg23 : memref<!tpu.dma_semaphore, #tpu.memory_space<semaphore_mem>>) src(%dma_wait3A_369 : memref<125x16xf32, #tpu.memory_space<hbm>>) dst(%arg20 : memref<125x16xf32, #tpu.memory_space<vmem>>)
    %scan3A_370 = arith.constant 0 : i32
    %scan3A_371 = arith.constant 0 : i32
    %scan3A_372 = arith.constant 125 : i32
    %scan3A_373 = arith.addi %scan3A_371, %scan3A_372 : i32
    %scan3A_374 = arith.constant 1 : i32
    scf.for %scan3A_482 = %scan3A_371 to %scan3A_373 step %scan3A_374  : i32 {
      %get3A_483 = arith.index_cast %scan3A_482 : i32 to index
      %get3A_484 = arith.constant 0 : index
      %get3A_485 = tpu.vector_load %arg19[%get3A_483, %get3A_484] {strides = array<i32>} : memref<125x16xf32, #tpu.memory_space<vmem>>, vector<16xf32>,
      %get3A_486 = arith.index_cast %scan3A_482 : i32 to index
      %get3A_487 = arith.constant 0 : index
      %get3A_488 = tpu.vector_load %arg20[%get3A_486, %get3A_487] {strides = array<i32>} : memref<125x16xf32, #tpu.memory_space<vmem>>, vector<16xf32>,
      %add3A_489 = arith.addf %get3A_485, %get3A_488 : vector<16xf32>
      %add3A_490 = arith.constant 1.000000e+00 : f32
      %add3A_491 = vector.broadcast %add3A_490 : f32 to vector<16xf32>
      %add3A_492 = arith.addf %add3A_489, %add3A_491 : vector<16xf32>
      %bitcast3A = vector.bitcast %add3A_492 : vector<16xf32> to vector<16xi32>
      %shift_right_logical3A = arith.constant 1 : i32
      %shift_right_logical3A_493 = vector.broadcast %shift_right_logical3A : i32 to vector<16xi32>
      %shift_right_logical3A_494 = arith.shrui %bitcast3A, %shift_right_logical3A_493 : vector<16xi32>
      %sub3A = arith.constant 1597463007 : i32
      %sub3A_495 = vector.broadcast %sub3A : i32 to vector<16xi32>
      %sub3A_496 = arith.subi %sub3A_495, %shift_right_logical3A_494 : vector<16xi32>
      %bitcast3A_497 = vector.bitcast %sub3A_496 : vector<16xi32> to vector<16xf32>
      %mul3A_498 = arith.constant 5.000000e-01 : f32
      %mul3A_499 = vector.broadcast %mul3A_498 : f32 to vector<16xf32>
      %mul3A_500 = arith.mulf %mul3A_499, %add3A_492 : vector<16xf32>
      %mul3A_501 = arith.mulf %mul3A_500, %bitcast3A_497 : vector<16xf32>
      %mul3A_502 = arith.mulf %mul3A_501, %bitcast3A_497 : vector<16xf32>
      %sub3A_503 = arith.constant 1.500000e+00 : f32
      %sub3A_504 = vector.broadcast %sub3A_503 : f32 to vector<16xf32>
      %sub3A_505 = arith.subf %sub3A_504, %mul3A_502 : vector<16xf32>
      %mul3A_506 = arith.mulf %bitcast3A_497, %sub3A_505 : vector<16xf32>
      %mul3A_507 = arith.constant 5.000000e-01 : f32
      %mul3A_508 = vector.broadcast %mul3A_507 : f32 to vector<16xf32>
      %mul3A_509 = arith.mulf %mul3A_508, %add3A_492 : vector<16xf32>
      %mul3A_510 = arith.mulf %mul3A_509, %mul3A_506 : vector<16xf32>
      %mul3A_511 = arith.mulf %mul3A_510, %mul3A_506 : vector<16xf32>
      %sub3A_512 = arith.constant 1.500000e+00 : f32
      %sub3A_513 = vector.broadcast %sub3A_512 : f32 to vector<16xf32>
      %sub3A_514 = arith.subf %sub3A_513, %mul3A_511 : vector<16xf32>
      %mul3A_515 = arith.mulf %mul3A_506, %sub3A_514 : vector<16xf32>
      %mul3A_516 = arith.constant 5.000000e-01 : f32
      %mul3A_517 = vector.broadcast %mul3A_516 : f32 to vector<16xf32>
      %mul3A_518 = arith.mulf %mul3A_517, %add3A_492 : vector<16xf32>
      %mul3A_519 = arith.mulf %mul3A_518, %mul3A_515 : vector<16xf32>
      %mul3A_520 = arith.mulf %mul3A_519, %mul3A_515 : vector<16xf32>
      %sub3A_521 = arith.constant 1.500000e+00 : f32
      %sub3A_522 = vector.broadcast %sub3A_521 : f32 to vector<16xf32>
      %sub3A_523 = arith.subf %sub3A_522, %mul3A_520 : vector<16xf32>
      %mul3A_524 = arith.mulf %mul3A_515, %sub3A_523 : vector<16xf32>
      %get3A_525 = arith.index_cast %scan3A_482 : i32 to index
      %get3A_526 = arith.constant 0 : index
      %get3A_527 = tpu.vector_load %arg15[%get3A_525, %get3A_526] {strides = array<i32>} : memref<125x64xf32, #tpu.memory_space<vmem>>, vector<16xf32>,
      %get3A_528 = arith.index_cast %scan3A_482 : i32 to index
      %get3A_529 = arith.constant 0 : index
      %get3A_530 = tpu.vector_load %arg16[%get3A_528, %get3A_529] {strides = array<i32>} : memref<125x64xf32, #tpu.memory_space<vmem>>, vector<16xf32>,
      %add3A_531 = arith.addf %get3A_527, %get3A_530 : vector<16xf32>
      %get3A_532 = arith.index_cast %scan3A_482 : i32 to index
      %get3A_533 = arith.constant 0 : index
      %get3A_534 = tpu.vector_load %arg17[%get3A_532, %get3A_533] {strides = array<i32>} : memref<125x64xf32, #tpu.memory_space<vmem>>, vector<16xf32>,
      %add3A_535 = arith.addf %add3A_531, %get3A_534 : vector<16xf32>
      %mul3A_536 = arith.mulf %mul3A_524, %add3A_535 : vector<16xf32>
      %add3A_537 = arith.addf %mul3A_536, %get3A_2 : vector<16xf32>
      %get3A_538 = arith.index_cast %scan3A_482 : i32 to index
      %get3A_539 = arith.constant 16 : index
      %get3A_540 = tpu.vector_load %arg15[%get3A_538, %get3A_539] {strides = array<i32>} : memref<125x64xf32, #tpu.memory_space<vmem>>, vector<16xf32>,
      %get3A_541 = arith.index_cast %scan3A_482 : i32 to index
      %get3A_542 = arith.constant 16 : index
      %get3A_543 = tpu.vector_load %arg16[%get3A_541, %get3A_542] {strides = array<i32>} : memref<125x64xf32, #tpu.memory_space<vmem>>, vector<16xf32>,
      %add3A_544 = arith.addf %get3A_540, %get3A_543 : vector<16xf32>
      %get3A_545 = arith.index_cast %scan3A_482 : i32 to index
      %get3A_546 = arith.constant 16 : index
      %get3A_547 = tpu.vector_load %arg17[%get3A_545, %get3A_546] {strides = array<i32>} : memref<125x64xf32, #tpu.memory_space<vmem>>, vector<16xf32>,
      %add3A_548 = arith.addf %add3A_544, %get3A_547 : vector<16xf32>
      %mul3A_549 = arith.mulf %mul3A_524, %add3A_548 : vector<16xf32>
      %add3A_550 = arith.addf %mul3A_549, %get3A_4 : vector<16xf32>
      %get3A_551 = arith.index_cast %scan3A_482 : i32 to index
      %get3A_552 = arith.constant 32 : index
      %get3A_553 = tpu.vector_load %arg15[%get3A_551, %get3A_552] {strides = array<i32>} : memref<125x64xf32, #tpu.memory_space<vmem>>, vector<16xf32>,
      %get3A_554 = arith.index_cast %scan3A_482 : i32 to index
      %get3A_555 = arith.constant 32 : index
      %get3A_556 = tpu.vector_load %arg16[%get3A_554, %get3A_555] {strides = array<i32>} : memref<125x64xf32, #tpu.memory_space<vmem>>, vector<16xf32>,
      %add3A_557 = arith.addf %get3A_553, %get3A_556 : vector<16xf32>
      %get3A_558 = arith.index_cast %scan3A_482 : i32 to index
      %get3A_559 = arith.constant 32 : index
      %get3A_560 = tpu.vector_load %arg17[%get3A_558, %get3A_559] {strides = array<i32>} : memref<125x64xf32, #tpu.memory_space<vmem>>, vector<16xf32>,
      %add3A_561 = arith.addf %add3A_557, %get3A_560 : vector<16xf32>
      %mul3A_562 = arith.mulf %mul3A_524, %add3A_561 : vector<16xf32>
      %add3A_563 = arith.addf %mul3A_562, %get3A_6 : vector<16xf32>
      %get3A_564 = arith.index_cast %scan3A_482 : i32 to index
      %get3A_565 = arith.constant 48 : index
      %get3A_566 = tpu.vector_load %arg15[%get3A_564, %get3A_565] {strides = array<i32>} : memref<125x64xf32, #tpu.memory_space<vmem>>, vector<16xf32>,
      %get3A_567 = arith.index_cast %scan3A_482 : i32 to index
      %get3A_568 = arith.constant 48 : index
      %get3A_569 = tpu.vector_load %arg16[%get3A_567, %get3A_568] {strides = array<i32>} : memref<125x64xf32, #tpu.memory_space<vmem>>, vector<16xf32>,
      %add3A_570 = arith.addf %get3A_566, %get3A_569 : vector<16xf32>
      %get3A_571 = arith.index_cast %scan3A_482 : i32 to index
      %get3A_572 = arith.constant 48 : index
      %get3A_573 = tpu.vector_load %arg17[%get3A_571, %get3A_572] {strides = array<i32>} : memref<125x64xf32, #tpu.memory_space<vmem>>, vector<16xf32>,
      %add3A_574 = arith.addf %add3A_570, %get3A_573 : vector<16xf32>
      %mul3A_575 = arith.mulf %mul3A_524, %add3A_574 : vector<16xf32>
      %add3A_576 = arith.addf %mul3A_575, %get3A_8 : vector<16xf32>
      %pack3A = tpu.pack_subelements %add3A_537, %add3A_550 {pack_format = #tpu.pack_format<interleaved>, positions = array<i32: 0, 1>} : vector<16xf32>, vector<16xf32> -> vector<32xbf16>
      %bitcast3A_577 = vector.bitcast %pack3A : vector<32xbf16> to vector<16xi32>
      %swap3A_578 = arith.index_cast %scan3A_482 : i32 to index
      %swap3A_579 = arith.constant 0 : index
      %swap3A_580 = tpu.vector_load %arg18[%swap3A_578, %swap3A_579] {strides = array<i32>} : memref<125x32xi32, #tpu.memory_space<vmem>>, vector<16xi32>,
      tpu.vector_store %arg18[%swap3A_578, %swap3A_579], %bitcast3A_577 {strides = array<i32>} : memref<125x32xi32, #tpu.memory_space<vmem>>, vector<16xi32>,
      %pack3A_581 = tpu.pack_subelements %add3A_563, %add3A_576 {pack_format = #tpu.pack_format<interleaved>, positions = array<i32: 0, 1>} : vector<16xf32>, vector<16xf32> -> vector<32xbf16>
      %bitcast3A_582 = vector.bitcast %pack3A_581 : vector<32xbf16> to vector<16xi32>
      %swap3A_583 = arith.index_cast %scan3A_482 : i32 to index
      %swap3A_584 = arith.constant 16 : index
      %swap3A_585 = tpu.vector_load %arg18[%swap3A_583, %swap3A_584] {strides = array<i32>} : memref<125x32xi32, #tpu.memory_space<vmem>>, vector<16xi32>,
      tpu.vector_store %arg18[%swap3A_583, %swap3A_584], %bitcast3A_582 {strides = array<i32>} : memref<125x32xi32, #tpu.memory_space<vmem>>, vector<16xi32>,
    }
    %scan3A_375 = arith.constant 125 : i32
    "tpu.region"() ({
      %run_scoped3A_482 = tpu.sem_alloc : memref<!tpu.dma_semaphore, #tpu.memory_space<semaphore_mem>>
      %dma_start3A_483 = arith.constant 0 : i32
      %dma_start3A_484 = tpu.memref_slice %arg22[%add3A_305, %dma_start3A_483] : memref<10000x32xi32, #tpu.memory_space<vmem_shared>> -> memref<125x32xi32, #tpu.memory_space<vmem_shared>>
      %dma_start3A_485 = arith.constant 0 : i32
      %dma_start3A_486 = tpu.memref_slice %arg22[%add3A_305, %dma_start3A_485] : memref<10000x32xi32, #tpu.memory_space<vmem_shared>> -> memref<125x32xi32, #tpu.memory_space<vmem_shared>>
      tpu.enqueue_dma source(%arg18 : memref<125x32xi32, #tpu.memory_space<vmem>>) target(%dma_start3A_486 : memref<125x32xi32, #tpu.memory_space<vmem_shared>>) target_semaphore(%run_scoped3A_482 : memref<!tpu.dma_semaphore, #tpu.memory_space<semaphore_mem>>)
      %dma_wait3A_487 = arith.constant 0 : i32
      %dma_wait3A_488 = tpu.memref_slice %arg22[%add3A_305, %dma_wait3A_487] : memref<10000x32xi32, #tpu.memory_space<vmem_shared>> -> memref<125x32xi32, #tpu.memory_space<vmem_shared>>
      %dma_wait3A_489 = arith.constant 0 : i32
      %dma_wait3A_490 = tpu.memref_slice %arg22[%add3A_305, %dma_wait3A_489] : memref<10000x32xi32, #tpu.memory_space<vmem_shared>> -> memref<125x32xi32, #tpu.memory_space<vmem_shared>>
      tpu.wait_dma2 semaphore(%run_scoped3A_482 : memref<!tpu.dma_semaphore, #tpu.memory_space<semaphore_mem>>) src(%arg18 : memref<125x32xi32, #tpu.memory_space<vmem>>) dst(%dma_wait3A_490 : memref<125x32xi32, #tpu.memory_space<vmem_shared>>)
      tpu.yield
    }) : () -> ()
    %barrier3A = arith.constant 0 : index
    tpu.barrier barrier_id(%barrier3A)
    %add3A_376 = arith.constant 0 : i32
    %add3A_377 = vector.broadcast %add3A_376 : i32 to vector<16xi32>
    %add3A_378 = arith.addi %add3A_377, %iota3A : vector<16xi32>
    %add3A_379 = arith.constant 16 : i32
    %add3A_380 = vector.broadcast %add3A_379 : i32 to vector<16xi32>
    %add3A_381 = arith.addi %add3A_380, %iota3A : vector<16xi32>
    %add3A_382 = arith.constant 32 : i32
    %add3A_383 = vector.broadcast %add3A_382 : i32 to vector<16xi32>
    %add3A_384 = arith.addi %add3A_383, %iota3A : vector<16xi32>
    %add3A_385 = arith.constant 48 : i32
    %add3A_386 = vector.broadcast %add3A_385 : i32 to vector<16xi32>
    %add3A_387 = arith.addi %add3A_386, %iota3A : vector<16xi32>
    %add3A_388 = arith.constant 64 : i32
    %add3A_389 = vector.broadcast %add3A_388 : i32 to vector<16xi32>
    %add3A_390 = arith.addi %add3A_389, %iota3A : vector<16xi32>
    %dma_start3A_391 = arith.constant 0 : i32
    %dma_start3A_392 = arith.constant 0 : i32
    %dma_start3A_393 = tpu.memref_slice %arg8[%dma_start3A_391, %dma_start3A_392] : memref<125x80xi32, #tpu.memory_space<vmem>> -> memref<1x80xi32, #tpu.memory_space<vmem>>
    %dma_start3A_394 = tpu.memref_squeeze %dma_start3A_393 : memref<1x80xi32, #tpu.memory_space<vmem>> -> memref<80xi32, #tpu.memory_space<vmem>>
    %dma_start3A_395 = arith.constant 0 : i32
    %dma_start3A_396 = arith.constant 0 : i32
    %dma_start3A_397 = tpu.memref_slice %arg22[%dma_start3A_395, %dma_start3A_396] : memref<10000x32xi32, #tpu.memory_space<vmem_shared>> -> memref<10000x32xi32, #tpu.memory_space<vmem_shared>>
    tpu.enqueue_indirect_dma source(%dma_start3A_397 : memref<10000x32xi32, #tpu.memory_space<vmem_shared>>) target(%arg10 : memref<80x32xi32, #tpu.memory_space<vmem>>) offsets(%dma_start3A_394 : memref<80xi32, #tpu.memory_space<vmem>>) semaphore(%arg23 : memref<!tpu.dma_semaphore, #tpu.memory_space<semaphore_mem>>)
    %dma_start3A_398 = arith.constant 0 : i32
    %dma_start3A_399 = arith.constant 0 : i32
    %dma_start3A_400 = tpu.memref_slice %arg9[%dma_start3A_398, %dma_start3A_399] : memref<125x80xi32, #tpu.memory_space<vmem>> -> memref<1x80xi32, #tpu.memory_space<vmem>>
    %dma_start3A_401 = tpu.memref_squeeze %dma_start3A_400 : memref<1x80xi32, #tpu.memory_space<vmem>> -> memref<80xi32, #tpu.memory_space<vmem>>
    %dma_start3A_402 = arith.constant 0 : i32
    %dma_start3A_403 = arith.constant 0 : i32
    %dma_start3A_404 = tpu.memref_slice %arg22[%dma_start3A_402, %dma_start3A_403] : memref<10000x32xi32, #tpu.memory_space<vmem_shared>> -> memref<10000x32xi32, #tpu.memory_space<vmem_shared>>
    tpu.enqueue_indirect_dma source(%dma_start3A_404 : memref<10000x32xi32, #tpu.memory_space<vmem_shared>>) target(%arg11 : memref<80x32xi32, #tpu.memory_space<vmem>>) offsets(%dma_start3A_401 : memref<80xi32, #tpu.memory_space<vmem>>) semaphore(%arg23 : memref<!tpu.dma_semaphore, #tpu.memory_space<semaphore_mem>>)
    %scan3A_405 = arith.constant 0 : i32
    %scan3A_406 = arith.constant 0 : i32
    %scan3A_407 = arith.constant 62 : i32
    %scan3A_408 = arith.addi %scan3A_406, %scan3A_407 : i32
    %scan3A_409 = arith.constant 1 : i32
    scf.for %scan3A_482 = %scan3A_406 to %scan3A_408 step %scan3A_409  : i32 {
      %mul3A_483 = arith.constant 2 : i32
      %mul3A_484 = arith.muli %mul3A_483, %scan3A_482 : i32
      %dma_wait3A_485 = arith.constant 0 : i32
      %dma_wait3A_486 = tpu.memref_slice %arg8[%mul3A_484, %dma_wait3A_485] : memref<125x80xi32, #tpu.memory_space<vmem>> -> memref<1x80xi32, #tpu.memory_space<vmem>>
      %dma_wait3A_487 = tpu.memref_squeeze %dma_wait3A_486 : memref<1x80xi32, #tpu.memory_space<vmem>> -> memref<80xi32, #tpu.memory_space<vmem>>
      %dma_wait3A_488 = arith.constant 0 : i32
      %dma_wait3A_489 = arith.constant 0 : i32
      %dma_wait3A_490 = tpu.memref_slice %arg22[%dma_wait3A_488, %dma_wait3A_489] : memref<10000x32xi32, #tpu.memory_space<vmem_shared>> -> memref<10000x32xi32, #tpu.memory_space<vmem_shared>>
      tpu.wait_indirect_dma semaphore(%arg23 : memref<!tpu.dma_semaphore, #tpu.memory_space<semaphore_mem>>) src(%dma_wait3A_490 : memref<10000x32xi32, #tpu.memory_space<vmem_shared>>) dst(%arg10 : memref<80x32xi32, #tpu.memory_space<vmem>>)
      %dma_wait3A_491 = arith.constant 0 : i32
      %dma_wait3A_492 = tpu.memref_slice %arg9[%mul3A_484, %dma_wait3A_491] : memref<125x80xi32, #tpu.memory_space<vmem>> -> memref<1x80xi32, #tpu.memory_space<vmem>>
      %dma_wait3A_493 = tpu.memref_squeeze %dma_wait3A_492 : memref<1x80xi32, #tpu.memory_space<vmem>> -> memref<80xi32, #tpu.memory_space<vmem>>
      %dma_wait3A_494 = arith.constant 0 : i32
      %dma_wait3A_495 = arith.constant 0 : i32
      %dma_wait3A_496 = tpu.memref_slice %arg22[%dma_wait3A_494, %dma_wait3A_495] : memref<10000x32xi32, #tpu.memory_space<vmem_shared>> -> memref<10000x32xi32, #tpu.memory_space<vmem_shared>>
      tpu.wait_indirect_dma semaphore(%arg23 : memref<!tpu.dma_semaphore, #tpu.memory_space<semaphore_mem>>) src(%dma_wait3A_496 : memref<10000x32xi32, #tpu.memory_space<vmem_shared>>) dst(%arg11 : memref<80x32xi32, #tpu.memory_space<vmem>>)
      %add3A_497 = arith.constant 1 : i32
      %add3A_498 = arith.addi %mul3A_484, %add3A_497 : i32
      %dma_start3A_499 = arith.constant 0 : i32
      %dma_start3A_500 = tpu.memref_slice %arg8[%add3A_498, %dma_start3A_499] : memref<125x80xi32, #tpu.memory_space<vmem>> -> memref<1x80xi32, #tpu.memory_space<vmem>>
      %dma_start3A_501 = tpu.memref_squeeze %dma_start3A_500 : memref<1x80xi32, #tpu.memory_space<vmem>> -> memref<80xi32, #tpu.memory_space<vmem>>
      %dma_start3A_502 = arith.constant 0 : i32
      %dma_start3A_503 = arith.constant 0 : i32
      %dma_start3A_504 = tpu.memref_slice %arg22[%dma_start3A_502, %dma_start3A_503] : memref<10000x32xi32, #tpu.memory_space<vmem_shared>> -> memref<10000x32xi32, #tpu.memory_space<vmem_shared>>
      tpu.enqueue_indirect_dma source(%dma_start3A_504 : memref<10000x32xi32, #tpu.memory_space<vmem_shared>>) target(%arg12 : memref<80x32xi32, #tpu.memory_space<vmem>>) offsets(%dma_start3A_501 : memref<80xi32, #tpu.memory_space<vmem>>) semaphore(%arg23 : memref<!tpu.dma_semaphore, #tpu.memory_space<semaphore_mem>>)
      %dma_start3A_505 = arith.constant 0 : i32
      %dma_start3A_506 = tpu.memref_slice %arg9[%add3A_498, %dma_start3A_505] : memref<125x80xi32, #tpu.memory_space<vmem>> -> memref<1x80xi32, #tpu.memory_space<vmem>>
      %dma_start3A_507 = tpu.memref_squeeze %dma_start3A_506 : memref<1x80xi32, #tpu.memory_space<vmem>> -> memref<80xi32, #tpu.memory_space<vmem>>
      %dma_start3A_508 = arith.constant 0 : i32
      %dma_start3A_509 = arith.constant 0 : i32
      %dma_start3A_510 = tpu.memref_slice %arg22[%dma_start3A_508, %dma_start3A_509] : memref<10000x32xi32, #tpu.memory_space<vmem_shared>> -> memref<10000x32xi32, #tpu.memory_space<vmem_shared>>
      tpu.enqueue_indirect_dma source(%dma_start3A_510 : memref<10000x32xi32, #tpu.memory_space<vmem_shared>>) target(%arg13 : memref<80x32xi32, #tpu.memory_space<vmem>>) offsets(%dma_start3A_507 : memref<80xi32, #tpu.memory_space<vmem>>) semaphore(%arg23 : memref<!tpu.dma_semaphore, #tpu.memory_space<semaphore_mem>>)
      %broadcast_in_dim3A_511 = arith.constant 0.000000e+00 : f32
      %broadcast_in_dim3A_512 = vector.broadcast %broadcast_in_dim3A_511 : f32 to vector<16xf32>
      %scan3A_513 = arith.constant 0 : i32
      %scan3A_514 = arith.constant 32 : i32
      %scan3A_515 = arith.addi %scan3A_513, %scan3A_514 : i32
      %scan3A_516 = arith.constant 1 : i32
      %scan3A_517:10 = scf.for %scan3A_665 = %scan3A_513 to %scan3A_515 step %scan3A_516 iter_args(%scan3A_666 = %broadcast_in_dim3A_512, %scan3A_667 = %broadcast_in_dim3A_512, %scan3A_668 = %broadcast_in_dim3A_512, %scan3A_669 = %broadcast_in_dim3A_512, %scan3A_670 = %broadcast_in_dim3A_512, %scan3A_671 = %broadcast_in_dim3A_512, %scan3A_672 = %broadcast_in_dim3A_512, %scan3A_673 = %broadcast_in_dim3A_512, %scan3A_674 = %broadcast_in_dim3A_512, %scan3A_675 = %broadcast_in_dim3A_512) -> (vector<16xf32>, vector<16xf32>, vector<16xf32>, vector<16xf32>, vector<16xf32>, vector<16xf32>, vector<16xf32>, vector<16xf32>, vector<16xf32>, vector<16xf32>)  : i32 {
        %add3A_676 = vector.broadcast %scan3A_665 : i32 to vector<16xi32>
        %add3A_677 = arith.addi %iota3A, %add3A_676 : vector<16xi32>
        %and3A = arith.constant 31 : i32
        %and3A_678 = vector.broadcast %and3A : i32 to vector<16xi32>
        %and3A_679 = arith.andi %add3A_677, %and3A_678 : vector<16xi32>
        %gather3A = tpu.vector_load_idx %arg10[%add3A_378, %and3A_679] : memref<80x32xi32, #tpu.memory_space<vmem>>[vector<16xi32>, vector<16xi32>], vector<16xi32>,
        %gather3A_680 = tpu.vector_load_idx %arg11[%add3A_378, %and3A_679] : memref<80x32xi32, #tpu.memory_space<vmem>>[vector<16xi32>, vector<16xi32>], vector<16xi32>,
        %bitcast3A = vector.bitcast %gather3A : vector<16xi32> to vector<32xbf16>
        %bitcast3A_681 = vector.bitcast %gather3A_680 : vector<16xi32> to vector<32xbf16>
        %unpack3A = tpu.unpack_subelements %bitcast3A, 0 {pack_format = #tpu.pack_format<interleaved>} : vector<32xbf16> -> vector<16xf32>
        %unpack3A_682 = tpu.unpack_subelements %bitcast3A, 1 {pack_format = #tpu.pack_format<interleaved>} : vector<32xbf16> -> vector<16xf32>
        %unpack3A_683 = tpu.unpack_subelements %bitcast3A_681, 0 {pack_format = #tpu.pack_format<interleaved>} : vector<32xbf16> -> vector<16xf32>
        %unpack3A_684 = tpu.unpack_subelements %bitcast3A_681, 1 {pack_format = #tpu.pack_format<interleaved>} : vector<32xbf16> -> vector<16xf32>
        %mul3A_685 = arith.mulf %unpack3A, %unpack3A_683 : vector<16xf32>
        %add3A_686 = arith.addf %scan3A_666, %mul3A_685 : vector<16xf32>
        %mul3A_687 = arith.mulf %unpack3A_682, %unpack3A_684 : vector<16xf32>
        %add3A_688 = arith.addf %scan3A_667, %mul3A_687 : vector<16xf32>
        %gather3A_689 = tpu.vector_load_idx %arg10[%add3A_381, %and3A_679] : memref<80x32xi32, #tpu.memory_space<vmem>>[vector<16xi32>, vector<16xi32>], vector<16xi32>,
        %gather3A_690 = tpu.vector_load_idx %arg11[%add3A_381, %and3A_679] : memref<80x32xi32, #tpu.memory_space<vmem>>[vector<16xi32>, vector<16xi32>], vector<16xi32>,
        %bitcast3A_691 = vector.bitcast %gather3A_689 : vector<16xi32> to vector<32xbf16>
        %bitcast3A_692 = vector.bitcast %gather3A_690 : vector<16xi32> to vector<32xbf16>
        %unpack3A_693 = tpu.unpack_subelements %bitcast3A_691, 0 {pack_format = #tpu.pack_format<interleaved>} : vector<32xbf16> -> vector<16xf32>
        %unpack3A_694 = tpu.unpack_subelements %bitcast3A_691, 1 {pack_format = #tpu.pack_format<interleaved>} : vector<32xbf16> -> vector<16xf32>
        %unpack3A_695 = tpu.unpack_subelements %bitcast3A_692, 0 {pack_format = #tpu.pack_format<interleaved>} : vector<32xbf16> -> vector<16xf32>
        %unpack3A_696 = tpu.unpack_subelements %bitcast3A_692, 1 {pack_format = #tpu.pack_format<interleaved>} : vector<32xbf16> -> vector<16xf32>
        %mul3A_697 = arith.mulf %unpack3A_693, %unpack3A_695 : vector<16xf32>
        %add3A_698 = arith.addf %scan3A_668, %mul3A_697 : vector<16xf32>
        %mul3A_699 = arith.mulf %unpack3A_694, %unpack3A_696 : vector<16xf32>
        %add3A_700 = arith.addf %scan3A_669, %mul3A_699 : vector<16xf32>
        %gather3A_701 = tpu.vector_load_idx %arg10[%add3A_384, %and3A_679] : memref<80x32xi32, #tpu.memory_space<vmem>>[vector<16xi32>, vector<16xi32>], vector<16xi32>,
        %gather3A_702 = tpu.vector_load_idx %arg11[%add3A_384, %and3A_679] : memref<80x32xi32, #tpu.memory_space<vmem>>[vector<16xi32>, vector<16xi32>], vector<16xi32>,
        %bitcast3A_703 = vector.bitcast %gather3A_701 : vector<16xi32> to vector<32xbf16>
        %bitcast3A_704 = vector.bitcast %gather3A_702 : vector<16xi32> to vector<32xbf16>
        %unpack3A_705 = tpu.unpack_subelements %bitcast3A_703, 0 {pack_format = #tpu.pack_format<interleaved>} : vector<32xbf16> -> vector<16xf32>
        %unpack3A_706 = tpu.unpack_subelements %bitcast3A_703, 1 {pack_format = #tpu.pack_format<interleaved>} : vector<32xbf16> -> vector<16xf32>
        %unpack3A_707 = tpu.unpack_subelements %bitcast3A_704, 0 {pack_format = #tpu.pack_format<interleaved>} : vector<32xbf16> -> vector<16xf32>
        %unpack3A_708 = tpu.unpack_subelements %bitcast3A_704, 1 {pack_format = #tpu.pack_format<interleaved>} : vector<32xbf16> -> vector<16xf32>
        %mul3A_709 = arith.mulf %unpack3A_705, %unpack3A_707 : vector<16xf32>
        %add3A_710 = arith.addf %scan3A_670, %mul3A_709 : vector<16xf32>
        %mul3A_711 = arith.mulf %unpack3A_706, %unpack3A_708 : vector<16xf32>
        %add3A_712 = arith.addf %scan3A_671, %mul3A_711 : vector<16xf32>
        %gather3A_713 = tpu.vector_load_idx %arg10[%add3A_387, %and3A_679] : memref<80x32xi32, #tpu.memory_space<vmem>>[vector<16xi32>, vector<16xi32>], vector<16xi32>,
        %gather3A_714 = tpu.vector_load_idx %arg11[%add3A_387, %and3A_679] : memref<80x32xi32, #tpu.memory_space<vmem>>[vector<16xi32>, vector<16xi32>], vector<16xi32>,
        %bitcast3A_715 = vector.bitcast %gather3A_713 : vector<16xi32> to vector<32xbf16>
        %bitcast3A_716 = vector.bitcast %gather3A_714 : vector<16xi32> to vector<32xbf16>
        %unpack3A_717 = tpu.unpack_subelements %bitcast3A_715, 0 {pack_format = #tpu.pack_format<interleaved>} : vector<32xbf16> -> vector<16xf32>
        %unpack3A_718 = tpu.unpack_subelements %bitcast3A_715, 1 {pack_format = #tpu.pack_format<interleaved>} : vector<32xbf16> -> vector<16xf32>
        %unpack3A_719 = tpu.unpack_subelements %bitcast3A_716, 0 {pack_format = #tpu.pack_format<interleaved>} : vector<32xbf16> -> vector<16xf32>
        %unpack3A_720 = tpu.unpack_subelements %bitcast3A_716, 1 {pack_format = #tpu.pack_format<interleaved>} : vector<32xbf16> -> vector<16xf32>
        %mul3A_721 = arith.mulf %unpack3A_717, %unpack3A_719 : vector<16xf32>
        %add3A_722 = arith.addf %scan3A_672, %mul3A_721 : vector<16xf32>
        %mul3A_723 = arith.mulf %unpack3A_718, %unpack3A_720 : vector<16xf32>
        %add3A_724 = arith.addf %scan3A_673, %mul3A_723 : vector<16xf32>
        %gather3A_725 = tpu.vector_load_idx %arg10[%add3A_390, %and3A_679] : memref<80x32xi32, #tpu.memory_space<vmem>>[vector<16xi32>, vector<16xi32>], vector<16xi32>,
        %gather3A_726 = tpu.vector_load_idx %arg11[%add3A_390, %and3A_679] : memref<80x32xi32, #tpu.memory_space<vmem>>[vector<16xi32>, vector<16xi32>], vector<16xi32>,
        %bitcast3A_727 = vector.bitcast %gather3A_725 : vector<16xi32> to vector<32xbf16>
        %bitcast3A_728 = vector.bitcast %gather3A_726 : vector<16xi32> to vector<32xbf16>
        %unpack3A_729 = tpu.unpack_subelements %bitcast3A_727, 0 {pack_format = #tpu.pack_format<interleaved>} : vector<32xbf16> -> vector<16xf32>
        %unpack3A_730 = tpu.unpack_subelements %bitcast3A_727, 1 {pack_format = #tpu.pack_format<interleaved>} : vector<32xbf16> -> vector<16xf32>
        %unpack3A_731 = tpu.unpack_subelements %bitcast3A_728, 0 {pack_format = #tpu.pack_format<interleaved>} : vector<32xbf16> -> vector<16xf32>
        %unpack3A_732 = tpu.unpack_subelements %bitcast3A_728, 1 {pack_format = #tpu.pack_format<interleaved>} : vector<32xbf16> -> vector<16xf32>
        %mul3A_733 = arith.mulf %unpack3A_729, %unpack3A_731 : vector<16xf32>
        %add3A_734 = arith.addf %scan3A_674, %mul3A_733 : vector<16xf32>
        %mul3A_735 = arith.mulf %unpack3A_730, %unpack3A_732 : vector<16xf32>
        %add3A_736 = arith.addf %scan3A_675, %mul3A_735 : vector<16xf32>
        scf.yield %add3A_686, %add3A_688, %add3A_698, %add3A_700, %add3A_710, %add3A_712, %add3A_722, %add3A_724, %add3A_734, %add3A_736 : vector<16xf32>, vector<16xf32>, vector<16xf32>, vector<16xf32>, vector<16xf32>, vector<16xf32>, vector<16xf32>, vector<16xf32>, vector<16xf32>, vector<16xf32>
      }
      %scan3A_518 = arith.constant 32 : i32
      %add3A_519 = arith.addf %scan3A_517#0, %scan3A_517#1 : vector<16xf32>
      %swap3A_520 = arith.constant 0 : i32
      %swap3A_521 = arith.index_cast %swap3A_520 : i32 to index
      %swap3A_522 = arith.constant 0 : index
      %swap3A_523 = tpu.vector_load %arg14[%swap3A_521, %swap3A_522] {strides = array<i32>} : memref<2x80xf32, #tpu.memory_space<vmem>>, vector<16xf32>,
      tpu.vector_store %arg14[%swap3A_521, %swap3A_522], %add3A_519 {strides = array<i32>} : memref<2x80xf32, #tpu.memory_space<vmem>>, vector<16xf32>,
      %add3A_524 = arith.addf %scan3A_517#2, %scan3A_517#3 : vector<16xf32>
      %swap3A_525 = arith.constant 0 : i32
      %swap3A_526 = arith.index_cast %swap3A_525 : i32 to index
      %swap3A_527 = arith.constant 16 : index
      %swap3A_528 = tpu.vector_load %arg14[%swap3A_526, %swap3A_527] {strides = array<i32>} : memref<2x80xf32, #tpu.memory_space<vmem>>, vector<16xf32>,
      tpu.vector_store %arg14[%swap3A_526, %swap3A_527], %add3A_524 {strides = array<i32>} : memref<2x80xf32, #tpu.memory_space<vmem>>, vector<16xf32>,
      %add3A_529 = arith.addf %scan3A_517#4, %scan3A_517#5 : vector<16xf32>
      %swap3A_530 = arith.constant 0 : i32
      %swap3A_531 = arith.index_cast %swap3A_530 : i32 to index
      %swap3A_532 = arith.constant 32 : index
      %swap3A_533 = tpu.vector_load %arg14[%swap3A_531, %swap3A_532] {strides = array<i32>} : memref<2x80xf32, #tpu.memory_space<vmem>>, vector<16xf32>,
      tpu.vector_store %arg14[%swap3A_531, %swap3A_532], %add3A_529 {strides = array<i32>} : memref<2x80xf32, #tpu.memory_space<vmem>>, vector<16xf32>,
      %add3A_534 = arith.addf %scan3A_517#6, %scan3A_517#7 : vector<16xf32>
      %swap3A_535 = arith.constant 0 : i32
      %swap3A_536 = arith.index_cast %swap3A_535 : i32 to index
      %swap3A_537 = arith.constant 48 : index
      %swap3A_538 = tpu.vector_load %arg14[%swap3A_536, %swap3A_537] {strides = array<i32>} : memref<2x80xf32, #tpu.memory_space<vmem>>, vector<16xf32>,
      tpu.vector_store %arg14[%swap3A_536, %swap3A_537], %add3A_534 {strides = array<i32>} : memref<2x80xf32, #tpu.memory_space<vmem>>, vector<16xf32>,
      %add3A_539 = arith.addf %scan3A_517#8, %scan3A_517#9 : vector<16xf32>
      %swap3A_540 = arith.constant 0 : i32
      %swap3A_541 = arith.index_cast %swap3A_540 : i32 to index
      %swap3A_542 = arith.constant 64 : index
      %swap3A_543 = tpu.vector_load %arg14[%swap3A_541, %swap3A_542] {strides = array<i32>} : memref<2x80xf32, #tpu.memory_space<vmem>>, vector<16xf32>,
      tpu.vector_store %arg14[%swap3A_541, %swap3A_542], %add3A_539 {strides = array<i32>} : memref<2x80xf32, #tpu.memory_space<vmem>>, vector<16xf32>,
      %mul3A_544 = arith.constant 10000 : i32
      %mul3A_545 = arith.muli %add3A, %mul3A_544 : i32
      %mul3A_546 = arith.constant 80 : i32
      %mul3A_547 = arith.muli %mul3A_484, %mul3A_546 : i32
      %add3A_548 = arith.addi %mul3A_545, %mul3A_547 : i32
      %dma_start3A_549 = arith.constant 0 : i32
      %dma_start3A_550 = arith.constant 0 : i32
      %dma_start3A_551 = tpu.memref_slice %arg14[%dma_start3A_549, %dma_start3A_550] : memref<2x80xf32, #tpu.memory_space<vmem>> -> memref<1x80xf32, #tpu.memory_space<vmem>>
      %dma_start3A_552 = tpu.memref_squeeze %dma_start3A_551 : memref<1x80xf32, #tpu.memory_space<vmem>> -> memref<80xf32, #tpu.memory_space<vmem>>
      %dma_start3A_553 = tpu.memref_slice %arg7[%add3A_548] : memref<320000xf32, #tpu.memory_space<hbm>> -> memref<80xf32, #tpu.memory_space<hbm>>
      %dma_start3A_554 = tpu.memref_slice %arg7[%add3A_548] : memref<320000xf32, #tpu.memory_space<hbm>> -> memref<80xf32, #tpu.memory_space<hbm>>
      %dma_start3A_555 = arith.constant 0 : i32
      %dma_start3A_556 = tpu.memref_slice %arg14[%dma_start3A_549, %dma_start3A_555] : memref<2x80xf32, #tpu.memory_space<vmem>> -> memref<1x80xf32, #tpu.memory_space<vmem>>
      %dma_start3A_557 = tpu.memref_squeeze %dma_start3A_556 : memref<1x80xf32, #tpu.memory_space<vmem>> -> memref<80xf32, #tpu.memory_space<vmem>>
      tpu.enqueue_dma source(%dma_start3A_557 : memref<80xf32, #tpu.memory_space<vmem>>) target(%dma_start3A_554 : memref<80xf32, #tpu.memory_space<hbm>>) target_semaphore(%arg24 : memref<!tpu.dma_semaphore, #tpu.memory_space<semaphore_mem>>)
      %add3A_558 = arith.constant 1 : i32
      %add3A_559 = arith.addi %mul3A_484, %add3A_558 : i32
      %dma_wait3A_560 = arith.constant 0 : i32
      %dma_wait3A_561 = tpu.memref_slice %arg8[%add3A_559, %dma_wait3A_560] : memref<125x80xi32, #tpu.memory_space<vmem>> -> memref<1x80xi32, #tpu.memory_space<vmem>>
      %dma_wait3A_562 = tpu.memref_squeeze %dma_wait3A_561 : memref<1x80xi32, #tpu.memory_space<vmem>> -> memref<80xi32, #tpu.memory_space<vmem>>
      %dma_wait3A_563 = arith.constant 0 : i32
      %dma_wait3A_564 = arith.constant 0 : i32
      %dma_wait3A_565 = tpu.memref_slice %arg22[%dma_wait3A_563, %dma_wait3A_564] : memref<10000x32xi32, #tpu.memory_space<vmem_shared>> -> memref<10000x32xi32, #tpu.memory_space<vmem_shared>>
      tpu.wait_indirect_dma semaphore(%arg23 : memref<!tpu.dma_semaphore, #tpu.memory_space<semaphore_mem>>) src(%dma_wait3A_565 : memref<10000x32xi32, #tpu.memory_space<vmem_shared>>) dst(%arg12 : memref<80x32xi32, #tpu.memory_space<vmem>>)
      %dma_wait3A_566 = arith.constant 0 : i32
      %dma_wait3A_567 = tpu.memref_slice %arg9[%add3A_559, %dma_wait3A_566] : memref<125x80xi32, #tpu.memory_space<vmem>> -> memref<1x80xi32, #tpu.memory_space<vmem>>
      %dma_wait3A_568 = tpu.memref_squeeze %dma_wait3A_567 : memref<1x80xi32, #tpu.memory_space<vmem>> -> memref<80xi32, #tpu.memory_space<vmem>>
      %dma_wait3A_569 = arith.constant 0 : i32
      %dma_wait3A_570 = arith.constant 0 : i32
      %dma_wait3A_571 = tpu.memref_slice %arg22[%dma_wait3A_569, %dma_wait3A_570] : memref<10000x32xi32, #tpu.memory_space<vmem_shared>> -> memref<10000x32xi32, #tpu.memory_space<vmem_shared>>
      tpu.wait_indirect_dma semaphore(%arg23 : memref<!tpu.dma_semaphore, #tpu.memory_space<semaphore_mem>>) src(%dma_wait3A_571 : memref<10000x32xi32, #tpu.memory_space<vmem_shared>>) dst(%arg13 : memref<80x32xi32, #tpu.memory_space<vmem>>)
      %add3A_572 = arith.constant 2 : i32
      %add3A_573 = arith.addi %mul3A_484, %add3A_572 : i32
      %dma_start3A_574 = arith.constant 0 : i32
      %dma_start3A_575 = tpu.memref_slice %arg8[%add3A_573, %dma_start3A_574] : memref<125x80xi32, #tpu.memory_space<vmem>> -> memref<1x80xi32, #tpu.memory_space<vmem>>
      %dma_start3A_576 = tpu.memref_squeeze %dma_start3A_575 : memref<1x80xi32, #tpu.memory_space<vmem>> -> memref<80xi32, #tpu.memory_space<vmem>>
      %dma_start3A_577 = arith.constant 0 : i32
      %dma_start3A_578 = arith.constant 0 : i32
      %dma_start3A_579 = tpu.memref_slice %arg22[%dma_start3A_577, %dma_start3A_578] : memref<10000x32xi32, #tpu.memory_space<vmem_shared>> -> memref<10000x32xi32, #tpu.memory_space<vmem_shared>>
      tpu.enqueue_indirect_dma source(%dma_start3A_579 : memref<10000x32xi32, #tpu.memory_space<vmem_shared>>) target(%arg10 : memref<80x32xi32, #tpu.memory_space<vmem>>) offsets(%dma_start3A_576 : memref<80xi32, #tpu.memory_space<vmem>>) semaphore(%arg23 : memref<!tpu.dma_semaphore, #tpu.memory_space<semaphore_mem>>)
      %dma_start3A_580 = arith.constant 0 : i32
      %dma_start3A_581 = tpu.memref_slice %arg9[%add3A_573, %dma_start3A_580] : memref<125x80xi32, #tpu.memory_space<vmem>> -> memref<1x80xi32, #tpu.memory_space<vmem>>
      %dma_start3A_582 = tpu.memref_squeeze %dma_start3A_581 : memref<1x80xi32, #tpu.memory_space<vmem>> -> memref<80xi32, #tpu.memory_space<vmem>>
      %dma_start3A_583 = arith.constant 0 : i32
      %dma_start3A_584 = arith.constant 0 : i32
      %dma_start3A_585 = tpu.memref_slice %arg22[%dma_start3A_583, %dma_start3A_584] : memref<10000x32xi32, #tpu.memory_space<vmem_shared>> -> memref<10000x32xi32, #tpu.memory_space<vmem_shared>>
      tpu.enqueue_indirect_dma source(%dma_start3A_585 : memref<10000x32xi32, #tpu.memory_space<vmem_shared>>) target(%arg11 : memref<80x32xi32, #tpu.memory_space<vmem>>) offsets(%dma_start3A_582 : memref<80xi32, #tpu.memory_space<vmem>>) semaphore(%arg23 : memref<!tpu.dma_semaphore, #tpu.memory_space<semaphore_mem>>)
      %add3A_586 = arith.constant 1 : i32
      %add3A_587 = arith.addi %mul3A_484, %add3A_586 : i32
      %broadcast_in_dim3A_588 = arith.constant 0.000000e+00 : f32
      %broadcast_in_dim3A_589 = vector.broadcast %broadcast_in_dim3A_588 : f32 to vector<16xf32>
      %scan3A_590 = arith.constant 0 : i32
      %scan3A_591 = arith.constant 32 : i32
      %scan3A_592 = arith.addi %scan3A_590, %scan3A_591 : i32
      %scan3A_593 = arith.constant 1 : i32
      %scan3A_594:10 = scf.for %scan3A_665 = %scan3A_590 to %scan3A_592 step %scan3A_593 iter_args(%scan3A_666 = %broadcast_in_dim3A_589, %scan3A_667 = %broadcast_in_dim3A_589, %scan3A_668 = %broadcast_in_dim3A_589, %scan3A_669 = %broadcast_in_dim3A_589, %scan3A_670 = %broadcast_in_dim3A_589, %scan3A_671 = %broadcast_in_dim3A_589, %scan3A_672 = %broadcast_in_dim3A_589, %scan3A_673 = %broadcast_in_dim3A_589, %scan3A_674 = %broadcast_in_dim3A_589, %scan3A_675 = %broadcast_in_dim3A_589) -> (vector<16xf32>, vector<16xf32>, vector<16xf32>, vector<16xf32>, vector<16xf32>, vector<16xf32>, vector<16xf32>, vector<16xf32>, vector<16xf32>, vector<16xf32>)  : i32 {
        %add3A_676 = vector.broadcast %scan3A_665 : i32 to vector<16xi32>
        %add3A_677 = arith.addi %iota3A, %add3A_676 : vector<16xi32>
        %and3A = arith.constant 31 : i32
        %and3A_678 = vector.broadcast %and3A : i32 to vector<16xi32>
        %and3A_679 = arith.andi %add3A_677, %and3A_678 : vector<16xi32>
        %gather3A = tpu.vector_load_idx %arg12[%add3A_378, %and3A_679] : memref<80x32xi32, #tpu.memory_space<vmem>>[vector<16xi32>, vector<16xi32>], vector<16xi32>,
        %gather3A_680 = tpu.vector_load_idx %arg13[%add3A_378, %and3A_679] : memref<80x32xi32, #tpu.memory_space<vmem>>[vector<16xi32>, vector<16xi32>], vector<16xi32>,
        %bitcast3A = vector.bitcast %gather3A : vector<16xi32> to vector<32xbf16>
        %bitcast3A_681 = vector.bitcast %gather3A_680 : vector<16xi32> to vector<32xbf16>
        %unpack3A = tpu.unpack_subelements %bitcast3A, 0 {pack_format = #tpu.pack_format<interleaved>} : vector<32xbf16> -> vector<16xf32>
        %unpack3A_682 = tpu.unpack_subelements %bitcast3A, 1 {pack_format = #tpu.pack_format<interleaved>} : vector<32xbf16> -> vector<16xf32>
        %unpack3A_683 = tpu.unpack_subelements %bitcast3A_681, 0 {pack_format = #tpu.pack_format<interleaved>} : vector<32xbf16> -> vector<16xf32>
        %unpack3A_684 = tpu.unpack_subelements %bitcast3A_681, 1 {pack_format = #tpu.pack_format<interleaved>} : vector<32xbf16> -> vector<16xf32>
        %mul3A_685 = arith.mulf %unpack3A, %unpack3A_683 : vector<16xf32>
        %add3A_686 = arith.addf %scan3A_666, %mul3A_685 : vector<16xf32>
        %mul3A_687 = arith.mulf %unpack3A_682, %unpack3A_684 : vector<16xf32>
        %add3A_688 = arith.addf %scan3A_667, %mul3A_687 : vector<16xf32>
        %gather3A_689 = tpu.vector_load_idx %arg12[%add3A_381, %and3A_679] : memref<80x32xi32, #tpu.memory_space<vmem>>[vector<16xi32>, vector<16xi32>], vector<16xi32>,
        %gather3A_690 = tpu.vector_load_idx %arg13[%add3A_381, %and3A_679] : memref<80x32xi32, #tpu.memory_space<vmem>>[vector<16xi32>, vector<16xi32>], vector<16xi32>,
        %bitcast3A_691 = vector.bitcast %gather3A_689 : vector<16xi32> to vector<32xbf16>
        %bitcast3A_692 = vector.bitcast %gather3A_690 : vector<16xi32> to vector<32xbf16>
        %unpack3A_693 = tpu.unpack_subelements %bitcast3A_691, 0 {pack_format = #tpu.pack_format<interleaved>} : vector<32xbf16> -> vector<16xf32>
        %unpack3A_694 = tpu.unpack_subelements %bitcast3A_691, 1 {pack_format = #tpu.pack_format<interleaved>} : vector<32xbf16> -> vector<16xf32>
        %unpack3A_695 = tpu.unpack_subelements %bitcast3A_692, 0 {pack_format = #tpu.pack_format<interleaved>} : vector<32xbf16> -> vector<16xf32>
        %unpack3A_696 = tpu.unpack_subelements %bitcast3A_692, 1 {pack_format = #tpu.pack_format<interleaved>} : vector<32xbf16> -> vector<16xf32>
        %mul3A_697 = arith.mulf %unpack3A_693, %unpack3A_695 : vector<16xf32>
        %add3A_698 = arith.addf %scan3A_668, %mul3A_697 : vector<16xf32>
        %mul3A_699 = arith.mulf %unpack3A_694, %unpack3A_696 : vector<16xf32>
        %add3A_700 = arith.addf %scan3A_669, %mul3A_699 : vector<16xf32>
        %gather3A_701 = tpu.vector_load_idx %arg12[%add3A_384, %and3A_679] : memref<80x32xi32, #tpu.memory_space<vmem>>[vector<16xi32>, vector<16xi32>], vector<16xi32>,
        %gather3A_702 = tpu.vector_load_idx %arg13[%add3A_384, %and3A_679] : memref<80x32xi32, #tpu.memory_space<vmem>>[vector<16xi32>, vector<16xi32>], vector<16xi32>,
        %bitcast3A_703 = vector.bitcast %gather3A_701 : vector<16xi32> to vector<32xbf16>
        %bitcast3A_704 = vector.bitcast %gather3A_702 : vector<16xi32> to vector<32xbf16>
        %unpack3A_705 = tpu.unpack_subelements %bitcast3A_703, 0 {pack_format = #tpu.pack_format<interleaved>} : vector<32xbf16> -> vector<16xf32>
        %unpack3A_706 = tpu.unpack_subelements %bitcast3A_703, 1 {pack_format = #tpu.pack_format<interleaved>} : vector<32xbf16> -> vector<16xf32>
        %unpack3A_707 = tpu.unpack_subelements %bitcast3A_704, 0 {pack_format = #tpu.pack_format<interleaved>} : vector<32xbf16> -> vector<16xf32>
        %unpack3A_708 = tpu.unpack_subelements %bitcast3A_704, 1 {pack_format = #tpu.pack_format<interleaved>} : vector<32xbf16> -> vector<16xf32>
        %mul3A_709 = arith.mulf %unpack3A_705, %unpack3A_707 : vector<16xf32>
        %add3A_710 = arith.addf %scan3A_670, %mul3A_709 : vector<16xf32>
        %mul3A_711 = arith.mulf %unpack3A_706, %unpack3A_708 : vector<16xf32>
        %add3A_712 = arith.addf %scan3A_671, %mul3A_711 : vector<16xf32>
        %gather3A_713 = tpu.vector_load_idx %arg12[%add3A_387, %and3A_679] : memref<80x32xi32, #tpu.memory_space<vmem>>[vector<16xi32>, vector<16xi32>], vector<16xi32>,
        %gather3A_714 = tpu.vector_load_idx %arg13[%add3A_387, %and3A_679] : memref<80x32xi32, #tpu.memory_space<vmem>>[vector<16xi32>, vector<16xi32>], vector<16xi32>,
        %bitcast3A_715 = vector.bitcast %gather3A_713 : vector<16xi32> to vector<32xbf16>
        %bitcast3A_716 = vector.bitcast %gather3A_714 : vector<16xi32> to vector<32xbf16>
        %unpack3A_717 = tpu.unpack_subelements %bitcast3A_715, 0 {pack_format = #tpu.pack_format<interleaved>} : vector<32xbf16> -> vector<16xf32>
        %unpack3A_718 = tpu.unpack_subelements %bitcast3A_715, 1 {pack_format = #tpu.pack_format<interleaved>} : vector<32xbf16> -> vector<16xf32>
        %unpack3A_719 = tpu.unpack_subelements %bitcast3A_716, 0 {pack_format = #tpu.pack_format<interleaved>} : vector<32xbf16> -> vector<16xf32>
        %unpack3A_720 = tpu.unpack_subelements %bitcast3A_716, 1 {pack_format = #tpu.pack_format<interleaved>} : vector<32xbf16> -> vector<16xf32>
        %mul3A_721 = arith.mulf %unpack3A_717, %unpack3A_719 : vector<16xf32>
        %add3A_722 = arith.addf %scan3A_672, %mul3A_721 : vector<16xf32>
        %mul3A_723 = arith.mulf %unpack3A_718, %unpack3A_720 : vector<16xf32>
        %add3A_724 = arith.addf %scan3A_673, %mul3A_723 : vector<16xf32>
        %gather3A_725 = tpu.vector_load_idx %arg12[%add3A_390, %and3A_679] : memref<80x32xi32, #tpu.memory_space<vmem>>[vector<16xi32>, vector<16xi32>], vector<16xi32>,
        %gather3A_726 = tpu.vector_load_idx %arg13[%add3A_390, %and3A_679] : memref<80x32xi32, #tpu.memory_space<vmem>>[vector<16xi32>, vector<16xi32>], vector<16xi32>,
        %bitcast3A_727 = vector.bitcast %gather3A_725 : vector<16xi32> to vector<32xbf16>
        %bitcast3A_728 = vector.bitcast %gather3A_726 : vector<16xi32> to vector<32xbf16>
        %unpack3A_729 = tpu.unpack_subelements %bitcast3A_727, 0 {pack_format = #tpu.pack_format<interleaved>} : vector<32xbf16> -> vector<16xf32>
        %unpack3A_730 = tpu.unpack_subelements %bitcast3A_727, 1 {pack_format = #tpu.pack_format<interleaved>} : vector<32xbf16> -> vector<16xf32>
        %unpack3A_731 = tpu.unpack_subelements %bitcast3A_728, 0 {pack_format = #tpu.pack_format<interleaved>} : vector<32xbf16> -> vector<16xf32>
        %unpack3A_732 = tpu.unpack_subelements %bitcast3A_728, 1 {pack_format = #tpu.pack_format<interleaved>} : vector<32xbf16> -> vector<16xf32>
        %mul3A_733 = arith.mulf %unpack3A_729, %unpack3A_731 : vector<16xf32>
        %add3A_734 = arith.addf %scan3A_674, %mul3A_733 : vector<16xf32>
        %mul3A_735 = arith.mulf %unpack3A_730, %unpack3A_732 : vector<16xf32>
        %add3A_736 = arith.addf %scan3A_675, %mul3A_735 : vector<16xf32>
        scf.yield %add3A_686, %add3A_688, %add3A_698, %add3A_700, %add3A_710, %add3A_712, %add3A_722, %add3A_724, %add3A_734, %add3A_736 : vector<16xf32>, vector<16xf32>, vector<16xf32>, vector<16xf32>, vector<16xf32>, vector<16xf32>, vector<16xf32>, vector<16xf32>, vector<16xf32>, vector<16xf32>
      }
      %scan3A_595 = arith.constant 32 : i32
      %add3A_596 = arith.addf %scan3A_594#0, %scan3A_594#1 : vector<16xf32>
      %swap3A_597 = arith.constant 1 : i32
      %swap3A_598 = arith.index_cast %swap3A_597 : i32 to index
      %swap3A_599 = arith.constant 0 : index
      %swap3A_600 = tpu.vector_load %arg14[%swap3A_598, %swap3A_599] {strides = array<i32>} : memref<2x80xf32, #tpu.memory_space<vmem>>, vector<16xf32>,
      tpu.vector_store %arg14[%swap3A_598, %swap3A_599], %add3A_596 {strides = array<i32>} : memref<2x80xf32, #tpu.memory_space<vmem>>, vector<16xf32>,
      %add3A_601 = arith.addf %scan3A_594#2, %scan3A_594#3 : vector<16xf32>
      %swap3A_602 = arith.constant 1 : i32
      %swap3A_603 = arith.index_cast %swap3A_602 : i32 to index
      %swap3A_604 = arith.constant 16 : index
      %swap3A_605 = tpu.vector_load %arg14[%swap3A_603, %swap3A_604] {strides = array<i32>} : memref<2x80xf32, #tpu.memory_space<vmem>>, vector<16xf32>,
      tpu.vector_store %arg14[%swap3A_603, %swap3A_604], %add3A_601 {strides = array<i32>} : memref<2x80xf32, #tpu.memory_space<vmem>>, vector<16xf32>,
      %add3A_606 = arith.addf %scan3A_594#4, %scan3A_594#5 : vector<16xf32>
      %swap3A_607 = arith.constant 1 : i32
      %swap3A_608 = arith.index_cast %swap3A_607 : i32 to index
      %swap3A_609 = arith.constant 32 : index
      %swap3A_610 = tpu.vector_load %arg14[%swap3A_608, %swap3A_609] {strides = array<i32>} : memref<2x80xf32, #tpu.memory_space<vmem>>, vector<16xf32>,
      tpu.vector_store %arg14[%swap3A_608, %swap3A_609], %add3A_606 {strides = array<i32>} : memref<2x80xf32, #tpu.memory_space<vmem>>, vector<16xf32>,
      %add3A_611 = arith.addf %scan3A_594#6, %scan3A_594#7 : vector<16xf32>
      %swap3A_612 = arith.constant 1 : i32
      %swap3A_613 = arith.index_cast %swap3A_612 : i32 to index
      %swap3A_614 = arith.constant 48 : index
      %swap3A_615 = tpu.vector_load %arg14[%swap3A_613, %swap3A_614] {strides = array<i32>} : memref<2x80xf32, #tpu.memory_space<vmem>>, vector<16xf32>,
      tpu.vector_store %arg14[%swap3A_613, %swap3A_614], %add3A_611 {strides = array<i32>} : memref<2x80xf32, #tpu.memory_space<vmem>>, vector<16xf32>,
      %add3A_616 = arith.addf %scan3A_594#8, %scan3A_594#9 : vector<16xf32>
      %swap3A_617 = arith.constant 1 : i32
      %swap3A_618 = arith.index_cast %swap3A_617 : i32 to index
      %swap3A_619 = arith.constant 64 : index
      %swap3A_620 = tpu.vector_load %arg14[%swap3A_618, %swap3A_619] {strides = array<i32>} : memref<2x80xf32, #tpu.memory_space<vmem>>, vector<16xf32>,
      tpu.vector_store %arg14[%swap3A_618, %swap3A_619], %add3A_616 {strides = array<i32>} : memref<2x80xf32, #tpu.memory_space<vmem>>, vector<16xf32>,
      %mul3A_621 = arith.constant 10000 : i32
      %mul3A_622 = arith.muli %add3A, %mul3A_621 : i32
      %mul3A_623 = arith.constant 80 : i32
      %mul3A_624 = arith.muli %add3A_587, %mul3A_623 : i32
      %add3A_625 = arith.addi %mul3A_622, %mul3A_624 : i32
      %dma_start3A_626 = arith.constant 1 : i32
      %dma_start3A_627 = arith.constant 0 : i32
      %dma_start3A_628 = tpu.memref_slice %arg14[%dma_start3A_626, %dma_start3A_627] : memref<2x80xf32, #tpu.memory_space<vmem>> -> memref<1x80xf32, #tpu.memory_space<vmem>>
      %dma_start3A_629 = tpu.memref_squeeze %dma_start3A_628 : memref<1x80xf32, #tpu.memory_space<vmem>> -> memref<80xf32, #tpu.memory_space<vmem>>
      %dma_start3A_630 = tpu.memref_slice %arg7[%add3A_625] : memref<320000xf32, #tpu.memory_space<hbm>> -> memref<80xf32, #tpu.memory_space<hbm>>
      %dma_start3A_631 = tpu.memref_slice %arg7[%add3A_625] : memref<320000xf32, #tpu.memory_space<hbm>> -> memref<80xf32, #tpu.memory_space<hbm>>
      %dma_start3A_632 = arith.constant 0 : i32
      %dma_start3A_633 = tpu.memref_slice %arg14[%dma_start3A_626, %dma_start3A_632] : memref<2x80xf32, #tpu.memory_space<vmem>> -> memref<1x80xf32, #tpu.memory_space<vmem>>
      %dma_start3A_634 = tpu.memref_squeeze %dma_start3A_633 : memref<1x80xf32, #tpu.memory_space<vmem>> -> memref<80xf32, #tpu.memory_space<vmem>>
      tpu.enqueue_dma source(%dma_start3A_634 : memref<80xf32, #tpu.memory_space<vmem>>) target(%dma_start3A_631 : memref<80xf32, #tpu.memory_space<hbm>>) target_semaphore(%arg24 : memref<!tpu.dma_semaphore, #tpu.memory_space<semaphore_mem>>)
      %mul3A_635 = arith.constant 10000 : i32
      %mul3A_636 = arith.muli %add3A, %mul3A_635 : i32
      %mul3A_637 = arith.constant 80 : i32
      %mul3A_638 = arith.muli %mul3A_484, %mul3A_637 : i32
      %add3A_639 = arith.addi %mul3A_636, %mul3A_638 : i32
      %dma_wait3A_640 = arith.constant 0 : i32
      %dma_wait3A_641 = arith.constant 0 : i32
      %dma_wait3A_642 = tpu.memref_slice %arg14[%dma_wait3A_640, %dma_wait3A_641] : memref<2x80xf32, #tpu.memory_space<vmem>> -> memref<1x80xf32, #tpu.memory_space<vmem>>
      %dma_wait3A_643 = tpu.memref_squeeze %dma_wait3A_642 : memref<1x80xf32, #tpu.memory_space<vmem>> -> memref<80xf32, #tpu.memory_space<vmem>>
      %dma_wait3A_644 = tpu.memref_slice %arg7[%add3A_639] : memref<320000xf32, #tpu.memory_space<hbm>> -> memref<80xf32, #tpu.memory_space<hbm>>
      %dma_wait3A_645 = tpu.memref_slice %arg7[%add3A_639] : memref<320000xf32, #tpu.memory_space<hbm>> -> memref<80xf32, #tpu.memory_space<hbm>>
      %dma_wait3A_646 = arith.constant 0 : i32
      %dma_wait3A_647 = tpu.memref_slice %arg14[%dma_wait3A_640, %dma_wait3A_646] : memref<2x80xf32, #tpu.memory_space<vmem>> -> memref<1x80xf32, #tpu.memory_space<vmem>>
      %dma_wait3A_648 = tpu.memref_squeeze %dma_wait3A_647 : memref<1x80xf32, #tpu.memory_space<vmem>> -> memref<80xf32, #tpu.memory_space<vmem>>
      tpu.wait_dma2 semaphore(%arg24 : memref<!tpu.dma_semaphore, #tpu.memory_space<semaphore_mem>>) src(%dma_wait3A_648 : memref<80xf32, #tpu.memory_space<vmem>>) dst(%dma_wait3A_645 : memref<80xf32, #tpu.memory_space<hbm>>)
      %add3A_649 = arith.constant 1 : i32
      %add3A_650 = arith.addi %mul3A_484, %add3A_649 : i32
      %mul3A_651 = arith.constant 10000 : i32
      %mul3A_652 = arith.muli %add3A, %mul3A_651 : i32
      %mul3A_653 = arith.constant 80 : i32
      %mul3A_654 = arith.muli %add3A_650, %mul3A_653 : i32
      %add3A_655 = arith.addi %mul3A_652, %mul3A_654 : i32
      %dma_wait3A_656 = arith.constant 1 : i32
      %dma_wait3A_657 = arith.constant 0 : i32
      %dma_wait3A_658 = tpu.memref_slice %arg14[%dma_wait3A_656, %dma_wait3A_657] : memref<2x80xf32, #tpu.memory_space<vmem>> -> memref<1x80xf32, #tpu.memory_space<vmem>>
      %dma_wait3A_659 = tpu.memref_squeeze %dma_wait3A_658 : memref<1x80xf32, #tpu.memory_space<vmem>> -> memref<80xf32, #tpu.memory_space<vmem>>
      %dma_wait3A_660 = tpu.memref_slice %arg7[%add3A_655] : memref<320000xf32, #tpu.memory_space<hbm>> -> memref<80xf32, #tpu.memory_space<hbm>>
      %dma_wait3A_661 = tpu.memref_slice %arg7[%add3A_655] : memref<320000xf32, #tpu.memory_space<hbm>> -> memref<80xf32, #tpu.memory_space<hbm>>
      %dma_wait3A_662 = arith.constant 0 : i32
      %dma_wait3A_663 = tpu.memref_slice %arg14[%dma_wait3A_656, %dma_wait3A_662] : memref<2x80xf32, #tpu.memory_space<vmem>> -> memref<1x80xf32, #tpu.memory_space<vmem>>
      %dma_wait3A_664 = tpu.memref_squeeze %dma_wait3A_663 : memref<1x80xf32, #tpu.memory_space<vmem>> -> memref<80xf32, #tpu.memory_space<vmem>>
      tpu.wait_dma2 semaphore(%arg24 : memref<!tpu.dma_semaphore, #tpu.memory_space<semaphore_mem>>) src(%dma_wait3A_664 : memref<80xf32, #tpu.memory_space<vmem>>) dst(%dma_wait3A_661 : memref<80xf32, #tpu.memory_space<hbm>>)
    }
    %scan3A_410 = arith.constant 62 : i32
    %dma_wait3A_411 = arith.constant 124 : i32
    %dma_wait3A_412 = arith.constant 0 : i32
    %dma_wait3A_413 = tpu.memref_slice %arg8[%dma_wait3A_411, %dma_wait3A_412] : memref<125x80xi32, #tpu.memory_space<vmem>> -> memref<1x80xi32, #tpu.memory_space<vmem>>
    %dma_wait3A_414 = tpu.memref_squeeze %dma_wait3A_413 : memref<1x80xi32, #tpu.memory_space<vmem>> -> memref<80xi32, #tpu.memory_space<vmem>>
    %dma_wait3A_415 = arith.constant 0 : i32
    %dma_wait3A_416 = arith.constant 0 : i32
    %dma_wait3A_417 = tpu.memref_slice %arg22[%dma_wait3A_415, %dma_wait3A_416] : memref<10000x32xi32, #tpu.memory_space<vmem_shared>> -> memref<10000x32xi32, #tpu.memory_space<vmem_shared>>
    tpu.wait_indirect_dma semaphore(%arg23 : memref<!tpu.dma_semaphore, #tpu.memory_space<semaphore_mem>>) src(%dma_wait3A_417 : memref<10000x32xi32, #tpu.memory_space<vmem_shared>>) dst(%arg10 : memref<80x32xi32, #tpu.memory_space<vmem>>)
    %dma_wait3A_418 = arith.constant 124 : i32
    %dma_wait3A_419 = arith.constant 0 : i32
    %dma_wait3A_420 = tpu.memref_slice %arg9[%dma_wait3A_418, %dma_wait3A_419] : memref<125x80xi32, #tpu.memory_space<vmem>> -> memref<1x80xi32, #tpu.memory_space<vmem>>
    %dma_wait3A_421 = tpu.memref_squeeze %dma_wait3A_420 : memref<1x80xi32, #tpu.memory_space<vmem>> -> memref<80xi32, #tpu.memory_space<vmem>>
    %dma_wait3A_422 = arith.constant 0 : i32
    %dma_wait3A_423 = arith.constant 0 : i32
    %dma_wait3A_424 = tpu.memref_slice %arg22[%dma_wait3A_422, %dma_wait3A_423] : memref<10000x32xi32, #tpu.memory_space<vmem_shared>> -> memref<10000x32xi32, #tpu.memory_space<vmem_shared>>
    tpu.wait_indirect_dma semaphore(%arg23 : memref<!tpu.dma_semaphore, #tpu.memory_space<semaphore_mem>>) src(%dma_wait3A_424 : memref<10000x32xi32, #tpu.memory_space<vmem_shared>>) dst(%arg11 : memref<80x32xi32, #tpu.memory_space<vmem>>)
    %broadcast_in_dim3A = arith.constant 0.000000e+00 : f32
    %broadcast_in_dim3A_425 = vector.broadcast %broadcast_in_dim3A : f32 to vector<16xf32>
    %scan3A_426 = arith.constant 0 : i32
    %scan3A_427 = arith.constant 32 : i32
    %scan3A_428 = arith.addi %scan3A_426, %scan3A_427 : i32
    %scan3A_429 = arith.constant 1 : i32
    %scan3A_430:10 = scf.for %scan3A_482 = %scan3A_426 to %scan3A_428 step %scan3A_429 iter_args(%scan3A_483 = %broadcast_in_dim3A_425, %scan3A_484 = %broadcast_in_dim3A_425, %scan3A_485 = %broadcast_in_dim3A_425, %scan3A_486 = %broadcast_in_dim3A_425, %scan3A_487 = %broadcast_in_dim3A_425, %scan3A_488 = %broadcast_in_dim3A_425, %scan3A_489 = %broadcast_in_dim3A_425, %scan3A_490 = %broadcast_in_dim3A_425, %scan3A_491 = %broadcast_in_dim3A_425, %scan3A_492 = %broadcast_in_dim3A_425) -> (vector<16xf32>, vector<16xf32>, vector<16xf32>, vector<16xf32>, vector<16xf32>, vector<16xf32>, vector<16xf32>, vector<16xf32>, vector<16xf32>, vector<16xf32>)  : i32 {
      %add3A_493 = vector.broadcast %scan3A_482 : i32 to vector<16xi32>
      %add3A_494 = arith.addi %iota3A, %add3A_493 : vector<16xi32>
      %and3A = arith.constant 31 : i32
      %and3A_495 = vector.broadcast %and3A : i32 to vector<16xi32>
      %and3A_496 = arith.andi %add3A_494, %and3A_495 : vector<16xi32>
      %gather3A = tpu.vector_load_idx %arg10[%add3A_378, %and3A_496] : memref<80x32xi32, #tpu.memory_space<vmem>>[vector<16xi32>, vector<16xi32>], vector<16xi32>,
      %gather3A_497 = tpu.vector_load_idx %arg11[%add3A_378, %and3A_496] : memref<80x32xi32, #tpu.memory_space<vmem>>[vector<16xi32>, vector<16xi32>], vector<16xi32>,
      %bitcast3A = vector.bitcast %gather3A : vector<16xi32> to vector<32xbf16>
      %bitcast3A_498 = vector.bitcast %gather3A_497 : vector<16xi32> to vector<32xbf16>
      %unpack3A = tpu.unpack_subelements %bitcast3A, 0 {pack_format = #tpu.pack_format<interleaved>} : vector<32xbf16> -> vector<16xf32>
      %unpack3A_499 = tpu.unpack_subelements %bitcast3A, 1 {pack_format = #tpu.pack_format<interleaved>} : vector<32xbf16> -> vector<16xf32>
      %unpack3A_500 = tpu.unpack_subelements %bitcast3A_498, 0 {pack_format = #tpu.pack_format<interleaved>} : vector<32xbf16> -> vector<16xf32>
      %unpack3A_501 = tpu.unpack_subelements %bitcast3A_498, 1 {pack_format = #tpu.pack_format<interleaved>} : vector<32xbf16> -> vector<16xf32>
      %mul3A_502 = arith.mulf %unpack3A, %unpack3A_500 : vector<16xf32>
      %add3A_503 = arith.addf %scan3A_483, %mul3A_502 : vector<16xf32>
      %mul3A_504 = arith.mulf %unpack3A_499, %unpack3A_501 : vector<16xf32>
      %add3A_505 = arith.addf %scan3A_484, %mul3A_504 : vector<16xf32>
      %gather3A_506 = tpu.vector_load_idx %arg10[%add3A_381, %and3A_496] : memref<80x32xi32, #tpu.memory_space<vmem>>[vector<16xi32>, vector<16xi32>], vector<16xi32>,
      %gather3A_507 = tpu.vector_load_idx %arg11[%add3A_381, %and3A_496] : memref<80x32xi32, #tpu.memory_space<vmem>>[vector<16xi32>, vector<16xi32>], vector<16xi32>,
      %bitcast3A_508 = vector.bitcast %gather3A_506 : vector<16xi32> to vector<32xbf16>
      %bitcast3A_509 = vector.bitcast %gather3A_507 : vector<16xi32> to vector<32xbf16>
      %unpack3A_510 = tpu.unpack_subelements %bitcast3A_508, 0 {pack_format = #tpu.pack_format<interleaved>} : vector<32xbf16> -> vector<16xf32>
      %unpack3A_511 = tpu.unpack_subelements %bitcast3A_508, 1 {pack_format = #tpu.pack_format<interleaved>} : vector<32xbf16> -> vector<16xf32>
      %unpack3A_512 = tpu.unpack_subelements %bitcast3A_509, 0 {pack_format = #tpu.pack_format<interleaved>} : vector<32xbf16> -> vector<16xf32>
      %unpack3A_513 = tpu.unpack_subelements %bitcast3A_509, 1 {pack_format = #tpu.pack_format<interleaved>} : vector<32xbf16> -> vector<16xf32>
      %mul3A_514 = arith.mulf %unpack3A_510, %unpack3A_512 : vector<16xf32>
      %add3A_515 = arith.addf %scan3A_485, %mul3A_514 : vector<16xf32>
      %mul3A_516 = arith.mulf %unpack3A_511, %unpack3A_513 : vector<16xf32>
      %add3A_517 = arith.addf %scan3A_486, %mul3A_516 : vector<16xf32>
      %gather3A_518 = tpu.vector_load_idx %arg10[%add3A_384, %and3A_496] : memref<80x32xi32, #tpu.memory_space<vmem>>[vector<16xi32>, vector<16xi32>], vector<16xi32>,
      %gather3A_519 = tpu.vector_load_idx %arg11[%add3A_384, %and3A_496] : memref<80x32xi32, #tpu.memory_space<vmem>>[vector<16xi32>, vector<16xi32>], vector<16xi32>,
      %bitcast3A_520 = vector.bitcast %gather3A_518 : vector<16xi32> to vector<32xbf16>
      %bitcast3A_521 = vector.bitcast %gather3A_519 : vector<16xi32> to vector<32xbf16>
      %unpack3A_522 = tpu.unpack_subelements %bitcast3A_520, 0 {pack_format = #tpu.pack_format<interleaved>} : vector<32xbf16> -> vector<16xf32>
      %unpack3A_523 = tpu.unpack_subelements %bitcast3A_520, 1 {pack_format = #tpu.pack_format<interleaved>} : vector<32xbf16> -> vector<16xf32>
      %unpack3A_524 = tpu.unpack_subelements %bitcast3A_521, 0 {pack_format = #tpu.pack_format<interleaved>} : vector<32xbf16> -> vector<16xf32>
      %unpack3A_525 = tpu.unpack_subelements %bitcast3A_521, 1 {pack_format = #tpu.pack_format<interleaved>} : vector<32xbf16> -> vector<16xf32>
      %mul3A_526 = arith.mulf %unpack3A_522, %unpack3A_524 : vector<16xf32>
      %add3A_527 = arith.addf %scan3A_487, %mul3A_526 : vector<16xf32>
      %mul3A_528 = arith.mulf %unpack3A_523, %unpack3A_525 : vector<16xf32>
      %add3A_529 = arith.addf %scan3A_488, %mul3A_528 : vector<16xf32>
      %gather3A_530 = tpu.vector_load_idx %arg10[%add3A_387, %and3A_496] : memref<80x32xi32, #tpu.memory_space<vmem>>[vector<16xi32>, vector<16xi32>], vector<16xi32>,
      %gather3A_531 = tpu.vector_load_idx %arg11[%add3A_387, %and3A_496] : memref<80x32xi32, #tpu.memory_space<vmem>>[vector<16xi32>, vector<16xi32>], vector<16xi32>,
      %bitcast3A_532 = vector.bitcast %gather3A_530 : vector<16xi32> to vector<32xbf16>
      %bitcast3A_533 = vector.bitcast %gather3A_531 : vector<16xi32> to vector<32xbf16>
      %unpack3A_534 = tpu.unpack_subelements %bitcast3A_532, 0 {pack_format = #tpu.pack_format<interleaved>} : vector<32xbf16> -> vector<16xf32>
      %unpack3A_535 = tpu.unpack_subelements %bitcast3A_532, 1 {pack_format = #tpu.pack_format<interleaved>} : vector<32xbf16> -> vector<16xf32>
      %unpack3A_536 = tpu.unpack_subelements %bitcast3A_533, 0 {pack_format = #tpu.pack_format<interleaved>} : vector<32xbf16> -> vector<16xf32>
      %unpack3A_537 = tpu.unpack_subelements %bitcast3A_533, 1 {pack_format = #tpu.pack_format<interleaved>} : vector<32xbf16> -> vector<16xf32>
      %mul3A_538 = arith.mulf %unpack3A_534, %unpack3A_536 : vector<16xf32>
      %add3A_539 = arith.addf %scan3A_489, %mul3A_538 : vector<16xf32>
      %mul3A_540 = arith.mulf %unpack3A_535, %unpack3A_537 : vector<16xf32>
      %add3A_541 = arith.addf %scan3A_490, %mul3A_540 : vector<16xf32>
      %gather3A_542 = tpu.vector_load_idx %arg10[%add3A_390, %and3A_496] : memref<80x32xi32, #tpu.memory_space<vmem>>[vector<16xi32>, vector<16xi32>], vector<16xi32>,
      %gather3A_543 = tpu.vector_load_idx %arg11[%add3A_390, %and3A_496] : memref<80x32xi32, #tpu.memory_space<vmem>>[vector<16xi32>, vector<16xi32>], vector<16xi32>,
      %bitcast3A_544 = vector.bitcast %gather3A_542 : vector<16xi32> to vector<32xbf16>
      %bitcast3A_545 = vector.bitcast %gather3A_543 : vector<16xi32> to vector<32xbf16>
      %unpack3A_546 = tpu.unpack_subelements %bitcast3A_544, 0 {pack_format = #tpu.pack_format<interleaved>} : vector<32xbf16> -> vector<16xf32>
      %unpack3A_547 = tpu.unpack_subelements %bitcast3A_544, 1 {pack_format = #tpu.pack_format<interleaved>} : vector<32xbf16> -> vector<16xf32>
      %unpack3A_548 = tpu.unpack_subelements %bitcast3A_545, 0 {pack_format = #tpu.pack_format<interleaved>} : vector<32xbf16> -> vector<16xf32>
      %unpack3A_549 = tpu.unpack_subelements %bitcast3A_545, 1 {pack_format = #tpu.pack_format<interleaved>} : vector<32xbf16> -> vector<16xf32>
      %mul3A_550 = arith.mulf %unpack3A_546, %unpack3A_548 : vector<16xf32>
      %add3A_551 = arith.addf %scan3A_491, %mul3A_550 : vector<16xf32>
      %mul3A_552 = arith.mulf %unpack3A_547, %unpack3A_549 : vector<16xf32>
      %add3A_553 = arith.addf %scan3A_492, %mul3A_552 : vector<16xf32>
      scf.yield %add3A_503, %add3A_505, %add3A_515, %add3A_517, %add3A_527, %add3A_529, %add3A_539, %add3A_541, %add3A_551, %add3A_553 : vector<16xf32>, vector<16xf32>, vector<16xf32>, vector<16xf32>, vector<16xf32>, vector<16xf32>, vector<16xf32>, vector<16xf32>, vector<16xf32>, vector<16xf32>
    }
    %scan3A_431 = arith.constant 32 : i32
    %add3A_432 = arith.addf %scan3A_430#0, %scan3A_430#1 : vector<16xf32>
    %swap3A = arith.constant 0 : i32
    %swap3A_433 = arith.index_cast %swap3A : i32 to index
    %swap3A_434 = arith.constant 0 : index
    %swap3A_435 = tpu.vector_load %arg14[%swap3A_433, %swap3A_434] {strides = array<i32>} : memref<2x80xf32, #tpu.memory_space<vmem>>, vector<16xf32>,
    tpu.vector_store %arg14[%swap3A_433, %swap3A_434], %add3A_432 {strides = array<i32>} : memref<2x80xf32, #tpu.memory_space<vmem>>, vector<16xf32>,
    %add3A_436 = arith.addf %scan3A_430#2, %scan3A_430#3 : vector<16xf32>
    %swap3A_437 = arith.constant 0 : i32
    %swap3A_438 = arith.index_cast %swap3A_437 : i32 to index
    %swap3A_439 = arith.constant 16 : index
    %swap3A_440 = tpu.vector_load %arg14[%swap3A_438, %swap3A_439] {strides = array<i32>} : memref<2x80xf32, #tpu.memory_space<vmem>>, vector<16xf32>,
    tpu.vector_store %arg14[%swap3A_438, %swap3A_439], %add3A_436 {strides = array<i32>} : memref<2x80xf32, #tpu.memory_space<vmem>>, vector<16xf32>,
    %add3A_441 = arith.addf %scan3A_430#4, %scan3A_430#5 : vector<16xf32>
    %swap3A_442 = arith.constant 0 : i32
    %swap3A_443 = arith.index_cast %swap3A_442 : i32 to index
    %swap3A_444 = arith.constant 32 : index
    %swap3A_445 = tpu.vector_load %arg14[%swap3A_443, %swap3A_444] {strides = array<i32>} : memref<2x80xf32, #tpu.memory_space<vmem>>, vector<16xf32>,
    tpu.vector_store %arg14[%swap3A_443, %swap3A_444], %add3A_441 {strides = array<i32>} : memref<2x80xf32, #tpu.memory_space<vmem>>, vector<16xf32>,
    %add3A_446 = arith.addf %scan3A_430#6, %scan3A_430#7 : vector<16xf32>
    %swap3A_447 = arith.constant 0 : i32
    %swap3A_448 = arith.index_cast %swap3A_447 : i32 to index
    %swap3A_449 = arith.constant 48 : index
    %swap3A_450 = tpu.vector_load %arg14[%swap3A_448, %swap3A_449] {strides = array<i32>} : memref<2x80xf32, #tpu.memory_space<vmem>>, vector<16xf32>,
    tpu.vector_store %arg14[%swap3A_448, %swap3A_449], %add3A_446 {strides = array<i32>} : memref<2x80xf32, #tpu.memory_space<vmem>>, vector<16xf32>,
    %add3A_451 = arith.addf %scan3A_430#8, %scan3A_430#9 : vector<16xf32>
    %swap3A_452 = arith.constant 0 : i32
    %swap3A_453 = arith.index_cast %swap3A_452 : i32 to index
    %swap3A_454 = arith.constant 64 : index
    %swap3A_455 = tpu.vector_load %arg14[%swap3A_453, %swap3A_454] {strides = array<i32>} : memref<2x80xf32, #tpu.memory_space<vmem>>, vector<16xf32>,
    tpu.vector_store %arg14[%swap3A_453, %swap3A_454], %add3A_451 {strides = array<i32>} : memref<2x80xf32, #tpu.memory_space<vmem>>, vector<16xf32>,
    %mul3A_456 = arith.constant 10000 : i32
    %mul3A_457 = arith.muli %add3A, %mul3A_456 : i32
    %add3A_458 = arith.constant 9920 : i32
    %add3A_459 = arith.addi %mul3A_457, %add3A_458 : i32
    %dma_start3A_460 = arith.constant 0 : i32
    %dma_start3A_461 = arith.constant 0 : i32
    %dma_start3A_462 = tpu.memref_slice %arg14[%dma_start3A_460, %dma_start3A_461] : memref<2x80xf32, #tpu.memory_space<vmem>> -> memref<1x80xf32, #tpu.memory_space<vmem>>
    %dma_start3A_463 = tpu.memref_squeeze %dma_start3A_462 : memref<1x80xf32, #tpu.memory_space<vmem>> -> memref<80xf32, #tpu.memory_space<vmem>>
    %dma_start3A_464 = tpu.memref_slice %arg7[%add3A_459] : memref<320000xf32, #tpu.memory_space<hbm>> -> memref<80xf32, #tpu.memory_space<hbm>>
    %dma_start3A_465 = tpu.memref_slice %arg7[%add3A_459] : memref<320000xf32, #tpu.memory_space<hbm>> -> memref<80xf32, #tpu.memory_space<hbm>>
    %dma_start3A_466 = arith.constant 0 : i32
    %dma_start3A_467 = tpu.memref_slice %arg14[%dma_start3A_460, %dma_start3A_466] : memref<2x80xf32, #tpu.memory_space<vmem>> -> memref<1x80xf32, #tpu.memory_space<vmem>>
    %dma_start3A_468 = tpu.memref_squeeze %dma_start3A_467 : memref<1x80xf32, #tpu.memory_space<vmem>> -> memref<80xf32, #tpu.memory_space<vmem>>
    tpu.enqueue_dma source(%dma_start3A_468 : memref<80xf32, #tpu.memory_space<vmem>>) target(%dma_start3A_465 : memref<80xf32, #tpu.memory_space<hbm>>) target_semaphore(%arg24 : memref<!tpu.dma_semaphore, #tpu.memory_space<semaphore_mem>>)
    %mul3A_469 = arith.constant 10000 : i32
    %mul3A_470 = arith.muli %add3A, %mul3A_469 : i32
    %add3A_471 = arith.constant 9920 : i32
    %add3A_472 = arith.addi %mul3A_470, %add3A_471 : i32
    %dma_wait3A_473 = arith.constant 0 : i32
    %dma_wait3A_474 = arith.constant 0 : i32
    %dma_wait3A_475 = tpu.memref_slice %arg14[%dma_wait3A_473, %dma_wait3A_474] : memref<2x80xf32, #tpu.memory_space<vmem>> -> memref<1x80xf32, #tpu.memory_space<vmem>>
    %dma_wait3A_476 = tpu.memref_squeeze %dma_wait3A_475 : memref<1x80xf32, #tpu.memory_space<vmem>> -> memref<80xf32, #tpu.memory_space<vmem>>
    %dma_wait3A_477 = tpu.memref_slice %arg7[%add3A_472] : memref<320000xf32, #tpu.memory_space<hbm>> -> memref<80xf32, #tpu.memory_space<hbm>>
    %dma_wait3A_478 = tpu.memref_slice %arg7[%add3A_472] : memref<320000xf32, #tpu.memory_space<hbm>> -> memref<80xf32, #tpu.memory_space<hbm>>
    %dma_wait3A_479 = arith.constant 0 : i32
    %dma_wait3A_480 = tpu.memref_slice %arg14[%dma_wait3A_473, %dma_wait3A_479] : memref<2x80xf32, #tpu.memory_space<vmem>> -> memref<1x80xf32, #tpu.memory_space<vmem>>
    %dma_wait3A_481 = tpu.memref_squeeze %dma_wait3A_480 : memref<1x80xf32, #tpu.memory_space<vmem>> -> memref<80xf32, #tpu.memory_space<vmem>>
    tpu.wait_dma2 semaphore(%arg24 : memref<!tpu.dma_semaphore, #tpu.memory_space<semaphore_mem>>) src(%dma_wait3A_481 : memref<80xf32, #tpu.memory_space<vmem>>) dst(%dma_wait3A_478 : memref<80xf32, #tpu.memory_space<hbm>>)
    return
  }
}

module attributes {stable_mosaic.version = 14 : i64} {
  func.func @_g_body(%arg0: memref<10000x128xf32, #tpu.memory_space<vmem>>, %arg1: memref<64x128xf32, #tpu.memory_space<vmem>>, %arg2: memref<2x10000x16xf32, #tpu.memory_space<vmem>>, %arg3: memref<10000x64xf32, #tpu.memory_space<vmem>>) attributes {dimension_semantics = [], scalar_prefetch = 0 : i64, scratch_operands = 0 : i64, tpu.core_type = #tpu.core_type<tc>} {
    %get3A = arith.constant 0 : index
    %get3A_0 = arith.constant 0 : index
    %get3A_1 = arith.constant 0 : index
    %get3A_2 = vector.load %arg2[%get3A, %get3A_0, %get3A_1] : memref<2x10000x16xf32, #tpu.memory_space<vmem>>, vector<1x10000x16xf32>
    %get3A_3 = vector.shape_cast %get3A_2 : vector<1x10000x16xf32> to vector<10000x16xf32>
    %get3A_4 = arith.constant 1 : index
    %get3A_5 = arith.constant 0 : index
    %get3A_6 = arith.constant 0 : index
    %get3A_7 = vector.load %arg2[%get3A_4, %get3A_5, %get3A_6] : memref<2x10000x16xf32, #tpu.memory_space<vmem>>, vector<1x10000x16xf32>
    %get3A_8 = vector.shape_cast %get3A_7 : vector<1x10000x16xf32> to vector<10000x16xf32>
    %add3A = arith.addf %get3A_3, %get3A_8 : vector<10000x16xf32>
    %add3A_9 = arith.constant 1.000000e+00 : f32
    %add3A_10 = vector.broadcast %add3A_9 : f32 to vector<10000x16xf32>
    %add3A_11 = arith.addf %add3A, %add3A_10 : vector<10000x16xf32>
    %slice3A = vector.extract_strided_slice %add3A_11 {offsets = [0, 0], sizes = [10000, 1], strides = [1, 1]} : vector<10000x16xf32> to vector<10000x1xf32>
    %rsqrt3A = math.rsqrt %slice3A : vector<10000x1xf32>
    %get3A_12 = arith.constant 0 : index
    %get3A_13 = arith.constant 0 : index
    %get3A_14 = vector.load %arg0[%get3A_12, %get3A_13] : memref<10000x128xf32, #tpu.memory_space<vmem>>, vector<10000x128xf32>
    %get3A_15 = arith.constant 0 : index
    %get3A_16 = arith.constant 0 : index
    %get3A_17 = vector.load %arg1[%get3A_15, %get3A_16] : memref<64x128xf32, #tpu.memory_space<vmem>>, vector<64x128xf32>
    %dot_general3A = arith.constant dense<0.000000e+00> : vector<10000x64xf32>
    %dot_general3A_18 = tpu.matmul %get3A_14, %get3A_17, %dot_general3A {dimension_numbers = #tpu.dot_dimension_numbers<[1], [1], [0], [0], [0, 0, 1, 0], [], []>, transpose_lhs_hint = false} : vector<10000x128xf32>, vector<64x128xf32>, vector<10000x64xf32> -> vector<10000x64xf32>
    %mul3A = vector.broadcast %rsqrt3A : vector<10000x1xf32> to vector<10000x64xf32>
    %mul3A_19 = arith.mulf %dot_general3A_18, %mul3A : vector<10000x64xf32>
    %swap3A = arith.constant 0 : index
    %swap3A_20 = arith.constant 0 : index
    %swap3A_21 = vector.load %arg3[%swap3A, %swap3A_20] : memref<10000x64xf32, #tpu.memory_space<vmem>>, vector<10000x64xf32>
    tpu.vector_store %arg3[%swap3A, %swap3A_20], %mul3A_19 {strides = array<i32>} : memref<10000x64xf32, #tpu.memory_space<vmem>>, vector<10000x64xf32>,
    return
  }
}

</mosaic_0001>

<sc_bundles>
// kernel: kernel.12.cloned.1.call-start
scs
__scs_entry_jumppad:
0x0: {  	(pc) =	sbr.rel $0x88, $3  }
0x1: {  	(tag) =	ssettag $0x0;
	lr =	simm.s32 $0x1  }
0x2: {  	[smem:$0x3F9D] =	sst lr;
	_ =	strace $0xD0000000  }
0x3: {  	_ = 	snop  }
0x4: {  	_ = 	snop  }
0x5: {  	_ = 	snop  }
0x6: {  	_ = 	snop  }
0x7: {  	_ = 	snop  }
__scs_overlays_trampoline_lowered:
0x8: {  	[smem:$0x3FAC] =	sst s0  }
0x9: {  	[smem:$0x3FAD] =	sst s1  }
0xa: {  	[smem:$0x3FAE] =	sst s2  }
0xb: {  	[smem:$0x3FAF] =	sst s3  }
0xc: {  	[smem:$0x3FB0] =	sst s4  }
0xd: {  	[smem:$0x3FB1] =	sst s5  }
0xe: {  	[smem:$0x3FB2] =	sst s6  }
0xf: {  	[smem:$0x3FB3] =	sst s7  }
0x10: {  	[smem:$0x3FB4] =	sst s8  }
0x11: {  	[smem:$0x3FB5] =	sst s9;
	s0 =	simm.s32 @!p0 $0x0  }
0x12: {  	s1 =	sld [smem:$0x3F9B];
	s0 =	simm.s32 @p0 $0x1  }
0x13: {  	[smem:$0x3FB6] =	sst s0;
	s0 =	simm.s32 @!p1 $0x0  }
0x14: {  	s2 =	sld [smem:$0x3F9A];
	s0 =	simm.s32 @p1 $0x1  }
0x15: {  	[smem:$0x3FB7] =	sst s0;
	s0 =	simm.s32 @!p2 $0x0  }
0x16: {  	s3 =	sld [smem:$0x3FDB];
	s0 =	simm.s32 @p2 $0x1  }
0x17: {  	s4 =	simm.s32 $0x1BF5;
	[smem:$0x3FB9] =	sst s0  }
0x18: {  	s0 =	sld [smem:$0x3F9C];
	_ =	swait.ge [sflag:s4], $0x0  }
0x19: {  	s7 =	sld [smem:$0x3F9D]  }
0x1a: {  	s8 =	sadd.s32 $0xFFFFE003, lr  }
0x1b: {  	s9 =	sadd.s32 $0xFFFFFEF7, lr;
	s5 =	simm.s32 $0xFFFFFFFF;
	p2 =	slt.u32 s8, $0xFFFFF086  }
0x1c: {  	p1 =	slt.u32 s9, $0xF7A;
	s5 =	simm.s32 @!p2 $0x0  }
0x1d: {  	s5 =	simm.s32 @p1 $0x1;
	p0 =	seq.s32 s7, s2  }
0x1e: {  	s7 =	smul.u32 @!p0 $0xF7A, s2;
	p2 =	seq.s32 @!p0 s5, $0x0  }
0x1f: {  	s9 =	smul.u32 $0xF7A, s1;
	s8 =	simm.s32 @!p0 $0x1BF5;
	p2 =	por !p2, p0  }
0x20: {  	[sflag:s8] =	ssyncset.s32 @!p0 $0xFFFFF086;
	s6 =	sadd.s32 @!p0 s3, s7;
	s7 =	simm.s32 @!p0 $0x108  }
0x21: {  	s3 =	sadd.s32 s3, s9;
	s6 =	sadd.s32 @!p0 $0x88, s6;
	s7 =	simm.s32 @p2 $0x1082  }
0x22: {  	[simem:s7], [sflag:s8] =	dma.local @!p0 [hbm:s6], $0xF7A  }
0x23: {  	s9 =	sor.u32 $0xD0000000, s2;
	s6 =	simm.s32 $0x108;
	_ =	swait.ge @!p0 [sflag:s8], $0x0  }
0x24: {  	s3 =	sadd.s32 $0x88, s3;
	s6 =	simm.s32 @!p1 $0x1082;
	[sflag:s4] =	ssyncset.s32 $0xFFFFF086  }
0x25: {  	[simem:s6], [sflag:s4] =	dma.local [hbm:s3], $0xF7A  }
0x26: {  	[smem:$0x3F9D] =	sst s1;
	(tag) =	ssettag s2;
	_ =	strace s9  }
0x27: {  	s1 =	sld [smem:$0x3FAD]  }
0x28: {  	s2 =	sld [smem:$0x3FAE]  }
0x29: {  	s4 =	sld [smem:$0x3FB0]  }
0x2a: {  	p0 =	seq.s32 s5, $0x0;
	s5 =	sld [smem:$0x3FB1]  }
0x2b: {  	s6 =	sld [smem:$0x3FB2]  }
0x2c: {  	s7 =	sld [smem:$0x3FB3]  }
0x2d: {  	s3 =	simm.s32 $0x108;
	s8 =	sld [smem:$0x3FB4]  }
0x2e: {  	s3 =	simm.s32 @!p0 $0x1082;
	s9 =	sld [smem:$0x3FB5]  }
0x2f: {  	lr =	sadd.s32 s0, s3;
	s0 =	sld [smem:$0x3FAC]  }
0x30: {  	s3 =	sld [smem:$0x3FAF]  }
0x31: {  	[smem:$0x3FB8] =	sst s10  }
0x32: {  	s10 =	sld [smem:$0x3FB6];
	_ =	sdelay $0x3  }
0x33: {  	p0 =	seq.s32 s10, $0x1;
	s10 =	sld [smem:$0x3FB8];
	_ =	sdelay $0x3  }
0x34: {  	[smem:$0x3FB8] =	sst s10  }
0x35: {  	s10 =	sld [smem:$0x3FB7];
	_ =	sdelay $0x3  }
0x36: {  	p1 =	seq.s32 s10, $0x1;
	s10 =	sld [smem:$0x3FB8];
	_ =	sdelay $0x3  }
0x37: {  	[smem:$0x3FB8] =	sst s10  }
0x38: {  	s10 =	sld [smem:$0x3FB9]  }
0x39: {  	_ = 	snop;
	(pc) =	sbr.ind lr, $3  }
0x3a: {  	_ = 	snop  }
0x3b: {  	_ = 	snop  }
0x3c: {  	p2 =	seq.s32 s10, $0x1;
	s10 =	sld [smem:$0x3FB8]  }
0x3d: {  	_ =	shalt  }
0x3e: {  	_ =	shalt  }
0x3f: {  	_ =	shalt  }
0x40: {  	_ =	shalt  }
0x41: {  	_ =	shalt  }
0x42: {  	_ =	shalt  }
0x43: {  	_ =	shalt  }
0x44: {  	_ =	shalt  }
0x45: {  	_ =	shalt  }
0x46: {  	_ =	shalt  }
0x47: {  	_ =	shalt  }
0x48: {  	_ =	shalt  }
0x49: {  	_ =	shalt  }
0x4a: {  	_ =	shalt  }
0x4b: {  	_ =	shalt  }
0x4c: {  	_ =	shalt  }
0x4d: {  	_ =	shalt  }
0x4e: {  	_ =	shalt  }
0x4f: {  	_ =	shalt  }
0x50: {  	_ =	shalt  }
0x51: {  	_ =	shalt  }
0x52: {  	_ =	shalt  }
0x53: {  	_ =	shalt  }
0x54: {  	_ =	shalt  }
0x55: {  	_ =	shalt  }
0x56: {  	_ =	shalt  }
0x57: {  	_ =	shalt  }
0x58: {  	_ =	shalt  }
0x59: {  	_ =	shalt  }
0x5a: {  	_ =	shalt  }
0x5b: {  	_ =	shalt  }
0x5c: {  	_ =	shalt  }
0x5d: {  	_ =	shalt  }
0x5e: {  	_ =	shalt  }
0x5f: {  	_ =	shalt  }
0x60: {  	_ =	shalt  }
0x61: {  	_ =	shalt  }
0x62: {  	_ =	shalt  }
0x63: {  	_ =	shalt  }
0x64: {  	_ =	shalt  }
0x65: {  	_ =	shalt  }
0x66: {  	_ =	shalt  }
0x67: {  	_ =	shalt  }
0x68: {  	_ =	shalt  }
0x69: {  	_ =	shalt  }
0x6a: {  	_ =	shalt  }
0x6b: {  	_ =	shalt  }
0x6c: {  	_ =	shalt  }
0x6d: {  	_ =	shalt  }
0x6e: {  	_ =	shalt  }
0x6f: {  	_ =	shalt  }
0x70: {  	_ =	shalt  }
0x71: {  	_ =	shalt  }
0x72: {  	_ =	shalt  }
0x73: {  	_ =	shalt  }
0x74: {  	_ =	shalt  }
0x75: {  	_ =	shalt  }
0x76: {  	_ =	shalt  }
0x77: {  	_ =	shalt  }
0x78: {  	_ =	shalt  }
0x79: {  	_ =	shalt  }
0x7a: {  	_ =	shalt  }
0x7b: {  	_ =	shalt  }
0x7c: {  	_ =	shalt  }
0x7d: {  	_ =	shalt  }
0x7e: {  	_ =	shalt  }
0x7f: {  	_ =	shalt  }
0x80: {  	_ =	shalt  }
0x81: {  	_ =	shalt  }
0x82: {  	_ =	shalt  }
0x83: {  	_ =	shalt  }
0x84: {  	_ =	shalt  }
0x85: {  	_ =	shalt  }
0x86: {  	_ =	shalt  }
0x87: {  	_ =	shalt  }
.Lfunc_end0:
.L_simem_size_0:
called_computation.2_lowered:
.L_overlay_start_0:
0x88: {  	s2 =	sld [smem:$0x3FD9]  }
0x89: {  	s3 =	sld [smem:$0x3FFE];
	_ =	sdelay $0x1  }
0x8a: {  	s1 =	srdreg.scid  }
0x8b: {  	s0 =	sand.u32 $0x1, s1  }
0x8c: {  	s17 =	sshll.u32 s0, $0xA;
	s2 =	sadd.s32 s3, s2  }
0x8d: {  	s2 =	sadd.s32 s2, s17  }
0x8e: {  	[smem:$0x3FC4] =	sst s2  }
0x8f: {  	_ = 	snop  }
0x90: {  	s2 =	sld [smem:$0x3FC6]  }
0x91: {  	s18 =	sld [smem:$0x3FD0];
	(tm) =	ssettm $0x1  }
0x92: {  	s4 =	sld [smem:$0x3FFB];
	_ =	sdelay $0x3  }
0x93: {  	_ =	strace s4  }
0x94: {  	s4 =	sld [smem:$0x3FFC];
	_ =	sdelay $0x3  }
0x95: {  	_ =	strace s4  }
0x96: {  	s4 =	sld [smem:$0x3FFD];
	_ =	sdelay $0x3  }
0x97: {  	_ =	strace s4  }
0x98: {  	_ =	strace $0x8FFFFFFF  }
0x99: {  	s19 =	sld [smem:$0x3FDB];
	_ =	sdelay $0x1  }
0x9a: {  	s5 =	simm.s32 $_scs_section_size  }
0x9b: {  	s6 =	simm.s32 $_size__tile_overlayer_lowered;
	s7 =	simm.s32 $_tile_overlayer_lowered  }
0x9c: {  	s22 =	simm.s32 $0x1BFF;
	s21 =	sshll.u32 s7, $0x1;
	s4 =	sadd.s32 s5, s19  }
0x9d: {  	s8 =	simm.s32 $0x0;
	s20 =	sshll.u32 s6, $0x1;
	s6 =	sadd.s32 s21, s4  }
0x9e: {  	[timem:s8], [sflag:s22] =	dma.local [hbm:s6], s20  }
0x9f: {  	_ =	swait.ge [sflag:s22], s20  }
0xa0: {  	s5 =	ssub.s32 $0x0, s20;
	[sflag:s22] =	ssyncset.done $0x0  }
0xa1: {  	[sflag:s22] =	ssyncadd.s32 s5;
	_ =	sdelay $0x1  }
0xa2: {  	s23 =	simm.s32 $0x1B8B  }
0xa3: {  	_ =	swait.ge [sflag:s23], $0x1  }
0xa4: {  	[sflag:s23] =	ssyncset.done $0x0  }
0xa5: {  	s25 =	simm.s32 $0x1B8E;
	s24 =	sld [smem:$0x3FFE];
	[sflag:s23] =	ssyncadd.s32 $0xFFFFFFFF  }
0xa6: {  	s26 =	simm.s32 $execute0_lowered;
	[smem:$0x3FD2] =	sst s25  }
0xa7: {  	s6 =	sshll.u32 s26, $0x1;
	_ =	strace $0x8000004C;
	[dreg:$0x1] =	wrdreg $0xFFFFFFFF  }
0xa8: {  	s28 =	simm.s32 $_size_execute0_lowered;
	s4 =	sadd.s32 s4, s6;
	[dreg:$0x0] =	wrdreg $0x0  }
0xa9: {  	s6 =	sshll.u32 s28, $0x1;
	[dreg:$0x2] =	wrdreg s4  }
0xaa: {  	[dreg:$0x3] =	wrdreg s6  }
0xab: {  	[dreg:$0x4] =	wrdreg $0xC0  }
0xac: {  	_ =	task [dreg:s8], $0x5FFFF  }
0xad: {  	[dreg:$0x1] =	wrdreg $0xFFFFFFFF  }
0xae: {  	[dreg:$0x0] =	wrdreg $0x60  }
0xaf: {  	[dreg:$0x2] =	wrdreg s24  }
0xb0: {  	[dreg:$0x3] =	wrdreg s2  }
0xb1: {  	[dreg:$0x4] =	wrdreg s18  }
0xb2: {  	[dreg:$0x5] =	wrdreg $0xF4000  }
0xb3: {  	[dreg:$0x6] =	wrdreg $0x9  }
0xb4: {  	_ =	task.clear_ibuf [dreg:s8], $0x7FFFF;
	_ =	strace $0x9000004C  }
0xb5: {  	s29 =	simm.s32 $0x9;
	_ =	strace $0x8000004E  }
0xb6: {  	_ =	swait.ge [sflag:s29], $0x1  }
0xb7: {  	[sflag:s29] =	ssyncadd.s32 $0xFFFFFFFF  }
0xb8: {  	_ =	strace $0x9000004E  }
0xb9: {  	_ =	sfence  }
0xba: {  	s30 =	sld [smem:$0x0];
	_ =	sdelay $0x2  }
0xbb: {  	s31 =	sshll.u32 s1, $0xD;
	s1 =	sshrl.u32 s1, $0x2  }
0xbc: {  	s3 =	sand.u32 $0x4000, s31;
	s1 =	sadd.s32 s1, s30  }
0xbd: {  	s0 =	sor.u32 s3, s0;
	s1 =	sshll.u32 s1, $0x11  }
0xbe: {  	s0 =	sor.u32 s1, s0  }
0xbf: {  	s0 =	sadd.s32 $0x8F2B, s0  }
0xc0: {  	[sflag:s0] =	ssyncadd.remote.s32 $0x1  }
0xc1: {  	_ =	sfence.sel $0xFFFF  }
0xc2: {  	[dreg:$0x0] =	wrdreg $0xFFFFFFFF;
	(pc) =	sbr.abs _section_cstart, $3  }
0xc3: {  	[dreg:$0x1] =	wrdreg $0xFFFFFFFF  }
0xc4: {  	_ =	task.clear_ibuf [dreg:s8], $0x2FFFF;
	_ =	strace $0x9FFFFFFF  }
0xc5: {  	(tm) =	ssettm $0x7FFFFFFF  }
tec
execute0_lowered:
.L_overlay_start_1:
0x0: {  	(tag) =	ssettag $0x1  }
0x1: {  	s0 =	srdreg.scid  }
0x2: {  	s15 =	stileid.u32;
	s3 =	rddreg [dreg:$0x0]  }
0x3: {  	s1 =	simm.s32 $0x0;
	s28 =	rddreg [dreg:$0x3];
	s0 =	sand.u32 $0x1, s0  }
0x4: {  	[smem:$0x7FF] =	sst s1;
	s4 =	sadd.s32 $0x32800, s3;
	s6 =	smul.u32 $0x9C40, s15  }
0x5: {  	s8 =	smul.u32 $0x271, s15;
	s2 =	sshll.u32 s0, $0x4;
	s0 =	ssub.s32 $0x2, s0  }
0x6: {  	s5 =	sadd.s32 $0x1EE00, s3;
	s20 =	sadd.s32 $0x46080, s3;
	s9 =	sshrl.u32 s0, $0x1  }
0x7: {  	s6 =	sshrl.u32 s6, $0x3;
	s12 =	sadd.s32 $0xFA, s8;
	s0 =	ssub.s32 s0, s9  }
0x8: {  	s16 =	sadd.s32 s4, s6;
	s6 =	sadd.s32 s5, s6;
	s21 =	sshll.u32 s12, $0x3  }
0x9: {  	s9 =	sadd.s32 $0x7D, s8;
	[dreg:$0x5] =	wrdreg s6;
	s22 =	sadd.s32 s4, s21  }
0xa: {  	s19 =	sshll.u32 s9, $0x3;
	s23 =	sadd.s32 s21, s20;
	[dreg:$0x9] =	wrdreg s22  }
0xb: {  	s10 =	smul.u32 $0x2710, s15;
	s11 =	sadd.s32 s4, s19;
	[dreg:$0xa] =	wrdreg s23  }
0xc: {  	s29 =	simm.s32 $0x7670;
	s13 =	sadd.s32 s19, s20;
	[dreg:$0x6] =	wrdreg s11  }
0xd: {  	s18 =	sshrl.u32 s10, $0x3;
	s10 =	sadd.s32 s5, s19;
	[dreg:$0x7] =	wrdreg s13  }
0xe: {  	s30 =	simm.s32 $0x2;
	s7 =	sadd.s32 $0x15000, s3;
	[dreg:$0x8] =	wrdreg s10  }
0xf: {  	s13 =	sadd.s32 $0x177, s8;
	s10 =	sadd.s32 s5, s21;
	s21 =	sshll.u32 s12, $0x1  }
0x10: {  	[dreg:$0xb] =	wrdreg s10;
	s24 =	sshll.u32 s13, $0x3;
	s22 =	sadd.s32 s7, s21  }
0x11: {  	s31 =	simm.s32 $0x0;
	s14 =	sadd.s32 s4, s24;
	[dreg:$0x14] =	wrdreg s22  }
0x12: {  	s25 =	sadd.s32 s24, s20;
	s10 =	sadd.s32 s5, s24;
	s24 =	rddreg [dreg:$0x2]  }
0x13: {  	s2 =	sor.u32 s15, s2;
	s8 =	sadd.s32 $0x1F4, s8;
	[dreg:$0xc] =	wrdreg s14  }
0x14: {  	s2 =	smul.u32 $0x2710, s2;
	s26 =	sshll.u32 s8, $0x3;
	[dreg:$0xd] =	wrdreg s25  }
0x15: {  	s19 =	sshll.u32 s9, $0x1;
	s4 =	sadd.s32 s4, s26;
	[dreg:$0xe] =	wrdreg s10  }
0x16: {  	s23 =	sshll.u32 s13, $0x1;
	s11 =	sadd.s32 s26, s20;
	[dreg:$0xf] =	wrdreg s4  }
0x17: {  	s17 =	sadd.s32 s5, s26;
	s20 =	sadd.s32 s7, s19;
	[dreg:$0x10] =	wrdreg s11  }
0x18: {  	s22 =	sshll.u32 s13, $0x5;
	s13 =	simm.s32 $0x76C0;
	[dreg:$0x11] =	wrdreg s17  }
0x19: {  	s4 =	sshrl.u32 s2, $0x3;
	s17 =	sadd.s32 s7, s18;
	[dreg:$0x12] =	wrdreg s20  }
0x1a: {  	s25 =	sadd.s32 s7, s23;
	s10 =	sshll.u32 s8, $0x1;
	s11 =	smul.u32 $0x13880, s15  }
0x1b: {  	s18 =	sadd.s32 s4, s3;
	s3 =	sadd.s32 $0x19E20, s3;
	[dreg:$0x16] =	wrdreg s25  }
0x1c: {  	s7 =	sadd.s32 s7, s10;
	s6 =	sadd.s32 s19, s3;
	s26 =	sadd.s32 s23, s3  }
0x1d: {  	[dreg:$0x18] =	wrdreg s7;
	s14 =	sadd.s32 $0x1600, s18;
	s15 =	sadd.s32 $0xB240, s18  }
0x1e: {  	s18 =	sshrl.u32 s11, $0x2;
	s19 =	sshll.u32 s9, $0x5;
	s23 =	sshll.u32 s8, $0x5  }
0x1f: {  	s8 =	smax.u32 s0, $0x1;
	s7 =	smov.u32 s16;
	s9 =	sadd.s32 $0x13880, s16  }
0x20: {  	s11 =	simm.s32 $0x3;
	s16 =	simm.s32 $0x1;
	[dreg:$0x13] =	wrdreg s6  }
0x21: {  	s6 =	sadd.s32 s21, s3;
	[dreg:$0x17] =	wrdreg s26;
	s3 =	sadd.s32 s10, s3  }
0x22: {  	s20 =	sadd.s32 s19, s28;
	s21 =	sshll.u32 s12, $0x5;
	[dreg:$0x15] =	wrdreg s6  }
0x23: {  	s25 =	sadd.s32 s23, s28;
	s26 =	sadd.s32 s24, s4;
	[dreg:$0x19] =	wrdreg s3  }
0x24: {  	s10 =	sadd.s32 $0x4E20, s17;
	_ =	strace $0x8000004D;
	[dreg:$0x1a] =	wrdreg s14  }
0x25: {  	s19 =	simm.s32 $0x50;
	s3 =	sadd.s32 s18, s28;
	[dreg:$0x1b] =	wrdreg s15  }
0x26: {  	s12 =	simm.s32 $0x6220;
	s6 =	simm.s32 $0x2710;
	[dreg:$0x1c] =	wrdreg s3  }
0x27: {  	v0 =	vlaneseq.u32;
	s18 =	simm.s32 $0xD480;
	[dreg:$0x1d] =	wrdreg s20;
	s3 =	sadd.s32 s21, s28  }
0x28: {  	v1 =	vmul.u32 $0x20, v0;
	[smem:$0x7FC] =	sst s25;
	s14 =	simm.s32 $0x9600;
	s15 =	simm.s32 $0xB540  }
0x29: {  	s21 =	simm.s32 $0x4E20;
	[dreg:$0x1e] =	wrdreg s3;
	s3 =	sadd.s32 s22, s28  }
0x2a: {  	v2 =	vor.u32 $0x200, v1;
	s25 =	simm.s32 $0x6C20;
	[dreg:$0x1f] =	wrdreg s3;
	s3 =	sadd.s32 $0x4D8, s26  }
0x2b: {  	v3 =	vor.u32 $0x400, v1;
	v4 =	vor.u32 $0x600, v1;
	v5 =	vor.u32 $0x800, v1;
	s22 =	simm.s32 $0x5820;
	s26 =	simm.s32 $0x7620;
	[smem:$0x7FD] =	sst s3  }
.LBB2_1:
0x2c: {  	s0 =	rddreg [dreg:$0x1a]  }
0x2d: {  	[tilespmem:s1], [sflag:$0x3] =	stream.linear.gather [hbm4b:s0+s1], $0x2710, $0x38;
	[tilespmem:$0x14220] =	vst v63  }
0x2e: {  	_ =	swait.ge [sflag:s11], $0x2710  }
0x2f: {  	[sflag:s11] =	ssyncset.done $0x0  }
0x30: {  	s5 =	rddreg [dreg:$0x1b];
	[sflag:s11] =	ssyncadd.s32 $0xFFFFD8F0  }
0x31: {  	[tilespmem:s6], [sflag:$0x3] =	stream.linear.gather [hbm4b:s5+s1], $0x2710, $0x38;
	[tilespmem:$0x14220] =	vst v63  }
0x32: {  	_ =	swait.ge [sflag:s11], $0x2710  }
0x33: {  	[sflag:s11] =	ssyncset.done $0x0  }
0x34: {  	[sflag:s11] =	ssyncadd.s32 $0xFFFFD8F0  }
0x35: {  	s3 =	simm.s32 $0xF3C0;
	s20 =	rddreg [dreg:$0x1]  }
0x36: {  	[tilespmem:s3], [sflag:$0x3] =	stream.linear.gather [hbm4b:s20+s1], $0x40, $0x38;
	[tilespmem:$0x14220] =	vst v63  }
0x37: {  	_ =	swait.ge [sflag:s11], $0x40  }
0x38: {  	[sflag:s11] =	ssyncset.done $0x0  }
0x39: {  	[sflag:s11] =	ssyncadd.s32 $0xFFFFFFC0  }
0x3a: {  	v6 =	vld [tilespmem:$0xF3C0]  }
0x3b: {  	v7 =	vld [tilespmem:$0xF3D0]  }
0x3c: {  	v8 =	vld [tilespmem:$0xF3E0]  }
0x3d: {  	v9 =	vld [tilespmem:$0xF3F0];
	[tilespmem:s13], [sflag:$0x1] =	stream.linear.gather [hbm4b:s7+s1], $0x1F40, $0x38  }
0x3e: {  	_ = 	snop  }
0x3f: {  	[tilespmem:s14], [sflag:$0x1] =	stream.linear.gather [hbm4b:s9+s1], $0x1F40, $0x38;
	[tilespmem:$0x14220] =	vst v63  }
0x40: {  	s23 =	rddreg [dreg:$0x5]  }
0x41: {  	[tilespmem:s15], [sflag:$0x1] =	stream.linear.gather [hbm4b:s23+s1], $0x1F40, $0x38;
	[tilespmem:$0x14220] =	vst v63  }
0x42: {  	s20 =	simm.s32 $0xE420  }
0x43: {  	[tilespmem:s20], [sflag:$0x1] =	stream.linear.gather [hbm4b:s17+s1], $0x7D0, $0x38;
	[tilespmem:$0x14220] =	vst v63  }
0x44: {  	s23 =	simm.s32 $0xEBF0  }
0x45: {  	[tilespmem:s23], [sflag:$0x1] =	stream.linear.gather [hbm4b:s10+s1], $0x7D0, $0x38;
	[tilespmem:$0x14220] =	vst v63  }
0x46: {  	_ =	swait.ge [sflag:s16], $0x1F40  }
0x47: {  	[sflag:s16] =	ssyncset.done $0x0  }
0x48: {  	[sflag:s16] =	ssyncadd.s32 $0xFFFFE0C0  }
0x49: {  	_ =	swait.ge [sflag:s16], $0x1F40  }
0x4a: {  	[sflag:s16] =	ssyncset.done $0x0  }
0x4b: {  	[sflag:s16] =	ssyncadd.s32 $0xFFFFE0C0  }
0x4c: {  	_ =	swait.ge [sflag:s16], $0x1F40  }
0x4d: {  	[sflag:s16] =	ssyncset.done $0x0  }
0x4e: {  	[sflag:s16] =	ssyncadd.s32 $0xFFFFE0C0  }
0x4f: {  	_ =	swait.ge [sflag:s16], $0x7D0  }
0x50: {  	[sflag:s16] =	ssyncset.done $0x0  }
0x51: {  	[sflag:s16] =	ssyncadd.s32 $0xFFFFF830  }
0x52: {  	_ =	swait.ge [sflag:s16], $0x7D0  }
0x53: {  	[sflag:s16] =	ssyncset.done $0x0  }
0x54: {  	[sflag:s16] =	ssyncadd.s32 $0xFFFFF830  }
0x55: {  	s4 =	simm.s32 $0x0;
	v10 =	vld [tilespmem:s23+$0x0]  }
0x56: {  	s0 =	simm.s32 $0xD490;
	s5 =	simm.s32 $0xD490;
	s3 =	simm.s32 $0x100;
	v11 =	vld [tilespmem:s20+$0x0]  }
.LBB2_2:
0x57: {  	_ =	sdelay $0x1  }
0x58: {  	s5 =	sadd.s32 $0x20, s5;
	s23 =	sadd.s32 $0x10, s23;
	s20 =	sadd.s32 $0x10, s20  }
0x59: {  	p0 =	sne.s32 s3, $0x7C00;
	s6 =	smov.u32 s3;
	s3 =	sadd.s32 $0x100, s3  }
0x5a: {  	v10 =	vadd.f32 v10, v11;
	_ =	sdelay $0x1  }
0x5b: {  	v10 =	vadd.f32 $1.000000000e+00, v10;
	_ =	sdelay $0x1  }
0x5c: {  	v11 =	vshrl.u32 v10, $0x1;
	v10 =	vmul.f32 $5.000000000e-01, v10  }
0x5d: {  	v11 =	vsub.s32 $0x5F3759DF, v11  }
0x5e: {  	v12 =	vmul.f32 v11, v10;
	_ =	sdelay $0x1  }
0x5f: {  	v12 =	vmul.f32 v11, v12;
	_ =	sdelay $0x1  }
0x60: {  	v12 =	vsub.f32 $1.500000000e+00, v12;
	_ =	sdelay $0x1  }
0x61: {  	v11 =	vmul.f32 v11, v12  }
0x62: {  	v12 =	vld [tilespmem:s4+$0xB570]  }
0x63: {  	v13 =	vmul.f32 v11, v10;
	v14 =	vld [tilespmem:s4+$0xB550]  }
0x64: {  	v15 =	vld [tilespmem:s4+$0x9630]  }
0x65: {  	v13 =	vmul.f32 v13, v11;
	v16 =	vld [tilespmem:s4+$0x76F0]  }
0x66: {  	v17 =	vld [tilespmem:s4+$0x9620]  }
0x67: {  	v13 =	vsub.f32 $1.500000000e+00, v13;
	v18 =	vld [tilespmem:s4+$0x9610]  }
0x68: {  	v19 =	vld [tilespmem:s4+$0x76D0]  }
0x69: {  	v11 =	vmul.f32 v13, v11;
	v13 =	vld [tilespmem:s4+$0x9600]  }
0x6a: {  	v20 =	vld [tilespmem:s4+$0x76C0];
	v15 =	vadd.f32 v15, v16  }
0x6b: {  	v10 =	vmul.f32 v11, v10;
	v16 =	vld [tilespmem:s4+$0x76E0]  }
0x6c: {  	v21 =	vld [tilespmem:s4+$0xB540]  }
0x6d: {  	v10 =	vmul.f32 v10, v11;
	v18 =	vadd.f32 v18, v19;
	v19 =	vld [tilespmem:s4+$0xB560];
	s4 =	sshra.s32 s6, $0x2;
	_ =	sdelay $0x1  }
0x6e: {  	v10 =	vsub.f32 $1.500000000e+00, v10;
	v13 =	vadd.f32 v13, v20  }
0x6f: {  	v16 =	vadd.f32 v17, v16  }
0x70: {  	v10 =	vmul.f32 v10, v11;
	v11 =	vadd.f32 v21, v13;
	v13 =	vadd.f32 v14, v18  }
0x71: {  	v12 =	vadd.f32 v12, v15;
	v14 =	vadd.f32 v19, v16  }
0x72: {  	v11 =	vmul.f32 v10, v11;
	v13 =	vmul.f32 v10, v13  }
0x73: {  	v14 =	vmul.f32 v10, v14;
	v10 =	vmul.f32 v10, v12  }
0x74: {  	v11 =	vadd.f32 v11, v6;
	v12 =	vadd.f32 v13, v7  }
0x75: {  	v13 =	vadd.f32 v14, v8;
	v10 =	vadd.f32 v10, v9  }
.Ltmp0:
0x76: {  	v11 =	vpack.i.f32.bf16 v12, v11;
	(pc) =	sbr.rel @p0 .LBB2_2-.Ltmp0, $4  }
0x77: {  	[tilespmem:s0+$0xFFFFFFF0] =	vst v11;
	v10 =	vpack.i.f32.bf16 v10, v13  }
0x78: {  	[tilespmem:s0+$0x0] =	vst v10;
	s0 =	smov.u32 s5  }
0x79: {  	v10 =	vld [tilespmem:s23+$0x0]  }
0x7a: {  	v11 =	vld [tilespmem:s20+$0x0]  }
0x7b: {  	_ =	sdelay $0x3  }
0x7c: {  	v10 =	vadd.f32 v10, v11;
	_ =	sdelay $0x1  }
0x7d: {  	v10 =	vadd.f32 $1.000000000e+00, v10;
	_ =	sdelay $0x1  }
0x7e: {  	v11 =	vshrl.u32 v10, $0x1;
	v10 =	vmul.f32 $5.000000000e-01, v10  }
0x7f: {  	v11 =	vsub.s32 $0x5F3759DF, v11  }
0x80: {  	v12 =	vmul.f32 v11, v10;
	_ =	sdelay $0x1  }
0x81: {  	v12 =	vmul.f32 v11, v12;
	_ =	sdelay $0x1  }
0x82: {  	v12 =	vsub.f32 $1.500000000e+00, v12;
	_ =	sdelay $0x1  }
0x83: {  	v11 =	vmul.f32 v11, v12  }
0x84: {  	v57 =	vld [tilespmem:s4+$0xB570]  }
0x85: {  	v14 =	vld [tilespmem:s4+$0xB550];
	v13 =	vmul.f32 v11, v10  }
0x86: {  	v15 =	vld [tilespmem:s4+$0x9630]  }
0x87: {  	v16 =	vld [tilespmem:s4+$0x76F0];
	v13 =	vmul.f32 v13, v11  }
0x88: {  	v17 =	vld [tilespmem:s4+$0x9620]  }
0x89: {  	v18 =	vld [tilespmem:s4+$0x9610];
	v13 =	vsub.f32 $1.500000000e+00, v13  }
0x8a: {  	v19 =	vld [tilespmem:s4+$0x76D0]  }
0x8b: {  	v58 =	vld [tilespmem:s4+$0x9600];
	v11 =	vmul.f32 v13, v11  }
0x8c: {  	v20 =	vld [tilespmem:s4+$0x76C0]  }
0x8d: {  	v21 =	vld [tilespmem:s4+$0x76E0];
	v10 =	vmul.f32 v11, v10  }
0x8e: {  	v22 =	vld [tilespmem:s4+$0xB540]  }
0x8f: {  	v23 =	vld [tilespmem:s4+$0xB560];
	v10 =	vmul.f32 v10, v11  }
0x90: {  	v18 =	vadd.f32 v18, v19  }
0x91: {  	v13 =	vadd.f32 v58, v20;
	v10 =	vsub.f32 $1.500000000e+00, v10  }
0x92: {  	v15 =	vadd.f32 v15, v16;
	v59 =	vadd.f32 v17, v21  }
0x93: {  	v60 =	vadd.f32 v14, v18;
	v10 =	vmul.f32 v10, v11;
	v11 =	vadd.f32 v22, v13  }
0x94: {  	v61 =	vadd.f32 v23, v59;
	v12 =	vadd.f32 v57, v15  }
0x95: {  	v11 =	vmul.f32 v10, v11;
	v13 =	vmul.f32 v10, v60  }
0x96: {  	v14 =	vmul.f32 v10, v61;
	v10 =	vmul.f32 v10, v12  }
0x97: {  	v11 =	vadd.f32 v11, v6;
	v62 =	vadd.f32 v13, v7  }
0x98: {  	v63 =	vadd.f32 v14, v8;
	v10 =	vadd.f32 v10, v9  }
0x99: {  	v11 =	vpack.i.f32.bf16 v62, v11  }
0x9a: {  	v10 =	vpack.i.f32.bf16 v10, v63;
	[tilespmem:s0+$0xFFFFFFF0] =	vst v11  }
0x9b: {  	s20 =	rddreg [dreg:$0x1c];
	[tilespmem:s0+$0x0] =	vst v10  }
0x9c: {  	[spmem:s20] =	stream.linear.scatter [tilespmem:s18], [sflag:$0x3], $0xFA0, $0x38;
	[tilespmem:$0x14220] =	vst v63  }
0x9d: {  	_ =	swait.ge [sflag:s11], $0xFA0  }
0x9e: {  	[sflag:s11] =	ssyncset.done $0x0  }
0x9f: {  	s0 =	simm.s32 $0x0;
	s3 =	rddreg [dreg:$0x6];
	[sflag:s11] =	ssyncadd.s32 $0xFFFFF060  }
0xa0: {  	[tilespmem:s13], [sflag:$0x1] =	stream.linear.gather [hbm4b:s3+s0], $0x1F40, $0x38;
	[tilespmem:$0x14220] =	vst v63  }
0xa1: {  	s23 =	rddreg [dreg:$0x7]  }
0xa2: {  	[tilespmem:s14], [sflag:$0x1] =	stream.linear.gather [hbm4b:s23+s0], $0x1F40, $0x38;
	[tilespmem:$0x14220] =	vst v63  }
0xa3: {  	s4 =	rddreg [dreg:$0x8]  }
0xa4: {  	[tilespmem:s15], [sflag:$0x1] =	stream.linear.gather [hbm4b:s4+s0], $0x1F40, $0x38;
	[tilespmem:$0x14220] =	vst v63  }
0xa5: {  	s20 =	simm.s32 $0xE420;
	s5 =	rddreg [dreg:$0x12]  }
0xa6: {  	[tilespmem:s20], [sflag:$0x1] =	stream.linear.gather [hbm4b:s5+s0], $0x7D0, $0x38;
	[tilespmem:$0x14220] =	vst v63  }
0xa7: {  	s6 =	rddreg [dreg:$0x13];
	s23 =	simm.s32 $0xEBF0  }
0xa8: {  	[tilespmem:s23], [sflag:$0x1] =	stream.linear.gather [hbm4b:s6+s0], $0x7D0, $0x38;
	[tilespmem:$0x14220] =	vst v63  }
0xa9: {  	_ =	swait.ge [sflag:s16], $0x1F40  }
0xaa: {  	[sflag:s16] =	ssyncset.done $0x0  }
0xab: {  	[sflag:s16] =	ssyncadd.s32 $0xFFFFE0C0  }
0xac: {  	_ =	swait.ge [sflag:s16], $0x1F40  }
0xad: {  	[sflag:s16] =	ssyncset.done $0x0  }
0xae: {  	[sflag:s16] =	ssyncadd.s32 $0xFFFFE0C0  }
0xaf: {  	_ =	swait.ge [sflag:s16], $0x1F40  }
0xb0: {  	[sflag:s16] =	ssyncset.done $0x0  }
0xb1: {  	[sflag:s16] =	ssyncadd.s32 $0xFFFFE0C0  }
0xb2: {  	_ =	swait.ge [sflag:s16], $0x7D0  }
0xb3: {  	[sflag:s16] =	ssyncset.done $0x0  }
0xb4: {  	[sflag:s16] =	ssyncadd.s32 $0xFFFFF830  }
0xb5: {  	_ =	swait.ge [sflag:s16], $0x7D0  }
0xb6: {  	[sflag:s16] =	ssyncset.done $0x0  }
0xb7: {  	[sflag:s16] =	ssyncadd.s32 $0xFFFFF830  }
0xb8: {  	s3 =	simm.s32 $0x100;
	v10 =	vld [tilespmem:s23+$0x0]  }
0xb9: {  	s4 =	simm.s32 $0x0;
	s5 =	simm.s32 $0xD490;
	s0 =	simm.s32 $0xD490;
	v11 =	vld [tilespmem:s20+$0x0]  }
.LBB2_4:
0xba: {  	_ =	sdelay $0x1  }
0xbb: {  	s5 =	sadd.s32 $0x20, s5;
	s23 =	sadd.s32 $0x10, s23;
	s20 =	sadd.s32 $0x10, s20  }
0xbc: {  	p0 =	sne.s32 s3, $0x7C00;
	s6 =	smov.u32 s3;
	s3 =	sadd.s32 $0x100, s3  }
0xbd: {  	v10 =	vadd.f32 v10, v11;
	_ =	sdelay $0x1  }
0xbe: {  	v10 =	vadd.f32 $1.000000000e+00, v10;
	_ =	sdelay $0x1  }
0xbf: {  	v11 =	vshrl.u32 v10, $0x1;
	v10 =	vmul.f32 $5.000000000e-01, v10  }
0xc0: {  	v11 =	vsub.s32 $0x5F3759DF, v11  }
0xc1: {  	v12 =	vmul.f32 v11, v10;
	_ =	sdelay $0x1  }
0xc2: {  	v12 =	vmul.f32 v11, v12;
	_ =	sdelay $0x1  }
0xc3: {  	v12 =	vsub.f32 $1.500000000e+00, v12;
	_ =	sdelay $0x1  }
0xc4: {  	v11 =	vmul.f32 v11, v12  }
0xc5: {  	v12 =	vld [tilespmem:s4+$0xB570]  }
0xc6: {  	v13 =	vmul.f32 v11, v10;
	v14 =	vld [tilespmem:s4+$0xB550]  }
0xc7: {  	v15 =	vld [tilespmem:s4+$0x9630]  }
0xc8: {  	v13 =	vmul.f32 v13, v11;
	v16 =	vld [tilespmem:s4+$0x76F0]  }
0xc9: {  	v17 =	vld [tilespmem:s4+$0x9620]  }
0xca: {  	v13 =	vsub.f32 $1.500000000e+00, v13;
	v18 =	vld [tilespmem:s4+$0x9610]  }
0xcb: {  	v19 =	vld [tilespmem:s4+$0x76D0]  }
0xcc: {  	v11 =	vmul.f32 v13, v11;
	v13 =	vld [tilespmem:s4+$0x9600]  }
0xcd: {  	v20 =	vld [tilespmem:s4+$0x76C0];
	v15 =	vadd.f32 v15, v16  }
0xce: {  	v10 =	vmul.f32 v11, v10;
	v16 =	vld [tilespmem:s4+$0x76E0]  }
0xcf: {  	v21 =	vld [tilespmem:s4+$0xB540]  }
0xd0: {  	v10 =	vmul.f32 v10, v11;
	v18 =	vadd.f32 v18, v19;
	v19 =	vld [tilespmem:s4+$0xB560];
	s4 =	sshra.s32 s6, $0x2;
	_ =	sdelay $0x1  }
0xd1: {  	v10 =	vsub.f32 $1.500000000e+00, v10;
	v13 =	vadd.f32 v13, v20  }
0xd2: {  	v16 =	vadd.f32 v17, v16  }
0xd3: {  	v10 =	vmul.f32 v10, v11;
	v11 =	vadd.f32 v21, v13;
	v13 =	vadd.f32 v14, v18  }
0xd4: {  	v12 =	vadd.f32 v12, v15;
	v14 =	vadd.f32 v19, v16  }
0xd5: {  	v11 =	vmul.f32 v10, v11;
	v13 =	vmul.f32 v10, v13  }
0xd6: {  	v14 =	vmul.f32 v10, v14;
	v10 =	vmul.f32 v10, v12  }
0xd7: {  	v11 =	vadd.f32 v11, v6;
	v12 =	vadd.f32 v13, v7  }
0xd8: {  	v13 =	vadd.f32 v14, v8;
	v10 =	vadd.f32 v10, v9  }
.Ltmp1:
0xd9: {  	v11 =	vpack.i.f32.bf16 v12, v11;
	(pc) =	sbr.rel @p0 .LBB2_4-.Ltmp1, $4  }
0xda: {  	[tilespmem:s0+$0xFFFFFFF0] =	vst v11;
	v10 =	vpack.i.f32.bf16 v10, v13  }
0xdb: {  	[tilespmem:s0+$0x0] =	vst v10;
	s0 =	smov.u32 s5  }
0xdc: {  	v10 =	vld [tilespmem:s23+$0x0]  }
0xdd: {  	v11 =	vld [tilespmem:s20+$0x0]  }
0xde: {  	_ =	sdelay $0x3  }
0xdf: {  	v10 =	vadd.f32 v10, v11;
	_ =	sdelay $0x1  }
0xe0: {  	v10 =	vadd.f32 $1.000000000e+00, v10;
	_ =	sdelay $0x1  }
0xe1: {  	v11 =	vshrl.u32 v10, $0x1;
	v10 =	vmul.f32 $5.000000000e-01, v10  }
0xe2: {  	v11 =	vsub.s32 $0x5F3759DF, v11  }
0xe3: {  	v12 =	vmul.f32 v11, v10;
	_ =	sdelay $0x1  }
0xe4: {  	v12 =	vmul.f32 v11, v12;
	_ =	sdelay $0x1  }
0xe5: {  	v12 =	vsub.f32 $1.500000000e+00, v12;
	_ =	sdelay $0x1  }
0xe6: {  	v11 =	vmul.f32 v11, v12  }
0xe7: {  	v57 =	vld [tilespmem:s4+$0xB570]  }
0xe8: {  	v14 =	vld [tilespmem:s4+$0xB550];
	v13 =	vmul.f32 v11, v10  }
0xe9: {  	v15 =	vld [tilespmem:s4+$0x9630]  }
0xea: {  	v16 =	vld [tilespmem:s4+$0x76F0];
	v13 =	vmul.f32 v13, v11  }
0xeb: {  	v17 =	vld [tilespmem:s4+$0x9620]  }
0xec: {  	v18 =	vld [tilespmem:s4+$0x9610];
	v13 =	vsub.f32 $1.500000000e+00, v13  }
0xed: {  	v19 =	vld [tilespmem:s4+$0x76D0]  }
0xee: {  	v58 =	vld [tilespmem:s4+$0x9600];
	v11 =	vmul.f32 v13, v11  }
0xef: {  	v20 =	vld [tilespmem:s4+$0x76C0]  }
0xf0: {  	v21 =	vld [tilespmem:s4+$0x76E0];
	v10 =	vmul.f32 v11, v10  }
0xf1: {  	v22 =	vld [tilespmem:s4+$0xB540]  }
0xf2: {  	v23 =	vld [tilespmem:s4+$0xB560];
	v10 =	vmul.f32 v10, v11  }
0xf3: {  	v18 =	vadd.f32 v18, v19  }
0xf4: {  	v13 =	vadd.f32 v58, v20;
	v10 =	vsub.f32 $1.500000000e+00, v10  }
0xf5: {  	v15 =	vadd.f32 v15, v16;
	v59 =	vadd.f32 v17, v21  }
0xf6: {  	v60 =	vadd.f32 v14, v18;
	v10 =	vmul.f32 v10, v11;
	v11 =	vadd.f32 v22, v13  }
0xf7: {  	v61 =	vadd.f32 v23, v59;
	v12 =	vadd.f32 v57, v15  }
0xf8: {  	v11 =	vmul.f32 v10, v11;
	v13 =	vmul.f32 v10, v60  }
0xf9: {  	v14 =	vmul.f32 v10, v61;
	v10 =	vmul.f32 v10, v12  }
0xfa: {  	v11 =	vadd.f32 v11, v6;
	v62 =	vadd.f32 v13, v7  }
0xfb: {  	v63 =	vadd.f32 v14, v8;
	v10 =	vadd.f32 v10, v9  }
0xfc: {  	v11 =	vpack.i.f32.bf16 v62, v11  }
0xfd: {  	v10 =	vpack.i.f32.bf16 v10, v63;
	[tilespmem:s0+$0xFFFFFFF0] =	vst v11  }
0xfe: {  	s20 =	rddreg [dreg:$0x1d];
	[tilespmem:s0+$0x0] =	vst v10  }
0xff: {  	[spmem:s20] =	stream.linear.scatter [tilespmem:s18], [sflag:$0x3], $0xFA0, $0x38;
	[tilespmem:$0x14220] =	vst v63  }
0x100: {  	_ =	swait.ge [sflag:s11], $0xFA0  }
0x101: {  	[sflag:s11] =	ssyncset.done $0x0  }
0x102: {  	s0 =	simm.s32 $0x0;
	s3 =	rddreg [dreg:$0x9];
	[sflag:s11] =	ssyncadd.s32 $0xFFFFF060  }
0x103: {  	[tilespmem:s13], [sflag:$0x1] =	stream.linear.gather [hbm4b:s3+s0], $0x1F40, $0x38;
	[tilespmem:$0x14220] =	vst v63  }
0x104: {  	s23 =	rddreg [dreg:$0xa]  }
0x105: {  	[tilespmem:s14], [sflag:$0x1] =	stream.linear.gather [hbm4b:s23+s0], $0x1F40, $0x38;
	[tilespmem:$0x14220] =	vst v63  }
0x106: {  	s4 =	rddreg [dreg:$0xb]  }
0x107: {  	[tilespmem:s15], [sflag:$0x1] =	stream.linear.gather [hbm4b:s4+s0], $0x1F40, $0x38;
	[tilespmem:$0x14220] =	vst v63  }
0x108: {  	s20 =	simm.s32 $0xE420;
	s5 =	rddreg [dreg:$0x14]  }
0x109: {  	[tilespmem:s20], [sflag:$0x1] =	stream.linear.gather [hbm4b:s5+s0], $0x7D0, $0x38;
	[tilespmem:$0x14220] =	vst v63  }
0x10a: {  	s6 =	rddreg [dreg:$0x15];
	s23 =	simm.s32 $0xEBF0  }
0x10b: {  	[tilespmem:s23], [sflag:$0x1] =	stream.linear.gather [hbm4b:s6+s0], $0x7D0, $0x38;
	[tilespmem:$0x14220] =	vst v63  }
0x10c: {  	_ =	swait.ge [sflag:s16], $0x1F40  }
0x10d: {  	[sflag:s16] =	ssyncset.done $0x0  }
0x10e: {  	[sflag:s16] =	ssyncadd.s32 $0xFFFFE0C0  }
0x10f: {  	_ =	swait.ge [sflag:s16], $0x1F40  }
0x110: {  	[sflag:s16] =	ssyncset.done $0x0  }
0x111: {  	[sflag:s16] =	ssyncadd.s32 $0xFFFFE0C0  }
0x112: {  	_ =	swait.ge [sflag:s16], $0x1F40  }
0x113: {  	[sflag:s16] =	ssyncset.done $0x0  }
0x114: {  	[sflag:s16] =	ssyncadd.s32 $0xFFFFE0C0  }
0x115: {  	_ =	swait.ge [sflag:s16], $0x7D0  }
0x116: {  	[sflag:s16] =	ssyncset.done $0x0  }
0x117: {  	[sflag:s16] =	ssyncadd.s32 $0xFFFFF830  }
0x118: {  	_ =	swait.ge [sflag:s16], $0x7D0  }
0x119: {  	[sflag:s16] =	ssyncset.done $0x0  }
0x11a: {  	[sflag:s16] =	ssyncadd.s32 $0xFFFFF830  }
0x11b: {  	s3 =	simm.s32 $0x100;
	v10 =	vld [tilespmem:s23+$0x0]  }
0x11c: {  	s4 =	simm.s32 $0x0;
	s5 =	simm.s32 $0xD490;
	s0 =	simm.s32 $0xD490;
	v11 =	vld [tilespmem:s20+$0x0]  }
.LBB2_6:
0x11d: {  	_ =	sdelay $0x1  }
0x11e: {  	s5 =	sadd.s32 $0x20, s5;
	s23 =	sadd.s32 $0x10, s23;
	s20 =	sadd.s32 $0x10, s20  }
0x11f: {  	p0 =	sne.s32 s3, $0x7C00;
	s6 =	smov.u32 s3;
	s3 =	sadd.s32 $0x100, s3  }
0x120: {  	v10 =	vadd.f32 v10, v11;
	_ =	sdelay $0x1  }
0x121: {  	v10 =	vadd.f32 $1.000000000e+00, v10;
	_ =	sdelay $0x1  }
0x122: {  	v11 =	vshrl.u32 v10, $0x1;
	v10 =	vmul.f32 $5.000000000e-01, v10  }
0x123: {  	v11 =	vsub.s32 $0x5F3759DF, v11  }
0x124: {  	v12 =	vmul.f32 v11, v10;
	_ =	sdelay $0x1  }
0x125: {  	v12 =	vmul.f32 v11, v12;
	_ =	sdelay $0x1  }
0x126: {  	v12 =	vsub.f32 $1.500000000e+00, v12;
	_ =	sdelay $0x1  }
0x127: {  	v11 =	vmul.f32 v11, v12  }
0x128: {  	v12 =	vld [tilespmem:s4+$0xB570]  }
0x129: {  	v13 =	vmul.f32 v11, v10;
	v14 =	vld [tilespmem:s4+$0xB550]  }
0x12a: {  	v15 =	vld [tilespmem:s4+$0x9630]  }
0x12b: {  	v13 =	vmul.f32 v13, v11;
	v16 =	vld [tilespmem:s4+$0x76F0]  }
0x12c: {  	v17 =	vld [tilespmem:s4+$0x9620]  }
0x12d: {  	v13 =	vsub.f32 $1.500000000e+00, v13;
	v18 =	vld [tilespmem:s4+$0x9610]  }
0x12e: {  	v19 =	vld [tilespmem:s4+$0x76D0]  }
0x12f: {  	v11 =	vmul.f32 v13, v11;
	v13 =	vld [tilespmem:s4+$0x9600]  }
0x130: {  	v20 =	vld [tilespmem:s4+$0x76C0];
	v15 =	vadd.f32 v15, v16  }
0x131: {  	v10 =	vmul.f32 v11, v10;
	v16 =	vld [tilespmem:s4+$0x76E0]  }
0x132: {  	v21 =	vld [tilespmem:s4+$0xB540]  }
0x133: {  	v10 =	vmul.f32 v10, v11;
	v18 =	vadd.f32 v18, v19;
	v19 =	vld [tilespmem:s4+$0xB560];
	s4 =	sshra.s32 s6, $0x2;
	_ =	sdelay $0x1  }
0x134: {  	v10 =	vsub.f32 $1.500000000e+00, v10;
	v13 =	vadd.f32 v13, v20  }
0x135: {  	v16 =	vadd.f32 v17, v16  }
0x136: {  	v10 =	vmul.f32 v10, v11;
	v11 =	vadd.f32 v21, v13;
	v13 =	vadd.f32 v14, v18  }
0x137: {  	v12 =	vadd.f32 v12, v15;
	v14 =	vadd.f32 v19, v16  }
0x138: {  	v11 =	vmul.f32 v10, v11;
	v13 =	vmul.f32 v10, v13  }
0x139: {  	v14 =	vmul.f32 v10, v14;
	v10 =	vmul.f32 v10, v12  }
0x13a: {  	v11 =	vadd.f32 v11, v6;
	v12 =	vadd.f32 v13, v7  }
0x13b: {  	v13 =	vadd.f32 v14, v8;
	v10 =	vadd.f32 v10, v9  }
.Ltmp2:
0x13c: {  	v11 =	vpack.i.f32.bf16 v12, v11;
	(pc) =	sbr.rel @p0 .LBB2_6-.Ltmp2, $4  }
0x13d: {  	[tilespmem:s0+$0xFFFFFFF0] =	vst v11;
	v10 =	vpack.i.f32.bf16 v10, v13  }
0x13e: {  	[tilespmem:s0+$0x0] =	vst v10;
	s0 =	smov.u32 s5  }
0x13f: {  	v10 =	vld [tilespmem:s23+$0x0]  }
0x140: {  	v11 =	vld [tilespmem:s20+$0x0]  }
0x141: {  	_ =	sdelay $0x3  }
0x142: {  	v10 =	vadd.f32 v10, v11;
	_ =	sdelay $0x1  }
0x143: {  	v10 =	vadd.f32 $1.000000000e+00, v10;
	_ =	sdelay $0x1  }
0x144: {  	v11 =	vshrl.u32 v10, $0x1;
	v10 =	vmul.f32 $5.000000000e-01, v10  }
0x145: {  	v11 =	vsub.s32 $0x5F3759DF, v11  }
0x146: {  	v12 =	vmul.f32 v11, v10;
	_ =	sdelay $0x1  }
0x147: {  	v12 =	vmul.f32 v11, v12;
	_ =	sdelay $0x1  }
0x148: {  	v12 =	vsub.f32 $1.500000000e+00, v12;
	_ =	sdelay $0x1  }
0x149: {  	v11 =	vmul.f32 v11, v12  }
0x14a: {  	v57 =	vld [tilespmem:s4+$0xB570]  }
0x14b: {  	v14 =	vld [tilespmem:s4+$0xB550];
	v13 =	vmul.f32 v11, v10  }
0x14c: {  	v15 =	vld [tilespmem:s4+$0x9630]  }
0x14d: {  	v16 =	vld [tilespmem:s4+$0x76F0];
	v13 =	vmul.f32 v13, v11  }
0x14e: {  	v17 =	vld [tilespmem:s4+$0x9620]  }
0x14f: {  	v18 =	vld [tilespmem:s4+$0x9610];
	v13 =	vsub.f32 $1.500000000e+00, v13  }
0x150: {  	v19 =	vld [tilespmem:s4+$0x76D0]  }
0x151: {  	v58 =	vld [tilespmem:s4+$0x9600];
	v11 =	vmul.f32 v13, v11  }
0x152: {  	v20 =	vld [tilespmem:s4+$0x76C0]  }
0x153: {  	v21 =	vld [tilespmem:s4+$0x76E0];
	v10 =	vmul.f32 v11, v10  }
0x154: {  	v22 =	vld [tilespmem:s4+$0xB540]  }
0x155: {  	v23 =	vld [tilespmem:s4+$0xB560];
	v10 =	vmul.f32 v10, v11  }
0x156: {  	v18 =	vadd.f32 v18, v19  }
0x157: {  	v13 =	vadd.f32 v58, v20;
	v10 =	vsub.f32 $1.500000000e+00, v10  }
0x158: {  	v15 =	vadd.f32 v15, v16;
	v59 =	vadd.f32 v17, v21  }
0x159: {  	v60 =	vadd.f32 v14, v18;
	v10 =	vmul.f32 v10, v11;
	v11 =	vadd.f32 v22, v13  }
0x15a: {  	v61 =	vadd.f32 v23, v59;
	v12 =	vadd.f32 v57, v15  }
0x15b: {  	v11 =	vmul.f32 v10, v11;
	v13 =	vmul.f32 v10, v60  }
0x15c: {  	v14 =	vmul.f32 v10, v61;
	v10 =	vmul.f32 v10, v12  }
0x15d: {  	v11 =	vadd.f32 v11, v6;
	v62 =	vadd.f32 v13, v7  }
0x15e: {  	v63 =	vadd.f32 v14, v8;
	v10 =	vadd.f32 v10, v9  }
0x15f: {  	v11 =	vpack.i.f32.bf16 v62, v11  }
0x160: {  	v10 =	vpack.i.f32.bf16 v10, v63;
	[tilespmem:s0+$0xFFFFFFF0] =	vst v11  }
0x161: {  	s20 =	rddreg [dreg:$0x1e];
	[tilespmem:s0+$0x0] =	vst v10  }
0x162: {  	[spmem:s20] =	stream.linear.scatter [tilespmem:s18], [sflag:$0x3], $0xFA0, $0x38;
	[tilespmem:$0x14220] =	vst v63  }
0x163: {  	_ =	swait.ge [sflag:s11], $0xFA0  }
0x164: {  	[sflag:s11] =	ssyncset.done $0x0  }
0x165: {  	s0 =	simm.s32 $0x0;
	s3 =	rddreg [dreg:$0xc];
	[sflag:s11] =	ssyncadd.s32 $0xFFFFF060  }
0x166: {  	[tilespmem:s13], [sflag:$0x1] =	stream.linear.gather [hbm4b:s3+s0], $0x1F40, $0x38;
	[tilespmem:$0x14220] =	vst v63  }
0x167: {  	s23 =	rddreg [dreg:$0xd]  }
0x168: {  	[tilespmem:s14], [sflag:$0x1] =	stream.linear.gather [hbm4b:s23+s0], $0x1F40, $0x38;
	[tilespmem:$0x14220] =	vst v63  }
0x169: {  	s4 =	rddreg [dreg:$0xe]  }
0x16a: {  	[tilespmem:s15], [sflag:$0x1] =	stream.linear.gather [hbm4b:s4+s0], $0x1F40, $0x38;
	[tilespmem:$0x14220] =	vst v63  }
0x16b: {  	s20 =	simm.s32 $0xE420;
	s5 =	rddreg [dreg:$0x16]  }
0x16c: {  	[tilespmem:s20], [sflag:$0x1] =	stream.linear.gather [hbm4b:s5+s0], $0x7D0, $0x38;
	[tilespmem:$0x14220] =	vst v63  }
0x16d: {  	s6 =	rddreg [dreg:$0x17];
	s23 =	simm.s32 $0xEBF0  }
0x16e: {  	[tilespmem:s23], [sflag:$0x1] =	stream.linear.gather [hbm4b:s6+s0], $0x7D0, $0x38;
	[tilespmem:$0x14220] =	vst v63  }
0x16f: {  	_ =	swait.ge [sflag:s16], $0x1F40  }
0x170: {  	[sflag:s16] =	ssyncset.done $0x0  }
0x171: {  	[sflag:s16] =	ssyncadd.s32 $0xFFFFE0C0  }
0x172: {  	_ =	swait.ge [sflag:s16], $0x1F40  }
0x173: {  	[sflag:s16] =	ssyncset.done $0x0  }
0x174: {  	[sflag:s16] =	ssyncadd.s32 $0xFFFFE0C0  }
0x175: {  	_ =	swait.ge [sflag:s16], $0x1F40  }
0x176: {  	[sflag:s16] =	ssyncset.done $0x0  }
0x177: {  	[sflag:s16] =	ssyncadd.s32 $0xFFFFE0C0  }
0x178: {  	_ =	swait.ge [sflag:s16], $0x7D0  }
0x179: {  	[sflag:s16] =	ssyncset.done $0x0  }
0x17a: {  	[sflag:s16] =	ssyncadd.s32 $0xFFFFF830  }
0x17b: {  	_ =	swait.ge [sflag:s16], $0x7D0  }
0x17c: {  	[sflag:s16] =	ssyncset.done $0x0  }
0x17d: {  	[sflag:s16] =	ssyncadd.s32 $0xFFFFF830  }
0x17e: {  	s3 =	simm.s32 $0x100;
	v10 =	vld [tilespmem:s23+$0x0]  }
0x17f: {  	s4 =	simm.s32 $0x0;
	s5 =	simm.s32 $0xD490;
	s0 =	simm.s32 $0xD490;
	v11 =	vld [tilespmem:s20+$0x0]  }
.LBB2_8:
0x180: {  	_ =	sdelay $0x1  }
0x181: {  	s5 =	sadd.s32 $0x20, s5;
	s23 =	sadd.s32 $0x10, s23;
	s20 =	sadd.s32 $0x10, s20  }
0x182: {  	p0 =	sne.s32 s3, $0x7C00;
	s6 =	smov.u32 s3;
	s3 =	sadd.s32 $0x100, s3  }
0x183: {  	v10 =	vadd.f32 v10, v11;
	_ =	sdelay $0x1  }
0x184: {  	v10 =	vadd.f32 $1.000000000e+00, v10;
	_ =	sdelay $0x1  }
0x185: {  	v11 =	vshrl.u32 v10, $0x1;
	v10 =	vmul.f32 $5.000000000e-01, v10  }
0x186: {  	v11 =	vsub.s32 $0x5F3759DF, v11  }
0x187: {  	v12 =	vmul.f32 v11, v10;
	_ =	sdelay $0x1  }
0x188: {  	v12 =	vmul.f32 v11, v12;
	_ =	sdelay $0x1  }
0x189: {  	v12 =	vsub.f32 $1.500000000e+00, v12;
	_ =	sdelay $0x1  }
0x18a: {  	v11 =	vmul.f32 v11, v12  }
0x18b: {  	v12 =	vld [tilespmem:s4+$0xB570]  }
0x18c: {  	v13 =	vmul.f32 v11, v10;
	v14 =	vld [tilespmem:s4+$0xB550]  }
0x18d: {  	v15 =	vld [tilespmem:s4+$0x9630]  }
0x18e: {  	v13 =	vmul.f32 v13, v11;
	v16 =	vld [tilespmem:s4+$0x76F0]  }
0x18f: {  	v17 =	vld [tilespmem:s4+$0x9620]  }
0x190: {  	v13 =	vsub.f32 $1.500000000e+00, v13;
	v18 =	vld [tilespmem:s4+$0x9610]  }
0x191: {  	v19 =	vld [tilespmem:s4+$0x76D0]  }
0x192: {  	v11 =	vmul.f32 v13, v11;
	v13 =	vld [tilespmem:s4+$0x9600]  }
0x193: {  	v20 =	vld [tilespmem:s4+$0x76C0];
	v15 =	vadd.f32 v15, v16  }
0x194: {  	v10 =	vmul.f32 v11, v10;
	v16 =	vld [tilespmem:s4+$0x76E0]  }
0x195: {  	v21 =	vld [tilespmem:s4+$0xB540]  }
0x196: {  	v10 =	vmul.f32 v10, v11;
	v18 =	vadd.f32 v18, v19;
	v19 =	vld [tilespmem:s4+$0xB560];
	s4 =	sshra.s32 s6, $0x2;
	_ =	sdelay $0x1  }
0x197: {  	v10 =	vsub.f32 $1.500000000e+00, v10;
	v13 =	vadd.f32 v13, v20  }
0x198: {  	v16 =	vadd.f32 v17, v16  }
0x199: {  	v10 =	vmul.f32 v10, v11;
	v11 =	vadd.f32 v21, v13;
	v13 =	vadd.f32 v14, v18  }
0x19a: {  	v12 =	vadd.f32 v12, v15;
	v14 =	vadd.f32 v19, v16  }
0x19b: {  	v11 =	vmul.f32 v10, v11;
	v13 =	vmul.f32 v10, v13  }
0x19c: {  	v14 =	vmul.f32 v10, v14;
	v10 =	vmul.f32 v10, v12  }
0x19d: {  	v11 =	vadd.f32 v11, v6;
	v12 =	vadd.f32 v13, v7  }
0x19e: {  	v13 =	vadd.f32 v14, v8;
	v10 =	vadd.f32 v10, v9  }
.Ltmp3:
0x19f: {  	v11 =	vpack.i.f32.bf16 v12, v11;
	(pc) =	sbr.rel @p0 .LBB2_8-.Ltmp3, $4  }
0x1a0: {  	[tilespmem:s0+$0xFFFFFFF0] =	vst v11;
	v10 =	vpack.i.f32.bf16 v10, v13  }
0x1a1: {  	[tilespmem:s0+$0x0] =	vst v10;
	s0 =	smov.u32 s5  }
0x1a2: {  	v10 =	vld [tilespmem:s23+$0x0]  }
0x1a3: {  	v11 =	vld [tilespmem:s20+$0x0]  }
0x1a4: {  	_ =	sdelay $0x3  }
0x1a5: {  	v10 =	vadd.f32 v10, v11;
	_ =	sdelay $0x1  }
0x1a6: {  	v10 =	vadd.f32 $1.000000000e+00, v10;
	_ =	sdelay $0x1  }
0x1a7: {  	v11 =	vshrl.u32 v10, $0x1;
	v10 =	vmul.f32 $5.000000000e-01, v10  }
0x1a8: {  	v11 =	vsub.s32 $0x5F3759DF, v11  }
0x1a9: {  	v12 =	vmul.f32 v11, v10;
	_ =	sdelay $0x1  }
0x1aa: {  	v12 =	vmul.f32 v11, v12;
	_ =	sdelay $0x1  }
0x1ab: {  	v12 =	vsub.f32 $1.500000000e+00, v12;
	_ =	sdelay $0x1  }
0x1ac: {  	v11 =	vmul.f32 v11, v12  }
0x1ad: {  	v57 =	vld [tilespmem:s4+$0xB570]  }
0x1ae: {  	v14 =	vld [tilespmem:s4+$0xB550];
	v13 =	vmul.f32 v11, v10  }
0x1af: {  	v15 =	vld [tilespmem:s4+$0x9630]  }
0x1b0: {  	v16 =	vld [tilespmem:s4+$0x76F0];
	v13 =	vmul.f32 v13, v11  }
0x1b1: {  	v17 =	vld [tilespmem:s4+$0x9620]  }
0x1b2: {  	v18 =	vld [tilespmem:s4+$0x9610];
	v13 =	vsub.f32 $1.500000000e+00, v13  }
0x1b3: {  	v19 =	vld [tilespmem:s4+$0x76D0]  }
0x1b4: {  	v58 =	vld [tilespmem:s4+$0x9600];
	v11 =	vmul.f32 v13, v11  }
0x1b5: {  	v20 =	vld [tilespmem:s4+$0x76C0]  }
0x1b6: {  	v21 =	vld [tilespmem:s4+$0x76E0];
	v10 =	vmul.f32 v11, v10  }
0x1b7: {  	v22 =	vld [tilespmem:s4+$0xB540]  }
0x1b8: {  	v23 =	vld [tilespmem:s4+$0xB560];
	v10 =	vmul.f32 v10, v11  }
0x1b9: {  	v18 =	vadd.f32 v18, v19  }
0x1ba: {  	v13 =	vadd.f32 v58, v20;
	v10 =	vsub.f32 $1.500000000e+00, v10  }
0x1bb: {  	v15 =	vadd.f32 v15, v16;
	v59 =	vadd.f32 v17, v21  }
0x1bc: {  	v60 =	vadd.f32 v14, v18;
	v10 =	vmul.f32 v10, v11;
	v11 =	vadd.f32 v22, v13  }
0x1bd: {  	v61 =	vadd.f32 v23, v59;
	v12 =	vadd.f32 v57, v15  }
0x1be: {  	v11 =	vmul.f32 v10, v11;
	v13 =	vmul.f32 v10, v60  }
0x1bf: {  	v14 =	vmul.f32 v10, v61;
	v10 =	vmul.f32 v10, v12  }
0x1c0: {  	v11 =	vadd.f32 v11, v6;
	v62 =	vadd.f32 v13, v7  }
0x1c1: {  	v63 =	vadd.f32 v14, v8;
	v10 =	vadd.f32 v10, v9  }
0x1c2: {  	v11 =	vpack.i.f32.bf16 v62, v11  }
0x1c3: {  	v10 =	vpack.i.f32.bf16 v10, v63;
	[tilespmem:s0+$0xFFFFFFF0] =	vst v11  }
0x1c4: {  	s20 =	rddreg [dreg:$0x1f];
	[tilespmem:s0+$0x0] =	vst v10  }
0x1c5: {  	[spmem:s20] =	stream.linear.scatter [tilespmem:s18], [sflag:$0x3], $0xFA0, $0x38;
	[tilespmem:$0x14220] =	vst v63  }
0x1c6: {  	_ =	swait.ge [sflag:s11], $0xFA0  }
0x1c7: {  	[sflag:s11] =	ssyncset.done $0x0  }
0x1c8: {  	s0 =	simm.s32 $0x0;
	s3 =	rddreg [dreg:$0xf];
	[sflag:s11] =	ssyncadd.s32 $0xFFFFF060  }
0x1c9: {  	[tilespmem:s13], [sflag:$0x1] =	stream.linear.gather [hbm4b:s3+s0], $0x1F40, $0x38;
	[tilespmem:$0x14220] =	vst v63  }
0x1ca: {  	s23 =	rddreg [dreg:$0x10]  }
0x1cb: {  	[tilespmem:s14], [sflag:$0x1] =	stream.linear.gather [hbm4b:s23+s0], $0x1F40, $0x38;
	[tilespmem:$0x14220] =	vst v63  }
0x1cc: {  	s4 =	rddreg [dreg:$0x11]  }
0x1cd: {  	[tilespmem:s15], [sflag:$0x1] =	stream.linear.gather [hbm4b:s4+s0], $0x1F40, $0x38;
	[tilespmem:$0x14220] =	vst v63  }
0x1ce: {  	s20 =	simm.s32 $0xE420;
	s5 =	rddreg [dreg:$0x18]  }
0x1cf: {  	[tilespmem:s20], [sflag:$0x1] =	stream.linear.gather [hbm4b:s5+s0], $0x7D0, $0x38;
	[tilespmem:$0x14220] =	vst v63  }
0x1d0: {  	s6 =	rddreg [dreg:$0x19];
	s23 =	simm.s32 $0xEBF0  }
0x1d1: {  	[tilespmem:s23], [sflag:$0x1] =	stream.linear.gather [hbm4b:s6+s0], $0x7D0, $0x38;
	[tilespmem:$0x14220] =	vst v63  }
0x1d2: {  	_ =	swait.ge [sflag:s16], $0x1F40  }
0x1d3: {  	[sflag:s16] =	ssyncset.done $0x0  }
0x1d4: {  	[sflag:s16] =	ssyncadd.s32 $0xFFFFE0C0  }
0x1d5: {  	_ =	swait.ge [sflag:s16], $0x1F40  }
0x1d6: {  	[sflag:s16] =	ssyncset.done $0x0  }
0x1d7: {  	[sflag:s16] =	ssyncadd.s32 $0xFFFFE0C0  }
0x1d8: {  	_ =	swait.ge [sflag:s16], $0x1F40  }
0x1d9: {  	[sflag:s16] =	ssyncset.done $0x0  }
0x1da: {  	[sflag:s16] =	ssyncadd.s32 $0xFFFFE0C0  }
0x1db: {  	_ =	swait.ge [sflag:s16], $0x7D0  }
0x1dc: {  	[sflag:s16] =	ssyncset.done $0x0  }
0x1dd: {  	[sflag:s16] =	ssyncadd.s32 $0xFFFFF830  }
0x1de: {  	_ =	swait.ge [sflag:s16], $0x7D0  }
0x1df: {  	[sflag:s16] =	ssyncset.done $0x0  }
0x1e0: {  	[sflag:s16] =	ssyncadd.s32 $0xFFFFF830  }
0x1e1: {  	s3 =	simm.s32 $0x100;
	v10 =	vld [tilespmem:s23+$0x0]  }
0x1e2: {  	s4 =	simm.s32 $0x0;
	s5 =	simm.s32 $0xD490;
	s0 =	simm.s32 $0xD490;
	v11 =	vld [tilespmem:s20+$0x0]  }
.LBB2_10:
0x1e3: {  	_ =	sdelay $0x1  }
0x1e4: {  	s5 =	sadd.s32 $0x20, s5;
	s23 =	sadd.s32 $0x10, s23;
	s20 =	sadd.s32 $0x10, s20  }
0x1e5: {  	p0 =	sne.s32 s3, $0x7C00;
	s6 =	smov.u32 s3;
	s3 =	sadd.s32 $0x100, s3  }
0x1e6: {  	v10 =	vadd.f32 v10, v11;
	_ =	sdelay $0x1  }
0x1e7: {  	v10 =	vadd.f32 $1.000000000e+00, v10;
	_ =	sdelay $0x1  }
0x1e8: {  	v11 =	vshrl.u32 v10, $0x1;
	v10 =	vmul.f32 $5.000000000e-01, v10  }
0x1e9: {  	v11 =	vsub.s32 $0x5F3759DF, v11  }
0x1ea: {  	v12 =	vmul.f32 v11, v10;
	_ =	sdelay $0x1  }
0x1eb: {  	v12 =	vmul.f32 v11, v12;
	_ =	sdelay $0x1  }
0x1ec: {  	v12 =	vsub.f32 $1.500000000e+00, v12;
	_ =	sdelay $0x1  }
0x1ed: {  	v11 =	vmul.f32 v11, v12  }
0x1ee: {  	v12 =	vld [tilespmem:s4+$0xB570]  }
0x1ef: {  	v13 =	vmul.f32 v11, v10;
	v14 =	vld [tilespmem:s4+$0xB550]  }
0x1f0: {  	v15 =	vld [tilespmem:s4+$0x9630]  }
0x1f1: {  	v13 =	vmul.f32 v13, v11;
	v16 =	vld [tilespmem:s4+$0x76F0]  }
0x1f2: {  	v17 =	vld [tilespmem:s4+$0x9620]  }
0x1f3: {  	v13 =	vsub.f32 $1.500000000e+00, v13;
	v18 =	vld [tilespmem:s4+$0x9610]  }
0x1f4: {  	v19 =	vld [tilespmem:s4+$0x76D0]  }
0x1f5: {  	v11 =	vmul.f32 v13, v11;
	v13 =	vld [tilespmem:s4+$0x9600]  }
0x1f6: {  	v20 =	vld [tilespmem:s4+$0x76C0];
	v15 =	vadd.f32 v15, v16  }
0x1f7: {  	v10 =	vmul.f32 v11, v10;
	v16 =	vld [tilespmem:s4+$0x76E0]  }
0x1f8: {  	v21 =	vld [tilespmem:s4+$0xB540]  }
0x1f9: {  	v10 =	vmul.f32 v10, v11;
	v18 =	vadd.f32 v18, v19;
	v19 =	vld [tilespmem:s4+$0xB560];
	s4 =	sshra.s32 s6, $0x2;
	_ =	sdelay $0x1  }
0x1fa: {  	v10 =	vsub.f32 $1.500000000e+00, v10;
	v13 =	vadd.f32 v13, v20  }
0x1fb: {  	v16 =	vadd.f32 v17, v16  }
0x1fc: {  	v10 =	vmul.f32 v10, v11;
	v11 =	vadd.f32 v21, v13;
	v13 =	vadd.f32 v14, v18  }
0x1fd: {  	v12 =	vadd.f32 v12, v15;
	v14 =	vadd.f32 v19, v16  }
0x1fe: {  	v11 =	vmul.f32 v10, v11;
	v13 =	vmul.f32 v10, v13  }
0x1ff: {  	v14 =	vmul.f32 v10, v14;
	v10 =	vmul.f32 v10, v12  }
0x200: {  	v11 =	vadd.f32 v11, v6;
	v12 =	vadd.f32 v13, v7  }
0x201: {  	v13 =	vadd.f32 v14, v8;
	v10 =	vadd.f32 v10, v9  }
.Ltmp4:
0x202: {  	v11 =	vpack.i.f32.bf16 v12, v11;
	(pc) =	sbr.rel @p0 .LBB2_10-.Ltmp4, $4  }
0x203: {  	[tilespmem:s0+$0xFFFFFFF0] =	vst v11;
	v10 =	vpack.i.f32.bf16 v10, v13  }
0x204: {  	[tilespmem:s0+$0x0] =	vst v10;
	s0 =	smov.u32 s5  }
0x205: {  	v10 =	vld [tilespmem:s23+$0x0]  }
0x206: {  	v11 =	vld [tilespmem:s20+$0x0]  }
0x207: {  	_ =	sdelay $0x3  }
0x208: {  	v10 =	vadd.f32 v10, v11;
	_ =	sdelay $0x1  }
0x209: {  	v10 =	vadd.f32 $1.000000000e+00, v10;
	_ =	sdelay $0x1  }
0x20a: {  	v57 =	vshrl.u32 v10, $0x1;
	v10 =	vmul.f32 $5.000000000e-01, v10  }
0x20b: {  	v11 =	vsub.s32 $0x5F3759DF, v57  }
0x20c: {  	v12 =	vmul.f32 v11, v10;
	_ =	sdelay $0x1  }
0x20d: {  	v12 =	vmul.f32 v11, v12;
	_ =	sdelay $0x1  }
0x20e: {  	v12 =	vsub.f32 $1.500000000e+00, v12;
	_ =	sdelay $0x1  }
0x20f: {  	v11 =	vmul.f32 v11, v12  }
0x210: {  	v58 =	vld [tilespmem:s4+$0xB570]  }
0x211: {  	v14 =	vld [tilespmem:s4+$0xB550];
	v13 =	vmul.f32 v11, v10  }
0x212: {  	v15 =	vld [tilespmem:s4+$0x9630]  }
0x213: {  	v16 =	vld [tilespmem:s4+$0x76F0];
	v13 =	vmul.f32 v13, v11  }
0x214: {  	v17 =	vld [tilespmem:s4+$0x9620]  }
0x215: {  	v18 =	vld [tilespmem:s4+$0x9610];
	v13 =	vsub.f32 $1.500000000e+00, v13  }
0x216: {  	v19 =	vld [tilespmem:s4+$0x76D0]  }
0x217: {  	v59 =	vld [tilespmem:s4+$0x9600];
	v11 =	vmul.f32 v13, v11  }
0x218: {  	v20 =	vld [tilespmem:s4+$0x76C0]  }
0x219: {  	v21 =	vld [tilespmem:s4+$0x76E0];
	v10 =	vmul.f32 v11, v10  }
0x21a: {  	v22 =	vld [tilespmem:s4+$0xB540]  }
0x21b: {  	v23 =	vld [tilespmem:s4+$0xB560];
	v10 =	vmul.f32 v10, v11  }
0x21c: {  	v18 =	vadd.f32 v18, v19  }
0x21d: {  	v13 =	vadd.f32 v59, v20;
	v10 =	vsub.f32 $1.500000000e+00, v10  }
0x21e: {  	v15 =	vadd.f32 v15, v16;
	v60 =	vadd.f32 v17, v21  }
0x21f: {  	v62 =	vadd.f32 v14, v18;
	v61 =	vadd.f32 v22, v13;
	v10 =	vmul.f32 v10, v11  }
0x220: {  	v63 =	vadd.f32 v23, v60;
	v12 =	vadd.f32 v58, v15  }
0x221: {  	v11 =	vmul.f32 v10, v61;
	v13 =	vmul.f32 v10, v62  }
0x222: {  	v14 =	vmul.f32 v10, v63;
	v10 =	vmul.f32 v10, v12  }
0x223: {  	v6 =	vadd.f32 v11, v6;
	v7 =	vadd.f32 v13, v7  }
0x224: {  	v8 =	vadd.f32 v14, v8;
	v9 =	vadd.f32 v10, v9  }
0x225: {  	s23 =	sld [smem:$0x7FC];
	v6 =	vpack.i.f32.bf16 v7, v6  }
0x226: {  	[tilespmem:s0+$0xFFFFFFF0] =	vst v6;
	v6 =	vpack.i.f32.bf16 v9, v8  }
0x227: {  	[tilespmem:s0+$0x0] =	vst v6  }
0x228: {  	[spmem:s23] =	stream.linear.scatter [tilespmem:s18], [sflag:$0x3], $0xFA0, $0x38;
	[tilespmem:$0x14220] =	vst v63  }
0x229: {  	_ =	swait.ge [sflag:s11], $0xFA0  }
0x22a: {  	[sflag:s11] =	ssyncset.done $0x0  }
0x22b: {  	[sflag:s11] =	ssyncadd.s32 $0xFFFFF060  }
0x22c: {  	s23 =	simm.s32 $0x0;
	[bflag:$0x0] =	sbarrier.arrive $0xFFFF  }
0x22d: {  	[tilespmem:s21], [sflag:$0x1] =	stream.indirect.gather [spmem:s28], $0x20, s23, s19, $0xb8;
	[tilespmem:$0x14220] =	vst v63  }
0x22e: {  	s6 =	simm.s32 $0x2710;
	s0 =	simm.s32 $0x0  }
0x22f: {  	[tilespmem:s22], [sflag:$0x1] =	stream.indirect.gather [spmem:s28], $0x20, s6, s19, $0xb8;
	[tilespmem:$0x14220] =	vst v63  }
.LBB2_12:
0x230: {  	_ =	swait.ge [sflag:s16], $0xA00  }
0x231: {  	[sflag:s16] =	ssyncset.done $0x0  }
0x232: {  	v6 =	vadd.s32 s23, v0;
	[sflag:s16] =	ssyncadd.s32 $0xFFFFF600  }
0x233: {  	s4 =	smul.u32 $0xA0, s0;
	v6 =	vand.u32 $0x1F, v6;
	_ =	swait.ge [sflag:s16], $0xA00  }
0x234: {  	v7 =	vor.u32 v5, v6;
	[sflag:s16] =	ssyncset.done $0x0  }
0x235: {  	s20 =	sadd.s32 $0x50, s4;
	[sflag:s16] =	ssyncadd.s32 $0xFFFFF600  }
0x236: {  	v8 =	vor.u32 v1, v6;
	[tilespmem:s12], [sflag:$0x1] =	stream.indirect.gather [spmem:s28], $0x20, s20, s19, $0xb8;
	[tilespmem:$0x14220] =	vst v63  }
0x237: {  	s3 =	sadd.s32 $0x2760, s4  }
0x238: {  	v9 =	vor.u32 v2, v6;
	[tilespmem:s25], [sflag:$0x1] =	stream.indirect.gather [spmem:s28], $0x20, s3, s19, $0xb8;
	[tilespmem:$0x14220] =	vst v63  }
0x239: {  	v11 =	vor.u32 v3, v6;
	v10 =	vld.idx.msk [tilespmem:v7+s21+$0x0], $0xffff  }
0x23a: {  	v7 =	vld.idx.msk [tilespmem:v7+s22+$0x0], $0xffff  }
0x23b: {  	v13 =	vor.u32 v4, v6;
	v12 =	vld.idx.msk [tilespmem:v8+s21+$0x0], $0xffff  }
0x23c: {  	v8 =	vld.idx.msk [tilespmem:v8+s22+$0x0], $0xffff  }
0x23d: {  	v14 =	vld.idx.msk [tilespmem:v9+s21+$0x0], $0xffff  }
0x23e: {  	v16 =	vld.idx.msk [tilespmem:v11+s21+$0x0], $0xffff  }
0x23f: {  	v6 =	vimm.f32 $0.0e+00;
	v11 =	vld.idx.msk [tilespmem:v11+s22+$0x0], $0xffff;
	v15 =	vunpack.i.l.bf16.f32 v10;
	v10 =	vunpack.i.u.bf16.f32 v10  }
0x240: {  	v19 =	vld.idx.msk [tilespmem:v13+s21+$0x0], $0xffff;
	v17 =	vunpack.i.u.bf16.f32 v7;
	v18 =	vunpack.i.l.bf16.f32 v7;
	v7 =	vunpack.i.u.bf16.f32 v12  }
0x241: {  	s5 =	simm.s32 $0x1;
	v13 =	vld.idx.msk [tilespmem:v13+s22+$0x0], $0xffff;
	v12 =	vunpack.i.l.bf16.f32 v12;
	v20 =	vunpack.i.u.bf16.f32 v8;
	v8 =	vunpack.i.l.bf16.f32 v8  }
0x242: {  	v21 =	vunpack.i.u.bf16.f32 v14;
	v10 =	vmul.f32 v17, v10;
	v17 =	vadd.s32 s5, v0  }
0x243: {  	v14 =	vunpack.i.l.bf16.f32 v14;
	v25 =	vunpack.i.u.bf16.f32 v16;
	v17 =	vand.u32 $0x1F, v17  }
0x244: {  	v16 =	vunpack.i.l.bf16.f32 v16;
	v27 =	vunpack.i.u.bf16.f32 v11;
	v23 =	vor.u32 v5, v17  }
0x245: {  	v9 =	vld.idx.msk [tilespmem:v9+s22+$0x0], $0xffff;
	v11 =	vunpack.i.l.bf16.f32 v11;
	v28 =	vunpack.i.u.bf16.f32 v19;
	v19 =	vunpack.i.l.bf16.f32 v19  }
0x246: {  	v29 =	vunpack.i.u.bf16.f32 v13;
	v31 =	vadd.f32 v10, v6;
	v10 =	vor.u32 v1, v17  }
0x247: {  	v13 =	vunpack.i.l.bf16.f32 v13;
	v8 =	vmul.f32 v8, v12;
	v12 =	vmul.f32 v20, v7  }
0x248: {  	v11 =	vmul.f32 v11, v16;
	v16 =	vmul.f32 v27, v25;
	v22 =	vor.u32 v2, v17  }
0x249: {  	v13 =	vmul.f32 v13, v19;
	v24 =	vor.u32 v3, v17;
	v26 =	vor.u32 v4, v17;
	v30 =	vld.idx.msk [tilespmem:v23+s21+$0x0], $0xffff  }
0x24a: {  	v17 =	vunpack.i.u.bf16.f32 v9;
	v9 =	vunpack.i.l.bf16.f32 v9;
	v7 =	vadd.f32 v8, v6;
	v23 =	vld.idx.msk [tilespmem:v23+s22+$0x0], $0xffff  }
0x24b: {  	v8 =	vadd.f32 v12, v6;
	v11 =	vadd.f32 v11, v6;
	v9 =	vmul.f32 v9, v14;
	v32 =	vld.idx.msk [tilespmem:v10+s21+$0x0], $0xffff  }
0x24c: {  	v12 =	vadd.f32 v16, v6;
	v14 =	vmul.f32 v17, v21;
	v17 =	vmul.f32 v29, v28;
	v27 =	vld.idx.msk [tilespmem:v10+s22+$0x0], $0xffff  }
0x24d: {  	v18 =	vmul.f32 v18, v15;
	v13 =	vadd.f32 v13, v6;
	v9 =	vadd.f32 v9, v6;
	v19 =	vld.idx.msk [tilespmem:v22+s21+$0x0], $0xffff  }
0x24e: {  	v10 =	vadd.f32 v14, v6;
	v20 =	vld.idx.msk [tilespmem:v22+s22+$0x0], $0xffff;
	v14 =	vadd.f32 v17, v6;
	v16 =	vunpack.i.l.bf16.f32 v30  }
0x24f: {  	v22 =	vld.idx.msk [tilespmem:v24+s21+$0x0], $0xffff;
	v15 =	vunpack.i.u.bf16.f32 v30;
	v25 =	vunpack.i.u.bf16.f32 v23;
	v17 =	vunpack.i.l.bf16.f32 v23  }
0x250: {  	s5 =	simm.s32 $0x2;
	v24 =	vld.idx.msk [tilespmem:v24+s22+$0x0], $0xffff;
	v21 =	vunpack.i.u.bf16.f32 v32;
	v23 =	vunpack.i.l.bf16.f32 v32;
	v15 =	vmul.f32 v25, v15  }
0x251: {  	v28 =	vld.idx.msk [tilespmem:v26+s21+$0x0], $0xffff;
	v30 =	vadd.s32 s5, v0;
	v29 =	vunpack.i.l.bf16.f32 v27;
	v25 =	vunpack.i.u.bf16.f32 v27  }
0x252: {  	s3 =	simm.s32 $0x3;
	v26 =	vld.idx.msk [tilespmem:v26+s22+$0x0], $0xffff;
	v30 =	vand.u32 $0x1F, v30;
	v27 =	vunpack.i.u.bf16.f32 v19;
	v15 =	vadd.f32 v15, v31  }
.LBB2_13:
0x253: {  	p0 =	sne.s32 s3, $0x1F;
	v31 =	vor.u32 v1, v30;
	v32 =	vor.u32 v2, v30;
	v33 =	vor.u32 v5, v30  }
0x254: {  	v34 =	vor.u32 v3, v30;
	v30 =	vor.u32 v4, v30;
	v19 =	vunpack.i.l.bf16.f32 v19  }
0x255: {  	v35 =	vunpack.i.u.bf16.f32 v20;
	v20 =	vunpack.i.l.bf16.f32 v20;
	v36 =	vunpack.i.u.bf16.f32 v22  }
0x256: {  	v22 =	vunpack.i.l.bf16.f32 v22;
	v37 =	vunpack.i.u.bf16.f32 v24;
	v24 =	vunpack.i.l.bf16.f32 v24  }
0x257: {  	v38 =	vunpack.i.u.bf16.f32 v28;
	v28 =	vunpack.i.l.bf16.f32 v28;
	v39 =	vunpack.i.u.bf16.f32 v26  }
0x258: {  	v23 =	vmul.f32 v29, v23;
	v21 =	vmul.f32 v25, v21;
	v25 =	vunpack.i.l.bf16.f32 v26;
	v40 =	vld.idx.msk [tilespmem:v33+s21+$0x0], $0xffff  }
0x259: {  	v6 =	vadd.f32 v18, v6;
	v20 =	vmul.f32 v20, v19;
	v27 =	vmul.f32 v35, v27;
	v26 =	vld.idx.msk [tilespmem:v33+s22+$0x0], $0xffff  }
0x25a: {  	v7 =	vadd.f32 v23, v7;
	v22 =	vmul.f32 v24, v22;
	v23 =	vmul.f32 v37, v36;
	v29 =	vld.idx.msk [tilespmem:v31+s21+$0x0], $0xffff  }
0x25b: {  	v8 =	vadd.f32 v21, v8;
	v21 =	vmul.f32 v25, v28;
	v24 =	vmul.f32 v39, v38;
	v31 =	vld.idx.msk [tilespmem:v31+s22+$0x0], $0xffff  }
0x25c: {  	v18 =	vmul.f32 v17, v16;
	v9 =	vadd.f32 v20, v9;
	v10 =	vadd.f32 v27, v10;
	v19 =	vld.idx.msk [tilespmem:v32+s21+$0x0], $0xffff  }
0x25d: {  	v11 =	vadd.f32 v22, v11;
	v12 =	vadd.f32 v23, v12;
	v20 =	vld.idx.msk [tilespmem:v32+s22+$0x0], $0xffff  }
.Ltmp5:
0x25e: {  	v13 =	vadd.f32 v21, v13;
	v14 =	vadd.f32 v24, v14;
	v16 =	vunpack.i.l.bf16.f32 v40;
	v22 =	vld.idx.msk [tilespmem:v34+s21+$0x0], $0xffff;
	(pc) =	sbr.rel @p0 .LBB2_13-.Ltmp5, $4  }
0x25f: {  	v25 =	vunpack.i.u.bf16.f32 v40;
	v27 =	vunpack.i.u.bf16.f32 v26;
	v17 =	vunpack.i.l.bf16.f32 v26;
	v24 =	vld.idx.msk [tilespmem:v34+s22+$0x0], $0xffff  }
0x260: {  	v21 =	vunpack.i.u.bf16.f32 v29;
	v23 =	vunpack.i.l.bf16.f32 v29;
	v32 =	vmul.f32 v27, v25;
	v28 =	vld.idx.msk [tilespmem:v30+s21+$0x0], $0xffff  }
0x261: {  	v27 =	vadd.s32 s3, v0;
	v25 =	vunpack.i.u.bf16.f32 v31;
	v29 =	vunpack.i.l.bf16.f32 v31;
	v26 =	vld.idx.msk [tilespmem:v30+s22+$0x0], $0xffff  }
0x262: {  	s3 =	sadd.s32 $0x1, s3;
	v30 =	vand.u32 $0x1F, v27;
	v27 =	vunpack.i.u.bf16.f32 v19;
	v15 =	vadd.f32 v32, v15  }
0x263: {  	v31 =	vor.u32 v5, v30  }
0x264: {  	v32 =	vor.u32 v1, v30;
	v33 =	vor.u32 v2, v30;
	v34 =	vor.u32 v3, v30  }
0x265: {  	v30 =	vor.u32 v4, v30;
	v19 =	vunpack.i.l.bf16.f32 v19;
	v35 =	vunpack.i.u.bf16.f32 v20  }
0x266: {  	v20 =	vunpack.i.l.bf16.f32 v20;
	v36 =	vunpack.i.u.bf16.f32 v22;
	v22 =	vunpack.i.l.bf16.f32 v22  }
0x267: {  	v23 =	vmul.f32 v29, v23;
	v21 =	vmul.f32 v25, v21;
	v6 =	vadd.f32 v18, v6  }
0x268: {  	v16 =	vmul.f32 v17, v16;
	v37 =	vunpack.i.u.bf16.f32 v24;
	v24 =	vunpack.i.l.bf16.f32 v24  }
0x269: {  	v19 =	vmul.f32 v20, v19;
	v20 =	vmul.f32 v35, v27;
	v38 =	vunpack.i.u.bf16.f32 v28;
	v39 =	vld.idx.msk [tilespmem:v31+s21+$0x0], $0xffff  }
0x26a: {  	v28 =	vunpack.i.l.bf16.f32 v28;
	v7 =	vadd.f32 v23, v7;
	v18 =	vmul.f32 v24, v22;
	v25 =	vld.idx.msk [tilespmem:v31+s22+$0x0], $0xffff  }
0x26b: {  	v23 =	vmul.f32 v37, v36;
	v8 =	vadd.f32 v21, v8;
	v6 =	vadd.f32 v16, v6;
	v27 =	vld.idx.msk [tilespmem:v32+s21+$0x0], $0xffff  }
0x26c: {  	v40 =	vunpack.i.u.bf16.f32 v26;
	v26 =	vunpack.i.l.bf16.f32 v26;
	v9 =	vadd.f32 v19, v9;
	v22 =	vld.idx.msk [tilespmem:v32+s22+$0x0], $0xffff  }
0x26d: {  	v10 =	vadd.f32 v20, v10;
	v21 =	vmul.f32 v26, v28;
	v26 =	vmul.f32 v40, v38;
	v17 =	vld.idx.msk [tilespmem:v34+s21+$0x0], $0xffff  }
0x26e: {  	v11 =	vadd.f32 v18, v11;
	v12 =	vadd.f32 v23, v12;
	v20 =	vld.idx.msk [tilespmem:v34+s22+$0x0], $0xffff  }
0x26f: {  	v24 =	vld.idx.msk [tilespmem:v33+s21+$0x0], $0xffff;
	v13 =	vadd.f32 v21, v13;
	v14 =	vadd.f32 v26, v14  }
0x270: {  	v26 =	vld.idx.msk [tilespmem:v30+s21+$0x0], $0xffff;
	v18 =	vunpack.i.l.bf16.f32 v39;
	v21 =	vunpack.i.u.bf16.f32 v39;
	v23 =	vunpack.i.u.bf16.f32 v25  }
0x271: {  	v25 =	vunpack.i.l.bf16.f32 v25;
	v28 =	vunpack.i.u.bf16.f32 v27;
	v27 =	vunpack.i.l.bf16.f32 v27  }
0x272: {  	v19 =	vld.idx.msk [tilespmem:v33+s22+$0x0], $0xffff;
	v29 =	vunpack.i.u.bf16.f32 v22;
	v22 =	vunpack.i.l.bf16.f32 v22;
	v31 =	vunpack.i.u.bf16.f32 v17  }
0x273: {  	v17 =	vunpack.i.l.bf16.f32 v17;
	v60 =	vunpack.i.u.bf16.f32 v20;
	v20 =	vunpack.i.l.bf16.f32 v20  }
0x274: {  	v21 =	vmul.f32 v23, v21;
	v23 =	vld.idx.msk [tilespmem:v30+s22+$0x0], $0xffff;
	v30 =	vunpack.i.u.bf16.f32 v24;
	v22 =	vmul.f32 v22, v27  }
0x275: {  	v61 =	vunpack.i.u.bf16.f32 v26;
	v27 =	vmul.f32 v29, v28;
	v16 =	vmul.f32 v20, v17  }
0x276: {  	v17 =	vmul.f32 v60, v31;
	v15 =	vadd.f32 v21, v15;
	v21 =	vunpack.i.l.bf16.f32 v24  }
0x277: {  	v24 =	vunpack.i.u.bf16.f32 v19;
	v19 =	vunpack.i.l.bf16.f32 v19;
	v7 =	vadd.f32 v22, v7  }
0x278: {  	v8 =	vadd.f32 v27, v8;
	v11 =	vadd.f32 v16, v11;
	v16 =	vmul.f32 v25, v18  }
0x279: {  	v26 =	vunpack.i.l.bf16.f32 v26;
	v12 =	vadd.f32 v17, v12;
	v19 =	vmul.f32 v19, v21  }
0x27a: {  	v21 =	vmul.f32 v24, v30;
	v7 =	vadd.f32 v8, v7;
	v6 =	vadd.f32 v16, v6  }
0x27b: {  	v62 =	vunpack.i.u.bf16.f32 v23;
	v23 =	vunpack.i.l.bf16.f32 v23;
	v9 =	vadd.f32 v19, v9  }
0x27c: {  	v10 =	vadd.f32 v21, v10;
	v20 =	vmul.f32 v23, v26;
	v19 =	vmul.f32 v62, v61  }
0x27d: {  	[tilespmem:$0x7620] =	vst v7;
	v7 =	vadd.f32 v12, v11;
	v6 =	vadd.f32 v15, v6  }
0x27e: {  	v13 =	vadd.f32 v20, v13;
	v8 =	vadd.f32 v19, v14  }
0x27f: {  	v9 =	vadd.f32 v10, v9;
	[tilespmem:$0x7640] =	vst v7  }
0x280: {  	s3 =	sadd.s32 s2, s4;
	[tilespmem:$0x7660] =	vst v6;
	v8 =	vadd.f32 v8, v13  }
0x281: {  	s3 =	sshrl.u32 s3, $0x3;
	[tilespmem:$0x7630] =	vst v9  }
0x282: {  	s5 =	simm.s32 $0x0;
	s3 =	sadd.s32 s24, s3;
	[tilespmem:$0x7650] =	vst v8  }
0x283: {  	[hbm4b:s3+s5] =	stream.linear.scatter [tilespmem:s26], [sflag:$0x2], $0x50, $0x38;
	[tilespmem:$0x14220] =	vst v63  }
0x284: {  	_ =	swait.ge [sflag:s16], $0xA00  }
0x285: {  	[sflag:s16] =	ssyncset.done $0x0  }
0x286: {  	v6 =	vadd.s32 s5, v0;
	[sflag:s16] =	ssyncadd.s32 $0xFFFFF600  }
0x287: {  	v6 =	vand.u32 $0x1F, v6;
	_ =	swait.ge [sflag:s16], $0xA00  }
0x288: {  	v7 =	vor.u32 v5, v6;
	[sflag:s16] =	ssyncset.done $0x0  }
0x289: {  	s5 =	sadd.s32 $0xA0, s4;
	[sflag:s16] =	ssyncadd.s32 $0xFFFFF600  }
0x28a: {  	v8 =	vor.u32 v1, v6;
	[tilespmem:s21], [sflag:$0x1] =	stream.indirect.gather [spmem:s28], $0x20, s5, s19, $0xb8;
	[tilespmem:$0x14220] =	vst v63  }
0x28b: {  	s5 =	sadd.s32 $0x27B0, s4  }
0x28c: {  	v9 =	vor.u32 v2, v6;
	[tilespmem:s22], [sflag:$0x1] =	stream.indirect.gather [spmem:s28], $0x20, s5, s19, $0xb8;
	[tilespmem:$0x14220] =	vst v63  }
0x28d: {  	v11 =	vor.u32 v3, v6;
	v10 =	vld.idx.msk [tilespmem:v7+s12+$0x0], $0xffff  }
0x28e: {  	v7 =	vld.idx.msk [tilespmem:v7+s25+$0x0], $0xffff  }
0x28f: {  	v13 =	vor.u32 v4, v6;
	v12 =	vld.idx.msk [tilespmem:v8+s12+$0x0], $0xffff  }
0x290: {  	v8 =	vld.idx.msk [tilespmem:v8+s25+$0x0], $0xffff  }
0x291: {  	v14 =	vld.idx.msk [tilespmem:v9+s12+$0x0], $0xffff  }
0x292: {  	v16 =	vld.idx.msk [tilespmem:v11+s12+$0x0], $0xffff  }
0x293: {  	v6 =	vimm.f32 $0.0e+00;
	v11 =	vld.idx.msk [tilespmem:v11+s25+$0x0], $0xffff;
	v15 =	vunpack.i.l.bf16.f32 v10;
	v10 =	vunpack.i.u.bf16.f32 v10  }
0x294: {  	v19 =	vld.idx.msk [tilespmem:v13+s12+$0x0], $0xffff;
	v17 =	vunpack.i.u.bf16.f32 v7;
	v18 =	vunpack.i.l.bf16.f32 v7;
	v7 =	vunpack.i.u.bf16.f32 v12  }
0x295: {  	s4 =	simm.s32 $0x1;
	v13 =	vld.idx.msk [tilespmem:v13+s25+$0x0], $0xffff;
	v12 =	vunpack.i.l.bf16.f32 v12;
	v20 =	vunpack.i.u.bf16.f32 v8;
	v8 =	vunpack.i.l.bf16.f32 v8  }
0x296: {  	v21 =	vunpack.i.u.bf16.f32 v14;
	v10 =	vmul.f32 v17, v10;
	v17 =	vadd.s32 s4, v0  }
0x297: {  	v14 =	vunpack.i.l.bf16.f32 v14;
	v25 =	vunpack.i.u.bf16.f32 v16;
	v17 =	vand.u32 $0x1F, v17  }
0x298: {  	v16 =	vunpack.i.l.bf16.f32 v16;
	v27 =	vunpack.i.u.bf16.f32 v11;
	v23 =	vor.u32 v5, v17  }
0x299: {  	v9 =	vld.idx.msk [tilespmem:v9+s25+$0x0], $0xffff;
	v11 =	vunpack.i.l.bf16.f32 v11;
	v28 =	vunpack.i.u.bf16.f32 v19;
	v19 =	vunpack.i.l.bf16.f32 v19  }
0x29a: {  	v29 =	vunpack.i.u.bf16.f32 v13;
	v31 =	vadd.f32 v10, v6;
	v10 =	vor.u32 v1, v17  }
0x29b: {  	v13 =	vunpack.i.l.bf16.f32 v13;
	v8 =	vmul.f32 v8, v12;
	v12 =	vmul.f32 v20, v7  }
0x29c: {  	v11 =	vmul.f32 v11, v16;
	v16 =	vmul.f32 v27, v25;
	v22 =	vor.u32 v2, v17  }
0x29d: {  	v13 =	vmul.f32 v13, v19;
	v24 =	vor.u32 v3, v17;
	v26 =	vor.u32 v4, v17;
	v30 =	vld.idx.msk [tilespmem:v23+s12+$0x0], $0xffff  }
0x29e: {  	v17 =	vunpack.i.u.bf16.f32 v9;
	v9 =	vunpack.i.l.bf16.f32 v9;
	v7 =	vadd.f32 v8, v6;
	v23 =	vld.idx.msk [tilespmem:v23+s25+$0x0], $0xffff  }
0x29f: {  	v8 =	vadd.f32 v12, v6;
	v11 =	vadd.f32 v11, v6;
	v9 =	vmul.f32 v9, v14;
	v63 =	vld.idx.msk [tilespmem:v10+s12+$0x0], $0xffff  }
0x2a0: {  	v12 =	vadd.f32 v16, v6;
	v14 =	vmul.f32 v17, v21;
	v17 =	vmul.f32 v29, v28;
	v27 =	vld.idx.msk [tilespmem:v10+s25+$0x0], $0xffff  }
0x2a1: {  	v18 =	vmul.f32 v18, v15;
	v13 =	vadd.f32 v13, v6;
	v9 =	vadd.f32 v9, v6;
	v19 =	vld.idx.msk [tilespmem:v22+s12+$0x0], $0xffff  }
0x2a2: {  	v10 =	vadd.f32 v14, v6;
	v20 =	vld.idx.msk [tilespmem:v22+s25+$0x0], $0xffff;
	v14 =	vadd.f32 v17, v6;
	v16 =	vunpack.i.l.bf16.f32 v30  }
0x2a3: {  	v22 =	vld.idx.msk [tilespmem:v24+s12+$0x0], $0xffff;
	v15 =	vunpack.i.u.bf16.f32 v30;
	v25 =	vunpack.i.u.bf16.f32 v23;
	v17 =	vunpack.i.l.bf16.f32 v23  }
0x2a4: {  	s5 =	simm.s32 $0x2;
	v24 =	vld.idx.msk [tilespmem:v24+s25+$0x0], $0xffff;
	v21 =	vunpack.i.u.bf16.f32 v63;
	v23 =	vunpack.i.l.bf16.f32 v63;
	v15 =	vmul.f32 v25, v15  }
0x2a5: {  	v28 =	vld.idx.msk [tilespmem:v26+s12+$0x0], $0xffff;
	v30 =	vadd.s32 s5, v0;
	v29 =	vunpack.i.l.bf16.f32 v27;
	v25 =	vunpack.i.u.bf16.f32 v27  }
0x2a6: {  	s3 =	simm.s32 $0x3;
	v26 =	vld.idx.msk [tilespmem:v26+s25+$0x0], $0xffff;
	v30 =	vand.u32 $0x1F, v30;
	v27 =	vunpack.i.u.bf16.f32 v19;
	v15 =	vadd.f32 v15, v31  }
.LBB2_15:
0x2a7: {  	p0 =	sne.s32 s3, $0x1F;
	v31 =	vor.u32 v1, v30;
	v32 =	vor.u32 v2, v30;
	v33 =	vor.u32 v5, v30  }
0x2a8: {  	v34 =	vor.u32 v3, v30;
	v30 =	vor.u32 v4, v30;
	v19 =	vunpack.i.l.bf16.f32 v19  }
0x2a9: {  	v35 =	vunpack.i.u.bf16.f32 v20;
	v20 =	vunpack.i.l.bf16.f32 v20;
	v36 =	vunpack.i.u.bf16.f32 v22  }
0x2aa: {  	v22 =	vunpack.i.l.bf16.f32 v22;
	v37 =	vunpack.i.u.bf16.f32 v24;
	v24 =	vunpack.i.l.bf16.f32 v24  }
0x2ab: {  	v38 =	vunpack.i.u.bf16.f32 v28;
	v28 =	vunpack.i.l.bf16.f32 v28;
	v39 =	vunpack.i.u.bf16.f32 v26  }
0x2ac: {  	v23 =	vmul.f32 v29, v23;
	v21 =	vmul.f32 v25, v21;
	v25 =	vunpack.i.l.bf16.f32 v26;
	v40 =	vld.idx.msk [tilespmem:v33+s12+$0x0], $0xffff  }
0x2ad: {  	v6 =	vadd.f32 v18, v6;
	v20 =	vmul.f32 v20, v19;
	v27 =	vmul.f32 v35, v27;
	v26 =	vld.idx.msk [tilespmem:v33+s25+$0x0], $0xffff  }
0x2ae: {  	v7 =	vadd.f32 v23, v7;
	v22 =	vmul.f32 v24, v22;
	v23 =	vmul.f32 v37, v36;
	v29 =	vld.idx.msk [tilespmem:v31+s12+$0x0], $0xffff  }
0x2af: {  	v8 =	vadd.f32 v21, v8;
	v21 =	vmul.f32 v25, v28;
	v24 =	vmul.f32 v39, v38;
	v31 =	vld.idx.msk [tilespmem:v31+s25+$0x0], $0xffff  }
0x2b0: {  	v18 =	vmul.f32 v17, v16;
	v9 =	vadd.f32 v20, v9;
	v10 =	vadd.f32 v27, v10;
	v19 =	vld.idx.msk [tilespmem:v32+s12+$0x0], $0xffff  }
0x2b1: {  	v11 =	vadd.f32 v22, v11;
	v12 =	vadd.f32 v23, v12;
	v20 =	vld.idx.msk [tilespmem:v32+s25+$0x0], $0xffff  }
.Ltmp6:
0x2b2: {  	v13 =	vadd.f32 v21, v13;
	v14 =	vadd.f32 v24, v14;
	v16 =	vunpack.i.l.bf16.f32 v40;
	v22 =	vld.idx.msk [tilespmem:v34+s12+$0x0], $0xffff;
	(pc) =	sbr.rel @p0 .LBB2_15-.Ltmp6, $4  }
0x2b3: {  	v25 =	vunpack.i.u.bf16.f32 v40;
	v27 =	vunpack.i.u.bf16.f32 v26;
	v17 =	vunpack.i.l.bf16.f32 v26;
	v24 =	vld.idx.msk [tilespmem:v34+s25+$0x0], $0xffff  }
0x2b4: {  	v21 =	vunpack.i.u.bf16.f32 v29;
	v23 =	vunpack.i.l.bf16.f32 v29;
	v32 =	vmul.f32 v27, v25;
	v28 =	vld.idx.msk [tilespmem:v30+s12+$0x0], $0xffff  }
0x2b5: {  	v27 =	vadd.s32 s3, v0;
	v25 =	vunpack.i.u.bf16.f32 v31;
	v29 =	vunpack.i.l.bf16.f32 v31;
	v26 =	vld.idx.msk [tilespmem:v30+s25+$0x0], $0xffff  }
0x2b6: {  	s3 =	sadd.s32 $0x1, s3;
	v30 =	vand.u32 $0x1F, v27;
	v27 =	vunpack.i.u.bf16.f32 v19;
	v15 =	vadd.f32 v32, v15  }
0x2b7: {  	v31 =	vor.u32 v5, v30  }
0x2b8: {  	v32 =	vor.u32 v1, v30;
	v33 =	vor.u32 v2, v30;
	v34 =	vor.u32 v3, v30  }
0x2b9: {  	v53 =	vor.u32 v4, v30;
	v19 =	vunpack.i.l.bf16.f32 v19;
	v35 =	vunpack.i.u.bf16.f32 v20  }
0x2ba: {  	v54 =	vunpack.i.l.bf16.f32 v20;
	v36 =	vunpack.i.u.bf16.f32 v22;
	v55 =	vunpack.i.l.bf16.f32 v22  }
0x2bb: {  	v23 =	vmul.f32 v29, v23;
	v21 =	vmul.f32 v25, v21;
	v6 =	vadd.f32 v18, v6  }
0x2bc: {  	v16 =	vmul.f32 v17, v16;
	v37 =	vunpack.i.u.bf16.f32 v24;
	v56 =	vunpack.i.l.bf16.f32 v24;
	v39 =	vld.idx.msk [tilespmem:v31+s12+$0x0], $0xffff  }
0x2bd: {  	v19 =	vmul.f32 v54, v19;
	v60 =	vmul.f32 v35, v27;
	v38 =	vunpack.i.u.bf16.f32 v28;
	v58 =	vld.idx.msk [tilespmem:v31+s25+$0x0], $0xffff  }
0x2be: {  	v57 =	vunpack.i.l.bf16.f32 v28;
	v7 =	vadd.f32 v23, v7;
	v62 =	vmul.f32 v56, v55;
	v61 =	vld.idx.msk [tilespmem:v32+s12+$0x0], $0xffff  }
0x2bf: {  	v8 =	vadd.f32 v21, v8;
	v6 =	vadd.f32 v16, v6;
	v59 =	vunpack.i.l.bf16.f32 v26;
	v63 =	vld.idx.msk [tilespmem:v32+s25+$0x0], $0xffff  }
0x2c0: {  	v40 =	vunpack.i.u.bf16.f32 v26;
	v35 =	vmul.f32 v59, v57;
	v32 =	vmul.f32 v37, v36;
	v36 =	vld.idx.msk [tilespmem:v33+s12+$0x0], $0xffff  }
0x2c1: {  	v9 =	vadd.f32 v19, v9;
	v10 =	vadd.f32 v60, v10;
	v37 =	vmul.f32 v40, v38;
	v38 =	vld.idx.msk [tilespmem:v33+s25+$0x0], $0xffff  }
0x2c2: {  	v11 =	vadd.f32 v62, v11;
	v40 =	vld.idx.msk [tilespmem:v34+s12+$0x0], $0xffff;
	v13 =	vadd.f32 v35, v13  }
0x2c3: {  	v42 =	vld.idx.msk [tilespmem:v34+s25+$0x0], $0xffff;
	v12 =	vadd.f32 v32, v12;
	v14 =	vadd.f32 v37, v14  }
0x2c4: {  	v45 =	vld.idx.msk [tilespmem:v53+s12+$0x0], $0xffff;
	v41 =	vunpack.i.l.bf16.f32 v39;
	v43 =	vunpack.i.u.bf16.f32 v39;
	v44 =	vunpack.i.u.bf16.f32 v58  }
0x2c5: {  	v47 =	vld.idx.msk [tilespmem:v53+s25+$0x0], $0xffff;
	v25 =	vunpack.i.l.bf16.f32 v58;
	v46 =	vunpack.i.u.bf16.f32 v61;
	v27 =	vunpack.i.l.bf16.f32 v61  }
0x2c6: {  	v48 =	vunpack.i.u.bf16.f32 v63;
	v22 =	vunpack.i.l.bf16.f32 v63;
	v49 =	vunpack.i.u.bf16.f32 v36  }
0x2c7: {  	v50 =	vunpack.i.l.bf16.f32 v36;
	v51 =	vunpack.i.u.bf16.f32 v38;
	v19 =	vunpack.i.l.bf16.f32 v38  }
0x2c8: {  	v52 =	vunpack.i.u.bf16.f32 v40;
	v17 =	vunpack.i.l.bf16.f32 v40;
	v53 =	vunpack.i.u.bf16.f32 v42  }
0x2c9: {  	v20 =	vunpack.i.l.bf16.f32 v42;
	v54 =	vunpack.i.u.bf16.f32 v45;
	v26 =	vunpack.i.l.bf16.f32 v45  }
0x2ca: {  	v55 =	vunpack.i.u.bf16.f32 v47;
	v21 =	vmul.f32 v44, v43;
	v22 =	vmul.f32 v22, v27  }
0x2cb: {  	v23 =	vunpack.i.l.bf16.f32 v47;
	v56 =	vmul.f32 v48, v46;
	v19 =	vmul.f32 v19, v50  }
0x2cc: {  	v57 =	vmul.f32 v51, v49;
	v58 =	vmul.f32 v20, v17;
	v15 =	vadd.f32 v21, v15  }
0x2cd: {  	v60 =	vmul.f32 v23, v26;
	v7 =	vadd.f32 v22, v7;
	v8 =	vadd.f32 v56, v8  }
0x2ce: {  	v61 =	vmul.f32 v55, v54;
	v9 =	vadd.f32 v19, v9;
	v10 =	vadd.f32 v57, v10  }
0x2cf: {  	v62 =	vmul.f32 v25, v41;
	v11 =	vadd.f32 v58, v11;
	v13 =	vadd.f32 v60, v13  }
0x2d0: {  	v59 =	vmul.f32 v53, v52;
	v63 =	vadd.f32 v61, v14;
	v7 =	vadd.f32 v8, v7  }
0x2d1: {  	v6 =	vadd.f32 v62, v6;
	v9 =	vadd.f32 v10, v9  }
0x2d2: {  	v12 =	vadd.f32 v59, v12;
	v8 =	vadd.f32 v63, v13;
	[tilespmem:$0x7670] =	vst v7  }
0x2d3: {  	v6 =	vadd.f32 v15, v6;
	[tilespmem:$0x7680] =	vst v9  }
0x2d4: {  	s3 =	sadd.s32 s2, s20;
	v7 =	vadd.f32 v12, v11;
	[tilespmem:$0x76A0] =	vst v8  }
0x2d5: {  	s3 =	sshrl.u32 s3, $0x3;
	[tilespmem:$0x76B0] =	vst v6  }
0x2d6: {  	s0 =	sadd.s32 $0x1, s0;
	s3 =	sadd.s32 s24, s3;
	[tilespmem:$0x7690] =	vst v7  }
0x2d7: {  	[hbm4b:s3+s1] =	stream.linear.scatter [tilespmem:s29], [sflag:$0x2], $0x50, $0x38;
	[tilespmem:$0x14220] =	vst v63  }
0x2d8: {  	p0 =	sne.s32 s0, $0x3E;
	_ =	swait.ge [sflag:s30], $0x50  }
.Ltmp7:
0x2d9: {  	[sflag:s30] =	ssyncset.done $0x0;
	(pc) =	sbr.rel @p0 .LBB2_12-.Ltmp7, $4  }
0x2da: {  	[sflag:s30] =	ssyncadd.s32 $0xFFFFFFB0  }
0x2db: {  	_ =	swait.ge [sflag:s30], $0x50  }
0x2dc: {  	[sflag:s30] =	ssyncset.done $0x0  }
0x2dd: {  	[sflag:s30] =	ssyncadd.s32 $0xFFFFFFB0  }
0x2de: {  	s0 =	simm.s32 $0x0  }
0x2df: {  	v6 =	vadd.s32 s0, v0  }
0x2e0: {  	_ =	swait.ge [sflag:s16], $0xA00;
	v6 =	vand.u32 $0x1F, v6  }
0x2e1: {  	[sflag:s16] =	ssyncset.done $0x0;
	v7 =	vor.u32 v5, v6  }
0x2e2: {  	[sflag:s16] =	ssyncadd.s32 $0xFFFFF600  }
0x2e3: {  	_ =	swait.ge [sflag:s16], $0xA00;
	v8 =	vor.u32 v1, v6  }
0x2e4: {  	[sflag:s16] =	ssyncset.done $0x0  }
0x2e5: {  	v9 =	vor.u32 v2, v6;
	[sflag:s16] =	ssyncadd.s32 $0xFFFFF600  }
0x2e6: {  	v11 =	vor.u32 v3, v6;
	v10 =	vld.idx.msk [tilespmem:v7+s21+$0x0], $0xffff  }
0x2e7: {  	v7 =	vld.idx.msk [tilespmem:v7+s22+$0x0], $0xffff  }
0x2e8: {  	v13 =	vor.u32 v4, v6;
	v12 =	vld.idx.msk [tilespmem:v8+s21+$0x0], $0xffff  }
0x2e9: {  	v8 =	vld.idx.msk [tilespmem:v8+s22+$0x0], $0xffff  }
0x2ea: {  	v14 =	vld.idx.msk [tilespmem:v9+s21+$0x0], $0xffff  }
0x2eb: {  	v16 =	vld.idx.msk [tilespmem:v11+s21+$0x0], $0xffff  }
0x2ec: {  	v6 =	vimm.f32 $0.0e+00;
	v11 =	vld.idx.msk [tilespmem:v11+s22+$0x0], $0xffff;
	v15 =	vunpack.i.l.bf16.f32 v10;
	v10 =	vunpack.i.u.bf16.f32 v10  }
0x2ed: {  	v19 =	vld.idx.msk [tilespmem:v13+s21+$0x0], $0xffff;
	v17 =	vunpack.i.u.bf16.f32 v7;
	v18 =	vunpack.i.l.bf16.f32 v7;
	v7 =	vunpack.i.u.bf16.f32 v12  }
0x2ee: {  	s20 =	simm.s32 $0x1;
	v13 =	vld.idx.msk [tilespmem:v13+s22+$0x0], $0xffff;
	v12 =	vunpack.i.l.bf16.f32 v12;
	v20 =	vunpack.i.u.bf16.f32 v8;
	v8 =	vunpack.i.l.bf16.f32 v8  }
0x2ef: {  	v21 =	vunpack.i.u.bf16.f32 v14;
	v10 =	vmul.f32 v17, v10;
	v17 =	vadd.s32 s20, v0  }
0x2f0: {  	v14 =	vunpack.i.l.bf16.f32 v14;
	v25 =	vunpack.i.u.bf16.f32 v16;
	v17 =	vand.u32 $0x1F, v17  }
0x2f1: {  	v16 =	vunpack.i.l.bf16.f32 v16;
	v27 =	vunpack.i.u.bf16.f32 v11;
	v23 =	vor.u32 v5, v17  }
0x2f2: {  	v9 =	vld.idx.msk [tilespmem:v9+s22+$0x0], $0xffff;
	v11 =	vunpack.i.l.bf16.f32 v11;
	v28 =	vunpack.i.u.bf16.f32 v19;
	v19 =	vunpack.i.l.bf16.f32 v19  }
0x2f3: {  	v29 =	vunpack.i.u.bf16.f32 v13;
	v31 =	vadd.f32 v10, v6;
	v10 =	vor.u32 v1, v17  }
0x2f4: {  	v13 =	vunpack.i.l.bf16.f32 v13;
	v8 =	vmul.f32 v8, v12;
	v12 =	vmul.f32 v20, v7  }
0x2f5: {  	v11 =	vmul.f32 v11, v16;
	v16 =	vmul.f32 v27, v25;
	v22 =	vor.u32 v2, v17  }
0x2f6: {  	v13 =	vmul.f32 v13, v19;
	v24 =	vor.u32 v3, v17;
	v26 =	vor.u32 v4, v17;
	v30 =	vld.idx.msk [tilespmem:v23+s21+$0x0], $0xffff  }
0x2f7: {  	v17 =	vunpack.i.u.bf16.f32 v9;
	v9 =	vunpack.i.l.bf16.f32 v9;
	v7 =	vadd.f32 v8, v6;
	v23 =	vld.idx.msk [tilespmem:v23+s22+$0x0], $0xffff  }
0x2f8: {  	v8 =	vadd.f32 v12, v6;
	v11 =	vadd.f32 v11, v6;
	v9 =	vmul.f32 v9, v14;
	v32 =	vld.idx.msk [tilespmem:v10+s21+$0x0], $0xffff  }
0x2f9: {  	v12 =	vadd.f32 v16, v6;
	v14 =	vmul.f32 v17, v21;
	v17 =	vmul.f32 v29, v28;
	v27 =	vld.idx.msk [tilespmem:v10+s22+$0x0], $0xffff  }
0x2fa: {  	v18 =	vmul.f32 v18, v15;
	v13 =	vadd.f32 v13, v6;
	v9 =	vadd.f32 v9, v6;
	v19 =	vld.idx.msk [tilespmem:v22+s21+$0x0], $0xffff  }
0x2fb: {  	v10 =	vadd.f32 v14, v6;
	v20 =	vld.idx.msk [tilespmem:v22+s22+$0x0], $0xffff;
	v14 =	vadd.f32 v17, v6;
	v16 =	vunpack.i.l.bf16.f32 v30  }
0x2fc: {  	v22 =	vld.idx.msk [tilespmem:v24+s21+$0x0], $0xffff;
	v15 =	vunpack.i.u.bf16.f32 v30;
	v25 =	vunpack.i.u.bf16.f32 v23;
	v17 =	vunpack.i.l.bf16.f32 v23  }
0x2fd: {  	s23 =	simm.s32 $0x2;
	v24 =	vld.idx.msk [tilespmem:v24+s22+$0x0], $0xffff;
	v21 =	vunpack.i.u.bf16.f32 v32;
	v23 =	vunpack.i.l.bf16.f32 v32;
	v15 =	vmul.f32 v25, v15  }
0x2fe: {  	v28 =	vld.idx.msk [tilespmem:v26+s21+$0x0], $0xffff;
	v30 =	vadd.s32 s23, v0;
	v29 =	vunpack.i.l.bf16.f32 v27;
	v25 =	vunpack.i.u.bf16.f32 v27  }
0x2ff: {  	s0 =	simm.s32 $0x3;
	v26 =	vld.idx.msk [tilespmem:v26+s22+$0x0], $0xffff;
	v30 =	vand.u32 $0x1F, v30;
	v27 =	vunpack.i.u.bf16.f32 v19;
	v15 =	vadd.f32 v15, v31  }
.LBB2_18:
0x300: {  	p0 =	sne.s32 s0, $0x1F;
	v31 =	vor.u32 v1, v30;
	v32 =	vor.u32 v2, v30;
	v33 =	vor.u32 v5, v30  }
0x301: {  	v34 =	vor.u32 v3, v30;
	v30 =	vor.u32 v4, v30;
	v19 =	vunpack.i.l.bf16.f32 v19  }
0x302: {  	v35 =	vunpack.i.u.bf16.f32 v20;
	v20 =	vunpack.i.l.bf16.f32 v20;
	v36 =	vunpack.i.u.bf16.f32 v22  }
0x303: {  	v22 =	vunpack.i.l.bf16.f32 v22;
	v37 =	vunpack.i.u.bf16.f32 v24;
	v24 =	vunpack.i.l.bf16.f32 v24  }
0x304: {  	v38 =	vunpack.i.u.bf16.f32 v28;
	v28 =	vunpack.i.l.bf16.f32 v28;
	v39 =	vunpack.i.u.bf16.f32 v26  }
0x305: {  	v23 =	vmul.f32 v29, v23;
	v21 =	vmul.f32 v25, v21;
	v25 =	vunpack.i.l.bf16.f32 v26;
	v40 =	vld.idx.msk [tilespmem:v33+s21+$0x0], $0xffff  }
0x306: {  	v6 =	vadd.f32 v18, v6;
	v20 =	vmul.f32 v20, v19;
	v27 =	vmul.f32 v35, v27;
	v26 =	vld.idx.msk [tilespmem:v33+s22+$0x0], $0xffff  }
0x307: {  	v7 =	vadd.f32 v23, v7;
	v22 =	vmul.f32 v24, v22;
	v23 =	vmul.f32 v37, v36;
	v29 =	vld.idx.msk [tilespmem:v31+s21+$0x0], $0xffff  }
0x308: {  	v8 =	vadd.f32 v21, v8;
	v21 =	vmul.f32 v25, v28;
	v24 =	vmul.f32 v39, v38;
	v31 =	vld.idx.msk [tilespmem:v31+s22+$0x0], $0xffff  }
0x309: {  	v18 =	vmul.f32 v17, v16;
	v9 =	vadd.f32 v20, v9;
	v10 =	vadd.f32 v27, v10;
	v19 =	vld.idx.msk [tilespmem:v32+s21+$0x0], $0xffff  }
0x30a: {  	v11 =	vadd.f32 v22, v11;
	v12 =	vadd.f32 v23, v12;
	v20 =	vld.idx.msk [tilespmem:v32+s22+$0x0], $0xffff  }
.Ltmp8:
0x30b: {  	v13 =	vadd.f32 v21, v13;
	v14 =	vadd.f32 v24, v14;
	v16 =	vunpack.i.l.bf16.f32 v40;
	v22 =	vld.idx.msk [tilespmem:v34+s21+$0x0], $0xffff;
	(pc) =	sbr.rel @p0 .LBB2_18-.Ltmp8, $4  }
0x30c: {  	v25 =	vunpack.i.u.bf16.f32 v40;
	v27 =	vunpack.i.u.bf16.f32 v26;
	v17 =	vunpack.i.l.bf16.f32 v26;
	v24 =	vld.idx.msk [tilespmem:v34+s22+$0x0], $0xffff  }
0x30d: {  	v21 =	vunpack.i.u.bf16.f32 v29;
	v23 =	vunpack.i.l.bf16.f32 v29;
	v32 =	vmul.f32 v27, v25;
	v28 =	vld.idx.msk [tilespmem:v30+s21+$0x0], $0xffff  }
0x30e: {  	v27 =	vadd.s32 s0, v0;
	v25 =	vunpack.i.u.bf16.f32 v31;
	v29 =	vunpack.i.l.bf16.f32 v31;
	v26 =	vld.idx.msk [tilespmem:v30+s22+$0x0], $0xffff  }
0x30f: {  	s0 =	sadd.s32 $0x1, s0;
	v30 =	vand.u32 $0x1F, v27;
	v27 =	vunpack.i.u.bf16.f32 v19;
	v15 =	vadd.f32 v32, v15  }
0x310: {  	v31 =	vor.u32 v5, v30  }
0x311: {  	v32 =	vor.u32 v1, v30;
	v33 =	vor.u32 v2, v30;
	v34 =	vor.u32 v3, v30  }
0x312: {  	v53 =	vor.u32 v4, v30;
	v19 =	vunpack.i.l.bf16.f32 v19;
	v35 =	vunpack.i.u.bf16.f32 v20  }
0x313: {  	v54 =	vunpack.i.l.bf16.f32 v20;
	v36 =	vunpack.i.u.bf16.f32 v22;
	v55 =	vunpack.i.l.bf16.f32 v22  }
0x314: {  	v23 =	vmul.f32 v29, v23;
	v21 =	vmul.f32 v25, v21;
	v6 =	vadd.f32 v18, v6  }
0x315: {  	v16 =	vmul.f32 v17, v16;
	v37 =	vunpack.i.u.bf16.f32 v24;
	v56 =	vunpack.i.l.bf16.f32 v24;
	v39 =	vld.idx.msk [tilespmem:v31+s21+$0x0], $0xffff  }
0x316: {  	v19 =	vmul.f32 v54, v19;
	v60 =	vmul.f32 v35, v27;
	v38 =	vunpack.i.u.bf16.f32 v28;
	v58 =	vld.idx.msk [tilespmem:v31+s22+$0x0], $0xffff  }
0x317: {  	v57 =	vunpack.i.l.bf16.f32 v28;
	v7 =	vadd.f32 v23, v7;
	v62 =	vmul.f32 v56, v55;
	v61 =	vld.idx.msk [tilespmem:v32+s21+$0x0], $0xffff  }
0x318: {  	v8 =	vadd.f32 v21, v8;
	v6 =	vadd.f32 v16, v6;
	v59 =	vunpack.i.l.bf16.f32 v26;
	v63 =	vld.idx.msk [tilespmem:v32+s22+$0x0], $0xffff  }
0x319: {  	v40 =	vunpack.i.u.bf16.f32 v26;
	v35 =	vmul.f32 v59, v57;
	v32 =	vmul.f32 v37, v36;
	v36 =	vld.idx.msk [tilespmem:v33+s21+$0x0], $0xffff  }
0x31a: {  	v9 =	vadd.f32 v19, v9;
	v10 =	vadd.f32 v60, v10;
	v37 =	vmul.f32 v40, v38;
	v38 =	vld.idx.msk [tilespmem:v33+s22+$0x0], $0xffff  }
0x31b: {  	v11 =	vadd.f32 v62, v11;
	v40 =	vld.idx.msk [tilespmem:v34+s21+$0x0], $0xffff;
	v13 =	vadd.f32 v35, v13  }
0x31c: {  	v42 =	vld.idx.msk [tilespmem:v34+s22+$0x0], $0xffff;
	v12 =	vadd.f32 v32, v12;
	v14 =	vadd.f32 v37, v14  }
0x31d: {  	v45 =	vld.idx.msk [tilespmem:v53+s21+$0x0], $0xffff;
	v41 =	vunpack.i.l.bf16.f32 v39;
	v43 =	vunpack.i.u.bf16.f32 v39;
	v44 =	vunpack.i.u.bf16.f32 v58  }
0x31e: {  	v47 =	vld.idx.msk [tilespmem:v53+s22+$0x0], $0xffff;
	v25 =	vunpack.i.l.bf16.f32 v58;
	v46 =	vunpack.i.u.bf16.f32 v61;
	v27 =	vunpack.i.l.bf16.f32 v61  }
0x31f: {  	v48 =	vunpack.i.u.bf16.f32 v63;
	v22 =	vunpack.i.l.bf16.f32 v63;
	v49 =	vunpack.i.u.bf16.f32 v36  }
0x320: {  	v50 =	vunpack.i.l.bf16.f32 v36;
	v51 =	vunpack.i.u.bf16.f32 v38;
	v19 =	vunpack.i.l.bf16.f32 v38  }
0x321: {  	v52 =	vunpack.i.u.bf16.f32 v40;
	v17 =	vunpack.i.l.bf16.f32 v40;
	v53 =	vunpack.i.u.bf16.f32 v42  }
0x322: {  	v20 =	vunpack.i.l.bf16.f32 v42;
	v54 =	vunpack.i.u.bf16.f32 v45;
	v26 =	vunpack.i.l.bf16.f32 v45  }
0x323: {  	v55 =	vunpack.i.u.bf16.f32 v47;
	v21 =	vmul.f32 v44, v43;
	v22 =	vmul.f32 v22, v27  }
0x324: {  	v23 =	vunpack.i.l.bf16.f32 v47;
	v56 =	vmul.f32 v48, v46;
	v19 =	vmul.f32 v19, v50  }
0x325: {  	v57 =	vmul.f32 v51, v49;
	v58 =	vmul.f32 v20, v17;
	v15 =	vadd.f32 v21, v15  }
0x326: {  	v60 =	vmul.f32 v23, v26;
	v7 =	vadd.f32 v22, v7;
	v8 =	vadd.f32 v56, v8  }
0x327: {  	v61 =	vmul.f32 v55, v54;
	v9 =	vadd.f32 v19, v9;
	v10 =	vadd.f32 v57, v10  }
0x328: {  	v62 =	vmul.f32 v25, v41;
	v11 =	vadd.f32 v58, v11;
	v13 =	vadd.f32 v60, v13  }
0x329: {  	v59 =	vmul.f32 v53, v52;
	v63 =	vadd.f32 v61, v14;
	v7 =	vadd.f32 v8, v7  }
0x32a: {  	v6 =	vadd.f32 v62, v6;
	v9 =	vadd.f32 v10, v9  }
0x32b: {  	v12 =	vadd.f32 v59, v12;
	v8 =	vadd.f32 v63, v13;
	[tilespmem:$0x7620] =	vst v7  }
0x32c: {  	v6 =	vadd.f32 v15, v6;
	[tilespmem:$0x7630] =	vst v9  }
0x32d: {  	s0 =	sld [smem:$0x7FD];
	s31 =	sadd.s32 $0x1, s31;
	v7 =	vadd.f32 v12, v11;
	[tilespmem:$0x7650] =	vst v8  }
0x32e: {  	p0 =	sne.s32 s31, s8;
	[tilespmem:$0x7660] =	vst v6  }
.Ltmp9:
0x32f: {  	[tilespmem:$0x7640] =	vst v7;
	(pc) =	sbr.rel @p0 .LBB2_1-.Ltmp9, $4  }
0x330: {  	[hbm4b:s0+s1] =	stream.linear.scatter [tilespmem:s26], [sflag:$0x2], $0x50, $0x38;
	[tilespmem:$0x14220] =	vst v63  }
0x331: {  	_ =	swait.ge [sflag:s30], $0x50  }
0x332: {  	[sflag:s30] =	ssyncset.done $0x0  }
0x333: {  	[sflag:s30] =	ssyncadd.s32 $0xFFFFFFB0  }
0x334: {  	_ =	sfence.sel $0x180000  }
0x335: {  	[bflag:$0x0] =	sbarrier.arrive $0xFFFF  }
0x336: {  	_ =	strace $0x9000004D  }
0x337: {  	s0 =	stileid.u32;
	[bflag:$0x2] =	sbarrier.arrive $0xFFFF  }
0x338: {  	p0 =	sne.s32 s0, $0x0;
	s0 =	rddreg [dreg:$0x4]  }
0x339: {  	s0 =	sadd.s32 @!p0 $0x100000, s0  }
0x33a: {  	[sflag:s0] =	ssyncadd.tile.s32 @!p0 $0x1;
	_ =	shalt  }
.Lfunc_end2:
_tile_overlayer_lowered:
.L_overlay_start_2:
0x33b: {  	(tag) =	ssettag $0x2  }
0x33c: {  	s0 =	rddreg [dreg:$0x0];
	s2 =	stileid.u32  }
0x33d: {  	s1 =	rddreg [dreg:$0x1];
	p0 =	sne.s32 s2, $0x0  }
0x33e: {  	s3 =	rddreg [dreg:$0x2];
	[bflag:$0x3] =	sbarrier.arrive $0xFFFF;
	s2 =	simm.s32 @!p0 $0x1C03  }
0x33f: {  	[timem:s3], [sflag:s2] =	dma.local @!p0 [hbm:s0], s1  }
0x340: {  	s0 =	simm.s32 @!p0 $0x3  }
0x341: {  	_ =	swait.ge @!p0 [sflag:s0], s1  }
0x342: {  	s1 =	ssub.s32 @!p0 $0x0, s1;
	[sflag:s0] =	ssyncset.done @!p0 $0x0  }
0x343: {  	[sflag:s0] =	ssyncadd.s32 @!p0 s1  }
0x344: {  	[bflag:$0x3] =	sbarrier.arrive $0xFFFF  }
0x345: {  	_ =	shalt  }

// kernel: kernel.6.cloned.1.call-start
scs
__scs_entry_jumppad:
0x0: {  	(pc) =	sbr.rel $0x88, $3  }
0x1: {  	(tag) =	ssettag $0x0;
	lr =	simm.s32 $0x1  }
0x2: {  	[smem:$0x3F9D] =	sst lr;
	_ =	strace $0xD0000000  }
0x3: {  	_ = 	snop  }
0x4: {  	_ = 	snop  }
0x5: {  	_ = 	snop  }
0x6: {  	_ = 	snop  }
0x7: {  	_ = 	snop  }
__scs_overlays_trampoline_lowered:
0x8: {  	[smem:$0x3FAC] =	sst s0  }
0x9: {  	[smem:$0x3FAD] =	sst s1  }
0xa: {  	[smem:$0x3FAE] =	sst s2  }
0xb: {  	[smem:$0x3FAF] =	sst s3  }
0xc: {  	[smem:$0x3FB0] =	sst s4  }
0xd: {  	[smem:$0x3FB1] =	sst s5  }
0xe: {  	[smem:$0x3FB2] =	sst s6  }
0xf: {  	[smem:$0x3FB3] =	sst s7  }
0x10: {  	[smem:$0x3FB4] =	sst s8  }
0x11: {  	[smem:$0x3FB5] =	sst s9;
	s0 =	simm.s32 @!p0 $0x0  }
0x12: {  	s1 =	sld [smem:$0x3F9B];
	s0 =	simm.s32 @p0 $0x1  }
0x13: {  	[smem:$0x3FB6] =	sst s0;
	s0 =	simm.s32 @!p1 $0x0  }
0x14: {  	s2 =	sld [smem:$0x3F9A];
	s0 =	simm.s32 @p1 $0x1  }
0x15: {  	[smem:$0x3FB7] =	sst s0;
	s0 =	simm.s32 @!p2 $0x0  }
0x16: {  	s3 =	sld [smem:$0x3FDB];
	s0 =	simm.s32 @p2 $0x1  }
0x17: {  	s4 =	simm.s32 $0x1BF5;
	[smem:$0x3FB9] =	sst s0  }
0x18: {  	s0 =	sld [smem:$0x3F9C];
	_ =	swait.ge [sflag:s4], $0x0  }
0x19: {  	s7 =	sld [smem:$0x3F9D]  }
0x1a: {  	s8 =	sadd.s32 $0xFFFFE003, lr  }
0x1b: {  	s9 =	sadd.s32 $0xFFFFFEF7, lr;
	s5 =	simm.s32 $0xFFFFFFFF;
	p2 =	slt.u32 s8, $0xFFFFF086  }
0x1c: {  	p1 =	slt.u32 s9, $0xF7A;
	s5 =	simm.s32 @!p2 $0x0  }
0x1d: {  	s5 =	simm.s32 @p1 $0x1;
	p0 =	seq.s32 s7, s2  }
0x1e: {  	s7 =	smul.u32 @!p0 $0xF7A, s2;
	p2 =	seq.s32 @!p0 s5, $0x0  }
0x1f: {  	s9 =	smul.u32 $0xF7A, s1;
	s8 =	simm.s32 @!p0 $0x1BF5;
	p2 =	por !p2, p0  }
0x20: {  	[sflag:s8] =	ssyncset.s32 @!p0 $0xFFFFF086;
	s6 =	sadd.s32 @!p0 s3, s7;
	s7 =	simm.s32 @!p0 $0x108  }
0x21: {  	s3 =	sadd.s32 s3, s9;
	s6 =	sadd.s32 @!p0 $0x88, s6;
	s7 =	simm.s32 @p2 $0x1082  }
0x22: {  	[simem:s7], [sflag:s8] =	dma.local @!p0 [hbm:s6], $0xF7A  }
0x23: {  	s9 =	sor.u32 $0xD0000000, s2;
	s6 =	simm.s32 $0x108;
	_ =	swait.ge @!p0 [sflag:s8], $0x0  }
0x24: {  	s3 =	sadd.s32 $0x88, s3;
	s6 =	simm.s32 @!p1 $0x1082;
	[sflag:s4] =	ssyncset.s32 $0xFFFFF086  }
0x25: {  	[simem:s6], [sflag:s4] =	dma.local [hbm:s3], $0xF7A  }
0x26: {  	[smem:$0x3F9D] =	sst s1;
	(tag) =	ssettag s2;
	_ =	strace s9  }
0x27: {  	s1 =	sld [smem:$0x3FAD]  }
0x28: {  	s2 =	sld [smem:$0x3FAE]  }
0x29: {  	s4 =	sld [smem:$0x3FB0]  }
0x2a: {  	p0 =	seq.s32 s5, $0x0;
	s5 =	sld [smem:$0x3FB1]  }
0x2b: {  	s6 =	sld [smem:$0x3FB2]  }
0x2c: {  	s7 =	sld [smem:$0x3FB3]  }
0x2d: {  	s3 =	simm.s32 $0x108;
	s8 =	sld [smem:$0x3FB4]  }
0x2e: {  	s3 =	simm.s32 @!p0 $0x1082;
	s9 =	sld [smem:$0x3FB5]  }
0x2f: {  	lr =	sadd.s32 s0, s3;
	s0 =	sld [smem:$0x3FAC]  }
0x30: {  	s3 =	sld [smem:$0x3FAF]  }
0x31: {  	[smem:$0x3FB8] =	sst s10  }
0x32: {  	s10 =	sld [smem:$0x3FB6];
	_ =	sdelay $0x3  }
0x33: {  	p0 =	seq.s32 s10, $0x1;
	s10 =	sld [smem:$0x3FB8];
	_ =	sdelay $0x3  }
0x34: {  	[smem:$0x3FB8] =	sst s10  }
0x35: {  	s10 =	sld [smem:$0x3FB7];
	_ =	sdelay $0x3  }
0x36: {  	p1 =	seq.s32 s10, $0x1;
	s10 =	sld [smem:$0x3FB8];
	_ =	sdelay $0x3  }
0x37: {  	[smem:$0x3FB8] =	sst s10  }
0x38: {  	s10 =	sld [smem:$0x3FB9]  }
0x39: {  	_ = 	snop;
	(pc) =	sbr.ind lr, $3  }
0x3a: {  	_ = 	snop  }
0x3b: {  	_ = 	snop  }
0x3c: {  	p2 =	seq.s32 s10, $0x1;
	s10 =	sld [smem:$0x3FB8]  }
0x3d: {  	_ =	shalt  }
0x3e: {  	_ =	shalt  }
0x3f: {  	_ =	shalt  }
0x40: {  	_ =	shalt  }
0x41: {  	_ =	shalt  }
0x42: {  	_ =	shalt  }
0x43: {  	_ =	shalt  }
0x44: {  	_ =	shalt  }
0x45: {  	_ =	shalt  }
0x46: {  	_ =	shalt  }
0x47: {  	_ =	shalt  }
0x48: {  	_ =	shalt  }
0x49: {  	_ =	shalt  }
0x4a: {  	_ =	shalt  }
0x4b: {  	_ =	shalt  }
0x4c: {  	_ =	shalt  }
0x4d: {  	_ =	shalt  }
0x4e: {  	_ =	shalt  }
0x4f: {  	_ =	shalt  }
0x50: {  	_ =	shalt  }
0x51: {  	_ =	shalt  }
0x52: {  	_ =	shalt  }
0x53: {  	_ =	shalt  }
0x54: {  	_ =	shalt  }
0x55: {  	_ =	shalt  }
0x56: {  	_ =	shalt  }
0x57: {  	_ =	shalt  }
0x58: {  	_ =	shalt  }
0x59: {  	_ =	shalt  }
0x5a: {  	_ =	shalt  }
0x5b: {  	_ =	shalt  }
0x5c: {  	_ =	shalt  }
0x5d: {  	_ =	shalt  }
0x5e: {  	_ =	shalt  }
0x5f: {  	_ =	shalt  }
0x60: {  	_ =	shalt  }
0x61: {  	_ =	shalt  }
0x62: {  	_ =	shalt  }
0x63: {  	_ =	shalt  }
0x64: {  	_ =	shalt  }
0x65: {  	_ =	shalt  }
0x66: {  	_ =	shalt  }
0x67: {  	_ =	shalt  }
0x68: {  	_ =	shalt  }
0x69: {  	_ =	shalt  }
0x6a: {  	_ =	shalt  }
0x6b: {  	_ =	shalt  }
0x6c: {  	_ =	shalt  }
0x6d: {  	_ =	shalt  }
0x6e: {  	_ =	shalt  }
0x6f: {  	_ =	shalt  }
0x70: {  	_ =	shalt  }
0x71: {  	_ =	shalt  }
0x72: {  	_ =	shalt  }
0x73: {  	_ =	shalt  }
0x74: {  	_ =	shalt  }
0x75: {  	_ =	shalt  }
0x76: {  	_ =	shalt  }
0x77: {  	_ =	shalt  }
0x78: {  	_ =	shalt  }
0x79: {  	_ =	shalt  }
0x7a: {  	_ =	shalt  }
0x7b: {  	_ =	shalt  }
0x7c: {  	_ =	shalt  }
0x7d: {  	_ =	shalt  }
0x7e: {  	_ =	shalt  }
0x7f: {  	_ =	shalt  }
0x80: {  	_ =	shalt  }
0x81: {  	_ =	shalt  }
0x82: {  	_ =	shalt  }
0x83: {  	_ =	shalt  }
0x84: {  	_ =	shalt  }
0x85: {  	_ =	shalt  }
0x86: {  	_ =	shalt  }
0x87: {  	_ =	shalt  }
.Lfunc_end0:
.L_simem_size_0:
called_computation_lowered:
.L_overlay_start_0:
0x88: {  	s2 =	sld [smem:$0x3FD9]  }
0x89: {  	s3 =	sld [smem:$0x3FFE];
	_ =	sdelay $0x1  }
0x8a: {  	s1 =	srdreg.scid  }
0x8b: {  	s0 =	sand.u32 $0x1, s1  }
0x8c: {  	s16 =	sshll.u32 s0, $0xA;
	s2 =	sadd.s32 s3, s2  }
0x8d: {  	s2 =	sadd.s32 s2, s16  }
0x8e: {  	[smem:$0x3FC4] =	sst s2  }
0x8f: {  	_ = 	snop  }
0x90: {  	(tm) =	ssettm $0x1  }
0x91: {  	s17 =	sld [smem:$0x3FFB];
	_ =	sdelay $0x3  }
0x92: {  	_ =	strace s17  }
0x93: {  	s2 =	sld [smem:$0x3FFC];
	_ =	sdelay $0x3  }
0x94: {  	_ =	strace s2  }
0x95: {  	s2 =	sld [smem:$0x3FFD];
	_ =	sdelay $0x3  }
0x96: {  	_ =	strace s2  }
0x97: {  	_ =	strace $0x8FFFFFFF  }
0x98: {  	s18 =	sld [smem:$0x3FDB];
	_ =	sdelay $0x1  }
0x99: {  	s19 =	simm.s32 $_scs_section_size  }
0x9a: {  	s4 =	simm.s32 $_size__tile_overlayer_lowered;
	s5 =	simm.s32 $_tile_overlayer_lowered  }
0x9b: {  	s22 =	simm.s32 $0x1BFF;
	s21 =	sshll.u32 s5, $0x1;
	s2 =	sadd.s32 s19, s18  }
0x9c: {  	s6 =	simm.s32 $0x0;
	s20 =	sshll.u32 s4, $0x1;
	s4 =	sadd.s32 s21, s2  }
0x9d: {  	[timem:s6], [sflag:s22] =	dma.local [hbm:s4], s20  }
0x9e: {  	_ =	swait.ge [sflag:s22], s20  }
0x9f: {  	s3 =	ssub.s32 $0x0, s20;
	[sflag:s22] =	ssyncset.done $0x0  }
0xa0: {  	[sflag:s22] =	ssyncadd.s32 s3;
	_ =	sdelay $0x1  }
0xa1: {  	s23 =	simm.s32 $0x1B8B  }
0xa2: {  	_ =	swait.ge [sflag:s23], $0x1  }
0xa3: {  	[sflag:s23] =	ssyncset.done $0x0  }
0xa4: {  	s25 =	simm.s32 $0x1B8E;
	s24 =	sld [smem:$0x3FFE];
	[sflag:s23] =	ssyncadd.s32 $0xFFFFFFFF  }
0xa5: {  	s26 =	simm.s32 $execute0_lowered;
	[smem:$0x3FD2] =	sst s25  }
0xa6: {  	s4 =	sshll.u32 s26, $0x1;
	_ =	strace $0x80000046;
	[dreg:$0x1] =	wrdreg $0xFFFFFFFF  }
0xa7: {  	s28 =	simm.s32 $_size_execute0_lowered;
	s2 =	sadd.s32 s2, s4;
	[dreg:$0x0] =	wrdreg $0x0  }
0xa8: {  	s4 =	sshll.u32 s28, $0x1;
	[dreg:$0x2] =	wrdreg s2  }
0xa9: {  	[dreg:$0x3] =	wrdreg s4  }
0xaa: {  	[dreg:$0x4] =	wrdreg $0xC0  }
0xab: {  	_ =	task [dreg:s6], $0x5FFFF  }
0xac: {  	[dreg:$0x1] =	wrdreg $0xFFFFFFFF  }
0xad: {  	[dreg:$0x0] =	wrdreg $0x60  }
0xae: {  	[dreg:$0x2] =	wrdreg s24  }
0xaf: {  	[dreg:$0x3] =	wrdreg $0x53200  }
0xb0: {  	[dreg:$0x4] =	wrdreg $0x9  }
0xb1: {  	_ =	task.clear_ibuf [dreg:s6], $0x5FFFF;
	_ =	strace $0x90000046  }
0xb2: {  	s29 =	simm.s32 $0x9;
	_ =	strace $0x80000048  }
0xb3: {  	_ =	swait.ge [sflag:s29], $0x1  }
0xb4: {  	[sflag:s29] =	ssyncadd.s32 $0xFFFFFFFF  }
0xb5: {  	_ =	strace $0x90000048  }
0xb6: {  	_ =	sfence  }
0xb7: {  	s30 =	sld [smem:$0x0];
	_ =	sdelay $0x2  }
0xb8: {  	s31 =	sshll.u32 s1, $0xD;
	s1 =	sshrl.u32 s1, $0x2  }
0xb9: {  	s3 =	sand.u32 $0x4000, s31;
	s1 =	sadd.s32 s1, s30  }
0xba: {  	s0 =	sor.u32 s3, s0;
	s1 =	sshll.u32 s1, $0x11  }
0xbb: {  	s0 =	sor.u32 s1, s0  }
0xbc: {  	s0 =	sadd.s32 $0x8F2B, s0  }
0xbd: {  	[sflag:s0] =	ssyncadd.remote.s32 $0x1  }
0xbe: {  	_ =	sfence.sel $0xFFFF  }
0xbf: {  	[dreg:$0x0] =	wrdreg $0xFFFFFFFF;
	(pc) =	sbr.abs _section_cstart, $3  }
0xc0: {  	[dreg:$0x1] =	wrdreg $0xFFFFFFFF  }
0xc1: {  	_ =	task.clear_ibuf [dreg:s6], $0x2FFFF;
	_ =	strace $0x9FFFFFFF  }
0xc2: {  	(tm) =	ssettm $0x7FFFFFFF  }
0xc3: {  	_ =	shalt  }
tec
execute0_lowered:
.L_overlay_start_1:
0x0: {  	(tag) =	ssettag $0x1  }
0x1: {  	s4 =	rddreg [dreg:$0x0];
	s0 =	srdreg.scid  }
0x2: {  	s2 =	rddreg [dreg:$0x1];
	s1 =	stileid.u32  }
0x3: {  	s3 =	simm.s32 $0x0;
	s10 =	simm.s32 $0x50;
	s11 =	simm.s32 $0x2710  }
0x4: {  	s12 =	simm.s32 $0x1;
	s5 =	sand.u32 $0x1, s0;
	s0 =	rddreg [dreg:$0x2]  }
0x5: {  	s6 =	smul.u32 $0x2710, s1;
	[smem:$0x7FF] =	sst s3;
	s13 =	sshll.u32 s1, $0x6  }
0x6: {  	s7 =	sshll.u32 s5, $0x4;
	s8 =	smul.u32 $0x27100, s5;
	_ =	strace $0x80000047  }
0x7: {  	s5 =	ssub.s32 $0x2, s5;
	s13 =	sor.u32 $0x1C02, s13;
	s7 =	sor.u32 s1, s7  }
0x8: {  	s9 =	sshrl.u32 s5, $0x1;
	s7 =	smul.u32 $0x2710, s7;
	s8 =	sadd.s32 s6, s8  }
0x9: {  	s9 =	ssub.s32 s5, s9;
	s5 =	sadd.s32 s6, s2;
	s8 =	sshrl.u32 s8, $0x3  }
0xa: {  	s14 =	sshrl.u32 s5, $0x3;
	s7 =	sshrl.u32 s7, $0x3;
	s8 =	sadd.s32 s8, s4  }
0xb: {  	s4 =	sadd.s32 s4, s7;
	s6 =	sadd.s32 $0x15000, s8;
	s7 =	smax.u32 s9, $0x1  }
0xc: {  	v0 =	vimm.f32 $0.0e+00;
	v1 =	vimm.f32 $1.000000000e+00;
	s8 =	simm.s32 $0x2;
	s9 =	simm.s32 $0x2C10;
	s4 =	sadd.s32 $0xB240, s4  }
.LBB2_1:
0xd: {  	s15 =	simm.s32 $0x0  }
.LBB2_2:
0xe: {  	p0 =	sne.s32 s15, $0x9C00  }
.Ltmp0:
0xf: {  	_ = 	snop;
	(pc) =	sbr.rel @p0 .LBB2_2-.Ltmp0, $3  }
0x10: {  	_ =	sdelay $0x1  }
0x11: {  	s16 =	sshra.s32 s15, $0x2  }
0x12: {  	s15 =	sadd.s32 $0x40, s15;
	[tilespmem:s16+$0x2C10] =	vst v0  }
0x13: {  	s15 =	simm.s32 $0x40;
	s16 =	simm.s32 $0x0  }
.LBB2_4:
0x14: {  	p0 =	sne.s32 s15, $0x13C0;
	[tilespmem:s16+$0x2710] =	vst v1;
	s16 =	smov.u32 s15;
	s15 =	sadd.s32 $0x40, s15  }
.Ltmp1:
0x15: {  	(pc) =	sbr.rel @p0 .LBB2_4-.Ltmp1, $2  }
0x16: {  	_ =	sdelay $0x2  }
0x17: {  	s16 =	sshra.s32 s16, $0x2  }
0x18: {  	[tilespmem:s16+$0x2710] =	vst v1;
	s15 =	simm.s32 $0x0  }
0x19: {  	[tilespmem:s15], [sflag:$0x2] =	stream.linear.gather [hbm4b:s4+s15], $0x2710, $0x38;
	[tilespmem:$0x7A30] =	vst v63  }
0x1a: {  	_ =	swait.ge [sflag:s8], $0x2710  }
0x1b: {  	[sflag:s8] =	ssyncset.done $0x0  }
0x1c: {  	[sflag:s8] =	ssyncadd.s32 $0xFFFFD8F0  }
0x1d: {  	[spmem:s5] =	stream.linear.scatter [tilespmem:s9], [sflag:$0x2], $0x2710, $0x38;
	[tilespmem:$0x7A30] =	vst v63  }
0x1e: {  	_ =	swait.ge [sflag:s8], $0x2710  }
0x1f: {  	[sflag:s8] =	ssyncset.done $0x0  }
0x20: {  	[sflag:s8] =	ssyncadd.s32 $0xFFFFD8F0  }
0x21: {  	s26 =	simm.s32 $0x0;
	[bflag:$0x0] =	sbarrier.arrive $0xFFFF  }
0x22: {  	[spmem:s2] =	stream.indirect.scatter.add.f32 [tilespmem:s11], [sflag:$0x1], $0x10, s26, s10, $0xb8;
	[tilespmem:$0x7A30] =	vst v63  }
0x23: {  	s28 =	simm.s32 $0x50  }
0x24: {  	[spmem:s2] =	stream.indirect.scatter.add.f32 [tilespmem:s11], [sflag:$0x1], $0x10, s28, s10, $0xb8;
	[tilespmem:$0x7A30] =	vst v63  }
0x25: {  	s29 =	simm.s32 $0xA0  }
0x26: {  	[spmem:s2] =	stream.indirect.scatter.add.f32 [tilespmem:s11], [sflag:$0x1], $0x10, s29, s10, $0xb8;
	[tilespmem:$0x7A30] =	vst v63  }
0x27: {  	s30 =	simm.s32 $0xF0  }
0x28: {  	[spmem:s2] =	stream.indirect.scatter.add.f32 [tilespmem:s11], [sflag:$0x1], $0x10, s30, s10, $0xb8;
	[tilespmem:$0x7A30] =	vst v63  }
0x29: {  	s31 =	simm.s32 $0x140  }
0x2a: {  	[spmem:s2] =	stream.indirect.scatter.add.f32 [tilespmem:s11], [sflag:$0x1], $0x10, s31, s10, $0xb8;
	[tilespmem:$0x7A30] =	vst v63  }
0x2b: {  	_ =	swait.ge [sflag:s12], $0x500  }
0x2c: {  	[sflag:s12] =	ssyncset.done $0x0  }
0x2d: {  	[sflag:s12] =	ssyncadd.s32 $0xFFFFFB00  }
0x2e: {  	_ =	swait.ge [sflag:s12], $0x500  }
0x2f: {  	[sflag:s12] =	ssyncset.done $0x0  }
0x30: {  	[sflag:s12] =	ssyncadd.s32 $0xFFFFFB00  }
0x31: {  	_ =	swait.ge [sflag:s12], $0x500  }
0x32: {  	[sflag:s12] =	ssyncset.done $0x0  }
0x33: {  	[sflag:s12] =	ssyncadd.s32 $0xFFFFFB00  }
0x34: {  	_ =	swait.ge [sflag:s12], $0x500  }
0x35: {  	[sflag:s12] =	ssyncset.done $0x0  }
0x36: {  	[sflag:s12] =	ssyncadd.s32 $0xFFFFFB00  }
0x37: {  	_ =	swait.ge [sflag:s12], $0x500  }
0x38: {  	s16 =	simm.s32 $0xC80;
	s15 =	simm.s32 $0x640;
	[sflag:s12] =	ssyncset.done $0x0  }
.LBB2_6:
0x39: {  	s17 =	sshra.s32 s15, $0x2  }
0x3a: {  	[sflag:s12] =	ssyncadd.s32 $0xFFFFFB00;
	s15 =	smov.u32 s16;
	s18 =	sadd.s32 $0x640, s16  }
0x3b: {  	[spmem:s2] =	stream.indirect.scatter.add.f32 [tilespmem:s11], [sflag:$0x1], $0x10, s17, s10, $0xb8;
	[tilespmem:$0x7A30] =	vst v63  }
0x3c: {  	p0 =	sne.s32 s16, $0x9600;
	s16 =	sadd.s32 $0x50, s17  }
0x3d: {  	[spmem:s2] =	stream.indirect.scatter.add.f32 [tilespmem:s11], [sflag:$0x1], $0x10, s16, s10, $0xb8;
	[tilespmem:$0x7A30] =	vst v63  }
0x3e: {  	s16 =	sadd.s32 $0xA0, s17  }
0x3f: {  	[spmem:s2] =	stream.indirect.scatter.add.f32 [tilespmem:s11], [sflag:$0x1], $0x10, s16, s10, $0xb8;
	[tilespmem:$0x7A30] =	vst v63  }
0x40: {  	s16 =	sadd.s32 $0xF0, s17  }
0x41: {  	[spmem:s2] =	stream.indirect.scatter.add.f32 [tilespmem:s11], [sflag:$0x1], $0x10, s16, s10, $0xb8;
	[tilespmem:$0x7A30] =	vst v63  }
0x42: {  	s16 =	sadd.s32 $0x140, s17  }
0x43: {  	[spmem:s2] =	stream.indirect.scatter.add.f32 [tilespmem:s11], [sflag:$0x1], $0x10, s16, s10, $0xb8;
	[tilespmem:$0x7A30] =	vst v63  }
0x44: {  	_ =	swait.ge [sflag:s12], $0x500  }
0x45: {  	[sflag:s12] =	ssyncset.done $0x0  }
0x46: {  	[sflag:s12] =	ssyncadd.s32 $0xFFFFFB00  }
0x47: {  	_ =	swait.ge [sflag:s12], $0x500  }
0x48: {  	[sflag:s12] =	ssyncset.done $0x0  }
0x49: {  	[sflag:s12] =	ssyncadd.s32 $0xFFFFFB00  }
0x4a: {  	_ =	swait.ge [sflag:s12], $0x500  }
0x4b: {  	[sflag:s12] =	ssyncset.done $0x0  }
0x4c: {  	[sflag:s12] =	ssyncadd.s32 $0xFFFFFB00  }
.Ltmp2:
0x4d: {  	_ =	swait.ge [sflag:s12], $0x500;
	(pc) =	sbr.rel @p0 .LBB2_6-.Ltmp2, $4  }
0x4e: {  	[sflag:s12] =	ssyncset.done $0x0  }
0x4f: {  	[sflag:s12] =	ssyncadd.s32 $0xFFFFFB00  }
0x50: {  	_ =	swait.ge [sflag:s12], $0x500  }
0x51: {  	s16 =	smov.u32 s18;
	[sflag:s12] =	ssyncset.done $0x0  }
0x52: {  	s15 =	sshra.s32 s15, $0x2;
	[sflag:s12] =	ssyncadd.s32 $0xFFFFFB00  }
0x53: {  	[spmem:s2] =	stream.indirect.scatter.add.f32 [tilespmem:s11], [sflag:$0x1], $0x10, s15, s10, $0xb8;
	[tilespmem:$0x7A30] =	vst v63  }
0x54: {  	s16 =	sadd.s32 $0x50, s15  }
0x55: {  	[spmem:s2] =	stream.indirect.scatter.add.f32 [tilespmem:s11], [sflag:$0x1], $0x10, s16, s10, $0xb8;
	[tilespmem:$0x7A30] =	vst v63  }
0x56: {  	s30 =	sadd.s32 $0xA0, s15  }
0x57: {  	[spmem:s2] =	stream.indirect.scatter.add.f32 [tilespmem:s11], [sflag:$0x1], $0x10, s30, s10, $0xb8;
	[tilespmem:$0x7A30] =	vst v63  }
0x58: {  	s31 =	sadd.s32 $0xF0, s15  }
0x59: {  	[spmem:s2] =	stream.indirect.scatter.add.f32 [tilespmem:s11], [sflag:$0x1], $0x10, s31, s10, $0xb8;
	[tilespmem:$0x7A30] =	vst v63  }
0x5a: {  	s15 =	sadd.s32 $0x140, s15  }
0x5b: {  	[spmem:s2] =	stream.indirect.scatter.add.f32 [tilespmem:s11], [sflag:$0x1], $0x10, s15, s10, $0xb8;
	[tilespmem:$0x7A30] =	vst v63  }
0x5c: {  	_ =	swait.ge [sflag:s12], $0x500  }
0x5d: {  	[sflag:s12] =	ssyncset.done $0x0  }
0x5e: {  	[sflag:s12] =	ssyncadd.s32 $0xFFFFFB00  }
0x5f: {  	_ =	swait.ge [sflag:s12], $0x500  }
0x60: {  	[sflag:s12] =	ssyncset.done $0x0  }
0x61: {  	[sflag:s12] =	ssyncadd.s32 $0xFFFFFB00  }
0x62: {  	_ =	swait.ge [sflag:s12], $0x500  }
0x63: {  	[sflag:s12] =	ssyncset.done $0x0  }
0x64: {  	[sflag:s12] =	ssyncadd.s32 $0xFFFFFB00  }
0x65: {  	_ =	swait.ge [sflag:s12], $0x500  }
0x66: {  	[sflag:s12] =	ssyncset.done $0x0  }
0x67: {  	[sflag:s12] =	ssyncadd.s32 $0xFFFFFB00  }
0x68: {  	_ =	swait.ge [sflag:s12], $0x500  }
0x69: {  	s3 =	sadd.s32 $0x1, s3;
	[sflag:s12] =	ssyncset.done $0x0  }
0x6a: {  	p0 =	sne.s32 s3, s7;
	[sflag:s12] =	ssyncadd.s32 $0xFFFFFB00  }
.Ltmp3:
0x6b: {  	[bflag:$0x0] =	sbarrier.arrive $0xFFFF;
	(pc) =	sbr.rel @p0 .LBB2_1-.Ltmp3, $4  }
0x6c: {  	[hbm:s6], [sflag:s13] =	dma.local [spmem:s14], $0x4E2  }
0x6d: {  	_ =	swait.ge [sflag:s8], $0x4E2  }
0x6e: {  	[sflag:s8] =	ssyncset.done $0x0  }
0x6f: {  	[sflag:s8] =	ssyncadd.s32 $0xFFFFFB1E  }
0x70: {  	_ =	sfence.sel $0x180000  }
0x71: {  	[bflag:$0x0] =	sbarrier.arrive $0xFFFF  }
0x72: {  	p0 =	sne.s32 s1, $0x0;
	_ =	strace $0x90000047  }
0x73: {  	s0 =	sadd.s32 @!p0 $0x100000, s0;
	[bflag:$0x2] =	sbarrier.arrive $0xFFFF  }
0x74: {  	[sflag:s0] =	ssyncadd.tile.s32 @!p0 $0x1;
	_ =	shalt  }
.Lfunc_end2:
_tile_overlayer_lowered:
.L_overlay_start_2:
0x75: {  	(tag) =	ssettag $0x2  }
0x76: {  	s0 =	rddreg [dreg:$0x0];
	s2 =	stileid.u32  }
0x77: {  	s1 =	rddreg [dreg:$0x1];
	p0 =	sne.s32 s2, $0x0  }
0x78: {  	s3 =	rddreg [dreg:$0x2];
	[bflag:$0x3] =	sbarrier.arrive $0xFFFF;
	s2 =	simm.s32 @!p0 $0x1C02  }
0x79: {  	[timem:s3], [sflag:s2] =	dma.local @!p0 [hbm:s0], s1  }
0x7a: {  	s0 =	simm.s32 @!p0 $0x2  }
0x7b: {  	_ =	swait.ge @!p0 [sflag:s0], s1  }
0x7c: {  	s1 =	ssub.s32 @!p0 $0x0, s1;
	[sflag:s0] =	ssyncset.done @!p0 $0x0  }
0x7d: {  	[sflag:s0] =	ssyncadd.s32 @!p0 s1  }
0x7e: {  	[bflag:$0x3] =	sbarrier.arrive $0xFFFF  }
0x7f: {  	_ =	shalt  }

// kernel: kernel.9.cloned.1.call-start
scs
__scs_entry_jumppad:
0x0: {  	(pc) =	sbr.rel $0x88, $3  }
0x1: {  	(tag) =	ssettag $0x0;
	lr =	simm.s32 $0x1  }
0x2: {  	[smem:$0x3F9D] =	sst lr;
	_ =	strace $0xD0000000  }
0x3: {  	_ = 	snop  }
0x4: {  	_ = 	snop  }
0x5: {  	_ = 	snop  }
0x6: {  	_ = 	snop  }
0x7: {  	_ = 	snop  }
__scs_overlays_trampoline_lowered:
0x8: {  	[smem:$0x3FAC] =	sst s0  }
0x9: {  	[smem:$0x3FAD] =	sst s1  }
0xa: {  	[smem:$0x3FAE] =	sst s2  }
0xb: {  	[smem:$0x3FAF] =	sst s3  }
0xc: {  	[smem:$0x3FB0] =	sst s4  }
0xd: {  	[smem:$0x3FB1] =	sst s5  }
0xe: {  	[smem:$0x3FB2] =	sst s6  }
0xf: {  	[smem:$0x3FB3] =	sst s7  }
0x10: {  	[smem:$0x3FB4] =	sst s8  }
0x11: {  	[smem:$0x3FB5] =	sst s9;
	s0 =	simm.s32 @!p0 $0x0  }
0x12: {  	s1 =	sld [smem:$0x3F9B];
	s0 =	simm.s32 @p0 $0x1  }
0x13: {  	[smem:$0x3FB6] =	sst s0;
	s0 =	simm.s32 @!p1 $0x0  }
0x14: {  	s2 =	sld [smem:$0x3F9A];
	s0 =	simm.s32 @p1 $0x1  }
0x15: {  	[smem:$0x3FB7] =	sst s0;
	s0 =	simm.s32 @!p2 $0x0  }
0x16: {  	s3 =	sld [smem:$0x3FDB];
	s0 =	simm.s32 @p2 $0x1  }
0x17: {  	s4 =	simm.s32 $0x1BF5;
	[smem:$0x3FB9] =	sst s0  }
0x18: {  	s0 =	sld [smem:$0x3F9C];
	_ =	swait.ge [sflag:s4], $0x0  }
0x19: {  	s7 =	sld [smem:$0x3F9D]  }
0x1a: {  	s8 =	sadd.s32 $0xFFFFE003, lr  }
0x1b: {  	s9 =	sadd.s32 $0xFFFFFEF7, lr;
	s5 =	simm.s32 $0xFFFFFFFF;
	p2 =	slt.u32 s8, $0xFFFFF086  }
0x1c: {  	p1 =	slt.u32 s9, $0xF7A;
	s5 =	simm.s32 @!p2 $0x0  }
0x1d: {  	s5 =	simm.s32 @p1 $0x1;
	p0 =	seq.s32 s7, s2  }
0x1e: {  	s7 =	smul.u32 @!p0 $0xF7A, s2;
	p2 =	seq.s32 @!p0 s5, $0x0  }
0x1f: {  	s9 =	smul.u32 $0xF7A, s1;
	s8 =	simm.s32 @!p0 $0x1BF5;
	p2 =	por !p2, p0  }
0x20: {  	[sflag:s8] =	ssyncset.s32 @!p0 $0xFFFFF086;
	s6 =	sadd.s32 @!p0 s3, s7;
	s7 =	simm.s32 @!p0 $0x108  }
0x21: {  	s3 =	sadd.s32 s3, s9;
	s6 =	sadd.s32 @!p0 $0x88, s6;
	s7 =	simm.s32 @p2 $0x1082  }
0x22: {  	[simem:s7], [sflag:s8] =	dma.local @!p0 [hbm:s6], $0xF7A  }
0x23: {  	s9 =	sor.u32 $0xD0000000, s2;
	s6 =	simm.s32 $0x108;
	_ =	swait.ge @!p0 [sflag:s8], $0x0  }
0x24: {  	s3 =	sadd.s32 $0x88, s3;
	s6 =	simm.s32 @!p1 $0x1082;
	[sflag:s4] =	ssyncset.s32 $0xFFFFF086  }
0x25: {  	[simem:s6], [sflag:s4] =	dma.local [hbm:s3], $0xF7A  }
0x26: {  	[smem:$0x3F9D] =	sst s1;
	(tag) =	ssettag s2;
	_ =	strace s9  }
0x27: {  	s1 =	sld [smem:$0x3FAD]  }
0x28: {  	s2 =	sld [smem:$0x3FAE]  }
0x29: {  	s4 =	sld [smem:$0x3FB0]  }
0x2a: {  	p0 =	seq.s32 s5, $0x0;
	s5 =	sld [smem:$0x3FB1]  }
0x2b: {  	s6 =	sld [smem:$0x3FB2]  }
0x2c: {  	s7 =	sld [smem:$0x3FB3]  }
0x2d: {  	s3 =	simm.s32 $0x108;
	s8 =	sld [smem:$0x3FB4]  }
0x2e: {  	s3 =	simm.s32 @!p0 $0x1082;
	s9 =	sld [smem:$0x3FB5]  }
0x2f: {  	lr =	sadd.s32 s0, s3;
	s0 =	sld [smem:$0x3FAC]  }
0x30: {  	s3 =	sld [smem:$0x3FAF]  }
0x31: {  	[smem:$0x3FB8] =	sst s10  }
0x32: {  	s10 =	sld [smem:$0x3FB6];
	_ =	sdelay $0x3  }
0x33: {  	p0 =	seq.s32 s10, $0x1;
	s10 =	sld [smem:$0x3FB8];
	_ =	sdelay $0x3  }
0x34: {  	[smem:$0x3FB8] =	sst s10  }
0x35: {  	s10 =	sld [smem:$0x3FB7];
	_ =	sdelay $0x3  }
0x36: {  	p1 =	seq.s32 s10, $0x1;
	s10 =	sld [smem:$0x3FB8];
	_ =	sdelay $0x3  }
0x37: {  	[smem:$0x3FB8] =	sst s10  }
0x38: {  	s10 =	sld [smem:$0x3FB9]  }
0x39: {  	_ = 	snop;
	(pc) =	sbr.ind lr, $3  }
0x3a: {  	_ = 	snop  }
0x3b: {  	_ = 	snop  }
0x3c: {  	p2 =	seq.s32 s10, $0x1;
	s10 =	sld [smem:$0x3FB8]  }
0x3d: {  	_ =	shalt  }
0x3e: {  	_ =	shalt  }
0x3f: {  	_ =	shalt  }
0x40: {  	_ =	shalt  }
0x41: {  	_ =	shalt  }
0x42: {  	_ =	shalt  }
0x43: {  	_ =	shalt  }
0x44: {  	_ =	shalt  }
0x45: {  	_ =	shalt  }
0x46: {  	_ =	shalt  }
0x47: {  	_ =	shalt  }
0x48: {  	_ =	shalt  }
0x49: {  	_ =	shalt  }
0x4a: {  	_ =	shalt  }
0x4b: {  	_ =	shalt  }
0x4c: {  	_ =	shalt  }
0x4d: {  	_ =	shalt  }
0x4e: {  	_ =	shalt  }
0x4f: {  	_ =	shalt  }
0x50: {  	_ =	shalt  }
0x51: {  	_ =	shalt  }
0x52: {  	_ =	shalt  }
0x53: {  	_ =	shalt  }
0x54: {  	_ =	shalt  }
0x55: {  	_ =	shalt  }
0x56: {  	_ =	shalt  }
0x57: {  	_ =	shalt  }
0x58: {  	_ =	shalt  }
0x59: {  	_ =	shalt  }
0x5a: {  	_ =	shalt  }
0x5b: {  	_ =	shalt  }
0x5c: {  	_ =	shalt  }
0x5d: {  	_ =	shalt  }
0x5e: {  	_ =	shalt  }
0x5f: {  	_ =	shalt  }
0x60: {  	_ =	shalt  }
0x61: {  	_ =	shalt  }
0x62: {  	_ =	shalt  }
0x63: {  	_ =	shalt  }
0x64: {  	_ =	shalt  }
0x65: {  	_ =	shalt  }
0x66: {  	_ =	shalt  }
0x67: {  	_ =	shalt  }
0x68: {  	_ =	shalt  }
0x69: {  	_ =	shalt  }
0x6a: {  	_ =	shalt  }
0x6b: {  	_ =	shalt  }
0x6c: {  	_ =	shalt  }
0x6d: {  	_ =	shalt  }
0x6e: {  	_ =	shalt  }
0x6f: {  	_ =	shalt  }
0x70: {  	_ =	shalt  }
0x71: {  	_ =	shalt  }
0x72: {  	_ =	shalt  }
0x73: {  	_ =	shalt  }
0x74: {  	_ =	shalt  }
0x75: {  	_ =	shalt  }
0x76: {  	_ =	shalt  }
0x77: {  	_ =	shalt  }
0x78: {  	_ =	shalt  }
0x79: {  	_ =	shalt  }
0x7a: {  	_ =	shalt  }
0x7b: {  	_ =	shalt  }
0x7c: {  	_ =	shalt  }
0x7d: {  	_ =	shalt  }
0x7e: {  	_ =	shalt  }
0x7f: {  	_ =	shalt  }
0x80: {  	_ =	shalt  }
0x81: {  	_ =	shalt  }
0x82: {  	_ =	shalt  }
0x83: {  	_ =	shalt  }
0x84: {  	_ =	shalt  }
0x85: {  	_ =	shalt  }
0x86: {  	_ =	shalt  }
0x87: {  	_ =	shalt  }
.Lfunc_end0:
.L_simem_size_0:
called_computation.1_lowered:
.L_overlay_start_0:
0x88: {  	s2 =	sld [smem:$0x3FD9]  }
0x89: {  	s3 =	sld [smem:$0x3FFE];
	_ =	sdelay $0x1  }
0x8a: {  	s1 =	srdreg.scid  }
0x8b: {  	s0 =	sand.u32 $0x1, s1  }
0x8c: {  	s16 =	sshll.u32 s0, $0xA;
	s2 =	sadd.s32 s3, s2  }
0x8d: {  	s2 =	sadd.s32 s2, s16  }
0x8e: {  	[smem:$0x3FC4] =	sst s2  }
0x8f: {  	_ = 	snop  }
0x90: {  	(tm) =	ssettm $0x1  }
0x91: {  	s17 =	sld [smem:$0x3FFB];
	_ =	sdelay $0x3  }
0x92: {  	_ =	strace s17  }
0x93: {  	s2 =	sld [smem:$0x3FFC];
	_ =	sdelay $0x3  }
0x94: {  	_ =	strace s2  }
0x95: {  	s2 =	sld [smem:$0x3FFD];
	_ =	sdelay $0x3  }
0x96: {  	_ =	strace s2  }
0x97: {  	_ =	strace $0x8FFFFFFF  }
0x98: {  	s18 =	sld [smem:$0x3FDB];
	_ =	sdelay $0x1  }
0x99: {  	s19 =	simm.s32 $_scs_section_size  }
0x9a: {  	s4 =	simm.s32 $_size__tile_overlayer_lowered;
	s5 =	simm.s32 $_tile_overlayer_lowered  }
0x9b: {  	s22 =	simm.s32 $0x1BFF;
	s21 =	sshll.u32 s5, $0x1;
	s2 =	sadd.s32 s19, s18  }
0x9c: {  	s6 =	simm.s32 $0x0;
	s20 =	sshll.u32 s4, $0x1;
	s4 =	sadd.s32 s21, s2  }
0x9d: {  	[timem:s6], [sflag:s22] =	dma.local [hbm:s4], s20  }
0x9e: {  	_ =	swait.ge [sflag:s22], s20  }
0x9f: {  	s3 =	ssub.s32 $0x0, s20;
	[sflag:s22] =	ssyncset.done $0x0  }
0xa0: {  	[sflag:s22] =	ssyncadd.s32 s3;
	_ =	sdelay $0x1  }
0xa1: {  	s23 =	simm.s32 $0x1B8B  }
0xa2: {  	_ =	swait.ge [sflag:s23], $0x1  }
0xa3: {  	[sflag:s23] =	ssyncset.done $0x0  }
0xa4: {  	s25 =	simm.s32 $0x1B8E;
	s24 =	sld [smem:$0x3FFE];
	[sflag:s23] =	ssyncadd.s32 $0xFFFFFFFF  }
0xa5: {  	s26 =	simm.s32 $execute0_lowered;
	[smem:$0x3FD2] =	sst s25  }
0xa6: {  	s4 =	sshll.u32 s26, $0x1;
	_ =	strace $0x80000049;
	[dreg:$0x1] =	wrdreg $0xFFFFFFFF  }
0xa7: {  	s28 =	simm.s32 $_size_execute0_lowered;
	s2 =	sadd.s32 s2, s4;
	[dreg:$0x0] =	wrdreg $0x0  }
0xa8: {  	s4 =	sshll.u32 s28, $0x1;
	[dreg:$0x2] =	wrdreg s2  }
0xa9: {  	[dreg:$0x3] =	wrdreg s4  }
0xaa: {  	[dreg:$0x4] =	wrdreg $0xC0  }
0xab: {  	_ =	task [dreg:s6], $0x5FFFF  }
0xac: {  	[dreg:$0x1] =	wrdreg $0xFFFFFFFF  }
0xad: {  	[dreg:$0x0] =	wrdreg $0x60  }
0xae: {  	[dreg:$0x2] =	wrdreg s24  }
0xaf: {  	[dreg:$0x3] =	wrdreg $0x135600  }
0xb0: {  	[dreg:$0x4] =	wrdreg $0x9  }
0xb1: {  	_ =	task.clear_ibuf [dreg:s6], $0x5FFFF;
	_ =	strace $0x90000049  }
0xb2: {  	s29 =	simm.s32 $0x9;
	_ =	strace $0x8000004B  }
0xb3: {  	_ =	swait.ge [sflag:s29], $0x1  }
0xb4: {  	[sflag:s29] =	ssyncadd.s32 $0xFFFFFFFF  }
0xb5: {  	_ =	strace $0x9000004B  }
0xb6: {  	_ =	sfence  }
0xb7: {  	s30 =	sld [smem:$0x0];
	_ =	sdelay $0x2  }
0xb8: {  	s31 =	sshll.u32 s1, $0xD;
	s1 =	sshrl.u32 s1, $0x2  }
0xb9: {  	s3 =	sand.u32 $0x4000, s31;
	s1 =	sadd.s32 s1, s30  }
0xba: {  	s0 =	sor.u32 s3, s0;
	s1 =	sshll.u32 s1, $0x11  }
0xbb: {  	s0 =	sor.u32 s1, s0  }
0xbc: {  	s0 =	sadd.s32 $0x8F2B, s0  }
0xbd: {  	[sflag:s0] =	ssyncadd.remote.s32 $0x1  }
0xbe: {  	_ =	sfence.sel $0xFFFF  }
0xbf: {  	[dreg:$0x0] =	wrdreg $0xFFFFFFFF;
	(pc) =	sbr.abs _section_cstart, $3  }
0xc0: {  	[dreg:$0x1] =	wrdreg $0xFFFFFFFF  }
0xc1: {  	_ =	task.clear_ibuf [dreg:s6], $0x2FFFF;
	_ =	strace $0x9FFFFFFF  }
0xc2: {  	(tm) =	ssettm $0x7FFFFFFF  }
0xc3: {  	_ =	shalt  }
tec
execute0_lowered:
.L_overlay_start_1:
0x0: {  	(tag) =	ssettag $0x1  }
0x1: {  	s0 =	srdreg.scid;
	s5 =	rddreg [dreg:$0x0]  }
0x2: {  	s8 =	stileid.u32;
	s2 =	rddreg [dreg:$0x1];
	s3 =	simm.s32 $0x0  }
0x3: {  	s14 =	simm.s32 $0x3;
	s16 =	simm.s32 $0x11620;
	s17 =	simm.s32 $0x50  }
0x4: {  	s18 =	simm.s32 $0x4E20;
	s19 =	simm.s32 $0x6220;
	s21 =	simm.s32 $0x7620  }
0x5: {  	s23 =	simm.s32 $0x8A20;
	s28 =	simm.s32 $0xB220;
	s29 =	simm.s32 $0xC620  }
0x6: {  	s30 =	simm.s32 $0xDA20;
	s31 =	simm.s32 $0xEE20;
	s15 =	simm.s32 $0x2  }
0x7: {  	s20 =	simm.s32 $0x4DD0;
	s0 =	sand.u32 $0x1, s0;
	s7 =	smul.u32 $0x9C40, s8  }
0x8: {  	[smem:$0x7FF] =	sst s3;
	s4 =	sadd.s32 $0x1EE00, s5;
	s1 =	sshll.u32 s0, $0x4  }
0x9: {  	s6 =	smul.u32 $0x9C400, s0;
	_ =	strace $0x8000004A;
	s0 =	ssub.s32 $0x2, s0  }
0xa: {  	s1 =	sor.u32 s8, s1;
	s8 =	smul.u32 $0x27100, s8;
	s25 =	sshrl.u32 s0, $0x1  }
0xb: {  	s1 =	smul.u32 $0x2710, s1;
	s6 =	sadd.s32 s7, s6;
	s0 =	ssub.s32 s0, s25  }
0xc: {  	s7 =	sadd.s32 s7, s2;
	s25 =	simm.s32 $0x9E20;
	s6 =	sshrl.u32 s6, $0x3  }
0xd: {  	s8 =	sshrl.u32 s8, $0x2;
	s13 =	smax.u32 s0, $0x1;
	s1 =	sshrl.u32 s1, $0x3  }
0xe: {  	s12 =	sadd.s32 s6, s5;
	s26 =	sadd.s32 s8, s2;
	s1 =	sadd.s32 s1, s5  }
0xf: {  	s8 =	sadd.s32 $0x1F40, s26;
	s9 =	sadd.s32 $0x3E80, s26;
	s10 =	sadd.s32 $0x5DC0, s26  }
0x10: {  	s11 =	sadd.s32 $0x7D00, s26;
	s12 =	sadd.s32 $0x32800, s12;
	s26 =	simm.s32 $0x1  }
0x11: {  	v0 =	vimm.f32 $0.0e+00;
	s5 =	sadd.s32 $0x1600, s1;
	s6 =	sadd.s32 $0xB240, s1;
	s1 =	simm.s32 $0x10220  }
.LBB2_1:
0x12: {  	s24 =	simm.s32 $0x100;
	s22 =	simm.s32 $0x0  }
.LBB2_2:
0x13: {  	p0 =	sne.s32 s24, $0x7C00;
	[tilespmem:s22+$0x11650] =	vst v0;
	s0 =	smov.u32 s24;
	s24 =	sadd.s32 $0x100, s24  }
.Ltmp0:
0x14: {  	[tilespmem:s22+$0x11640] =	vst v0;
	(pc) =	sbr.rel @p0 .LBB2_2-.Ltmp0, $3  }
0x15: {  	[tilespmem:s22+$0x11620] =	vst v0  }
0x16: {  	[tilespmem:s22+$0x11630] =	vst v0;
	_ =	sdelay $0x1  }
0x17: {  	s22 =	sshra.s32 s0, $0x2  }
0x18: {  	[tilespmem:s22+$0x11650] =	vst v0  }
0x19: {  	[tilespmem:s22+$0x11640] =	vst v0  }
0x1a: {  	[tilespmem:s22+$0x11620] =	vst v0  }
0x1b: {  	[tilespmem:s22+$0x11630] =	vst v0;
	s0 =	simm.s32 $0x0  }
0x1c: {  	[tilespmem:s0], [sflag:$0x3] =	stream.linear.gather [hbm4b:s5+s0], $0x2710, $0x38;
	[tilespmem:$0x1D1A0] =	vst v63  }
0x1d: {  	_ =	swait.ge [sflag:s14], $0x2710  }
0x1e: {  	[sflag:s14] =	ssyncset.done $0x0  }
0x1f: {  	s24 =	simm.s32 $0x2710;
	[sflag:s14] =	ssyncadd.s32 $0xFFFFD8F0  }
0x20: {  	[tilespmem:s24], [sflag:$0x3] =	stream.linear.gather [hbm4b:s6+s0], $0x2710, $0x38;
	[tilespmem:$0x1D1A0] =	vst v63  }
0x21: {  	_ =	swait.ge [sflag:s14], $0x2710  }
0x22: {  	[sflag:s14] =	ssyncset.done $0x0  }
0x23: {  	[sflag:s14] =	ssyncadd.s32 $0xFFFFD8F0  }
0x24: {  	[spmem:s7] =	stream.linear.scatter [tilespmem:s16], [sflag:$0x3], $0x1F40, $0x38;
	[tilespmem:$0x1D1A0] =	vst v63  }
0x25: {  	_ =	swait.ge [sflag:s14], $0x1F40  }
0x26: {  	[sflag:s14] =	ssyncset.done $0x0  }
0x27: {  	[sflag:s14] =	ssyncadd.s32 $0xFFFFE0C0  }
0x28: {  	[spmem:s8] =	stream.linear.scatter [tilespmem:s16], [sflag:$0x3], $0x1F40, $0x38;
	[tilespmem:$0x1D1A0] =	vst v63  }
0x29: {  	_ =	swait.ge [sflag:s14], $0x1F40  }
0x2a: {  	[sflag:s14] =	ssyncset.done $0x0  }
0x2b: {  	[sflag:s14] =	ssyncadd.s32 $0xFFFFE0C0  }
0x2c: {  	[spmem:s9] =	stream.linear.scatter [tilespmem:s16], [sflag:$0x3], $0x1F40, $0x38;
	[tilespmem:$0x1D1A0] =	vst v63  }
0x2d: {  	_ =	swait.ge [sflag:s14], $0x1F40  }
0x2e: {  	[sflag:s14] =	ssyncset.done $0x0  }
0x2f: {  	[sflag:s14] =	ssyncadd.s32 $0xFFFFE0C0  }
0x30: {  	[spmem:s10] =	stream.linear.scatter [tilespmem:s16], [sflag:$0x3], $0x1F40, $0x38;
	[tilespmem:$0x1D1A0] =	vst v63  }
0x31: {  	_ =	swait.ge [sflag:s14], $0x1F40  }
0x32: {  	[sflag:s14] =	ssyncset.done $0x0  }
0x33: {  	[sflag:s14] =	ssyncadd.s32 $0xFFFFE0C0  }
0x34: {  	[spmem:s11] =	stream.linear.scatter [tilespmem:s16], [sflag:$0x3], $0x1F40, $0x38;
	[tilespmem:$0x1D1A0] =	vst v63  }
0x35: {  	_ =	swait.ge [sflag:s14], $0x1F40  }
0x36: {  	[sflag:s14] =	ssyncset.done $0x0  }
0x37: {  	[sflag:s14] =	ssyncadd.s32 $0xFFFFE0C0  }
0x38: {  	[bflag:$0x0] =	sbarrier.arrive $0xFFFF  }
0x39: {  	[tilespmem:s18], [sflag:$0x1] =	stream.indirect.gather [hbm4b:s4+s17], $0x40, s0, s17, $0xb8;
	[tilespmem:$0x1D1A0] =	vst v63  }
0x3a: {  	_ = 	snop  }
0x3b: {  	[tilespmem:s19], [sflag:$0x1] =	stream.indirect.gather [hbm4b:s4+s17], $0x40, s17, s17, $0xb8;
	[tilespmem:$0x1D1A0] =	vst v63  }
0x3c: {  	s24 =	simm.s32 $0xA0  }
0x3d: {  	[tilespmem:s21], [sflag:$0x1] =	stream.indirect.gather [hbm4b:s4+s17], $0x40, s24, s17, $0xb8;
	[tilespmem:$0x1D1A0] =	vst v63  }
0x3e: {  	s22 =	simm.s32 $0xF0  }
0x3f: {  	[tilespmem:s23], [sflag:$0x1] =	stream.indirect.gather [hbm4b:s4+s17], $0x40, s22, s17, $0xb8;
	[tilespmem:$0x1D1A0] =	vst v63  }
0x40: {  	s24 =	simm.s32 $0x140  }
0x41: {  	[tilespmem:s25], [sflag:$0x1] =	stream.indirect.gather [hbm4b:s4+s17], $0x40, s24, s17, $0xb8;
	[tilespmem:$0x1D1A0] =	vst v63  }
0x42: {  	_ =	swait.ge [sflag:s26], $0x1400  }
0x43: {  	[sflag:s26] =	ssyncset.done $0x0  }
0x44: {  	[sflag:s26] =	ssyncadd.s32 $0xFFFFEC00  }
0x45: {  	_ =	swait.ge [sflag:s26], $0x1400  }
0x46: {  	[sflag:s26] =	ssyncset.done $0x0  }
0x47: {  	[sflag:s26] =	ssyncadd.s32 $0xFFFFEC00  }
0x48: {  	_ =	swait.ge [sflag:s26], $0x1400  }
0x49: {  	[sflag:s26] =	ssyncset.done $0x0  }
0x4a: {  	[sflag:s26] =	ssyncadd.s32 $0xFFFFEC00  }
0x4b: {  	_ =	swait.ge [sflag:s26], $0x1400  }
0x4c: {  	[sflag:s26] =	ssyncset.done $0x0  }
0x4d: {  	[sflag:s26] =	ssyncadd.s32 $0xFFFFEC00  }
0x4e: {  	_ =	swait.ge [sflag:s26], $0x1400  }
0x4f: {  	[sflag:s26] =	ssyncset.done $0x0  }
0x50: {  	s22 =	simm.s32 $0x190;
	[sflag:s26] =	ssyncadd.s32 $0xFFFFEC00  }
0x51: {  	[tilespmem:s28], [sflag:$0x1] =	stream.indirect.gather [hbm4b:s4+s17], $0x40, s22, s17, $0xb8;
	[tilespmem:$0x1D1A0] =	vst v63  }
0x52: {  	s24 =	simm.s32 $0x1E0  }
0x53: {  	[tilespmem:s29], [sflag:$0x1] =	stream.indirect.gather [hbm4b:s4+s17], $0x40, s24, s17, $0xb8;
	[tilespmem:$0x1D1A0] =	vst v63  }
0x54: {  	s22 =	simm.s32 $0x230  }
0x55: {  	[tilespmem:s30], [sflag:$0x1] =	stream.indirect.gather [hbm4b:s4+s17], $0x40, s22, s17, $0xb8;
	[tilespmem:$0x1D1A0] =	vst v63  }
0x56: {  	s24 =	simm.s32 $0x280  }
0x57: {  	[tilespmem:s31], [sflag:$0x1] =	stream.indirect.gather [hbm4b:s4+s17], $0x40, s24, s17, $0xb8;
	[tilespmem:$0x1D1A0] =	vst v63  }
0x58: {  	s22 =	simm.s32 $0x2D0  }
0x59: {  	[tilespmem:s1], [sflag:$0x1] =	stream.indirect.gather [hbm4b:s4+s17], $0x40, s22, s17, $0xb8;
	[tilespmem:$0x1D1A0] =	vst v63  }
0x5a: {  	s24 =	simm.s32 $0x2710  }
0x5b: {  	[spmem:s2] =	stream.indirect.scatter.add.f32 [tilespmem:s18], [sflag:$0x2], $0x40, s24, s17, $0xb8;
	[tilespmem:$0x1D1A0] =	vst v63  }
0x5c: {  	s22 =	simm.s32 $0x2760  }
0x5d: {  	[spmem:s2] =	stream.indirect.scatter.add.f32 [tilespmem:s19], [sflag:$0x2], $0x40, s22, s17, $0xb8;
	[tilespmem:$0x1D1A0] =	vst v63  }
0x5e: {  	s24 =	simm.s32 $0x27B0  }
0x5f: {  	[spmem:s2] =	stream.indirect.scatter.add.f32 [tilespmem:s21], [sflag:$0x2], $0x40, s24, s17, $0xb8;
	[tilespmem:$0x1D1A0] =	vst v63  }
0x60: {  	s22 =	simm.s32 $0x2800  }
0x61: {  	[spmem:s2] =	stream.indirect.scatter.add.f32 [tilespmem:s23], [sflag:$0x2], $0x40, s22, s17, $0xb8;
	[tilespmem:$0x1D1A0] =	vst v63  }
0x62: {  	s24 =	simm.s32 $0x2850  }
0x63: {  	[spmem:s2] =	stream.indirect.scatter.add.f32 [tilespmem:s25], [sflag:$0x2], $0x40, s24, s17, $0xb8;
	[tilespmem:$0x1D1A0] =	vst v63  }
0x64: {  	_ =	swait.ge [sflag:s15], $0x1400  }
0x65: {  	[sflag:s15] =	ssyncset.done $0x0  }
0x66: {  	[sflag:s15] =	ssyncadd.s32 $0xFFFFEC00  }
0x67: {  	_ =	swait.ge [sflag:s15], $0x1400  }
0x68: {  	[sflag:s15] =	ssyncset.done $0x0  }
0x69: {  	[sflag:s15] =	ssyncadd.s32 $0xFFFFEC00  }
0x6a: {  	_ =	swait.ge [sflag:s15], $0x1400  }
0x6b: {  	[sflag:s15] =	ssyncset.done $0x0  }
0x6c: {  	[sflag:s15] =	ssyncadd.s32 $0xFFFFEC00  }
0x6d: {  	_ =	swait.ge [sflag:s15], $0x1400  }
0x6e: {  	[sflag:s15] =	ssyncset.done $0x0  }
0x6f: {  	[sflag:s15] =	ssyncadd.s32 $0xFFFFEC00  }
0x70: {  	_ =	swait.ge [sflag:s15], $0x1400  }
0x71: {  	[sflag:s15] =	ssyncset.done $0x0  }
0x72: {  	[sflag:s15] =	ssyncadd.s32 $0xFFFFEC00  }
0x73: {  	_ =	swait.ge [sflag:s26], $0x1400  }
0x74: {  	[sflag:s26] =	ssyncset.done $0x0  }
0x75: {  	[sflag:s26] =	ssyncadd.s32 $0xFFFFEC00  }
0x76: {  	_ =	swait.ge [sflag:s26], $0x1400  }
0x77: {  	[sflag:s26] =	ssyncset.done $0x0  }
0x78: {  	[sflag:s26] =	ssyncadd.s32 $0xFFFFEC00  }
0x79: {  	_ =	swait.ge [sflag:s26], $0x1400  }
0x7a: {  	[sflag:s26] =	ssyncset.done $0x0  }
0x7b: {  	[sflag:s26] =	ssyncadd.s32 $0xFFFFEC00  }
0x7c: {  	_ =	swait.ge [sflag:s26], $0x1400  }
0x7d: {  	[sflag:s26] =	ssyncset.done $0x0  }
0x7e: {  	[sflag:s26] =	ssyncadd.s32 $0xFFFFEC00  }
0x7f: {  	_ =	swait.ge [sflag:s26], $0x1400  }
0x80: {  	[sflag:s26] =	ssyncset.done $0x0  }
0x81: {  	s22 =	simm.s32 $0x320;
	[sflag:s26] =	ssyncadd.s32 $0xFFFFEC00  }
0x82: {  	[tilespmem:s18], [sflag:$0x1] =	stream.indirect.gather [hbm4b:s4+s17], $0x40, s22, s17, $0xb8;
	[tilespmem:$0x1D1A0] =	vst v63  }
0x83: {  	s24 =	simm.s32 $0x370  }
0x84: {  	[tilespmem:s19], [sflag:$0x1] =	stream.indirect.gather [hbm4b:s4+s17], $0x40, s24, s17, $0xb8;
	[tilespmem:$0x1D1A0] =	vst v63  }
0x85: {  	s22 =	simm.s32 $0x3C0  }
0x86: {  	[tilespmem:s21], [sflag:$0x1] =	stream.indirect.gather [hbm4b:s4+s17], $0x40, s22, s17, $0xb8;
	[tilespmem:$0x1D1A0] =	vst v63  }
0x87: {  	s24 =	simm.s32 $0x410  }
0x88: {  	[tilespmem:s23], [sflag:$0x1] =	stream.indirect.gather [hbm4b:s4+s17], $0x40, s24, s17, $0xb8;
	[tilespmem:$0x1D1A0] =	vst v63  }
0x89: {  	s22 =	simm.s32 $0x460  }
0x8a: {  	[tilespmem:s25], [sflag:$0x1] =	stream.indirect.gather [hbm4b:s4+s17], $0x40, s22, s17, $0xb8;
	[tilespmem:$0x1D1A0] =	vst v63  }
0x8b: {  	s24 =	simm.s32 $0x28A0  }
0x8c: {  	[spmem:s2] =	stream.indirect.scatter.add.f32 [tilespmem:s28], [sflag:$0x2], $0x40, s24, s17, $0xb8;
	[tilespmem:$0x1D1A0] =	vst v63  }
0x8d: {  	s22 =	simm.s32 $0x28F0  }
0x8e: {  	[spmem:s2] =	stream.indirect.scatter.add.f32 [tilespmem:s29], [sflag:$0x2], $0x40, s22, s17, $0xb8;
	[tilespmem:$0x1D1A0] =	vst v63  }
0x8f: {  	s24 =	simm.s32 $0x2940  }
0x90: {  	[spmem:s2] =	stream.indirect.scatter.add.f32 [tilespmem:s30], [sflag:$0x2], $0x40, s24, s17, $0xb8;
	[tilespmem:$0x1D1A0] =	vst v63  }
0x91: {  	s22 =	simm.s32 $0x2990  }
0x92: {  	[spmem:s2] =	stream.indirect.scatter.add.f32 [tilespmem:s31], [sflag:$0x2], $0x40, s22, s17, $0xb8;
	[tilespmem:$0x1D1A0] =	vst v63  }
0x93: {  	s24 =	simm.s32 $0x29E0  }
0x94: {  	[spmem:s2] =	stream.indirect.scatter.add.f32 [tilespmem:s1], [sflag:$0x2], $0x40, s24, s17, $0xb8;
	[tilespmem:$0x1D1A0] =	vst v63  }
0x95: {  	_ =	swait.ge [sflag:s15], $0x1400  }
0x96: {  	[sflag:s15] =	ssyncset.done $0x0  }
0x97: {  	[sflag:s15] =	ssyncadd.s32 $0xFFFFEC00  }
0x98: {  	_ =	swait.ge [sflag:s15], $0x1400  }
0x99: {  	[sflag:s15] =	ssyncset.done $0x0  }
0x9a: {  	[sflag:s15] =	ssyncadd.s32 $0xFFFFEC00  }
0x9b: {  	_ =	swait.ge [sflag:s15], $0x1400  }
0x9c: {  	[sflag:s15] =	ssyncset.done $0x0  }
0x9d: {  	[sflag:s15] =	ssyncadd.s32 $0xFFFFEC00  }
0x9e: {  	_ =	swait.ge [sflag:s15], $0x1400  }
0x9f: {  	[sflag:s15] =	ssyncset.done $0x0  }
0xa0: {  	[sflag:s15] =	ssyncadd.s32 $0xFFFFEC00  }
0xa1: {  	_ =	swait.ge [sflag:s15], $0x1400  }
0xa2: {  	s22 =	simm.s32 $0xC80;
	[sflag:s15] =	ssyncset.done $0x0  }
.LBB2_4:
0xa3: {  	p0 =	sne.s32 s22, $0x8980  }
0xa4: {  	[sflag:s15] =	ssyncadd.s32 $0xFFFFEC00;
	s0 =	smov.u32 s22;
	s22 =	sadd.s32 $0xC80, s22  }
0xa5: {  	_ =	swait.ge [sflag:s26], $0x1400  }
0xa6: {  	[sflag:s26] =	ssyncset.done $0x0  }
0xa7: {  	[sflag:s26] =	ssyncadd.s32 $0xFFFFEC00  }
0xa8: {  	_ =	swait.ge [sflag:s26], $0x1400  }
0xa9: {  	[sflag:s26] =	ssyncset.done $0x0  }
0xaa: {  	[sflag:s26] =	ssyncadd.s32 $0xFFFFEC00  }
0xab: {  	_ =	swait.ge [sflag:s26], $0x1400  }
0xac: {  	[sflag:s26] =	ssyncset.done $0x0  }
0xad: {  	[sflag:s26] =	ssyncadd.s32 $0xFFFFEC00  }
0xae: {  	_ =	swait.ge [sflag:s26], $0x1400  }
0xaf: {  	[sflag:s26] =	ssyncset.done $0x0  }
0xb0: {  	[sflag:s26] =	ssyncadd.s32 $0xFFFFEC00  }
0xb1: {  	_ =	swait.ge [sflag:s26], $0x1400  }
0xb2: {  	s24 =	sshra.s32 s0, $0x2;
	[sflag:s26] =	ssyncset.done $0x0  }
0xb3: {  	s0 =	sadd.s32 $0x190, s24;
	[sflag:s26] =	ssyncadd.s32 $0xFFFFEC00  }
0xb4: {  	[tilespmem:s28], [sflag:$0x1] =	stream.indirect.gather [hbm4b:s4+s17], $0x40, s0, s17, $0xb8;
	[tilespmem:$0x1D1A0] =	vst v63  }
0xb5: {  	s0 =	sadd.s32 $0x1E0, s24  }
0xb6: {  	[tilespmem:s29], [sflag:$0x1] =	stream.indirect.gather [hbm4b:s4+s17], $0x40, s0, s17, $0xb8;
	[tilespmem:$0x1D1A0] =	vst v63  }
0xb7: {  	s0 =	sadd.s32 $0x230, s24  }
0xb8: {  	[tilespmem:s30], [sflag:$0x1] =	stream.indirect.gather [hbm4b:s4+s17], $0x40, s0, s17, $0xb8;
	[tilespmem:$0x1D1A0] =	vst v63  }
0xb9: {  	s0 =	sadd.s32 $0x280, s24  }
0xba: {  	[tilespmem:s31], [sflag:$0x1] =	stream.indirect.gather [hbm4b:s4+s17], $0x40, s0, s17, $0xb8;
	[tilespmem:$0x1D1A0] =	vst v63  }
0xbb: {  	s0 =	sadd.s32 $0x2D0, s24  }
0xbc: {  	[tilespmem:s1], [sflag:$0x1] =	stream.indirect.gather [hbm4b:s4+s17], $0x40, s0, s17, $0xb8;
	[tilespmem:$0x1D1A0] =	vst v63  }
0xbd: {  	s0 =	sadd.s32 $0x2710, s24  }
0xbe: {  	[spmem:s2] =	stream.indirect.scatter.add.f32 [tilespmem:s18], [sflag:$0x2], $0x40, s0, s17, $0xb8;
	[tilespmem:$0x1D1A0] =	vst v63  }
0xbf: {  	s0 =	sadd.s32 $0x2760, s24  }
0xc0: {  	[spmem:s2] =	stream.indirect.scatter.add.f32 [tilespmem:s19], [sflag:$0x2], $0x40, s0, s17, $0xb8;
	[tilespmem:$0x1D1A0] =	vst v63  }
0xc1: {  	s0 =	sadd.s32 $0x27B0, s24  }
0xc2: {  	[spmem:s2] =	stream.indirect.scatter.add.f32 [tilespmem:s21], [sflag:$0x2], $0x40, s0, s17, $0xb8;
	[tilespmem:$0x1D1A0] =	vst v63  }
0xc3: {  	s0 =	sadd.s32 $0x2800, s24  }
0xc4: {  	[spmem:s2] =	stream.indirect.scatter.add.f32 [tilespmem:s23], [sflag:$0x2], $0x40, s0, s17, $0xb8;
	[tilespmem:$0x1D1A0] =	vst v63  }
0xc5: {  	s0 =	sadd.s32 $0x2850, s24  }
0xc6: {  	[spmem:s2] =	stream.indirect.scatter.add.f32 [tilespmem:s25], [sflag:$0x2], $0x40, s0, s17, $0xb8;
	[tilespmem:$0x1D1A0] =	vst v63  }
0xc7: {  	_ =	swait.ge [sflag:s15], $0x1400  }
0xc8: {  	[sflag:s15] =	ssyncset.done $0x0  }
0xc9: {  	[sflag:s15] =	ssyncadd.s32 $0xFFFFEC00  }
0xca: {  	_ =	swait.ge [sflag:s15], $0x1400  }
0xcb: {  	[sflag:s15] =	ssyncset.done $0x0  }
0xcc: {  	[sflag:s15] =	ssyncadd.s32 $0xFFFFEC00  }
0xcd: {  	_ =	swait.ge [sflag:s15], $0x1400  }
0xce: {  	[sflag:s15] =	ssyncset.done $0x0  }
0xcf: {  	[sflag:s15] =	ssyncadd.s32 $0xFFFFEC00  }
0xd0: {  	_ =	swait.ge [sflag:s15], $0x1400  }
0xd1: {  	[sflag:s15] =	ssyncset.done $0x0  }
0xd2: {  	[sflag:s15] =	ssyncadd.s32 $0xFFFFEC00  }
0xd3: {  	_ =	swait.ge [sflag:s15], $0x1400  }
0xd4: {  	[sflag:s15] =	ssyncset.done $0x0  }
0xd5: {  	[sflag:s15] =	ssyncadd.s32 $0xFFFFEC00  }
0xd6: {  	_ =	swait.ge [sflag:s26], $0x1400  }
0xd7: {  	[sflag:s26] =	ssyncset.done $0x0  }
0xd8: {  	[sflag:s26] =	ssyncadd.s32 $0xFFFFEC00  }
0xd9: {  	_ =	swait.ge [sflag:s26], $0x1400  }
0xda: {  	[sflag:s26] =	ssyncset.done $0x0  }
0xdb: {  	[sflag:s26] =	ssyncadd.s32 $0xFFFFEC00  }
0xdc: {  	_ =	swait.ge [sflag:s26], $0x1400  }
0xdd: {  	[sflag:s26] =	ssyncset.done $0x0  }
0xde: {  	[sflag:s26] =	ssyncadd.s32 $0xFFFFEC00  }
0xdf: {  	_ =	swait.ge [sflag:s26], $0x1400  }
0xe0: {  	[sflag:s26] =	ssyncset.done $0x0  }
0xe1: {  	[sflag:s26] =	ssyncadd.s32 $0xFFFFEC00  }
0xe2: {  	_ =	swait.ge [sflag:s26], $0x1400  }
0xe3: {  	[sflag:s26] =	ssyncset.done $0x0  }
0xe4: {  	s0 =	sadd.s32 $0x320, s24;
	[sflag:s26] =	ssyncadd.s32 $0xFFFFEC00  }
0xe5: {  	[tilespmem:s18], [sflag:$0x1] =	stream.indirect.gather [hbm4b:s4+s17], $0x40, s0, s17, $0xb8;
	[tilespmem:$0x1D1A0] =	vst v63  }
0xe6: {  	s0 =	sadd.s32 $0x370, s24  }
0xe7: {  	[tilespmem:s19], [sflag:$0x1] =	stream.indirect.gather [hbm4b:s4+s17], $0x40, s0, s17, $0xb8;
	[tilespmem:$0x1D1A0] =	vst v63  }
0xe8: {  	s0 =	sadd.s32 $0x3C0, s24  }
0xe9: {  	[tilespmem:s21], [sflag:$0x1] =	stream.indirect.gather [hbm4b:s4+s17], $0x40, s0, s17, $0xb8;
	[tilespmem:$0x1D1A0] =	vst v63  }
0xea: {  	s0 =	sadd.s32 $0x410, s24  }
0xeb: {  	[tilespmem:s23], [sflag:$0x1] =	stream.indirect.gather [hbm4b:s4+s17], $0x40, s0, s17, $0xb8;
	[tilespmem:$0x1D1A0] =	vst v63  }
0xec: {  	s0 =	sadd.s32 $0x460, s24  }
0xed: {  	[tilespmem:s25], [sflag:$0x1] =	stream.indirect.gather [hbm4b:s4+s17], $0x40, s0, s17, $0xb8;
	[tilespmem:$0x1D1A0] =	vst v63  }
0xee: {  	s0 =	sadd.s32 $0x28A0, s24  }
0xef: {  	[spmem:s2] =	stream.indirect.scatter.add.f32 [tilespmem:s28], [sflag:$0x2], $0x40, s0, s17, $0xb8;
	[tilespmem:$0x1D1A0] =	vst v63  }
0xf0: {  	s0 =	sadd.s32 $0x28F0, s24  }
0xf1: {  	[spmem:s2] =	stream.indirect.scatter.add.f32 [tilespmem:s29], [sflag:$0x2], $0x40, s0, s17, $0xb8;
	[tilespmem:$0x1D1A0] =	vst v63  }
0xf2: {  	s0 =	sadd.s32 $0x2940, s24  }
0xf3: {  	[spmem:s2] =	stream.indirect.scatter.add.f32 [tilespmem:s30], [sflag:$0x2], $0x40, s0, s17, $0xb8;
	[tilespmem:$0x1D1A0] =	vst v63  }
0xf4: {  	s0 =	sadd.s32 $0x2990, s24  }
0xf5: {  	[spmem:s2] =	stream.indirect.scatter.add.f32 [tilespmem:s31], [sflag:$0x2], $0x40, s0, s17, $0xb8;
	[tilespmem:$0x1D1A0] =	vst v63  }
0xf6: {  	s0 =	sadd.s32 $0x29E0, s24  }
0xf7: {  	[spmem:s2] =	stream.indirect.scatter.add.f32 [tilespmem:s1], [sflag:$0x2], $0x40, s0, s17, $0xb8;
	[tilespmem:$0x1D1A0] =	vst v63  }
0xf8: {  	_ =	swait.ge [sflag:s15], $0x1400  }
0xf9: {  	[sflag:s15] =	ssyncset.done $0x0  }
0xfa: {  	[sflag:s15] =	ssyncadd.s32 $0xFFFFEC00  }
0xfb: {  	_ =	swait.ge [sflag:s15], $0x1400  }
0xfc: {  	[sflag:s15] =	ssyncset.done $0x0  }
0xfd: {  	[sflag:s15] =	ssyncadd.s32 $0xFFFFEC00  }
0xfe: {  	_ =	swait.ge [sflag:s15], $0x1400  }
0xff: {  	[sflag:s15] =	ssyncset.done $0x0  }
0x100: {  	[sflag:s15] =	ssyncadd.s32 $0xFFFFEC00  }
.Ltmp1:
0x101: {  	_ =	swait.ge [sflag:s15], $0x1400;
	(pc) =	sbr.rel @p0 .LBB2_4-.Ltmp1, $4  }
0x102: {  	[sflag:s15] =	ssyncset.done $0x0  }
0x103: {  	[sflag:s15] =	ssyncadd.s32 $0xFFFFEC00  }
0x104: {  	_ =	swait.ge [sflag:s15], $0x1400  }
0x105: {  	[sflag:s15] =	ssyncset.done $0x0  }
0x106: {  	[sflag:s15] =	ssyncadd.s32 $0xFFFFEC00  }
0x107: {  	_ =	swait.ge [sflag:s26], $0x1400  }
0x108: {  	[sflag:s26] =	ssyncset.done $0x0  }
0x109: {  	[sflag:s26] =	ssyncadd.s32 $0xFFFFEC00  }
0x10a: {  	_ =	swait.ge [sflag:s26], $0x1400  }
0x10b: {  	[sflag:s26] =	ssyncset.done $0x0  }
0x10c: {  	[sflag:s26] =	ssyncadd.s32 $0xFFFFEC00  }
0x10d: {  	_ =	swait.ge [sflag:s26], $0x1400  }
0x10e: {  	[sflag:s26] =	ssyncset.done $0x0  }
0x10f: {  	[sflag:s26] =	ssyncadd.s32 $0xFFFFEC00  }
0x110: {  	_ =	swait.ge [sflag:s26], $0x1400  }
0x111: {  	[sflag:s26] =	ssyncset.done $0x0  }
0x112: {  	[sflag:s26] =	ssyncadd.s32 $0xFFFFEC00  }
0x113: {  	_ =	swait.ge [sflag:s26], $0x1400  }
0x114: {  	[sflag:s26] =	ssyncset.done $0x0  }
0x115: {  	s0 =	simm.s32 $0x4C90;
	[sflag:s26] =	ssyncadd.s32 $0xFFFFEC00  }
0x116: {  	[spmem:s2] =	stream.indirect.scatter.add.f32 [tilespmem:s18], [sflag:$0x2], $0x40, s0, s17, $0xb8;
	[tilespmem:$0x1D1A0] =	vst v63  }
0x117: {  	s22 =	simm.s32 $0x4CE0  }
0x118: {  	[spmem:s2] =	stream.indirect.scatter.add.f32 [tilespmem:s19], [sflag:$0x2], $0x40, s22, s17, $0xb8;
	[tilespmem:$0x1D1A0] =	vst v63  }
0x119: {  	s24 =	simm.s32 $0x4D30  }
0x11a: {  	[spmem:s2] =	stream.indirect.scatter.add.f32 [tilespmem:s21], [sflag:$0x2], $0x40, s24, s17, $0xb8;
	[tilespmem:$0x1D1A0] =	vst v63  }
0x11b: {  	s22 =	simm.s32 $0x4D80  }
0x11c: {  	[spmem:s2] =	stream.indirect.scatter.add.f32 [tilespmem:s23], [sflag:$0x2], $0x40, s22, s17, $0xb8;
	[tilespmem:$0x1D1A0] =	vst v63  }
0x11d: {  	_ = 	snop  }
0x11e: {  	[spmem:s2] =	stream.indirect.scatter.add.f32 [tilespmem:s25], [sflag:$0x2], $0x40, s20, s17, $0xb8;
	[tilespmem:$0x1D1A0] =	vst v63  }
0x11f: {  	_ =	swait.ge [sflag:s15], $0x1400  }
0x120: {  	[sflag:s15] =	ssyncset.done $0x0  }
0x121: {  	[sflag:s15] =	ssyncadd.s32 $0xFFFFEC00  }
0x122: {  	_ =	swait.ge [sflag:s15], $0x1400  }
0x123: {  	[sflag:s15] =	ssyncset.done $0x0  }
0x124: {  	[sflag:s15] =	ssyncadd.s32 $0xFFFFEC00  }
0x125: {  	_ =	swait.ge [sflag:s15], $0x1400  }
0x126: {  	[sflag:s15] =	ssyncset.done $0x0  }
0x127: {  	[sflag:s15] =	ssyncadd.s32 $0xFFFFEC00  }
0x128: {  	_ =	swait.ge [sflag:s15], $0x1400  }
0x129: {  	[sflag:s15] =	ssyncset.done $0x0  }
0x12a: {  	[sflag:s15] =	ssyncadd.s32 $0xFFFFEC00  }
0x12b: {  	s24 =	stileid.u32;
	_ =	swait.ge [sflag:s15], $0x1400  }
0x12c: {  	s3 =	sadd.s32 $0x1, s3;
	s0 =	sshll.u32 s24, $0x6;
	[sflag:s15] =	ssyncset.done $0x0  }
0x12d: {  	p0 =	sne.s32 s3, s13;
	s0 =	sor.u32 $0x1C03, s0;
	[sflag:s15] =	ssyncadd.s32 $0xFFFFEC00  }
.Ltmp2:
0x12e: {  	s22 =	sshrl.u32 s7, $0x3;
	[bflag:$0x0] =	sbarrier.arrive $0xFFFF;
	(pc) =	sbr.rel @p0 .LBB2_1-.Ltmp2, $4  }
0x12f: {  	[hbm:s12], [sflag:s0] =	dma.local [spmem:s22], $0x1388  }
0x130: {  	_ =	swait.ge [sflag:s14], $0x1388  }
0x131: {  	[sflag:s14] =	ssyncset.done $0x0  }
0x132: {  	[sflag:s14] =	ssyncadd.s32 $0xFFFFEC78  }
0x133: {  	_ =	sfence.sel $0x180000  }
0x134: {  	[bflag:$0x0] =	sbarrier.arrive $0xFFFF  }
0x135: {  	_ =	strace $0x9000004A  }
0x136: {  	s0 =	stileid.u32;
	[bflag:$0x2] =	sbarrier.arrive $0xFFFF  }
0x137: {  	p0 =	sne.s32 s0, $0x0;
	s0 =	rddreg [dreg:$0x2]  }
0x138: {  	s0 =	sadd.s32 @!p0 $0x100000, s0  }
0x139: {  	[sflag:s0] =	ssyncadd.tile.s32 @!p0 $0x1;
	_ =	shalt  }
.Lfunc_end2:
_tile_overlayer_lowered:
.L_overlay_start_2:
0x13a: {  	(tag) =	ssettag $0x2  }
0x13b: {  	s0 =	rddreg [dreg:$0x0];
	s2 =	stileid.u32  }
0x13c: {  	s1 =	rddreg [dreg:$0x1];
	p0 =	sne.s32 s2, $0x0  }
0x13d: {  	s3 =	rddreg [dreg:$0x2];
	[bflag:$0x3] =	sbarrier.arrive $0xFFFF;
	s2 =	simm.s32 @!p0 $0x1C03  }
0x13e: {  	[timem:s3], [sflag:s2] =	dma.local @!p0 [hbm:s0], s1  }
0x13f: {  	s0 =	simm.s32 @!p0 $0x3  }
0x140: {  	_ =	swait.ge @!p0 [sflag:s0], s1  }
0x141: {  	s1 =	ssub.s32 @!p0 $0x0, s1;
	[sflag:s0] =	ssyncset.done @!p0 $0x0  }
0x142: {  	[sflag:s0] =	ssyncadd.s32 @!p0 s1  }
0x143: {  	[bflag:$0x3] =	sbarrier.arrive $0xFFFF  }
0x144: {  	_ =	shalt  }

</sc_bundles>
